<compile_context>
chip_gen: v7x
topology: tpu7x:2x2x1
jax: 0.10.2.dev20260603
libtpu: 0.0.44.dev20260713+nightly
codegen_flags: <defaults>
</compile_context>

<pallas_src>
import jax
import jax.numpy as jnp
from jax import lax
from jax.experimental import pallas as pl
from jax.experimental.pallas import tpu as pltpu
from jax.experimental.pallas import tpu_sc as plsc

_N = 10000
_D = 128
_C = 40
_NP = 10240
_BLK = 1024
_GRID = _NP // _BLK
_E = 320000
_NW = 32
_CH = 128
_NCHK = 79
_K0 = 105
_K1 = 53
_EP = _NW * _NCHK * _CH

_mesh = plsc.VectorSubcoreMesh(core_axis_name="c", subcore_axis_name="s")


def _sc_degree_body(dst_hbm, zeros16_hbm, ones_hbm, out_hbm, dst_v, ones_v, acc_sh):
    c = lax.axis_index("c")
    s = lax.axis_index("s")
    tid = c * 16 + s

    @pl.when(s == 0)
    def _():
        pltpu.sync_copy(zeros16_hbm, acc_sh)

    pltpu.sync_copy(dst_hbm.at[tid], dst_v)
    pltpu.sync_copy(ones_hbm, ones_v)
    plsc.subcore_barrier()

    def body(j, carry):
        pltpu.sync_copy(ones_v, acc_sh.at[dst_v.at[j]], add=True)
        return carry

    lax.fori_loop(0, _NCHK, body, 0)
    plsc.subcore_barrier()

    @pl.when(s == 0)
    def _():
        pltpu.sync_copy(acc_sh, out_hbm.at[c])


_sc_degree = pl.kernel(
    _sc_degree_body,
    out_type=jax.ShapeDtypeStruct((2, _NP, _D), jnp.float32),
    mesh=_mesh,
    scratch_types=[
        pltpu.VMEM((_NCHK, _CH), jnp.int32),
        pltpu.VMEM((_CH, _D), jnp.float32),
        pltpu.VMEM_SHARED((_NP, _D), jnp.float32),
    ],
)


def _sc_aggregate_body(hs_hbm, src_hbm, dst_hbm, zeros_hbm, out_hbm,
                       si0, si1, di0, di1, rows0, rows1, acc_sh,
                       isem0, isem1, gsem0, gsem1):
    c = lax.axis_index("c")
    s = lax.axis_index("s")
    cnt = jnp.where(c == 0, _K0, _K1)
    base = jnp.where(c == 0, s * _K0, 16 * _K0 + s * _K1)
    rslice = pl.ds(s * (_NP // 16), _NP // 16)

    @pl.when(c == 0)
    def _():
        pltpu.sync_copy(hs_hbm.at[rslice], acc_sh.at[rslice])

    @pl.when(c == 1)
    def _():
        pltpu.sync_copy(zeros_hbm.at[rslice], acc_sh.at[rslice])

    def prefetch(j, si, di, isem):
        pltpu.async_copy(src_hbm.at[base + j], si.at[0], isem)
        pltpu.async_copy(dst_hbm.at[base + j], di.at[0], isem)

    def wait_idx(si, di, isem):
        pltpu.make_async_copy(src_hbm.at[0], si.at[0], isem).wait()
        pltpu.make_async_copy(dst_hbm.at[0], di.at[0], isem).wait()

    def gather(si, rows, gsem):
        pltpu.async_copy(hs_hbm.at[si.at[0]], rows, gsem)

    def wait_g(si, rows, gsem):
        pltpu.make_async_copy(hs_hbm.at[si.at[0]], rows, gsem).wait()

    def scatter(di, rows):
        pltpu.sync_copy(rows, acc_sh.at[di.at[0]], add=True)

    prefetch(0, si0, di0, isem0)
    prefetch(1, si1, di1, isem1)
    wait_idx(si0, di0, isem0)
    gather(si0, rows0, gsem0)
    plsc.subcore_barrier()

    def body(i, carry):
        j = 2 * i
        wait_g(si0, rows0, gsem0)
        wait_idx(si1, di1, isem1)
        gather(si1, rows1, gsem1)
        scatter(di0, rows0)
        prefetch(j + 2, si0, di0, isem0)
        wait_g(si1, rows1, gsem1)
        wait_idx(si0, di0, isem0)
        gather(si0, rows0, gsem0)
        scatter(di1, rows1)

        @pl.when(j + 3 < cnt)
        def _():
            prefetch(j + 3, si1, di1, isem1)

        return carry

    lax.fori_loop(0, (cnt - 1) // 2, body, 0)
    wait_g(si0, rows0, gsem0)
    scatter(di0, rows0)
    plsc.subcore_barrier()
    pltpu.sync_copy(acc_sh.at[rslice], out_hbm.at[c].at[rslice])


_sc_aggregate = pl.kernel(
    _sc_aggregate_body,
    out_type=jax.ShapeDtypeStruct((2, _NP, _D), jnp.float32),
    mesh=_mesh,
    scratch_types=[
        pltpu.VMEM((1, _CH), jnp.int32),
        pltpu.VMEM((1, _CH), jnp.int32),
        pltpu.VMEM((1, _CH), jnp.int32),
        pltpu.VMEM((1, _CH), jnp.int32),
        pltpu.VMEM((_CH, _D), jnp.float32),
        pltpu.VMEM((_CH, _D), jnp.float32),
        pltpu.VMEM_SHARED((_NP, _D), jnp.float32),
        pltpu.SemaphoreType.DMA,
        pltpu.SemaphoreType.DMA,
        pltpu.SemaphoreType.DMA,
        pltpu.SemaphoreType.DMA,
    ],
)


def _row_spec(last):
    return pl.BlockSpec((_BLK, last), lambda i: (i, 0))


def _full_spec(shape):
    nd = len(shape)
    return pl.BlockSpec(shape, lambda i: (0,) * nd)


def _tc_pre_body(x_ref, fc0w_ref, fc0b_ref, gw0_ref, degp_ref,
                 s1_ref, hs_ref, dinv_ref):
    i = pl.program_id(0)
    xb = x_ref[...]
    s1 = jnp.dot(xb, fc0w_ref[...], preferred_element_type=jnp.float32)
    s1 = s1 + fc0b_ref[...]
    deg = degp_ref[0][:, :16] + degp_ref[1][:, :16] + 1.0
    rows = lax.broadcasted_iota(jnp.int32, (_BLK, 16), 0) + i * _BLK
    dinv = lax.rsqrt(deg) * (rows < _N).astype(jnp.float32)
    h = jnp.dot(s1, gw0_ref[...], preferred_element_type=jnp.float32)
    s1_ref[...] = s1
    dinv_ref[...] = dinv
    hs_ref[...] = h * dinv[:, 0:1]


_tc_pre_in_specs = [
    _row_spec(_D),
    _full_spec((_D, _D)),
    _full_spec((1, _D)),
    _full_spec((_D, _D)),
    pl.BlockSpec((2, _BLK, _D), lambda i: (0, i, 0)),
]
_tc_pre_out_specs = [_row_spec(_D), _row_spec(_D), _row_spec(16)]
_tc_pre_out_shape = [
    jax.ShapeDtypeStruct((_NP, _D), jnp.float32),
    jax.ShapeDtypeStruct((_NP, _D), jnp.float32),
    jax.ShapeDtypeStruct((_NP, 16), jnp.float32),
]
_tc_pre = pl.pallas_call(
    _tc_pre_body,
    grid=(_GRID,),
    in_specs=_tc_pre_in_specs,
    out_specs=_tc_pre_out_specs,
    out_shape=_tc_pre_out_shape,
)


def _tc_layer_parts(has_prev: bool, final: bool):
    def body(*refs):
        refs = list(refs)
        ep_ref = refs.pop(0)
        dinv_ref = refs.pop(0)
        s1_ref = refs.pop(0)
        prev_ref = refs.pop(0) if has_prev else None
        b_ref = refs.pop(0)
        w_ref = refs.pop(0)
        b2_ref = refs.pop(0) if final else None
        dinv = dinv_ref[:, 0:1]
        es = ep_ref[0] + ep_ref[1]
        e = jax.nn.relu(es * dinv + b_ref[...] + s1_ref[...])
        comb = prev_ref[...] + e if has_prev else e
        h = jnp.dot(comb, w_ref[...], preferred_element_type=jnp.float32)
        if final:
            refs[0][...] = h + b2_ref[...]
        else:
            refs[0][...] = e
            refs[1][...] = h * dinv

    in_specs = [
        pl.BlockSpec((2, _BLK, _D), lambda i: (0, i, 0)),
        _row_spec(16),
        _row_spec(_D),
    ]
    if has_prev:
        in_specs.append(_row_spec(_D))
    in_specs += [_full_spec((1, _D)), _full_spec((_D, _D))]
    if final:
        in_specs.append(_full_spec((1, _D)))
        out_specs = [_row_spec(_D)]
        out_shape = [jax.ShapeDtypeStruct((_NP, _D), jnp.float32)]
    else:
        out_specs = [_row_spec(_D), _row_spec(_D)]
        out_shape = [jax.ShapeDtypeStruct((_NP, _D), jnp.float32),
                     jax.ShapeDtypeStruct((_NP, _D), jnp.float32)]
    return body, in_specs, out_specs, out_shape


def _make_tc_layer(has_prev: bool, final: bool):
    body, in_specs, out_specs, out_shape = _tc_layer_parts(has_prev, final)
    return pl.pallas_call(
        body, grid=(_GRID,), in_specs=in_specs,
        out_specs=out_specs, out_shape=out_shape,
    )


_tc_layer = _make_tc_layer(has_prev=False, final=False)
_tc_layer_prev = _make_tc_layer(has_prev=True, final=False)
_tc_final = _make_tc_layer(has_prev=True, final=True)


def kernel(x, edge_index, fc0_W, fc0_b, gW0, gb0, gW1, gb1,
           gW2, gb2, gW3, gb3, out_W, out_b):
    f32 = jnp.float32
    xp = jnp.zeros((_NP, _D), f32).at[:_N].set(x)
    pad = jnp.full((_EP - _E,), _N, jnp.int32)
    srcp = jnp.concatenate([edge_index[0], pad]).reshape(_EP // _CH, _CH)
    dstp = jnp.concatenate([edge_index[1], pad]).reshape(_EP // _CH, _CH)
    dstp3 = dstp.reshape(_NW, _NCHK, _CH)

    zeros128 = jnp.zeros((_NP, _D), f32)
    ones128 = jnp.ones((_CH, _D), f32)
    fc0_b2 = fc0_b.reshape(1, _D)
    gb0_2 = gb0.reshape(1, _D)
    gb1_2 = gb1.reshape(1, _D)
    gb2_2 = gb2.reshape(1, _D)
    gb3_2 = gb3.reshape(1, _D)
    out_Wp = jnp.zeros((_D, _D), f32).at[:, :_C].set(out_W)
    out_b2 = jnp.zeros((1, _D), f32).at[0, :_C].set(out_b)

    degp = _sc_degree(dstp3, zeros128, ones128)
    s1, hs1, dinv = _tc_pre(xp, fc0_W, fc0_b2, gW0, degp)

    ep1 = _sc_aggregate(hs1, srcp, dstp, zeros128)
    e0, hs2 = _tc_layer(ep1, dinv, s1, gb0_2, gW1)

    ep2 = _sc_aggregate(hs2, srcp, dstp, zeros128)
    _, hs3 = _tc_layer_prev(ep2, dinv, s1, e0, gb1_2, gW2)

    ep3 = _sc_aggregate(hs3, srcp, dstp, zeros128)
    e0b, hs4 = _tc_layer(ep3, dinv, s1, gb2_2, gW3)

    ep4 = _sc_aggregate(hs4, srcp, dstp, zeros128)
    (logits_full,) = _tc_final(ep4, dinv, s1, e0b, gb3_2, out_Wp, out_b2)

    return logits_full[:_N, :_C]

# --- scband reference (transcript-rebuilt; emitter-appended) ---
"""Pipeline reference for scband-micro-gnn-63677185130952 (READ-ONLY COPY).

The authoritative reference and input builder live on the scoring server;
editing this copy changes nothing except your own understanding.
"""

import jax, jax.numpy as jnp
import numpy as np

N = 10000
E = 320000
D = 128
H = 128
C = 40


def setup_inputs(seed: int = 0) -> dict:
    key = jax.random.key(seed)
    ks = jax.random.split(key, 16)
    x = jax.random.normal(ks[0], (N, D), dtype=jnp.float32)
    edge_index = jax.random.randint(ks[1], (2, E), 0, N, dtype=jnp.int32)
    s = 0.08
    fc0_W = jax.random.normal(ks[2], (D, H), dtype=jnp.float32) * s
    fc0_b = jnp.zeros((H,), dtype=jnp.float32)
    gW0 = jax.random.normal(ks[3], (H, H), dtype=jnp.float32) * s
    gb0 = jnp.zeros((H,), dtype=jnp.float32)
    gW1 = jax.random.normal(ks[4], (H, H), dtype=jnp.float32) * s
    gb1 = jnp.zeros((H,), dtype=jnp.float32)
    gW2 = jax.random.normal(ks[5], (H, H), dtype=jnp.float32) * s
    gb2 = jnp.zeros((H,), dtype=jnp.float32)
    gW3 = jax.random.normal(ks[6], (H, H), dtype=jnp.float32) * s
    gb3 = jnp.zeros((H,), dtype=jnp.float32)
    out_W = jax.random.normal(ks[7], (H, C), dtype=jnp.float32) * s
    out_b = jnp.zeros((C,), dtype=jnp.float32)
    return {"x": x, "edge_index": edge_index, "fc0_W": fc0_W, "fc0_b": fc0_b,
            "gW0": gW0, "gb0": gb0, "gW1": gW1, "gb1": gb1,
            "gW2": gW2, "gb2": gb2, "gW3": gW3, "gb3": gb3,
            "out_W": out_W, "out_b": out_b}


def _gcn(h_in, W, b, src, dst):
    # PyG-style GCNConv: add self-loops + symmetric normalization
    h = h_in @ W
    loop = jnp.arange(N, dtype=src.dtype)
    s = jnp.concatenate([src, loop])
    d = jnp.concatenate([dst, loop])
    deg = jax.ops.segment_sum(jnp.ones(s.shape[0], jnp.float32), d, num_segments=N)
    dinv = jnp.where(deg > 0, 1.0 / jnp.sqrt(deg), 0.0)
    norm = dinv[s] * dinv[d]
    msg = h[s] * norm[:, None]
    out = jax.ops.segment_sum(msg, d, num_segments=N)
    return out + b


def reference(x, edge_index, fc0_W, fc0_b, gW0, gb0, gW1, gb1, gW2, gb2, gW3, gb3, out_W, out_b):
    # MicroGNN forward in eval mode (dropout disabled).
    # action = [1,'gcn','relu',2,'gcn','relu','add'], layers=2
    src = edge_index[0]
    dst = edge_index[1]
    s0 = x
    s1 = x @ fc0_W + fc0_b
    h0 = s1
    # cell 0: step0 reads states[1]=s1; step1 reads states[2]=e0; combine='add'
    e0 = jax.nn.relu(_gcn(s1, gW0, gb0, src, dst) + h0)
    e1 = jax.nn.relu(_gcn(e0, gW1, gb1, src, dst) + h0)
    out = e0 + e1
    s0, s1 = s1, out
    # cell 1
    e0 = jax.nn.relu(_gcn(s1, gW2, gb2, src, dst) + h0)
    e1 = jax.nn.relu(_gcn(e0, gW3, gb3, src, dst) + h0)
    out = e0 + e1
    logits = out @ out_W + out_b
    return logits

if __name__ == "__main__":
    import jax
    _d = setup_inputs()
    print(jax.jit(kernel)(*tuple(_d.values())))

</pallas_src>

<mosaic_0001>
#map = affine_map<(d0, d1) -> (0, 0, 0)>
#map1 = affine_map<(d0, d1) -> (0, 0)>
module attributes {stable_mosaic.version = 14 : i64} {
  func.func @_sc_degree_body(%arg0: i32, %arg1: i32, %arg2: memref<32x79x128xi32, #tpu.memory_space<hbm>>, %arg3: memref<10240x128xf32, #tpu.memory_space<hbm>>, %arg4: memref<128x128xf32, #tpu.memory_space<hbm>>, %arg5: memref<2x10240x128xf32, #tpu.memory_space<hbm>>, %arg6: memref<79x128xi32, #tpu.memory_space<vmem>>, %arg7: memref<128x128xf32, #tpu.memory_space<vmem>>, %arg8: memref<10240x128xf32, #tpu.memory_space<vmem_shared>>) attributes {dimension_semantics = [#tpu.dimension_semantics<core_parallel>, #tpu.dimension_semantics<subcore_parallel>], iteration_bounds = array<i64: 2, 16>, scalar_prefetch = 0 : i64, scratch_operands = 3 : i64, tpu.core_type = #tpu.core_type<sc_vector_subcore>, window_params = [{transform_indices = #map}, {transform_indices = #map1}, {transform_indices = #map1}, {transform_indices = #map}]} {
    %mul3A = arith.constant 16 : i32
    %mul3A_0 = arith.muli %arg0, %mul3A : i32
    %add3A = arith.addi %mul3A_0, %arg1 : i32
    %eq3A = arith.constant 0 : i32
    %eq3A_1 = arith.cmpi eq, %arg1, %eq3A : i32
    %convert_element_type3A = arith.extui %eq3A_1 : i1 to i32
    %cond3A = arith.constant 0 : i32
    %cond3A_2 = arith.cmpi ne, %convert_element_type3A, %cond3A : i32
    scf.if %cond3A_2 {
      "tpu.region"() ({
        %run_scoped3A = tpu.sem_alloc : memref<!tpu.dma_semaphore, #tpu.memory_space<semaphore_mem>>
        tpu.enqueue_dma source(%arg3 : memref<10240x128xf32, #tpu.memory_space<hbm>>) target(%arg8 : memref<10240x128xf32, #tpu.memory_space<vmem_shared>>) target_semaphore(%run_scoped3A : memref<!tpu.dma_semaphore, #tpu.memory_space<semaphore_mem>>)
        tpu.wait_dma2 semaphore(%run_scoped3A : memref<!tpu.dma_semaphore, #tpu.memory_space<semaphore_mem>>) src(%arg3 : memref<10240x128xf32, #tpu.memory_space<hbm>>) dst(%arg8 : memref<10240x128xf32, #tpu.memory_space<vmem_shared>>)
        tpu.yield
      }) : () -> ()
    } else {
    }
    "tpu.region"() ({
      %run_scoped3A = tpu.sem_alloc : memref<!tpu.dma_semaphore, #tpu.memory_space<semaphore_mem>>
      %dma_start3A = arith.constant 0 : i32
      %dma_start3A_14 = arith.constant 0 : i32
      %dma_start3A_15 = tpu.memref_slice %arg2[%add3A, %dma_start3A, %dma_start3A_14] : memref<32x79x128xi32, #tpu.memory_space<hbm>> -> memref<1x79x128xi32, #tpu.memory_space<hbm>>
      %dma_start3A_16 = tpu.memref_squeeze %dma_start3A_15 : memref<1x79x128xi32, #tpu.memory_space<hbm>> -> memref<79x128xi32, #tpu.memory_space<hbm>>
      %dma_start3A_17 = arith.constant 0 : i32
      %dma_start3A_18 = arith.constant 0 : i32
      %dma_start3A_19 = tpu.memref_slice %arg2[%add3A, %dma_start3A_17, %dma_start3A_18] : memref<32x79x128xi32, #tpu.memory_space<hbm>> -> memref<1x79x128xi32, #tpu.memory_space<hbm>>
      %dma_start3A_20 = tpu.memref_squeeze %dma_start3A_19 : memref<1x79x128xi32, #tpu.memory_space<hbm>> -> memref<79x128xi32, #tpu.memory_space<hbm>>
      tpu.enqueue_dma source(%dma_start3A_20 : memref<79x128xi32, #tpu.memory_space<hbm>>) target(%arg6 : memref<79x128xi32, #tpu.memory_space<vmem>>) target_semaphore(%run_scoped3A : memref<!tpu.dma_semaphore, #tpu.memory_space<semaphore_mem>>)
      %dma_wait3A = arith.constant 0 : i32
      %dma_wait3A_21 = arith.constant 0 : i32
      %dma_wait3A_22 = tpu.memref_slice %arg2[%add3A, %dma_wait3A, %dma_wait3A_21] : memref<32x79x128xi32, #tpu.memory_space<hbm>> -> memref<1x79x128xi32, #tpu.memory_space<hbm>>
      %dma_wait3A_23 = tpu.memref_squeeze %dma_wait3A_22 : memref<1x79x128xi32, #tpu.memory_space<hbm>> -> memref<79x128xi32, #tpu.memory_space<hbm>>
      %dma_wait3A_24 = arith.constant 0 : i32
      %dma_wait3A_25 = arith.constant 0 : i32
      %dma_wait3A_26 = tpu.memref_slice %arg2[%add3A, %dma_wait3A_24, %dma_wait3A_25] : memref<32x79x128xi32, #tpu.memory_space<hbm>> -> memref<1x79x128xi32, #tpu.memory_space<hbm>>
      %dma_wait3A_27 = tpu.memref_squeeze %dma_wait3A_26 : memref<1x79x128xi32, #tpu.memory_space<hbm>> -> memref<79x128xi32, #tpu.memory_space<hbm>>
      tpu.wait_dma2 semaphore(%run_scoped3A : memref<!tpu.dma_semaphore, #tpu.memory_space<semaphore_mem>>) src(%dma_wait3A_27 : memref<79x128xi32, #tpu.memory_space<hbm>>) dst(%arg6 : memref<79x128xi32, #tpu.memory_space<vmem>>)
      tpu.yield
    }) : () -> ()
    "tpu.region"() ({
      %run_scoped3A = tpu.sem_alloc : memref<!tpu.dma_semaphore, #tpu.memory_space<semaphore_mem>>
      tpu.enqueue_dma source(%arg4 : memref<128x128xf32, #tpu.memory_space<hbm>>) target(%arg7 : memref<128x128xf32, #tpu.memory_space<vmem>>) target_semaphore(%run_scoped3A : memref<!tpu.dma_semaphore, #tpu.memory_space<semaphore_mem>>)
      tpu.wait_dma2 semaphore(%run_scoped3A : memref<!tpu.dma_semaphore, #tpu.memory_space<semaphore_mem>>) src(%arg4 : memref<128x128xf32, #tpu.memory_space<hbm>>) dst(%arg7 : memref<128x128xf32, #tpu.memory_space<vmem>>)
      tpu.yield
    }) : () -> ()
    %barrier3A = arith.constant 0 : index
    tpu.barrier barrier_id(%barrier3A)
    %scan3A = arith.constant 0 : i32
    %scan3A_3 = arith.constant 0 : i32
    %scan3A_4 = arith.constant 79 : i32
    %scan3A_5 = arith.addi %scan3A_3, %scan3A_4 : i32
    %scan3A_6 = arith.constant 1 : i32
    scf.for %scan3A_14 = %scan3A_3 to %scan3A_5 step %scan3A_6  : i32 {
      "tpu.region"() ({
        %run_scoped3A = tpu.sem_alloc : memref<!tpu.dma_semaphore, #tpu.memory_space<semaphore_mem>>
        %dma_start3A = arith.constant 0 : i32
        %dma_start3A_15 = tpu.memref_slice %arg6[%scan3A_14, %dma_start3A] : memref<79x128xi32, #tpu.memory_space<vmem>> -> memref<1x128xi32, #tpu.memory_space<vmem>>
        %dma_start3A_16 = tpu.memref_squeeze %dma_start3A_15 : memref<1x128xi32, #tpu.memory_space<vmem>> -> memref<128xi32, #tpu.memory_space<vmem>>
        %dma_start3A_17 = arith.constant 0 : i32
        %dma_start3A_18 = arith.constant 0 : i32
        %dma_start3A_19 = tpu.memref_slice %arg8[%dma_start3A_17, %dma_start3A_18] : memref<10240x128xf32, #tpu.memory_space<vmem_shared>> -> memref<10240x128xf32, #tpu.memory_space<vmem_shared>>
        tpu.enqueue_indirect_dma source(%arg7 : memref<128x128xf32, #tpu.memory_space<vmem>>) target(%dma_start3A_19 : memref<10240x128xf32, #tpu.memory_space<vmem_shared>>) offsets(%dma_start3A_16 : memref<128xi32, #tpu.memory_space<vmem>>) semaphore(%run_scoped3A : memref<!tpu.dma_semaphore, #tpu.memory_space<semaphore_mem>>) {add = true}
        %dma_wait3A = arith.constant 0 : i32
        %dma_wait3A_20 = tpu.memref_slice %arg6[%scan3A_14, %dma_wait3A] : memref<79x128xi32, #tpu.memory_space<vmem>> -> memref<1x128xi32, #tpu.memory_space<vmem>>
        %dma_wait3A_21 = tpu.memref_squeeze %dma_wait3A_20 : memref<1x128xi32, #tpu.memory_space<vmem>> -> memref<128xi32, #tpu.memory_space<vmem>>
        %dma_wait3A_22 = arith.constant 0 : i32
        %dma_wait3A_23 = arith.constant 0 : i32
        %dma_wait3A_24 = tpu.memref_slice %arg8[%dma_wait3A_22, %dma_wait3A_23] : memref<10240x128xf32, #tpu.memory_space<vmem_shared>> -> memref<10240x128xf32, #tpu.memory_space<vmem_shared>>
        tpu.wait_indirect_dma semaphore(%run_scoped3A : memref<!tpu.dma_semaphore, #tpu.memory_space<semaphore_mem>>) src(%arg7 : memref<128x128xf32, #tpu.memory_space<vmem>>) dst(%dma_wait3A_24 : memref<10240x128xf32, #tpu.memory_space<vmem_shared>>)
        tpu.yield
      }) : () -> ()
    }
    %scan3A_7 = arith.constant 79 : i32
    %barrier3A_8 = arith.constant 0 : index
    tpu.barrier barrier_id(%barrier3A_8)
    %eq3A_9 = arith.constant 0 : i32
    %eq3A_10 = arith.cmpi eq, %arg1, %eq3A_9 : i32
    %convert_element_type3A_11 = arith.extui %eq3A_10 : i1 to i32
    %cond3A_12 = arith.constant 0 : i32
    %cond3A_13 = arith.cmpi ne, %convert_element_type3A_11, %cond3A_12 : i32
    scf.if %cond3A_13 {
      "tpu.region"() ({
        %run_scoped3A = tpu.sem_alloc : memref<!tpu.dma_semaphore, #tpu.memory_space<semaphore_mem>>
        %dma_start3A = arith.constant 0 : i32
        %dma_start3A_14 = arith.constant 0 : i32
        %dma_start3A_15 = tpu.memref_slice %arg5[%arg0, %dma_start3A, %dma_start3A_14] : memref<2x10240x128xf32, #tpu.memory_space<hbm>> -> memref<1x10240x128xf32, #tpu.memory_space<hbm>>
        %dma_start3A_16 = tpu.memref_squeeze %dma_start3A_15 : memref<1x10240x128xf32, #tpu.memory_space<hbm>> -> memref<10240x128xf32, #tpu.memory_space<hbm>>
        tpu.enqueue_dma source(%arg8 : memref<10240x128xf32, #tpu.memory_space<vmem_shared>>) target(%dma_start3A_16 : memref<10240x128xf32, #tpu.memory_space<hbm>>) target_semaphore(%run_scoped3A : memref<!tpu.dma_semaphore, #tpu.memory_space<semaphore_mem>>)
        %dma_wait3A = arith.constant 0 : i32
        %dma_wait3A_17 = arith.constant 0 : i32
        %dma_wait3A_18 = tpu.memref_slice %arg5[%arg0, %dma_wait3A, %dma_wait3A_17] : memref<2x10240x128xf32, #tpu.memory_space<hbm>> -> memref<1x10240x128xf32, #tpu.memory_space<hbm>>
        %dma_wait3A_19 = tpu.memref_squeeze %dma_wait3A_18 : memref<1x10240x128xf32, #tpu.memory_space<hbm>> -> memref<10240x128xf32, #tpu.memory_space<hbm>>
        tpu.wait_dma2 semaphore(%run_scoped3A : memref<!tpu.dma_semaphore, #tpu.memory_space<semaphore_mem>>) src(%arg8 : memref<10240x128xf32, #tpu.memory_space<vmem_shared>>) dst(%dma_wait3A_19 : memref<10240x128xf32, #tpu.memory_space<hbm>>)
        tpu.yield
      }) : () -> ()
    } else {
    }
    return
  }
}

#map = affine_map<(d0, d1) -> (0, 0)>
#map1 = affine_map<(d0, d1) -> (0, 0, 0)>
module attributes {stable_mosaic.version = 14 : i64} {
  func.func @_sc_aggregate_body(%arg0: i32, %arg1: i32, %arg2: memref<10240x128xf32, #tpu.memory_space<hbm>>, %arg3: memref<2528x128xi32, #tpu.memory_space<hbm>>, %arg4: memref<2528x128xi32, #tpu.memory_space<hbm>>, %arg5: memref<10240x128xf32, #tpu.memory_space<hbm>>, %arg6: memref<2x10240x128xf32, #tpu.memory_space<hbm>>, %arg7: memref<1x128xi32, #tpu.memory_space<vmem>>, %arg8: memref<1x128xi32, #tpu.memory_space<vmem>>, %arg9: memref<1x128xi32, #tpu.memory_space<vmem>>, %arg10: memref<1x128xi32, #tpu.memory_space<vmem>>, %arg11: memref<128x128xf32, #tpu.memory_space<vmem>>, %arg12: memref<128x128xf32, #tpu.memory_space<vmem>>, %arg13: memref<10240x128xf32, #tpu.memory_space<vmem_shared>>, %arg14: memref<!tpu.dma_semaphore, #tpu.memory_space<semaphore_mem>>, %arg15: memref<!tpu.dma_semaphore, #tpu.memory_space<semaphore_mem>>, %arg16: memref<!tpu.dma_semaphore, #tpu.memory_space<semaphore_mem>>, %arg17: memref<!tpu.dma_semaphore, #tpu.memory_space<semaphore_mem>>) attributes {dimension_semantics = [#tpu.dimension_semantics<core_parallel>, #tpu.dimension_semantics<subcore_parallel>], iteration_bounds = array<i64: 2, 16>, scalar_prefetch = 0 : i64, scratch_operands = 11 : i64, tpu.core_type = #tpu.core_type<sc_vector_subcore>, window_params = [{transform_indices = #map}, {transform_indices = #map}, {transform_indices = #map}, {transform_indices = #map}, {transform_indices = #map1}]} {
    %eq3A = arith.constant 0 : i32
    %eq3A_0 = arith.cmpi eq, %arg0, %eq3A : i32
    %jit3A = arith.constant 105 : i32
    %jit3A_1 = arith.constant 53 : i32
    %select_n3A = arith.select %eq3A_0, %jit3A, %jit3A_1 : i32
    %eq3A_2 = arith.constant 0 : i32
    %eq3A_3 = arith.cmpi eq, %arg0, %eq3A_2 : i32
    %mul3A = arith.constant 105 : i32
    %mul3A_4 = arith.muli %arg1, %mul3A : i32
    %mul3A_5 = arith.constant 53 : i32
    %mul3A_6 = arith.muli %arg1, %mul3A_5 : i32
    %add3A = arith.constant 1680 : i32
    %add3A_7 = arith.addi %add3A, %mul3A_6 : i32
    %select_n3A_8 = arith.select %eq3A_3, %mul3A_4, %add3A_7 : i32
    %mul3A_9 = arith.constant 640 : i32
    %mul3A_10 = arith.muli %arg1, %mul3A_9 : i32
    %eq3A_11 = arith.constant 0 : i32
    %eq3A_12 = arith.cmpi eq, %arg0, %eq3A_11 : i32
    %convert_element_type3A = arith.extui %eq3A_12 : i1 to i32
    %cond3A = arith.constant 0 : i32
    %cond3A_13 = arith.cmpi ne, %convert_element_type3A, %cond3A : i32
    scf.if %cond3A_13 {
      "tpu.region"() ({
        %run_scoped3A_149 = tpu.sem_alloc : memref<!tpu.dma_semaphore, #tpu.memory_space<semaphore_mem>>
        %dma_start3A_150 = arith.constant 0 : i32
        %dma_start3A_151 = tpu.memref_slice %arg13[%mul3A_10, %dma_start3A_150] : memref<10240x128xf32, #tpu.memory_space<vmem_shared>> -> memref<640x128xf32, #tpu.memory_space<vmem_shared>>
        %dma_start3A_152 = arith.constant 0 : i32
        %dma_start3A_153 = tpu.memref_slice %arg2[%mul3A_10, %dma_start3A_152] : memref<10240x128xf32, #tpu.memory_space<hbm>> -> memref<640x128xf32, #tpu.memory_space<hbm>>
        tpu.enqueue_dma source(%dma_start3A_153 : memref<640x128xf32, #tpu.memory_space<hbm>>) target(%dma_start3A_151 : memref<640x128xf32, #tpu.memory_space<vmem_shared>>) target_semaphore(%run_scoped3A_149 : memref<!tpu.dma_semaphore, #tpu.memory_space<semaphore_mem>>)
        %dma_wait3A_154 = arith.constant 0 : i32
        %dma_wait3A_155 = tpu.memref_slice %arg13[%mul3A_10, %dma_wait3A_154] : memref<10240x128xf32, #tpu.memory_space<vmem_shared>> -> memref<640x128xf32, #tpu.memory_space<vmem_shared>>
        %dma_wait3A_156 = arith.constant 0 : i32
        %dma_wait3A_157 = tpu.memref_slice %arg2[%mul3A_10, %dma_wait3A_156] : memref<10240x128xf32, #tpu.memory_space<hbm>> -> memref<640x128xf32, #tpu.memory_space<hbm>>
        tpu.wait_dma2 semaphore(%run_scoped3A_149 : memref<!tpu.dma_semaphore, #tpu.memory_space<semaphore_mem>>) src(%dma_wait3A_157 : memref<640x128xf32, #tpu.memory_space<hbm>>) dst(%dma_wait3A_155 : memref<640x128xf32, #tpu.memory_space<vmem_shared>>)
        tpu.yield
      }) : () -> ()
    } else {
    }
    %eq3A_14 = arith.constant 1 : i32
    %eq3A_15 = arith.cmpi eq, %arg0, %eq3A_14 : i32
    %convert_element_type3A_16 = arith.extui %eq3A_15 : i1 to i32
    %cond3A_17 = arith.constant 0 : i32
    %cond3A_18 = arith.cmpi ne, %convert_element_type3A_16, %cond3A_17 : i32
    scf.if %cond3A_18 {
      "tpu.region"() ({
        %run_scoped3A_149 = tpu.sem_alloc : memref<!tpu.dma_semaphore, #tpu.memory_space<semaphore_mem>>
        %dma_start3A_150 = arith.constant 0 : i32
        %dma_start3A_151 = tpu.memref_slice %arg13[%mul3A_10, %dma_start3A_150] : memref<10240x128xf32, #tpu.memory_space<vmem_shared>> -> memref<640x128xf32, #tpu.memory_space<vmem_shared>>
        %dma_start3A_152 = arith.constant 0 : i32
        %dma_start3A_153 = tpu.memref_slice %arg5[%mul3A_10, %dma_start3A_152] : memref<10240x128xf32, #tpu.memory_space<hbm>> -> memref<640x128xf32, #tpu.memory_space<hbm>>
        tpu.enqueue_dma source(%dma_start3A_153 : memref<640x128xf32, #tpu.memory_space<hbm>>) target(%dma_start3A_151 : memref<640x128xf32, #tpu.memory_space<vmem_shared>>) target_semaphore(%run_scoped3A_149 : memref<!tpu.dma_semaphore, #tpu.memory_space<semaphore_mem>>)
        %dma_wait3A_154 = arith.constant 0 : i32
        %dma_wait3A_155 = tpu.memref_slice %arg13[%mul3A_10, %dma_wait3A_154] : memref<10240x128xf32, #tpu.memory_space<vmem_shared>> -> memref<640x128xf32, #tpu.memory_space<vmem_shared>>
        %dma_wait3A_156 = arith.constant 0 : i32
        %dma_wait3A_157 = tpu.memref_slice %arg5[%mul3A_10, %dma_wait3A_156] : memref<10240x128xf32, #tpu.memory_space<hbm>> -> memref<640x128xf32, #tpu.memory_space<hbm>>
        tpu.wait_dma2 semaphore(%run_scoped3A_149 : memref<!tpu.dma_semaphore, #tpu.memory_space<semaphore_mem>>) src(%dma_wait3A_157 : memref<640x128xf32, #tpu.memory_space<hbm>>) dst(%dma_wait3A_155 : memref<640x128xf32, #tpu.memory_space<vmem_shared>>)
        tpu.yield
      }) : () -> ()
    } else {
    }
    %add3A_19 = arith.constant 0 : i32
    %add3A_20 = arith.addi %select_n3A_8, %add3A_19 : i32
    %dma_start3A = arith.constant 0 : i32
    %dma_start3A_21 = arith.constant 0 : i32
    %dma_start3A_22 = tpu.memref_slice %arg7[%dma_start3A, %dma_start3A_21] : memref<1x128xi32, #tpu.memory_space<vmem>> -> memref<1x128xi32, #tpu.memory_space<vmem>>
    %dma_start3A_23 = tpu.memref_squeeze %dma_start3A_22 : memref<1x128xi32, #tpu.memory_space<vmem>> -> memref<128xi32, #tpu.memory_space<vmem>>
    %dma_start3A_24 = arith.constant 0 : i32
    %dma_start3A_25 = tpu.memref_slice %arg3[%add3A_20, %dma_start3A_24] : memref<2528x128xi32, #tpu.memory_space<hbm>> -> memref<1x128xi32, #tpu.memory_space<hbm>>
    %dma_start3A_26 = tpu.memref_squeeze %dma_start3A_25 : memref<1x128xi32, #tpu.memory_space<hbm>> -> memref<128xi32, #tpu.memory_space<hbm>>
    %dma_start3A_27 = arith.constant 0 : i32
    %dma_start3A_28 = tpu.memref_slice %arg7[%dma_start3A, %dma_start3A_27] : memref<1x128xi32, #tpu.memory_space<vmem>> -> memref<1x128xi32, #tpu.memory_space<vmem>>
    %dma_start3A_29 = tpu.memref_squeeze %dma_start3A_28 : memref<1x128xi32, #tpu.memory_space<vmem>> -> memref<128xi32, #tpu.memory_space<vmem>>
    %dma_start3A_30 = arith.constant 0 : i32
    %dma_start3A_31 = tpu.memref_slice %arg3[%add3A_20, %dma_start3A_30] : memref<2528x128xi32, #tpu.memory_space<hbm>> -> memref<1x128xi32, #tpu.memory_space<hbm>>
    %dma_start3A_32 = tpu.memref_squeeze %dma_start3A_31 : memref<1x128xi32, #tpu.memory_space<hbm>> -> memref<128xi32, #tpu.memory_space<hbm>>
    tpu.enqueue_dma source(%dma_start3A_32 : memref<128xi32, #tpu.memory_space<hbm>>) target(%dma_start3A_29 : memref<128xi32, #tpu.memory_space<vmem>>) target_semaphore(%arg14 : memref<!tpu.dma_semaphore, #tpu.memory_space<semaphore_mem>>)
    %add3A_33 = arith.constant 0 : i32
    %add3A_34 = arith.addi %select_n3A_8, %add3A_33 : i32
    %dma_start3A_35 = arith.constant 0 : i32
    %dma_start3A_36 = arith.constant 0 : i32
    %dma_start3A_37 = tpu.memref_slice %arg9[%dma_start3A_35, %dma_start3A_36] : memref<1x128xi32, #tpu.memory_space<vmem>> -> memref<1x128xi32, #tpu.memory_space<vmem>>
    %dma_start3A_38 = tpu.memref_squeeze %dma_start3A_37 : memref<1x128xi32, #tpu.memory_space<vmem>> -> memref<128xi32, #tpu.memory_space<vmem>>
    %dma_start3A_39 = arith.constant 0 : i32
    %dma_start3A_40 = tpu.memref_slice %arg4[%add3A_34, %dma_start3A_39] : memref<2528x128xi32, #tpu.memory_space<hbm>> -> memref<1x128xi32, #tpu.memory_space<hbm>>
    %dma_start3A_41 = tpu.memref_squeeze %dma_start3A_40 : memref<1x128xi32, #tpu.memory_space<hbm>> -> memref<128xi32, #tpu.memory_space<hbm>>
    %dma_start3A_42 = arith.constant 0 : i32
    %dma_start3A_43 = tpu.memref_slice %arg9[%dma_start3A_35, %dma_start3A_42] : memref<1x128xi32, #tpu.memory_space<vmem>> -> memref<1x128xi32, #tpu.memory_space<vmem>>
    %dma_start3A_44 = tpu.memref_squeeze %dma_start3A_43 : memref<1x128xi32, #tpu.memory_space<vmem>> -> memref<128xi32, #tpu.memory_space<vmem>>
    %dma_start3A_45 = arith.constant 0 : i32
    %dma_start3A_46 = tpu.memref_slice %arg4[%add3A_34, %dma_start3A_45] : memref<2528x128xi32, #tpu.memory_space<hbm>> -> memref<1x128xi32, #tpu.memory_space<hbm>>
    %dma_start3A_47 = tpu.memref_squeeze %dma_start3A_46 : memref<1x128xi32, #tpu.memory_space<hbm>> -> memref<128xi32, #tpu.memory_space<hbm>>
    tpu.enqueue_dma source(%dma_start3A_47 : memref<128xi32, #tpu.memory_space<hbm>>) target(%dma_start3A_44 : memref<128xi32, #tpu.memory_space<vmem>>) target_semaphore(%arg14 : memref<!tpu.dma_semaphore, #tpu.memory_space<semaphore_mem>>)
    %add3A_48 = arith.constant 1 : i32
    %add3A_49 = arith.addi %select_n3A_8, %add3A_48 : i32
    %dma_start3A_50 = arith.constant 0 : i32
    %dma_start3A_51 = arith.constant 0 : i32
    %dma_start3A_52 = tpu.memref_slice %arg8[%dma_start3A_50, %dma_start3A_51] : memref<1x128xi32, #tpu.memory_space<vmem>> -> memref<1x128xi32, #tpu.memory_space<vmem>>
    %dma_start3A_53 = tpu.memref_squeeze %dma_start3A_52 : memref<1x128xi32, #tpu.memory_space<vmem>> -> memref<128xi32, #tpu.memory_space<vmem>>
    %dma_start3A_54 = arith.constant 0 : i32
    %dma_start3A_55 = tpu.memref_slice %arg3[%add3A_49, %dma_start3A_54] : memref<2528x128xi32, #tpu.memory_space<hbm>> -> memref<1x128xi32, #tpu.memory_space<hbm>>
    %dma_start3A_56 = tpu.memref_squeeze %dma_start3A_55 : memref<1x128xi32, #tpu.memory_space<hbm>> -> memref<128xi32, #tpu.memory_space<hbm>>
    %dma_start3A_57 = arith.constant 0 : i32
    %dma_start3A_58 = tpu.memref_slice %arg8[%dma_start3A_50, %dma_start3A_57] : memref<1x128xi32, #tpu.memory_space<vmem>> -> memref<1x128xi32, #tpu.memory_space<vmem>>
    %dma_start3A_59 = tpu.memref_squeeze %dma_start3A_58 : memref<1x128xi32, #tpu.memory_space<vmem>> -> memref<128xi32, #tpu.memory_space<vmem>>
    %dma_start3A_60 = arith.constant 0 : i32
    %dma_start3A_61 = tpu.memref_slice %arg3[%add3A_49, %dma_start3A_60] : memref<2528x128xi32, #tpu.memory_space<hbm>> -> memref<1x128xi32, #tpu.memory_space<hbm>>
    %dma_start3A_62 = tpu.memref_squeeze %dma_start3A_61 : memref<1x128xi32, #tpu.memory_space<hbm>> -> memref<128xi32, #tpu.memory_space<hbm>>
    tpu.enqueue_dma source(%dma_start3A_62 : memref<128xi32, #tpu.memory_space<hbm>>) target(%dma_start3A_59 : memref<128xi32, #tpu.memory_space<vmem>>) target_semaphore(%arg15 : memref<!tpu.dma_semaphore, #tpu.memory_space<semaphore_mem>>)
    %add3A_63 = arith.constant 1 : i32
    %add3A_64 = arith.addi %select_n3A_8, %add3A_63 : i32
    %dma_start3A_65 = arith.constant 0 : i32
    %dma_start3A_66 = arith.constant 0 : i32
    %dma_start3A_67 = tpu.memref_slice %arg10[%dma_start3A_65, %dma_start3A_66] : memref<1x128xi32, #tpu.memory_space<vmem>> -> memref<1x128xi32, #tpu.memory_space<vmem>>
    %dma_start3A_68 = tpu.memref_squeeze %dma_start3A_67 : memref<1x128xi32, #tpu.memory_space<vmem>> -> memref<128xi32, #tpu.memory_space<vmem>>
    %dma_start3A_69 = arith.constant 0 : i32
    %dma_start3A_70 = tpu.memref_slice %arg4[%add3A_64, %dma_start3A_69] : memref<2528x128xi32, #tpu.memory_space<hbm>> -> memref<1x128xi32, #tpu.memory_space<hbm>>
    %dma_start3A_71 = tpu.memref_squeeze %dma_start3A_70 : memref<1x128xi32, #tpu.memory_space<hbm>> -> memref<128xi32, #tpu.memory_space<hbm>>
    %dma_start3A_72 = arith.constant 0 : i32
    %dma_start3A_73 = tpu.memref_slice %arg10[%dma_start3A_65, %dma_start3A_72] : memref<1x128xi32, #tpu.memory_space<vmem>> -> memref<1x128xi32, #tpu.memory_space<vmem>>
    %dma_start3A_74 = tpu.memref_squeeze %dma_start3A_73 : memref<1x128xi32, #tpu.memory_space<vmem>> -> memref<128xi32, #tpu.memory_space<vmem>>
    %dma_start3A_75 = arith.constant 0 : i32
    %dma_start3A_76 = tpu.memref_slice %arg4[%add3A_64, %dma_start3A_75] : memref<2528x128xi32, #tpu.memory_space<hbm>> -> memref<1x128xi32, #tpu.memory_space<hbm>>
    %dma_start3A_77 = tpu.memref_squeeze %dma_start3A_76 : memref<1x128xi32, #tpu.memory_space<hbm>> -> memref<128xi32, #tpu.memory_space<hbm>>
    tpu.enqueue_dma source(%dma_start3A_77 : memref<128xi32, #tpu.memory_space<hbm>>) target(%dma_start3A_74 : memref<128xi32, #tpu.memory_space<vmem>>) target_semaphore(%arg15 : memref<!tpu.dma_semaphore, #tpu.memory_space<semaphore_mem>>)
    %dma_wait3A = arith.constant 0 : i32
    %dma_wait3A_78 = arith.constant 0 : i32
    %dma_wait3A_79 = arith.constant 0 : i32
    %dma_wait3A_80 = tpu.memref_slice %arg7[%dma_wait3A_78, %dma_wait3A_79] : memref<1x128xi32, #tpu.memory_space<vmem>> -> memref<1x128xi32, #tpu.memory_space<vmem>>
    %dma_wait3A_81 = tpu.memref_squeeze %dma_wait3A_80 : memref<1x128xi32, #tpu.memory_space<vmem>> -> memref<128xi32, #tpu.memory_space<vmem>>
    %dma_wait3A_82 = arith.constant 0 : i32
    %dma_wait3A_83 = tpu.memref_slice %arg3[%dma_wait3A, %dma_wait3A_82] : memref<2528x128xi32, #tpu.memory_space<hbm>> -> memref<1x128xi32, #tpu.memory_space<hbm>>
    %dma_wait3A_84 = tpu.memref_squeeze %dma_wait3A_83 : memref<1x128xi32, #tpu.memory_space<hbm>> -> memref<128xi32, #tpu.memory_space<hbm>>
    %dma_wait3A_85 = arith.constant 0 : i32
    %dma_wait3A_86 = tpu.memref_slice %arg7[%dma_wait3A_78, %dma_wait3A_85] : memref<1x128xi32, #tpu.memory_space<vmem>> -> memref<1x128xi32, #tpu.memory_space<vmem>>
    %dma_wait3A_87 = tpu.memref_squeeze %dma_wait3A_86 : memref<1x128xi32, #tpu.memory_space<vmem>> -> memref<128xi32, #tpu.memory_space<vmem>>
    %dma_wait3A_88 = arith.constant 0 : i32
    %dma_wait3A_89 = tpu.memref_slice %arg3[%dma_wait3A, %dma_wait3A_88] : memref<2528x128xi32, #tpu.memory_space<hbm>> -> memref<1x128xi32, #tpu.memory_space<hbm>>
    %dma_wait3A_90 = tpu.memref_squeeze %dma_wait3A_89 : memref<1x128xi32, #tpu.memory_space<hbm>> -> memref<128xi32, #tpu.memory_space<hbm>>
    tpu.wait_dma2 semaphore(%arg14 : memref<!tpu.dma_semaphore, #tpu.memory_space<semaphore_mem>>) src(%dma_wait3A_90 : memref<128xi32, #tpu.memory_space<hbm>>) dst(%dma_wait3A_87 : memref<128xi32, #tpu.memory_space<vmem>>)
    %dma_wait3A_91 = arith.constant 0 : i32
    %dma_wait3A_92 = arith.constant 0 : i32
    %dma_wait3A_93 = arith.constant 0 : i32
    %dma_wait3A_94 = tpu.memref_slice %arg9[%dma_wait3A_92, %dma_wait3A_93] : memref<1x128xi32, #tpu.memory_space<vmem>> -> memref<1x128xi32, #tpu.memory_space<vmem>>
    %dma_wait3A_95 = tpu.memref_squeeze %dma_wait3A_94 : memref<1x128xi32, #tpu.memory_space<vmem>> -> memref<128xi32, #tpu.memory_space<vmem>>
    %dma_wait3A_96 = arith.constant 0 : i32
    %dma_wait3A_97 = tpu.memref_slice %arg4[%dma_wait3A_91, %dma_wait3A_96] : memref<2528x128xi32, #tpu.memory_space<hbm>> -> memref<1x128xi32, #tpu.memory_space<hbm>>
    %dma_wait3A_98 = tpu.memref_squeeze %dma_wait3A_97 : memref<1x128xi32, #tpu.memory_space<hbm>> -> memref<128xi32, #tpu.memory_space<hbm>>
    %dma_wait3A_99 = arith.constant 0 : i32
    %dma_wait3A_100 = tpu.memref_slice %arg9[%dma_wait3A_92, %dma_wait3A_99] : memref<1x128xi32, #tpu.memory_space<vmem>> -> memref<1x128xi32, #tpu.memory_space<vmem>>
    %dma_wait3A_101 = tpu.memref_squeeze %dma_wait3A_100 : memref<1x128xi32, #tpu.memory_space<vmem>> -> memref<128xi32, #tpu.memory_space<vmem>>
    %dma_wait3A_102 = arith.constant 0 : i32
    %dma_wait3A_103 = tpu.memref_slice %arg4[%dma_wait3A_91, %dma_wait3A_102] : memref<2528x128xi32, #tpu.memory_space<hbm>> -> memref<1x128xi32, #tpu.memory_space<hbm>>
    %dma_wait3A_104 = tpu.memref_squeeze %dma_wait3A_103 : memref<1x128xi32, #tpu.memory_space<hbm>> -> memref<128xi32, #tpu.memory_space<hbm>>
    tpu.wait_dma2 semaphore(%arg14 : memref<!tpu.dma_semaphore, #tpu.memory_space<semaphore_mem>>) src(%dma_wait3A_104 : memref<128xi32, #tpu.memory_space<hbm>>) dst(%dma_wait3A_101 : memref<128xi32, #tpu.memory_space<vmem>>)
    %dma_start3A_105 = arith.constant 0 : i32
    %dma_start3A_106 = arith.constant 0 : i32
    %dma_start3A_107 = tpu.memref_slice %arg7[%dma_start3A_105, %dma_start3A_106] : memref<1x128xi32, #tpu.memory_space<vmem>> -> memref<1x128xi32, #tpu.memory_space<vmem>>
    %dma_start3A_108 = tpu.memref_squeeze %dma_start3A_107 : memref<1x128xi32, #tpu.memory_space<vmem>> -> memref<128xi32, #tpu.memory_space<vmem>>
    %dma_start3A_109 = arith.constant 0 : i32
    %dma_start3A_110 = arith.constant 0 : i32
    %dma_start3A_111 = tpu.memref_slice %arg2[%dma_start3A_109, %dma_start3A_110] : memref<10240x128xf32, #tpu.memory_space<hbm>> -> memref<10240x128xf32, #tpu.memory_space<hbm>>
    tpu.enqueue_indirect_dma source(%dma_start3A_111 : memref<10240x128xf32, #tpu.memory_space<hbm>>) target(%arg11 : memref<128x128xf32, #tpu.memory_space<vmem>>) offsets(%dma_start3A_108 : memref<128xi32, #tpu.memory_space<vmem>>) semaphore(%arg16 : memref<!tpu.dma_semaphore, #tpu.memory_space<semaphore_mem>>)
    %barrier3A = arith.constant 0 : index
    tpu.barrier barrier_id(%barrier3A)
    %sub3A = arith.constant 1 : i32
    %sub3A_112 = arith.subi %select_n3A, %sub3A : i32
    %jit3A_113 = arith.constant 2 : i32
    %div3A = arith.divsi %sub3A_112, %jit3A_113 : i32
    %sign3A = arith.constant 0 : i32
    %sign3A_114 = arith.cmpi sgt, %sub3A_112, %sign3A : i32
    %sign3A_115 = arith.extui %sign3A_114 : i1 to i32
    %sign3A_116 = arith.constant 0 : i32
    %sign3A_117 = arith.cmpi slt, %sub3A_112, %sign3A_116 : i32
    %sign3A_118 = arith.extui %sign3A_117 : i1 to i32
    %sign3A_119 = arith.subi %sign3A_115, %sign3A_118 : i32
    %sign3A_120 = arith.constant 0 : i32
    %sign3A_121 = arith.cmpi sgt, %jit3A_113, %sign3A_120 : i32
    %sign3A_122 = arith.extui %sign3A_121 : i1 to i32
    %sign3A_123 = arith.constant 0 : i32
    %sign3A_124 = arith.cmpi slt, %jit3A_113, %sign3A_123 : i32
    %sign3A_125 = arith.extui %sign3A_124 : i1 to i32
    %sign3A_126 = arith.subi %sign3A_122, %sign3A_125 : i32
    %ne3A = arith.cmpi ne, %sign3A_119, %sign3A_126 : i32
    %rem3A = arith.remsi %sub3A_112, %jit3A_113 : i32
    %ne3A_127 = arith.constant 0 : i32
    %ne3A_128 = arith.cmpi ne, %rem3A, %ne3A_127 : i32
    %and3A = arith.andi %ne3A, %ne3A_128 : i1
    %sub3A_129 = arith.constant 1 : i32
    %sub3A_130 = arith.subi %div3A, %sub3A_129 : i32
    %select_n3A_131 = arith.select %and3A, %sub3A_130, %div3A : i32
    %while3A = arith.constant 0 : i32
    %while3A_132 = arith.constant 0 : i32
    %while3A_133 = arith.subi %select_n3A_131, %while3A_132 : i32
    %while3A_134 = arith.addi %while3A_132, %while3A_133 : i32
    %while3A_135 = arith.constant 1 : i32
    %while3A_136 = arith.divsi %while3A_133, %while3A_135 : i32
    %while3A_137 = arith.muli %while3A_136, %while3A_135 : i32
    %while3A_138 = arith.addi %while3A_132, %while3A_137 : i32
    %while3A_139 = arith.constant 1 : i32
    scf.for %while3A_149 = %while3A_132 to %while3A_138 step %while3A_139  : i32 {
      %mul3A_150 = arith.constant 2 : i32
      %mul3A_151 = arith.muli %mul3A_150, %while3A_149 : i32
      %dma_wait3A_152 = arith.constant 0 : i32
      %dma_wait3A_153 = arith.constant 0 : i32
      %dma_wait3A_154 = tpu.memref_slice %arg7[%dma_wait3A_152, %dma_wait3A_153] : memref<1x128xi32, #tpu.memory_space<vmem>> -> memref<1x128xi32, #tpu.memory_space<vmem>>
      %dma_wait3A_155 = tpu.memref_squeeze %dma_wait3A_154 : memref<1x128xi32, #tpu.memory_space<vmem>> -> memref<128xi32, #tpu.memory_space<vmem>>
      %dma_wait3A_156 = arith.constant 0 : i32
      %dma_wait3A_157 = arith.constant 0 : i32
      %dma_wait3A_158 = tpu.memref_slice %arg2[%dma_wait3A_156, %dma_wait3A_157] : memref<10240x128xf32, #tpu.memory_space<hbm>> -> memref<10240x128xf32, #tpu.memory_space<hbm>>
      tpu.wait_indirect_dma semaphore(%arg16 : memref<!tpu.dma_semaphore, #tpu.memory_space<semaphore_mem>>) src(%dma_wait3A_158 : memref<10240x128xf32, #tpu.memory_space<hbm>>) dst(%arg11 : memref<128x128xf32, #tpu.memory_space<vmem>>)
      %dma_wait3A_159 = arith.constant 0 : i32
      %dma_wait3A_160 = arith.constant 0 : i32
      %dma_wait3A_161 = arith.constant 0 : i32
      %dma_wait3A_162 = tpu.memref_slice %arg8[%dma_wait3A_160, %dma_wait3A_161] : memref<1x128xi32, #tpu.memory_space<vmem>> -> memref<1x128xi32, #tpu.memory_space<vmem>>
      %dma_wait3A_163 = tpu.memref_squeeze %dma_wait3A_162 : memref<1x128xi32, #tpu.memory_space<vmem>> -> memref<128xi32, #tpu.memory_space<vmem>>
      %dma_wait3A_164 = arith.constant 0 : i32
      %dma_wait3A_165 = tpu.memref_slice %arg3[%dma_wait3A_159, %dma_wait3A_164] : memref<2528x128xi32, #tpu.memory_space<hbm>> -> memref<1x128xi32, #tpu.memory_space<hbm>>
      %dma_wait3A_166 = tpu.memref_squeeze %dma_wait3A_165 : memref<1x128xi32, #tpu.memory_space<hbm>> -> memref<128xi32, #tpu.memory_space<hbm>>
      %dma_wait3A_167 = arith.constant 0 : i32
      %dma_wait3A_168 = tpu.memref_slice %arg8[%dma_wait3A_160, %dma_wait3A_167] : memref<1x128xi32, #tpu.memory_space<vmem>> -> memref<1x128xi32, #tpu.memory_space<vmem>>
      %dma_wait3A_169 = tpu.memref_squeeze %dma_wait3A_168 : memref<1x128xi32, #tpu.memory_space<vmem>> -> memref<128xi32, #tpu.memory_space<vmem>>
      %dma_wait3A_170 = arith.constant 0 : i32
      %dma_wait3A_171 = tpu.memref_slice %arg3[%dma_wait3A_159, %dma_wait3A_170] : memref<2528x128xi32, #tpu.memory_space<hbm>> -> memref<1x128xi32, #tpu.memory_space<hbm>>
      %dma_wait3A_172 = tpu.memref_squeeze %dma_wait3A_171 : memref<1x128xi32, #tpu.memory_space<hbm>> -> memref<128xi32, #tpu.memory_space<hbm>>
      tpu.wait_dma2 semaphore(%arg15 : memref<!tpu.dma_semaphore, #tpu.memory_space<semaphore_mem>>) src(%dma_wait3A_172 : memref<128xi32, #tpu.memory_space<hbm>>) dst(%dma_wait3A_169 : memref<128xi32, #tpu.memory_space<vmem>>)
      %dma_wait3A_173 = arith.constant 0 : i32
      %dma_wait3A_174 = arith.constant 0 : i32
      %dma_wait3A_175 = arith.constant 0 : i32
      %dma_wait3A_176 = tpu.memref_slice %arg10[%dma_wait3A_174, %dma_wait3A_175] : memref<1x128xi32, #tpu.memory_space<vmem>> -> memref<1x128xi32, #tpu.memory_space<vmem>>
      %dma_wait3A_177 = tpu.memref_squeeze %dma_wait3A_176 : memref<1x128xi32, #tpu.memory_space<vmem>> -> memref<128xi32, #tpu.memory_space<vmem>>
      %dma_wait3A_178 = arith.constant 0 : i32
      %dma_wait3A_179 = tpu.memref_slice %arg4[%dma_wait3A_173, %dma_wait3A_178] : memref<2528x128xi32, #tpu.memory_space<hbm>> -> memref<1x128xi32, #tpu.memory_space<hbm>>
      %dma_wait3A_180 = tpu.memref_squeeze %dma_wait3A_179 : memref<1x128xi32, #tpu.memory_space<hbm>> -> memref<128xi32, #tpu.memory_space<hbm>>
      %dma_wait3A_181 = arith.constant 0 : i32
      %dma_wait3A_182 = tpu.memref_slice %arg10[%dma_wait3A_174, %dma_wait3A_181] : memref<1x128xi32, #tpu.memory_space<vmem>> -> memref<1x128xi32, #tpu.memory_space<vmem>>
      %dma_wait3A_183 = tpu.memref_squeeze %dma_wait3A_182 : memref<1x128xi32, #tpu.memory_space<vmem>> -> memref<128xi32, #tpu.memory_space<vmem>>
      %dma_wait3A_184 = arith.constant 0 : i32
      %dma_wait3A_185 = tpu.memref_slice %arg4[%dma_wait3A_173, %dma_wait3A_184] : memref<2528x128xi32, #tpu.memory_space<hbm>> -> memref<1x128xi32, #tpu.memory_space<hbm>>
      %dma_wait3A_186 = tpu.memref_squeeze %dma_wait3A_185 : memref<1x128xi32, #tpu.memory_space<hbm>> -> memref<128xi32, #tpu.memory_space<hbm>>
      tpu.wait_dma2 semaphore(%arg15 : memref<!tpu.dma_semaphore, #tpu.memory_space<semaphore_mem>>) src(%dma_wait3A_186 : memref<128xi32, #tpu.memory_space<hbm>>) dst(%dma_wait3A_183 : memref<128xi32, #tpu.memory_space<vmem>>)
      %dma_start3A_187 = arith.constant 0 : i32
      %dma_start3A_188 = arith.constant 0 : i32
      %dma_start3A_189 = tpu.memref_slice %arg8[%dma_start3A_187, %dma_start3A_188] : memref<1x128xi32, #tpu.memory_space<vmem>> -> memref<1x128xi32, #tpu.memory_space<vmem>>
      %dma_start3A_190 = tpu.memref_squeeze %dma_start3A_189 : memref<1x128xi32, #tpu.memory_space<vmem>> -> memref<128xi32, #tpu.memory_space<vmem>>
      %dma_start3A_191 = arith.constant 0 : i32
      %dma_start3A_192 = arith.constant 0 : i32
      %dma_start3A_193 = tpu.memref_slice %arg2[%dma_start3A_191, %dma_start3A_192] : memref<10240x128xf32, #tpu.memory_space<hbm>> -> memref<10240x128xf32, #tpu.memory_space<hbm>>
      tpu.enqueue_indirect_dma source(%dma_start3A_193 : memref<10240x128xf32, #tpu.memory_space<hbm>>) target(%arg12 : memref<128x128xf32, #tpu.memory_space<vmem>>) offsets(%dma_start3A_190 : memref<128xi32, #tpu.memory_space<vmem>>) semaphore(%arg17 : memref<!tpu.dma_semaphore, #tpu.memory_space<semaphore_mem>>)
      %run_scoped3A_194 = arith.constant 0 : i32
      "tpu.region"() ({
        %run_scoped3A_273 = tpu.sem_alloc : memref<!tpu.dma_semaphore, #tpu.memory_space<semaphore_mem>>
        %dma_start3A_274 = arith.constant 0 : i32
        %dma_start3A_275 = tpu.memref_slice %arg9[%run_scoped3A_194, %dma_start3A_274] : memref<1x128xi32, #tpu.memory_space<vmem>> -> memref<1x128xi32, #tpu.memory_space<vmem>>
        %dma_start3A_276 = tpu.memref_squeeze %dma_start3A_275 : memref<1x128xi32, #tpu.memory_space<vmem>> -> memref<128xi32, #tpu.memory_space<vmem>>
        %dma_start3A_277 = arith.constant 0 : i32
        %dma_start3A_278 = arith.constant 0 : i32
        %dma_start3A_279 = tpu.memref_slice %arg13[%dma_start3A_277, %dma_start3A_278] : memref<10240x128xf32, #tpu.memory_space<vmem_shared>> -> memref<10240x128xf32, #tpu.memory_space<vmem_shared>>
        tpu.enqueue_indirect_dma source(%arg11 : memref<128x128xf32, #tpu.memory_space<vmem>>) target(%dma_start3A_279 : memref<10240x128xf32, #tpu.memory_space<vmem_shared>>) offsets(%dma_start3A_276 : memref<128xi32, #tpu.memory_space<vmem>>) semaphore(%run_scoped3A_273 : memref<!tpu.dma_semaphore, #tpu.memory_space<semaphore_mem>>) {add = true}
        %dma_wait3A_280 = arith.constant 0 : i32
        %dma_wait3A_281 = tpu.memref_slice %arg9[%run_scoped3A_194, %dma_wait3A_280] : memref<1x128xi32, #tpu.memory_space<vmem>> -> memref<1x128xi32, #tpu.memory_space<vmem>>
        %dma_wait3A_282 = tpu.memref_squeeze %dma_wait3A_281 : memref<1x128xi32, #tpu.memory_space<vmem>> -> memref<128xi32, #tpu.memory_space<vmem>>
        %dma_wait3A_283 = arith.constant 0 : i32
        %dma_wait3A_284 = arith.constant 0 : i32
        %dma_wait3A_285 = tpu.memref_slice %arg13[%dma_wait3A_283, %dma_wait3A_284] : memref<10240x128xf32, #tpu.memory_space<vmem_shared>> -> memref<10240x128xf32, #tpu.memory_space<vmem_shared>>
        tpu.wait_indirect_dma semaphore(%run_scoped3A_273 : memref<!tpu.dma_semaphore, #tpu.memory_space<semaphore_mem>>) src(%arg11 : memref<128x128xf32, #tpu.memory_space<vmem>>) dst(%dma_wait3A_285 : memref<10240x128xf32, #tpu.memory_space<vmem_shared>>)
        tpu.yield
      }) : () -> ()
      %add3A_195 = arith.constant 2 : i32
      %add3A_196 = arith.addi %mul3A_151, %add3A_195 : i32
      %add3A_197 = arith.addi %select_n3A_8, %add3A_196 : i32
      %dma_start3A_198 = arith.constant 0 : i32
      %dma_start3A_199 = arith.constant 0 : i32
      %dma_start3A_200 = tpu.memref_slice %arg7[%dma_start3A_198, %dma_start3A_199] : memref<1x128xi32, #tpu.memory_space<vmem>> -> memref<1x128xi32, #tpu.memory_space<vmem>>
      %dma_start3A_201 = tpu.memref_squeeze %dma_start3A_200 : memref<1x128xi32, #tpu.memory_space<vmem>> -> memref<128xi32, #tpu.memory_space<vmem>>
      %dma_start3A_202 = arith.constant 0 : i32
      %dma_start3A_203 = tpu.memref_slice %arg3[%add3A_197, %dma_start3A_202] : memref<2528x128xi32, #tpu.memory_space<hbm>> -> memref<1x128xi32, #tpu.memory_space<hbm>>
      %dma_start3A_204 = tpu.memref_squeeze %dma_start3A_203 : memref<1x128xi32, #tpu.memory_space<hbm>> -> memref<128xi32, #tpu.memory_space<hbm>>
      %dma_start3A_205 = arith.constant 0 : i32
      %dma_start3A_206 = tpu.memref_slice %arg7[%dma_start3A_198, %dma_start3A_205] : memref<1x128xi32, #tpu.memory_space<vmem>> -> memref<1x128xi32, #tpu.memory_space<vmem>>
      %dma_start3A_207 = tpu.memref_squeeze %dma_start3A_206 : memref<1x128xi32, #tpu.memory_space<vmem>> -> memref<128xi32, #tpu.memory_space<vmem>>
      %dma_start3A_208 = arith.constant 0 : i32
      %dma_start3A_209 = tpu.memref_slice %arg3[%add3A_197, %dma_start3A_208] : memref<2528x128xi32, #tpu.memory_space<hbm>> -> memref<1x128xi32, #tpu.memory_space<hbm>>
      %dma_start3A_210 = tpu.memref_squeeze %dma_start3A_209 : memref<1x128xi32, #tpu.memory_space<hbm>> -> memref<128xi32, #tpu.memory_space<hbm>>
      tpu.enqueue_dma source(%dma_start3A_210 : memref<128xi32, #tpu.memory_space<hbm>>) target(%dma_start3A_207 : memref<128xi32, #tpu.memory_space<vmem>>) target_semaphore(%arg14 : memref<!tpu.dma_semaphore, #tpu.memory_space<semaphore_mem>>)
      %add3A_211 = arith.addi %select_n3A_8, %add3A_196 : i32
      %dma_start3A_212 = arith.constant 0 : i32
      %dma_start3A_213 = arith.constant 0 : i32
      %dma_start3A_214 = tpu.memref_slice %arg9[%dma_start3A_212, %dma_start3A_213] : memref<1x128xi32, #tpu.memory_space<vmem>> -> memref<1x128xi32, #tpu.memory_space<vmem>>
      %dma_start3A_215 = tpu.memref_squeeze %dma_start3A_214 : memref<1x128xi32, #tpu.memory_space<vmem>> -> memref<128xi32, #tpu.memory_space<vmem>>
      %dma_start3A_216 = arith.constant 0 : i32
      %dma_start3A_217 = tpu.memref_slice %arg4[%add3A_211, %dma_start3A_216] : memref<2528x128xi32, #tpu.memory_space<hbm>> -> memref<1x128xi32, #tpu.memory_space<hbm>>
      %dma_start3A_218 = tpu.memref_squeeze %dma_start3A_217 : memref<1x128xi32, #tpu.memory_space<hbm>> -> memref<128xi32, #tpu.memory_space<hbm>>
      %dma_start3A_219 = arith.constant 0 : i32
      %dma_start3A_220 = tpu.memref_slice %arg9[%dma_start3A_212, %dma_start3A_219] : memref<1x128xi32, #tpu.memory_space<vmem>> -> memref<1x128xi32, #tpu.memory_space<vmem>>
      %dma_start3A_221 = tpu.memref_squeeze %dma_start3A_220 : memref<1x128xi32, #tpu.memory_space<vmem>> -> memref<128xi32, #tpu.memory_space<vmem>>
      %dma_start3A_222 = arith.constant 0 : i32
      %dma_start3A_223 = tpu.memref_slice %arg4[%add3A_211, %dma_start3A_222] : memref<2528x128xi32, #tpu.memory_space<hbm>> -> memref<1x128xi32, #tpu.memory_space<hbm>>
      %dma_start3A_224 = tpu.memref_squeeze %dma_start3A_223 : memref<1x128xi32, #tpu.memory_space<hbm>> -> memref<128xi32, #tpu.memory_space<hbm>>
      tpu.enqueue_dma source(%dma_start3A_224 : memref<128xi32, #tpu.memory_space<hbm>>) target(%dma_start3A_221 : memref<128xi32, #tpu.memory_space<vmem>>) target_semaphore(%arg14 : memref<!tpu.dma_semaphore, #tpu.memory_space<semaphore_mem>>)
      %dma_wait3A_225 = arith.constant 0 : i32
      %dma_wait3A_226 = arith.constant 0 : i32
      %dma_wait3A_227 = tpu.memref_slice %arg8[%dma_wait3A_225, %dma_wait3A_226] : memref<1x128xi32, #tpu.memory_space<vmem>> -> memref<1x128xi32, #tpu.memory_space<vmem>>
      %dma_wait3A_228 = tpu.memref_squeeze %dma_wait3A_227 : memref<1x128xi32, #tpu.memory_space<vmem>> -> memref<128xi32, #tpu.memory_space<vmem>>
      %dma_wait3A_229 = arith.constant 0 : i32
      %dma_wait3A_230 = arith.constant 0 : i32
      %dma_wait3A_231 = tpu.memref_slice %arg2[%dma_wait3A_229, %dma_wait3A_230] : memref<10240x128xf32, #tpu.memory_space<hbm>> -> memref<10240x128xf32, #tpu.memory_space<hbm>>
      tpu.wait_indirect_dma semaphore(%arg17 : memref<!tpu.dma_semaphore, #tpu.memory_space<semaphore_mem>>) src(%dma_wait3A_231 : memref<10240x128xf32, #tpu.memory_space<hbm>>) dst(%arg12 : memref<128x128xf32, #tpu.memory_space<vmem>>)
      %dma_wait3A_232 = arith.constant 0 : i32
      %dma_wait3A_233 = arith.constant 0 : i32
      %dma_wait3A_234 = arith.constant 0 : i32
      %dma_wait3A_235 = tpu.memref_slice %arg7[%dma_wait3A_233, %dma_wait3A_234] : memref<1x128xi32, #tpu.memory_space<vmem>> -> memref<1x128xi32, #tpu.memory_space<vmem>>
      %dma_wait3A_236 = tpu.memref_squeeze %dma_wait3A_235 : memref<1x128xi32, #tpu.memory_space<vmem>> -> memref<128xi32, #tpu.memory_space<vmem>>
      %dma_wait3A_237 = arith.constant 0 : i32
      %dma_wait3A_238 = tpu.memref_slice %arg3[%dma_wait3A_232, %dma_wait3A_237] : memref<2528x128xi32, #tpu.memory_space<hbm>> -> memref<1x128xi32, #tpu.memory_space<hbm>>
      %dma_wait3A_239 = tpu.memref_squeeze %dma_wait3A_238 : memref<1x128xi32, #tpu.memory_space<hbm>> -> memref<128xi32, #tpu.memory_space<hbm>>
      %dma_wait3A_240 = arith.constant 0 : i32
      %dma_wait3A_241 = tpu.memref_slice %arg7[%dma_wait3A_233, %dma_wait3A_240] : memref<1x128xi32, #tpu.memory_space<vmem>> -> memref<1x128xi32, #tpu.memory_space<vmem>>
      %dma_wait3A_242 = tpu.memref_squeeze %dma_wait3A_241 : memref<1x128xi32, #tpu.memory_space<vmem>> -> memref<128xi32, #tpu.memory_space<vmem>>
      %dma_wait3A_243 = arith.constant 0 : i32
      %dma_wait3A_244 = tpu.memref_slice %arg3[%dma_wait3A_232, %dma_wait3A_243] : memref<2528x128xi32, #tpu.memory_space<hbm>> -> memref<1x128xi32, #tpu.memory_space<hbm>>
      %dma_wait3A_245 = tpu.memref_squeeze %dma_wait3A_244 : memref<1x128xi32, #tpu.memory_space<hbm>> -> memref<128xi32, #tpu.memory_space<hbm>>
      tpu.wait_dma2 semaphore(%arg14 : memref<!tpu.dma_semaphore, #tpu.memory_space<semaphore_mem>>) src(%dma_wait3A_245 : memref<128xi32, #tpu.memory_space<hbm>>) dst(%dma_wait3A_242 : memref<128xi32, #tpu.memory_space<vmem>>)
      %dma_wait3A_246 = arith.constant 0 : i32
      %dma_wait3A_247 = arith.constant 0 : i32
      %dma_wait3A_248 = arith.constant 0 : i32
      %dma_wait3A_249 = tpu.memref_slice %arg9[%dma_wait3A_247, %dma_wait3A_248] : memref<1x128xi32, #tpu.memory_space<vmem>> -> memref<1x128xi32, #tpu.memory_space<vmem>>
      %dma_wait3A_250 = tpu.memref_squeeze %dma_wait3A_249 : memref<1x128xi32, #tpu.memory_space<vmem>> -> memref<128xi32, #tpu.memory_space<vmem>>
      %dma_wait3A_251 = arith.constant 0 : i32
      %dma_wait3A_252 = tpu.memref_slice %arg4[%dma_wait3A_246, %dma_wait3A_251] : memref<2528x128xi32, #tpu.memory_space<hbm>> -> memref<1x128xi32, #tpu.memory_space<hbm>>
      %dma_wait3A_253 = tpu.memref_squeeze %dma_wait3A_252 : memref<1x128xi32, #tpu.memory_space<hbm>> -> memref<128xi32, #tpu.memory_space<hbm>>
      %dma_wait3A_254 = arith.constant 0 : i32
      %dma_wait3A_255 = tpu.memref_slice %arg9[%dma_wait3A_247, %dma_wait3A_254] : memref<1x128xi32, #tpu.memory_space<vmem>> -> memref<1x128xi32, #tpu.memory_space<vmem>>
      %dma_wait3A_256 = tpu.memref_squeeze %dma_wait3A_255 : memref<1x128xi32, #tpu.memory_space<vmem>> -> memref<128xi32, #tpu.memory_space<vmem>>
      %dma_wait3A_257 = arith.constant 0 : i32
      %dma_wait3A_258 = tpu.memref_slice %arg4[%dma_wait3A_246, %dma_wait3A_257] : memref<2528x128xi32, #tpu.memory_space<hbm>> -> memref<1x128xi32, #tpu.memory_space<hbm>>
      %dma_wait3A_259 = tpu.memref_squeeze %dma_wait3A_258 : memref<1x128xi32, #tpu.memory_space<hbm>> -> memref<128xi32, #tpu.memory_space<hbm>>
      tpu.wait_dma2 semaphore(%arg14 : memref<!tpu.dma_semaphore, #tpu.memory_space<semaphore_mem>>) src(%dma_wait3A_259 : memref<128xi32, #tpu.memory_space<hbm>>) dst(%dma_wait3A_256 : memref<128xi32, #tpu.memory_space<vmem>>)
      %dma_start3A_260 = arith.constant 0 : i32
      %dma_start3A_261 = arith.constant 0 : i32
      %dma_start3A_262 = tpu.memref_slice %arg7[%dma_start3A_260, %dma_start3A_261] : memref<1x128xi32, #tpu.memory_space<vmem>> -> memref<1x128xi32, #tpu.memory_space<vmem>>
      %dma_start3A_263 = tpu.memref_squeeze %dma_start3A_262 : memref<1x128xi32, #tpu.memory_space<vmem>> -> memref<128xi32, #tpu.memory_space<vmem>>
      %dma_start3A_264 = arith.constant 0 : i32
      %dma_start3A_265 = arith.constant 0 : i32
      %dma_start3A_266 = tpu.memref_slice %arg2[%dma_start3A_264, %dma_start3A_265] : memref<10240x128xf32, #tpu.memory_space<hbm>> -> memref<10240x128xf32, #tpu.memory_space<hbm>>
      tpu.enqueue_indirect_dma source(%dma_start3A_266 : memref<10240x128xf32, #tpu.memory_space<hbm>>) target(%arg11 : memref<128x128xf32, #tpu.memory_space<vmem>>) offsets(%dma_start3A_263 : memref<128xi32, #tpu.memory_space<vmem>>) semaphore(%arg16 : memref<!tpu.dma_semaphore, #tpu.memory_space<semaphore_mem>>)
      %run_scoped3A_267 = arith.constant 0 : i32
      "tpu.region"() ({
        %run_scoped3A_273 = tpu.sem_alloc : memref<!tpu.dma_semaphore, #tpu.memory_space<semaphore_mem>>
        %dma_start3A_274 = arith.constant 0 : i32
        %dma_start3A_275 = tpu.memref_slice %arg10[%run_scoped3A_267, %dma_start3A_274] : memref<1x128xi32, #tpu.memory_space<vmem>> -> memref<1x128xi32, #tpu.memory_space<vmem>>
        %dma_start3A_276 = tpu.memref_squeeze %dma_start3A_275 : memref<1x128xi32, #tpu.memory_space<vmem>> -> memref<128xi32, #tpu.memory_space<vmem>>
        %dma_start3A_277 = arith.constant 0 : i32
        %dma_start3A_278 = arith.constant 0 : i32
        %dma_start3A_279 = tpu.memref_slice %arg13[%dma_start3A_277, %dma_start3A_278] : memref<10240x128xf32, #tpu.memory_space<vmem_shared>> -> memref<10240x128xf32, #tpu.memory_space<vmem_shared>>
        tpu.enqueue_indirect_dma source(%arg12 : memref<128x128xf32, #tpu.memory_space<vmem>>) target(%dma_start3A_279 : memref<10240x128xf32, #tpu.memory_space<vmem_shared>>) offsets(%dma_start3A_276 : memref<128xi32, #tpu.memory_space<vmem>>) semaphore(%run_scoped3A_273 : memref<!tpu.dma_semaphore, #tpu.memory_space<semaphore_mem>>) {add = true}
        %dma_wait3A_280 = arith.constant 0 : i32
        %dma_wait3A_281 = tpu.memref_slice %arg10[%run_scoped3A_267, %dma_wait3A_280] : memref<1x128xi32, #tpu.memory_space<vmem>> -> memref<1x128xi32, #tpu.memory_space<vmem>>
        %dma_wait3A_282 = tpu.memref_squeeze %dma_wait3A_281 : memref<1x128xi32, #tpu.memory_space<vmem>> -> memref<128xi32, #tpu.memory_space<vmem>>
        %dma_wait3A_283 = arith.constant 0 : i32
        %dma_wait3A_284 = arith.constant 0 : i32
        %dma_wait3A_285 = tpu.memref_slice %arg13[%dma_wait3A_283, %dma_wait3A_284] : memref<10240x128xf32, #tpu.memory_space<vmem_shared>> -> memref<10240x128xf32, #tpu.memory_space<vmem_shared>>
        tpu.wait_indirect_dma semaphore(%run_scoped3A_273 : memref<!tpu.dma_semaphore, #tpu.memory_space<semaphore_mem>>) src(%arg12 : memref<128x128xf32, #tpu.memory_space<vmem>>) dst(%dma_wait3A_285 : memref<10240x128xf32, #tpu.memory_space<vmem_shared>>)
        tpu.yield
      }) : () -> ()
      %add3A_268 = arith.constant 3 : i32
      %add3A_269 = arith.addi %mul3A_151, %add3A_268 : i32
      %lt3A = arith.cmpi slt, %add3A_269, %select_n3A : i32
      %convert_element_type3A_270 = arith.extui %lt3A : i1 to i32
      %cond3A_271 = arith.constant 0 : i32
      %cond3A_272 = arith.cmpi ne, %convert_element_type3A_270, %cond3A_271 : i32
      scf.if %cond3A_272 {
        %add3A_273 = arith.constant 3 : i32
        %add3A_274 = arith.addi %mul3A_151, %add3A_273 : i32
        %add3A_275 = arith.addi %select_n3A_8, %add3A_274 : i32
        %dma_start3A_276 = arith.constant 0 : i32
        %dma_start3A_277 = arith.constant 0 : i32
        %dma_start3A_278 = tpu.memref_slice %arg8[%dma_start3A_276, %dma_start3A_277] : memref<1x128xi32, #tpu.memory_space<vmem>> -> memref<1x128xi32, #tpu.memory_space<vmem>>
        %dma_start3A_279 = tpu.memref_squeeze %dma_start3A_278 : memref<1x128xi32, #tpu.memory_space<vmem>> -> memref<128xi32, #tpu.memory_space<vmem>>
        %dma_start3A_280 = arith.constant 0 : i32
        %dma_start3A_281 = tpu.memref_slice %arg3[%add3A_275, %dma_start3A_280] : memref<2528x128xi32, #tpu.memory_space<hbm>> -> memref<1x128xi32, #tpu.memory_space<hbm>>
        %dma_start3A_282 = tpu.memref_squeeze %dma_start3A_281 : memref<1x128xi32, #tpu.memory_space<hbm>> -> memref<128xi32, #tpu.memory_space<hbm>>
        %dma_start3A_283 = arith.constant 0 : i32
        %dma_start3A_284 = tpu.memref_slice %arg8[%dma_start3A_276, %dma_start3A_283] : memref<1x128xi32, #tpu.memory_space<vmem>> -> memref<1x128xi32, #tpu.memory_space<vmem>>
        %dma_start3A_285 = tpu.memref_squeeze %dma_start3A_284 : memref<1x128xi32, #tpu.memory_space<vmem>> -> memref<128xi32, #tpu.memory_space<vmem>>
        %dma_start3A_286 = arith.constant 0 : i32
        %dma_start3A_287 = tpu.memref_slice %arg3[%add3A_275, %dma_start3A_286] : memref<2528x128xi32, #tpu.memory_space<hbm>> -> memref<1x128xi32, #tpu.memory_space<hbm>>
        %dma_start3A_288 = tpu.memref_squeeze %dma_start3A_287 : memref<1x128xi32, #tpu.memory_space<hbm>> -> memref<128xi32, #tpu.memory_space<hbm>>
        tpu.enqueue_dma source(%dma_start3A_288 : memref<128xi32, #tpu.memory_space<hbm>>) target(%dma_start3A_285 : memref<128xi32, #tpu.memory_space<vmem>>) target_semaphore(%arg15 : memref<!tpu.dma_semaphore, #tpu.memory_space<semaphore_mem>>)
        %add3A_289 = arith.addi %select_n3A_8, %add3A_274 : i32
        %dma_start3A_290 = arith.constant 0 : i32
        %dma_start3A_291 = arith.constant 0 : i32
        %dma_start3A_292 = tpu.memref_slice %arg10[%dma_start3A_290, %dma_start3A_291] : memref<1x128xi32, #tpu.memory_space<vmem>> -> memref<1x128xi32, #tpu.memory_space<vmem>>
        %dma_start3A_293 = tpu.memref_squeeze %dma_start3A_292 : memref<1x128xi32, #tpu.memory_space<vmem>> -> memref<128xi32, #tpu.memory_space<vmem>>
        %dma_start3A_294 = arith.constant 0 : i32
        %dma_start3A_295 = tpu.memref_slice %arg4[%add3A_289, %dma_start3A_294] : memref<2528x128xi32, #tpu.memory_space<hbm>> -> memref<1x128xi32, #tpu.memory_space<hbm>>
        %dma_start3A_296 = tpu.memref_squeeze %dma_start3A_295 : memref<1x128xi32, #tpu.memory_space<hbm>> -> memref<128xi32, #tpu.memory_space<hbm>>
        %dma_start3A_297 = arith.constant 0 : i32
        %dma_start3A_298 = tpu.memref_slice %arg10[%dma_start3A_290, %dma_start3A_297] : memref<1x128xi32, #tpu.memory_space<vmem>> -> memref<1x128xi32, #tpu.memory_space<vmem>>
        %dma_start3A_299 = tpu.memref_squeeze %dma_start3A_298 : memref<1x128xi32, #tpu.memory_space<vmem>> -> memref<128xi32, #tpu.memory_space<vmem>>
        %dma_start3A_300 = arith.constant 0 : i32
        %dma_start3A_301 = tpu.memref_slice %arg4[%add3A_289, %dma_start3A_300] : memref<2528x128xi32, #tpu.memory_space<hbm>> -> memref<1x128xi32, #tpu.memory_space<hbm>>
        %dma_start3A_302 = tpu.memref_squeeze %dma_start3A_301 : memref<1x128xi32, #tpu.memory_space<hbm>> -> memref<128xi32, #tpu.memory_space<hbm>>
        tpu.enqueue_dma source(%dma_start3A_302 : memref<128xi32, #tpu.memory_space<hbm>>) target(%dma_start3A_299 : memref<128xi32, #tpu.memory_space<vmem>>) target_semaphore(%arg15 : memref<!tpu.dma_semaphore, #tpu.memory_space<semaphore_mem>>)
      } else {
      }
    }
    %while3A_140 = arith.constant 1 : i32
    scf.for %while3A_149 = %while3A_138 to %while3A_134 step %while3A_140  : i32 {
      %mul3A_150 = arith.constant 2 : i32
      %mul3A_151 = arith.muli %mul3A_150, %while3A_149 : i32
      %dma_wait3A_152 = arith.constant 0 : i32
      %dma_wait3A_153 = arith.constant 0 : i32
      %dma_wait3A_154 = tpu.memref_slice %arg7[%dma_wait3A_152, %dma_wait3A_153] : memref<1x128xi32, #tpu.memory_space<vmem>> -> memref<1x128xi32, #tpu.memory_space<vmem>>
      %dma_wait3A_155 = tpu.memref_squeeze %dma_wait3A_154 : memref<1x128xi32, #tpu.memory_space<vmem>> -> memref<128xi32, #tpu.memory_space<vmem>>
      %dma_wait3A_156 = arith.constant 0 : i32
      %dma_wait3A_157 = arith.constant 0 : i32
      %dma_wait3A_158 = tpu.memref_slice %arg2[%dma_wait3A_156, %dma_wait3A_157] : memref<10240x128xf32, #tpu.memory_space<hbm>> -> memref<10240x128xf32, #tpu.memory_space<hbm>>
      tpu.wait_indirect_dma semaphore(%arg16 : memref<!tpu.dma_semaphore, #tpu.memory_space<semaphore_mem>>) src(%dma_wait3A_158 : memref<10240x128xf32, #tpu.memory_space<hbm>>) dst(%arg11 : memref<128x128xf32, #tpu.memory_space<vmem>>)
      %dma_wait3A_159 = arith.constant 0 : i32
      %dma_wait3A_160 = arith.constant 0 : i32
      %dma_wait3A_161 = arith.constant 0 : i32
      %dma_wait3A_162 = tpu.memref_slice %arg8[%dma_wait3A_160, %dma_wait3A_161] : memref<1x128xi32, #tpu.memory_space<vmem>> -> memref<1x128xi32, #tpu.memory_space<vmem>>
      %dma_wait3A_163 = tpu.memref_squeeze %dma_wait3A_162 : memref<1x128xi32, #tpu.memory_space<vmem>> -> memref<128xi32, #tpu.memory_space<vmem>>
      %dma_wait3A_164 = arith.constant 0 : i32
      %dma_wait3A_165 = tpu.memref_slice %arg3[%dma_wait3A_159, %dma_wait3A_164] : memref<2528x128xi32, #tpu.memory_space<hbm>> -> memref<1x128xi32, #tpu.memory_space<hbm>>
      %dma_wait3A_166 = tpu.memref_squeeze %dma_wait3A_165 : memref<1x128xi32, #tpu.memory_space<hbm>> -> memref<128xi32, #tpu.memory_space<hbm>>
      %dma_wait3A_167 = arith.constant 0 : i32
      %dma_wait3A_168 = tpu.memref_slice %arg8[%dma_wait3A_160, %dma_wait3A_167] : memref<1x128xi32, #tpu.memory_space<vmem>> -> memref<1x128xi32, #tpu.memory_space<vmem>>
      %dma_wait3A_169 = tpu.memref_squeeze %dma_wait3A_168 : memref<1x128xi32, #tpu.memory_space<vmem>> -> memref<128xi32, #tpu.memory_space<vmem>>
      %dma_wait3A_170 = arith.constant 0 : i32
      %dma_wait3A_171 = tpu.memref_slice %arg3[%dma_wait3A_159, %dma_wait3A_170] : memref<2528x128xi32, #tpu.memory_space<hbm>> -> memref<1x128xi32, #tpu.memory_space<hbm>>
      %dma_wait3A_172 = tpu.memref_squeeze %dma_wait3A_171 : memref<1x128xi32, #tpu.memory_space<hbm>> -> memref<128xi32, #tpu.memory_space<hbm>>
      tpu.wait_dma2 semaphore(%arg15 : memref<!tpu.dma_semaphore, #tpu.memory_space<semaphore_mem>>) src(%dma_wait3A_172 : memref<128xi32, #tpu.memory_space<hbm>>) dst(%dma_wait3A_169 : memref<128xi32, #tpu.memory_space<vmem>>)
      %dma_wait3A_173 = arith.constant 0 : i32
      %dma_wait3A_174 = arith.constant 0 : i32
      %dma_wait3A_175 = arith.constant 0 : i32
      %dma_wait3A_176 = tpu.memref_slice %arg10[%dma_wait3A_174, %dma_wait3A_175] : memref<1x128xi32, #tpu.memory_space<vmem>> -> memref<1x128xi32, #tpu.memory_space<vmem>>
      %dma_wait3A_177 = tpu.memref_squeeze %dma_wait3A_176 : memref<1x128xi32, #tpu.memory_space<vmem>> -> memref<128xi32, #tpu.memory_space<vmem>>
      %dma_wait3A_178 = arith.constant 0 : i32
      %dma_wait3A_179 = tpu.memref_slice %arg4[%dma_wait3A_173, %dma_wait3A_178] : memref<2528x128xi32, #tpu.memory_space<hbm>> -> memref<1x128xi32, #tpu.memory_space<hbm>>
      %dma_wait3A_180 = tpu.memref_squeeze %dma_wait3A_179 : memref<1x128xi32, #tpu.memory_space<hbm>> -> memref<128xi32, #tpu.memory_space<hbm>>
      %dma_wait3A_181 = arith.constant 0 : i32
      %dma_wait3A_182 = tpu.memref_slice %arg10[%dma_wait3A_174, %dma_wait3A_181] : memref<1x128xi32, #tpu.memory_space<vmem>> -> memref<1x128xi32, #tpu.memory_space<vmem>>
      %dma_wait3A_183 = tpu.memref_squeeze %dma_wait3A_182 : memref<1x128xi32, #tpu.memory_space<vmem>> -> memref<128xi32, #tpu.memory_space<vmem>>
      %dma_wait3A_184 = arith.constant 0 : i32
      %dma_wait3A_185 = tpu.memref_slice %arg4[%dma_wait3A_173, %dma_wait3A_184] : memref<2528x128xi32, #tpu.memory_space<hbm>> -> memref<1x128xi32, #tpu.memory_space<hbm>>
      %dma_wait3A_186 = tpu.memref_squeeze %dma_wait3A_185 : memref<1x128xi32, #tpu.memory_space<hbm>> -> memref<128xi32, #tpu.memory_space<hbm>>
      tpu.wait_dma2 semaphore(%arg15 : memref<!tpu.dma_semaphore, #tpu.memory_space<semaphore_mem>>) src(%dma_wait3A_186 : memref<128xi32, #tpu.memory_space<hbm>>) dst(%dma_wait3A_183 : memref<128xi32, #tpu.memory_space<vmem>>)
      %dma_start3A_187 = arith.constant 0 : i32
      %dma_start3A_188 = arith.constant 0 : i32
      %dma_start3A_189 = tpu.memref_slice %arg8[%dma_start3A_187, %dma_start3A_188] : memref<1x128xi32, #tpu.memory_space<vmem>> -> memref<1x128xi32, #tpu.memory_space<vmem>>
      %dma_start3A_190 = tpu.memref_squeeze %dma_start3A_189 : memref<1x128xi32, #tpu.memory_space<vmem>> -> memref<128xi32, #tpu.memory_space<vmem>>
      %dma_start3A_191 = arith.constant 0 : i32
      %dma_start3A_192 = arith.constant 0 : i32
      %dma_start3A_193 = tpu.memref_slice %arg2[%dma_start3A_191, %dma_start3A_192] : memref<10240x128xf32, #tpu.memory_space<hbm>> -> memref<10240x128xf32, #tpu.memory_space<hbm>>
      tpu.enqueue_indirect_dma source(%dma_start3A_193 : memref<10240x128xf32, #tpu.memory_space<hbm>>) target(%arg12 : memref<128x128xf32, #tpu.memory_space<vmem>>) offsets(%dma_start3A_190 : memref<128xi32, #tpu.memory_space<vmem>>) semaphore(%arg17 : memref<!tpu.dma_semaphore, #tpu.memory_space<semaphore_mem>>)
      %run_scoped3A_194 = arith.constant 0 : i32
      "tpu.region"() ({
        %run_scoped3A_273 = tpu.sem_alloc : memref<!tpu.dma_semaphore, #tpu.memory_space<semaphore_mem>>
        %dma_start3A_274 = arith.constant 0 : i32
        %dma_start3A_275 = tpu.memref_slice %arg9[%run_scoped3A_194, %dma_start3A_274] : memref<1x128xi32, #tpu.memory_space<vmem>> -> memref<1x128xi32, #tpu.memory_space<vmem>>
        %dma_start3A_276 = tpu.memref_squeeze %dma_start3A_275 : memref<1x128xi32, #tpu.memory_space<vmem>> -> memref<128xi32, #tpu.memory_space<vmem>>
        %dma_start3A_277 = arith.constant 0 : i32
        %dma_start3A_278 = arith.constant 0 : i32
        %dma_start3A_279 = tpu.memref_slice %arg13[%dma_start3A_277, %dma_start3A_278] : memref<10240x128xf32, #tpu.memory_space<vmem_shared>> -> memref<10240x128xf32, #tpu.memory_space<vmem_shared>>
        tpu.enqueue_indirect_dma source(%arg11 : memref<128x128xf32, #tpu.memory_space<vmem>>) target(%dma_start3A_279 : memref<10240x128xf32, #tpu.memory_space<vmem_shared>>) offsets(%dma_start3A_276 : memref<128xi32, #tpu.memory_space<vmem>>) semaphore(%run_scoped3A_273 : memref<!tpu.dma_semaphore, #tpu.memory_space<semaphore_mem>>) {add = true}
        %dma_wait3A_280 = arith.constant 0 : i32
        %dma_wait3A_281 = tpu.memref_slice %arg9[%run_scoped3A_194, %dma_wait3A_280] : memref<1x128xi32, #tpu.memory_space<vmem>> -> memref<1x128xi32, #tpu.memory_space<vmem>>
        %dma_wait3A_282 = tpu.memref_squeeze %dma_wait3A_281 : memref<1x128xi32, #tpu.memory_space<vmem>> -> memref<128xi32, #tpu.memory_space<vmem>>
        %dma_wait3A_283 = arith.constant 0 : i32
        %dma_wait3A_284 = arith.constant 0 : i32
        %dma_wait3A_285 = tpu.memref_slice %arg13[%dma_wait3A_283, %dma_wait3A_284] : memref<10240x128xf32, #tpu.memory_space<vmem_shared>> -> memref<10240x128xf32, #tpu.memory_space<vmem_shared>>
        tpu.wait_indirect_dma semaphore(%run_scoped3A_273 : memref<!tpu.dma_semaphore, #tpu.memory_space<semaphore_mem>>) src(%arg11 : memref<128x128xf32, #tpu.memory_space<vmem>>) dst(%dma_wait3A_285 : memref<10240x128xf32, #tpu.memory_space<vmem_shared>>)
        tpu.yield
      }) : () -> ()
      %add3A_195 = arith.constant 2 : i32
      %add3A_196 = arith.addi %mul3A_151, %add3A_195 : i32
      %add3A_197 = arith.addi %select_n3A_8, %add3A_196 : i32
      %dma_start3A_198 = arith.constant 0 : i32
      %dma_start3A_199 = arith.constant 0 : i32
      %dma_start3A_200 = tpu.memref_slice %arg7[%dma_start3A_198, %dma_start3A_199] : memref<1x128xi32, #tpu.memory_space<vmem>> -> memref<1x128xi32, #tpu.memory_space<vmem>>
      %dma_start3A_201 = tpu.memref_squeeze %dma_start3A_200 : memref<1x128xi32, #tpu.memory_space<vmem>> -> memref<128xi32, #tpu.memory_space<vmem>>
      %dma_start3A_202 = arith.constant 0 : i32
      %dma_start3A_203 = tpu.memref_slice %arg3[%add3A_197, %dma_start3A_202] : memref<2528x128xi32, #tpu.memory_space<hbm>> -> memref<1x128xi32, #tpu.memory_space<hbm>>
      %dma_start3A_204 = tpu.memref_squeeze %dma_start3A_203 : memref<1x128xi32, #tpu.memory_space<hbm>> -> memref<128xi32, #tpu.memory_space<hbm>>
      %dma_start3A_205 = arith.constant 0 : i32
      %dma_start3A_206 = tpu.memref_slice %arg7[%dma_start3A_198, %dma_start3A_205] : memref<1x128xi32, #tpu.memory_space<vmem>> -> memref<1x128xi32, #tpu.memory_space<vmem>>
      %dma_start3A_207 = tpu.memref_squeeze %dma_start3A_206 : memref<1x128xi32, #tpu.memory_space<vmem>> -> memref<128xi32, #tpu.memory_space<vmem>>
      %dma_start3A_208 = arith.constant 0 : i32
      %dma_start3A_209 = tpu.memref_slice %arg3[%add3A_197, %dma_start3A_208] : memref<2528x128xi32, #tpu.memory_space<hbm>> -> memref<1x128xi32, #tpu.memory_space<hbm>>
      %dma_start3A_210 = tpu.memref_squeeze %dma_start3A_209 : memref<1x128xi32, #tpu.memory_space<hbm>> -> memref<128xi32, #tpu.memory_space<hbm>>
      tpu.enqueue_dma source(%dma_start3A_210 : memref<128xi32, #tpu.memory_space<hbm>>) target(%dma_start3A_207 : memref<128xi32, #tpu.memory_space<vmem>>) target_semaphore(%arg14 : memref<!tpu.dma_semaphore, #tpu.memory_space<semaphore_mem>>)
      %add3A_211 = arith.addi %select_n3A_8, %add3A_196 : i32
      %dma_start3A_212 = arith.constant 0 : i32
      %dma_start3A_213 = arith.constant 0 : i32
      %dma_start3A_214 = tpu.memref_slice %arg9[%dma_start3A_212, %dma_start3A_213] : memref<1x128xi32, #tpu.memory_space<vmem>> -> memref<1x128xi32, #tpu.memory_space<vmem>>
      %dma_start3A_215 = tpu.memref_squeeze %dma_start3A_214 : memref<1x128xi32, #tpu.memory_space<vmem>> -> memref<128xi32, #tpu.memory_space<vmem>>
      %dma_start3A_216 = arith.constant 0 : i32
      %dma_start3A_217 = tpu.memref_slice %arg4[%add3A_211, %dma_start3A_216] : memref<2528x128xi32, #tpu.memory_space<hbm>> -> memref<1x128xi32, #tpu.memory_space<hbm>>
      %dma_start3A_218 = tpu.memref_squeeze %dma_start3A_217 : memref<1x128xi32, #tpu.memory_space<hbm>> -> memref<128xi32, #tpu.memory_space<hbm>>
      %dma_start3A_219 = arith.constant 0 : i32
      %dma_start3A_220 = tpu.memref_slice %arg9[%dma_start3A_212, %dma_start3A_219] : memref<1x128xi32, #tpu.memory_space<vmem>> -> memref<1x128xi32, #tpu.memory_space<vmem>>
      %dma_start3A_221 = tpu.memref_squeeze %dma_start3A_220 : memref<1x128xi32, #tpu.memory_space<vmem>> -> memref<128xi32, #tpu.memory_space<vmem>>
      %dma_start3A_222 = arith.constant 0 : i32
      %dma_start3A_223 = tpu.memref_slice %arg4[%add3A_211, %dma_start3A_222] : memref<2528x128xi32, #tpu.memory_space<hbm>> -> memref<1x128xi32, #tpu.memory_space<hbm>>
      %dma_start3A_224 = tpu.memref_squeeze %dma_start3A_223 : memref<1x128xi32, #tpu.memory_space<hbm>> -> memref<128xi32, #tpu.memory_space<hbm>>
      tpu.enqueue_dma source(%dma_start3A_224 : memref<128xi32, #tpu.memory_space<hbm>>) target(%dma_start3A_221 : memref<128xi32, #tpu.memory_space<vmem>>) target_semaphore(%arg14 : memref<!tpu.dma_semaphore, #tpu.memory_space<semaphore_mem>>)
      %dma_wait3A_225 = arith.constant 0 : i32
      %dma_wait3A_226 = arith.constant 0 : i32
      %dma_wait3A_227 = tpu.memref_slice %arg8[%dma_wait3A_225, %dma_wait3A_226] : memref<1x128xi32, #tpu.memory_space<vmem>> -> memref<1x128xi32, #tpu.memory_space<vmem>>
      %dma_wait3A_228 = tpu.memref_squeeze %dma_wait3A_227 : memref<1x128xi32, #tpu.memory_space<vmem>> -> memref<128xi32, #tpu.memory_space<vmem>>
      %dma_wait3A_229 = arith.constant 0 : i32
      %dma_wait3A_230 = arith.constant 0 : i32
      %dma_wait3A_231 = tpu.memref_slice %arg2[%dma_wait3A_229, %dma_wait3A_230] : memref<10240x128xf32, #tpu.memory_space<hbm>> -> memref<10240x128xf32, #tpu.memory_space<hbm>>
      tpu.wait_indirect_dma semaphore(%arg17 : memref<!tpu.dma_semaphore, #tpu.memory_space<semaphore_mem>>) src(%dma_wait3A_231 : memref<10240x128xf32, #tpu.memory_space<hbm>>) dst(%arg12 : memref<128x128xf32, #tpu.memory_space<vmem>>)
      %dma_wait3A_232 = arith.constant 0 : i32
      %dma_wait3A_233 = arith.constant 0 : i32
      %dma_wait3A_234 = arith.constant 0 : i32
      %dma_wait3A_235 = tpu.memref_slice %arg7[%dma_wait3A_233, %dma_wait3A_234] : memref<1x128xi32, #tpu.memory_space<vmem>> -> memref<1x128xi32, #tpu.memory_space<vmem>>
      %dma_wait3A_236 = tpu.memref_squeeze %dma_wait3A_235 : memref<1x128xi32, #tpu.memory_space<vmem>> -> memref<128xi32, #tpu.memory_space<vmem>>
      %dma_wait3A_237 = arith.constant 0 : i32
      %dma_wait3A_238 = tpu.memref_slice %arg3[%dma_wait3A_232, %dma_wait3A_237] : memref<2528x128xi32, #tpu.memory_space<hbm>> -> memref<1x128xi32, #tpu.memory_space<hbm>>
      %dma_wait3A_239 = tpu.memref_squeeze %dma_wait3A_238 : memref<1x128xi32, #tpu.memory_space<hbm>> -> memref<128xi32, #tpu.memory_space<hbm>>
      %dma_wait3A_240 = arith.constant 0 : i32
      %dma_wait3A_241 = tpu.memref_slice %arg7[%dma_wait3A_233, %dma_wait3A_240] : memref<1x128xi32, #tpu.memory_space<vmem>> -> memref<1x128xi32, #tpu.memory_space<vmem>>
      %dma_wait3A_242 = tpu.memref_squeeze %dma_wait3A_241 : memref<1x128xi32, #tpu.memory_space<vmem>> -> memref<128xi32, #tpu.memory_space<vmem>>
      %dma_wait3A_243 = arith.constant 0 : i32
      %dma_wait3A_244 = tpu.memref_slice %arg3[%dma_wait3A_232, %dma_wait3A_243] : memref<2528x128xi32, #tpu.memory_space<hbm>> -> memref<1x128xi32, #tpu.memory_space<hbm>>
      %dma_wait3A_245 = tpu.memref_squeeze %dma_wait3A_244 : memref<1x128xi32, #tpu.memory_space<hbm>> -> memref<128xi32, #tpu.memory_space<hbm>>
      tpu.wait_dma2 semaphore(%arg14 : memref<!tpu.dma_semaphore, #tpu.memory_space<semaphore_mem>>) src(%dma_wait3A_245 : memref<128xi32, #tpu.memory_space<hbm>>) dst(%dma_wait3A_242 : memref<128xi32, #tpu.memory_space<vmem>>)
      %dma_wait3A_246 = arith.constant 0 : i32
      %dma_wait3A_247 = arith.constant 0 : i32
      %dma_wait3A_248 = arith.constant 0 : i32
      %dma_wait3A_249 = tpu.memref_slice %arg9[%dma_wait3A_247, %dma_wait3A_248] : memref<1x128xi32, #tpu.memory_space<vmem>> -> memref<1x128xi32, #tpu.memory_space<vmem>>
      %dma_wait3A_250 = tpu.memref_squeeze %dma_wait3A_249 : memref<1x128xi32, #tpu.memory_space<vmem>> -> memref<128xi32, #tpu.memory_space<vmem>>
      %dma_wait3A_251 = arith.constant 0 : i32
      %dma_wait3A_252 = tpu.memref_slice %arg4[%dma_wait3A_246, %dma_wait3A_251] : memref<2528x128xi32, #tpu.memory_space<hbm>> -> memref<1x128xi32, #tpu.memory_space<hbm>>
      %dma_wait3A_253 = tpu.memref_squeeze %dma_wait3A_252 : memref<1x128xi32, #tpu.memory_space<hbm>> -> memref<128xi32, #tpu.memory_space<hbm>>
      %dma_wait3A_254 = arith.constant 0 : i32
      %dma_wait3A_255 = tpu.memref_slice %arg9[%dma_wait3A_247, %dma_wait3A_254] : memref<1x128xi32, #tpu.memory_space<vmem>> -> memref<1x128xi32, #tpu.memory_space<vmem>>
      %dma_wait3A_256 = tpu.memref_squeeze %dma_wait3A_255 : memref<1x128xi32, #tpu.memory_space<vmem>> -> memref<128xi32, #tpu.memory_space<vmem>>
      %dma_wait3A_257 = arith.constant 0 : i32
      %dma_wait3A_258 = tpu.memref_slice %arg4[%dma_wait3A_246, %dma_wait3A_257] : memref<2528x128xi32, #tpu.memory_space<hbm>> -> memref<1x128xi32, #tpu.memory_space<hbm>>
      %dma_wait3A_259 = tpu.memref_squeeze %dma_wait3A_258 : memref<1x128xi32, #tpu.memory_space<hbm>> -> memref<128xi32, #tpu.memory_space<hbm>>
      tpu.wait_dma2 semaphore(%arg14 : memref<!tpu.dma_semaphore, #tpu.memory_space<semaphore_mem>>) src(%dma_wait3A_259 : memref<128xi32, #tpu.memory_space<hbm>>) dst(%dma_wait3A_256 : memref<128xi32, #tpu.memory_space<vmem>>)
      %dma_start3A_260 = arith.constant 0 : i32
      %dma_start3A_261 = arith.constant 0 : i32
      %dma_start3A_262 = tpu.memref_slice %arg7[%dma_start3A_260, %dma_start3A_261] : memref<1x128xi32, #tpu.memory_space<vmem>> -> memref<1x128xi32, #tpu.memory_space<vmem>>
      %dma_start3A_263 = tpu.memref_squeeze %dma_start3A_262 : memref<1x128xi32, #tpu.memory_space<vmem>> -> memref<128xi32, #tpu.memory_space<vmem>>
      %dma_start3A_264 = arith.constant 0 : i32
      %dma_start3A_265 = arith.constant 0 : i32
      %dma_start3A_266 = tpu.memref_slice %arg2[%dma_start3A_264, %dma_start3A_265] : memref<10240x128xf32, #tpu.memory_space<hbm>> -> memref<10240x128xf32, #tpu.memory_space<hbm>>
      tpu.enqueue_indirect_dma source(%dma_start3A_266 : memref<10240x128xf32, #tpu.memory_space<hbm>>) target(%arg11 : memref<128x128xf32, #tpu.memory_space<vmem>>) offsets(%dma_start3A_263 : memref<128xi32, #tpu.memory_space<vmem>>) semaphore(%arg16 : memref<!tpu.dma_semaphore, #tpu.memory_space<semaphore_mem>>)
      %run_scoped3A_267 = arith.constant 0 : i32
      "tpu.region"() ({
        %run_scoped3A_273 = tpu.sem_alloc : memref<!tpu.dma_semaphore, #tpu.memory_space<semaphore_mem>>
        %dma_start3A_274 = arith.constant 0 : i32
        %dma_start3A_275 = tpu.memref_slice %arg10[%run_scoped3A_267, %dma_start3A_274] : memref<1x128xi32, #tpu.memory_space<vmem>> -> memref<1x128xi32, #tpu.memory_space<vmem>>
        %dma_start3A_276 = tpu.memref_squeeze %dma_start3A_275 : memref<1x128xi32, #tpu.memory_space<vmem>> -> memref<128xi32, #tpu.memory_space<vmem>>
        %dma_start3A_277 = arith.constant 0 : i32
        %dma_start3A_278 = arith.constant 0 : i32
        %dma_start3A_279 = tpu.memref_slice %arg13[%dma_start3A_277, %dma_start3A_278] : memref<10240x128xf32, #tpu.memory_space<vmem_shared>> -> memref<10240x128xf32, #tpu.memory_space<vmem_shared>>
        tpu.enqueue_indirect_dma source(%arg12 : memref<128x128xf32, #tpu.memory_space<vmem>>) target(%dma_start3A_279 : memref<10240x128xf32, #tpu.memory_space<vmem_shared>>) offsets(%dma_start3A_276 : memref<128xi32, #tpu.memory_space<vmem>>) semaphore(%run_scoped3A_273 : memref<!tpu.dma_semaphore, #tpu.memory_space<semaphore_mem>>) {add = true}
        %dma_wait3A_280 = arith.constant 0 : i32
        %dma_wait3A_281 = tpu.memref_slice %arg10[%run_scoped3A_267, %dma_wait3A_280] : memref<1x128xi32, #tpu.memory_space<vmem>> -> memref<1x128xi32, #tpu.memory_space<vmem>>
        %dma_wait3A_282 = tpu.memref_squeeze %dma_wait3A_281 : memref<1x128xi32, #tpu.memory_space<vmem>> -> memref<128xi32, #tpu.memory_space<vmem>>
        %dma_wait3A_283 = arith.constant 0 : i32
        %dma_wait3A_284 = arith.constant 0 : i32
        %dma_wait3A_285 = tpu.memref_slice %arg13[%dma_wait3A_283, %dma_wait3A_284] : memref<10240x128xf32, #tpu.memory_space<vmem_shared>> -> memref<10240x128xf32, #tpu.memory_space<vmem_shared>>
        tpu.wait_indirect_dma semaphore(%run_scoped3A_273 : memref<!tpu.dma_semaphore, #tpu.memory_space<semaphore_mem>>) src(%arg12 : memref<128x128xf32, #tpu.memory_space<vmem>>) dst(%dma_wait3A_285 : memref<10240x128xf32, #tpu.memory_space<vmem_shared>>)
        tpu.yield
      }) : () -> ()
      %add3A_268 = arith.constant 3 : i32
      %add3A_269 = arith.addi %mul3A_151, %add3A_268 : i32
      %lt3A = arith.cmpi slt, %add3A_269, %select_n3A : i32
      %convert_element_type3A_270 = arith.extui %lt3A : i1 to i32
      %cond3A_271 = arith.constant 0 : i32
      %cond3A_272 = arith.cmpi ne, %convert_element_type3A_270, %cond3A_271 : i32
      scf.if %cond3A_272 {
        %add3A_273 = arith.constant 3 : i32
        %add3A_274 = arith.addi %mul3A_151, %add3A_273 : i32
        %add3A_275 = arith.addi %select_n3A_8, %add3A_274 : i32
        %dma_start3A_276 = arith.constant 0 : i32
        %dma_start3A_277 = arith.constant 0 : i32
        %dma_start3A_278 = tpu.memref_slice %arg8[%dma_start3A_276, %dma_start3A_277] : memref<1x128xi32, #tpu.memory_space<vmem>> -> memref<1x128xi32, #tpu.memory_space<vmem>>
        %dma_start3A_279 = tpu.memref_squeeze %dma_start3A_278 : memref<1x128xi32, #tpu.memory_space<vmem>> -> memref<128xi32, #tpu.memory_space<vmem>>
        %dma_start3A_280 = arith.constant 0 : i32
        %dma_start3A_281 = tpu.memref_slice %arg3[%add3A_275, %dma_start3A_280] : memref<2528x128xi32, #tpu.memory_space<hbm>> -> memref<1x128xi32, #tpu.memory_space<hbm>>
        %dma_start3A_282 = tpu.memref_squeeze %dma_start3A_281 : memref<1x128xi32, #tpu.memory_space<hbm>> -> memref<128xi32, #tpu.memory_space<hbm>>
        %dma_start3A_283 = arith.constant 0 : i32
        %dma_start3A_284 = tpu.memref_slice %arg8[%dma_start3A_276, %dma_start3A_283] : memref<1x128xi32, #tpu.memory_space<vmem>> -> memref<1x128xi32, #tpu.memory_space<vmem>>
        %dma_start3A_285 = tpu.memref_squeeze %dma_start3A_284 : memref<1x128xi32, #tpu.memory_space<vmem>> -> memref<128xi32, #tpu.memory_space<vmem>>
        %dma_start3A_286 = arith.constant 0 : i32
        %dma_start3A_287 = tpu.memref_slice %arg3[%add3A_275, %dma_start3A_286] : memref<2528x128xi32, #tpu.memory_space<hbm>> -> memref<1x128xi32, #tpu.memory_space<hbm>>
        %dma_start3A_288 = tpu.memref_squeeze %dma_start3A_287 : memref<1x128xi32, #tpu.memory_space<hbm>> -> memref<128xi32, #tpu.memory_space<hbm>>
        tpu.enqueue_dma source(%dma_start3A_288 : memref<128xi32, #tpu.memory_space<hbm>>) target(%dma_start3A_285 : memref<128xi32, #tpu.memory_space<vmem>>) target_semaphore(%arg15 : memref<!tpu.dma_semaphore, #tpu.memory_space<semaphore_mem>>)
        %add3A_289 = arith.addi %select_n3A_8, %add3A_274 : i32
        %dma_start3A_290 = arith.constant 0 : i32
        %dma_start3A_291 = arith.constant 0 : i32
        %dma_start3A_292 = tpu.memref_slice %arg10[%dma_start3A_290, %dma_start3A_291] : memref<1x128xi32, #tpu.memory_space<vmem>> -> memref<1x128xi32, #tpu.memory_space<vmem>>
        %dma_start3A_293 = tpu.memref_squeeze %dma_start3A_292 : memref<1x128xi32, #tpu.memory_space<vmem>> -> memref<128xi32, #tpu.memory_space<vmem>>
        %dma_start3A_294 = arith.constant 0 : i32
        %dma_start3A_295 = tpu.memref_slice %arg4[%add3A_289, %dma_start3A_294] : memref<2528x128xi32, #tpu.memory_space<hbm>> -> memref<1x128xi32, #tpu.memory_space<hbm>>
        %dma_start3A_296 = tpu.memref_squeeze %dma_start3A_295 : memref<1x128xi32, #tpu.memory_space<hbm>> -> memref<128xi32, #tpu.memory_space<hbm>>
        %dma_start3A_297 = arith.constant 0 : i32
        %dma_start3A_298 = tpu.memref_slice %arg10[%dma_start3A_290, %dma_start3A_297] : memref<1x128xi32, #tpu.memory_space<vmem>> -> memref<1x128xi32, #tpu.memory_space<vmem>>
        %dma_start3A_299 = tpu.memref_squeeze %dma_start3A_298 : memref<1x128xi32, #tpu.memory_space<vmem>> -> memref<128xi32, #tpu.memory_space<vmem>>
        %dma_start3A_300 = arith.constant 0 : i32
        %dma_start3A_301 = tpu.memref_slice %arg4[%add3A_289, %dma_start3A_300] : memref<2528x128xi32, #tpu.memory_space<hbm>> -> memref<1x128xi32, #tpu.memory_space<hbm>>
        %dma_start3A_302 = tpu.memref_squeeze %dma_start3A_301 : memref<1x128xi32, #tpu.memory_space<hbm>> -> memref<128xi32, #tpu.memory_space<hbm>>
        tpu.enqueue_dma source(%dma_start3A_302 : memref<128xi32, #tpu.memory_space<hbm>>) target(%dma_start3A_299 : memref<128xi32, #tpu.memory_space<vmem>>) target_semaphore(%arg15 : memref<!tpu.dma_semaphore, #tpu.memory_space<semaphore_mem>>)
      } else {
      }
    }
    %dma_wait3A_141 = arith.constant 0 : i32
    %dma_wait3A_142 = arith.constant 0 : i32
    %dma_wait3A_143 = tpu.memref_slice %arg7[%dma_wait3A_141, %dma_wait3A_142] : memref<1x128xi32, #tpu.memory_space<vmem>> -> memref<1x128xi32, #tpu.memory_space<vmem>>
    %dma_wait3A_144 = tpu.memref_squeeze %dma_wait3A_143 : memref<1x128xi32, #tpu.memory_space<vmem>> -> memref<128xi32, #tpu.memory_space<vmem>>
    %dma_wait3A_145 = arith.constant 0 : i32
    %dma_wait3A_146 = arith.constant 0 : i32
    %dma_wait3A_147 = tpu.memref_slice %arg2[%dma_wait3A_145, %dma_wait3A_146] : memref<10240x128xf32, #tpu.memory_space<hbm>> -> memref<10240x128xf32, #tpu.memory_space<hbm>>
    tpu.wait_indirect_dma semaphore(%arg16 : memref<!tpu.dma_semaphore, #tpu.memory_space<semaphore_mem>>) src(%dma_wait3A_147 : memref<10240x128xf32, #tpu.memory_space<hbm>>) dst(%arg11 : memref<128x128xf32, #tpu.memory_space<vmem>>)
    %run_scoped3A = arith.constant 0 : i32
    "tpu.region"() ({
      %run_scoped3A_149 = tpu.sem_alloc : memref<!tpu.dma_semaphore, #tpu.memory_space<semaphore_mem>>
      %dma_start3A_150 = arith.constant 0 : i32
      %dma_start3A_151 = tpu.memref_slice %arg9[%run_scoped3A, %dma_start3A_150] : memref<1x128xi32, #tpu.memory_space<vmem>> -> memref<1x128xi32, #tpu.memory_space<vmem>>
      %dma_start3A_152 = tpu.memref_squeeze %dma_start3A_151 : memref<1x128xi32, #tpu.memory_space<vmem>> -> memref<128xi32, #tpu.memory_space<vmem>>
      %dma_start3A_153 = arith.constant 0 : i32
      %dma_start3A_154 = arith.constant 0 : i32
      %dma_start3A_155 = tpu.memref_slice %arg13[%dma_start3A_153, %dma_start3A_154] : memref<10240x128xf32, #tpu.memory_space<vmem_shared>> -> memref<10240x128xf32, #tpu.memory_space<vmem_shared>>
      tpu.enqueue_indirect_dma source(%arg11 : memref<128x128xf32, #tpu.memory_space<vmem>>) target(%dma_start3A_155 : memref<10240x128xf32, #tpu.memory_space<vmem_shared>>) offsets(%dma_start3A_152 : memref<128xi32, #tpu.memory_space<vmem>>) semaphore(%run_scoped3A_149 : memref<!tpu.dma_semaphore, #tpu.memory_space<semaphore_mem>>) {add = true}
      %dma_wait3A_156 = arith.constant 0 : i32
      %dma_wait3A_157 = tpu.memref_slice %arg9[%run_scoped3A, %dma_wait3A_156] : memref<1x128xi32, #tpu.memory_space<vmem>> -> memref<1x128xi32, #tpu.memory_space<vmem>>
      %dma_wait3A_158 = tpu.memref_squeeze %dma_wait3A_157 : memref<1x128xi32, #tpu.memory_space<vmem>> -> memref<128xi32, #tpu.memory_space<vmem>>
      %dma_wait3A_159 = arith.constant 0 : i32
      %dma_wait3A_160 = arith.constant 0 : i32
      %dma_wait3A_161 = tpu.memref_slice %arg13[%dma_wait3A_159, %dma_wait3A_160] : memref<10240x128xf32, #tpu.memory_space<vmem_shared>> -> memref<10240x128xf32, #tpu.memory_space<vmem_shared>>
      tpu.wait_indirect_dma semaphore(%run_scoped3A_149 : memref<!tpu.dma_semaphore, #tpu.memory_space<semaphore_mem>>) src(%arg11 : memref<128x128xf32, #tpu.memory_space<vmem>>) dst(%dma_wait3A_161 : memref<10240x128xf32, #tpu.memory_space<vmem_shared>>)
      tpu.yield
    }) : () -> ()
    %barrier3A_148 = arith.constant 0 : index
    tpu.barrier barrier_id(%barrier3A_148)
    "tpu.region"() ({
      %run_scoped3A_149 = tpu.sem_alloc : memref<!tpu.dma_semaphore, #tpu.memory_space<semaphore_mem>>
      %dma_start3A_150 = arith.constant 0 : i32
      %dma_start3A_151 = arith.constant 0 : i32
      %dma_start3A_152 = tpu.memref_slice %arg6[%arg0, %dma_start3A_150, %dma_start3A_151] : memref<2x10240x128xf32, #tpu.memory_space<hbm>> -> memref<1x10240x128xf32, #tpu.memory_space<hbm>>
      %dma_start3A_153 = tpu.memref_squeeze %dma_start3A_152 : memref<1x10240x128xf32, #tpu.memory_space<hbm>> -> memref<10240x128xf32, #tpu.memory_space<hbm>>
      %dma_start3A_154 = arith.constant 0 : i32
      %dma_start3A_155 = tpu.memref_slice %dma_start3A_153[%mul3A_10, %dma_start3A_154] : memref<10240x128xf32, #tpu.memory_space<hbm>> -> memref<640x128xf32, #tpu.memory_space<hbm>>
      %dma_start3A_156 = arith.constant 0 : i32
      %dma_start3A_157 = tpu.memref_slice %arg13[%mul3A_10, %dma_start3A_156] : memref<10240x128xf32, #tpu.memory_space<vmem_shared>> -> memref<640x128xf32, #tpu.memory_space<vmem_shared>>
      tpu.enqueue_dma source(%dma_start3A_157 : memref<640x128xf32, #tpu.memory_space<vmem_shared>>) target(%dma_start3A_155 : memref<640x128xf32, #tpu.memory_space<hbm>>) target_semaphore(%run_scoped3A_149 : memref<!tpu.dma_semaphore, #tpu.memory_space<semaphore_mem>>)
      %dma_wait3A_158 = arith.constant 0 : i32
      %dma_wait3A_159 = arith.constant 0 : i32
      %dma_wait3A_160 = tpu.memref_slice %arg6[%arg0, %dma_wait3A_158, %dma_wait3A_159] : memref<2x10240x128xf32, #tpu.memory_space<hbm>> -> memref<1x10240x128xf32, #tpu.memory_space<hbm>>
      %dma_wait3A_161 = tpu.memref_squeeze %dma_wait3A_160 : memref<1x10240x128xf32, #tpu.memory_space<hbm>> -> memref<10240x128xf32, #tpu.memory_space<hbm>>
      %dma_wait3A_162 = arith.constant 0 : i32
      %dma_wait3A_163 = tpu.memref_slice %dma_wait3A_161[%mul3A_10, %dma_wait3A_162] : memref<10240x128xf32, #tpu.memory_space<hbm>> -> memref<640x128xf32, #tpu.memory_space<hbm>>
      %dma_wait3A_164 = arith.constant 0 : i32
      %dma_wait3A_165 = tpu.memref_slice %arg13[%mul3A_10, %dma_wait3A_164] : memref<10240x128xf32, #tpu.memory_space<vmem_shared>> -> memref<640x128xf32, #tpu.memory_space<vmem_shared>>
      tpu.wait_dma2 semaphore(%run_scoped3A_149 : memref<!tpu.dma_semaphore, #tpu.memory_space<semaphore_mem>>) src(%dma_wait3A_165 : memref<640x128xf32, #tpu.memory_space<vmem_shared>>) dst(%dma_wait3A_163 : memref<640x128xf32, #tpu.memory_space<hbm>>)
      tpu.yield
    }) : () -> ()
    return
  }
}

#map = affine_map<(d0, d1) -> (0, 0)>
#map1 = affine_map<(d0, d1) -> (0, 0, 0)>
module attributes {stable_mosaic.version = 14 : i64} {
  func.func @_sc_aggregate_body(%arg0: i32, %arg1: i32, %arg2: memref<10240x128xf32, #tpu.memory_space<hbm>>, %arg3: memref<2528x128xi32, #tpu.memory_space<hbm>>, %arg4: memref<2528x128xi32, #tpu.memory_space<hbm>>, %arg5: memref<10240x128xf32, #tpu.memory_space<hbm>>, %arg6: memref<2x10240x128xf32, #tpu.memory_space<hbm>>, %arg7: memref<1x128xi32, #tpu.memory_space<vmem>>, %arg8: memref<1x128xi32, #tpu.memory_space<vmem>>, %arg9: memref<1x128xi32, #tpu.memory_space<vmem>>, %arg10: memref<1x128xi32, #tpu.memory_space<vmem>>, %arg11: memref<128x128xf32, #tpu.memory_space<vmem>>, %arg12: memref<128x128xf32, #tpu.memory_space<vmem>>, %arg13: memref<10240x128xf32, #tpu.memory_space<vmem_shared>>, %arg14: memref<!tpu.dma_semaphore, #tpu.memory_space<semaphore_mem>>, %arg15: memref<!tpu.dma_semaphore, #tpu.memory_space<semaphore_mem>>, %arg16: memref<!tpu.dma_semaphore, #tpu.memory_space<semaphore_mem>>, %arg17: memref<!tpu.dma_semaphore, #tpu.memory_space<semaphore_mem>>) attributes {dimension_semantics = [#tpu.dimension_semantics<core_parallel>, #tpu.dimension_semantics<subcore_parallel>], iteration_bounds = array<i64: 2, 16>, scalar_prefetch = 0 : i64, scratch_operands = 11 : i64, tpu.core_type = #tpu.core_type<sc_vector_subcore>, window_params = [{transform_indices = #map}, {transform_indices = #map}, {transform_indices = #map}, {transform_indices = #map}, {transform_indices = #map1}]} {
    %eq3A = arith.constant 0 : i32
    %eq3A_0 = arith.cmpi eq, %arg0, %eq3A : i32
    %jit3A = arith.constant 105 : i32
    %jit3A_1 = arith.constant 53 : i32
    %select_n3A = arith.select %eq3A_0, %jit3A, %jit3A_1 : i32
    %eq3A_2 = arith.constant 0 : i32
    %eq3A_3 = arith.cmpi eq, %arg0, %eq3A_2 : i32
    %mul3A = arith.constant 105 : i32
    %mul3A_4 = arith.muli %arg1, %mul3A : i32
    %mul3A_5 = arith.constant 53 : i32
    %mul3A_6 = arith.muli %arg1, %mul3A_5 : i32
    %add3A = arith.constant 1680 : i32
    %add3A_7 = arith.addi %add3A, %mul3A_6 : i32
    %select_n3A_8 = arith.select %eq3A_3, %mul3A_4, %add3A_7 : i32
    %mul3A_9 = arith.constant 640 : i32
    %mul3A_10 = arith.muli %arg1, %mul3A_9 : i32
    %eq3A_11 = arith.constant 0 : i32
    %eq3A_12 = arith.cmpi eq, %arg0, %eq3A_11 : i32
    %convert_element_type3A = arith.extui %eq3A_12 : i1 to i32
    %cond3A = arith.constant 0 : i32
    %cond3A_13 = arith.cmpi ne, %convert_element_type3A, %cond3A : i32
    scf.if %cond3A_13 {
      "tpu.region"() ({
        %run_scoped3A_149 = tpu.sem_alloc : memref<!tpu.dma_semaphore, #tpu.memory_space<semaphore_mem>>
        %dma_start3A_150 = arith.constant 0 : i32
        %dma_start3A_151 = tpu.memref_slice %arg13[%mul3A_10, %dma_start3A_150] : memref<10240x128xf32, #tpu.memory_space<vmem_shared>> -> memref<640x128xf32, #tpu.memory_space<vmem_shared>>
        %dma_start3A_152 = arith.constant 0 : i32
        %dma_start3A_153 = tpu.memref_slice %arg2[%mul3A_10, %dma_start3A_152] : memref<10240x128xf32, #tpu.memory_space<hbm>> -> memref<640x128xf32, #tpu.memory_space<hbm>>
        tpu.enqueue_dma source(%dma_start3A_153 : memref<640x128xf32, #tpu.memory_space<hbm>>) target(%dma_start3A_151 : memref<640x128xf32, #tpu.memory_space<vmem_shared>>) target_semaphore(%run_scoped3A_149 : memref<!tpu.dma_semaphore, #tpu.memory_space<semaphore_mem>>)
        %dma_wait3A_154 = arith.constant 0 : i32
        %dma_wait3A_155 = tpu.memref_slice %arg13[%mul3A_10, %dma_wait3A_154] : memref<10240x128xf32, #tpu.memory_space<vmem_shared>> -> memref<640x128xf32, #tpu.memory_space<vmem_shared>>
        %dma_wait3A_156 = arith.constant 0 : i32
        %dma_wait3A_157 = tpu.memref_slice %arg2[%mul3A_10, %dma_wait3A_156] : memref<10240x128xf32, #tpu.memory_space<hbm>> -> memref<640x128xf32, #tpu.memory_space<hbm>>
        tpu.wait_dma2 semaphore(%run_scoped3A_149 : memref<!tpu.dma_semaphore, #tpu.memory_space<semaphore_mem>>) src(%dma_wait3A_157 : memref<640x128xf32, #tpu.memory_space<hbm>>) dst(%dma_wait3A_155 : memref<640x128xf32, #tpu.memory_space<vmem_shared>>)
        tpu.yield
      }) : () -> ()
    } else {
    }
    %eq3A_14 = arith.constant 1 : i32
    %eq3A_15 = arith.cmpi eq, %arg0, %eq3A_14 : i32
    %convert_element_type3A_16 = arith.extui %eq3A_15 : i1 to i32
    %cond3A_17 = arith.constant 0 : i32
    %cond3A_18 = arith.cmpi ne, %convert_element_type3A_16, %cond3A_17 : i32
    scf.if %cond3A_18 {
      "tpu.region"() ({
        %run_scoped3A_149 = tpu.sem_alloc : memref<!tpu.dma_semaphore, #tpu.memory_space<semaphore_mem>>
        %dma_start3A_150 = arith.constant 0 : i32
        %dma_start3A_151 = tpu.memref_slice %arg13[%mul3A_10, %dma_start3A_150] : memref<10240x128xf32, #tpu.memory_space<vmem_shared>> -> memref<640x128xf32, #tpu.memory_space<vmem_shared>>
        %dma_start3A_152 = arith.constant 0 : i32
        %dma_start3A_153 = tpu.memref_slice %arg5[%mul3A_10, %dma_start3A_152] : memref<10240x128xf32, #tpu.memory_space<hbm>> -> memref<640x128xf32, #tpu.memory_space<hbm>>
        tpu.enqueue_dma source(%dma_start3A_153 : memref<640x128xf32, #tpu.memory_space<hbm>>) target(%dma_start3A_151 : memref<640x128xf32, #tpu.memory_space<vmem_shared>>) target_semaphore(%run_scoped3A_149 : memref<!tpu.dma_semaphore, #tpu.memory_space<semaphore_mem>>)
        %dma_wait3A_154 = arith.constant 0 : i32
        %dma_wait3A_155 = tpu.memref_slice %arg13[%mul3A_10, %dma_wait3A_154] : memref<10240x128xf32, #tpu.memory_space<vmem_shared>> -> memref<640x128xf32, #tpu.memory_space<vmem_shared>>
        %dma_wait3A_156 = arith.constant 0 : i32
        %dma_wait3A_157 = tpu.memref_slice %arg5[%mul3A_10, %dma_wait3A_156] : memref<10240x128xf32, #tpu.memory_space<hbm>> -> memref<640x128xf32, #tpu.memory_space<hbm>>
        tpu.wait_dma2 semaphore(%run_scoped3A_149 : memref<!tpu.dma_semaphore, #tpu.memory_space<semaphore_mem>>) src(%dma_wait3A_157 : memref<640x128xf32, #tpu.memory_space<hbm>>) dst(%dma_wait3A_155 : memref<640x128xf32, #tpu.memory_space<vmem_shared>>)
        tpu.yield
      }) : () -> ()
    } else {
    }
    %add3A_19 = arith.constant 0 : i32
    %add3A_20 = arith.addi %select_n3A_8, %add3A_19 : i32
    %dma_start3A = arith.constant 0 : i32
    %dma_start3A_21 = arith.constant 0 : i32
    %dma_start3A_22 = tpu.memref_slice %arg7[%dma_start3A, %dma_start3A_21] : memref<1x128xi32, #tpu.memory_space<vmem>> -> memref<1x128xi32, #tpu.memory_space<vmem>>
    %dma_start3A_23 = tpu.memref_squeeze %dma_start3A_22 : memref<1x128xi32, #tpu.memory_space<vmem>> -> memref<128xi32, #tpu.memory_space<vmem>>
    %dma_start3A_24 = arith.constant 0 : i32
    %dma_start3A_25 = tpu.memref_slice %arg3[%add3A_20, %dma_start3A_24] : memref<2528x128xi32, #tpu.memory_space<hbm>> -> memref<1x128xi32, #tpu.memory_space<hbm>>
    %dma_start3A_26 = tpu.memref_squeeze %dma_start3A_25 : memref<1x128xi32, #tpu.memory_space<hbm>> -> memref<128xi32, #tpu.memory_space<hbm>>
    %dma_start3A_27 = arith.constant 0 : i32
    %dma_start3A_28 = tpu.memref_slice %arg7[%dma_start3A, %dma_start3A_27] : memref<1x128xi32, #tpu.memory_space<vmem>> -> memref<1x128xi32, #tpu.memory_space<vmem>>
    %dma_start3A_29 = tpu.memref_squeeze %dma_start3A_28 : memref<1x128xi32, #tpu.memory_space<vmem>> -> memref<128xi32, #tpu.memory_space<vmem>>
    %dma_start3A_30 = arith.constant 0 : i32
    %dma_start3A_31 = tpu.memref_slice %arg3[%add3A_20, %dma_start3A_30] : memref<2528x128xi32, #tpu.memory_space<hbm>> -> memref<1x128xi32, #tpu.memory_space<hbm>>
    %dma_start3A_32 = tpu.memref_squeeze %dma_start3A_31 : memref<1x128xi32, #tpu.memory_space<hbm>> -> memref<128xi32, #tpu.memory_space<hbm>>
    tpu.enqueue_dma source(%dma_start3A_32 : memref<128xi32, #tpu.memory_space<hbm>>) target(%dma_start3A_29 : memref<128xi32, #tpu.memory_space<vmem>>) target_semaphore(%arg14 : memref<!tpu.dma_semaphore, #tpu.memory_space<semaphore_mem>>)
    %add3A_33 = arith.constant 0 : i32
    %add3A_34 = arith.addi %select_n3A_8, %add3A_33 : i32
    %dma_start3A_35 = arith.constant 0 : i32
    %dma_start3A_36 = arith.constant 0 : i32
    %dma_start3A_37 = tpu.memref_slice %arg9[%dma_start3A_35, %dma_start3A_36] : memref<1x128xi32, #tpu.memory_space<vmem>> -> memref<1x128xi32, #tpu.memory_space<vmem>>
    %dma_start3A_38 = tpu.memref_squeeze %dma_start3A_37 : memref<1x128xi32, #tpu.memory_space<vmem>> -> memref<128xi32, #tpu.memory_space<vmem>>
    %dma_start3A_39 = arith.constant 0 : i32
    %dma_start3A_40 = tpu.memref_slice %arg4[%add3A_34, %dma_start3A_39] : memref<2528x128xi32, #tpu.memory_space<hbm>> -> memref<1x128xi32, #tpu.memory_space<hbm>>
    %dma_start3A_41 = tpu.memref_squeeze %dma_start3A_40 : memref<1x128xi32, #tpu.memory_space<hbm>> -> memref<128xi32, #tpu.memory_space<hbm>>
    %dma_start3A_42 = arith.constant 0 : i32
    %dma_start3A_43 = tpu.memref_slice %arg9[%dma_start3A_35, %dma_start3A_42] : memref<1x128xi32, #tpu.memory_space<vmem>> -> memref<1x128xi32, #tpu.memory_space<vmem>>
    %dma_start3A_44 = tpu.memref_squeeze %dma_start3A_43 : memref<1x128xi32, #tpu.memory_space<vmem>> -> memref<128xi32, #tpu.memory_space<vmem>>
    %dma_start3A_45 = arith.constant 0 : i32
    %dma_start3A_46 = tpu.memref_slice %arg4[%add3A_34, %dma_start3A_45] : memref<2528x128xi32, #tpu.memory_space<hbm>> -> memref<1x128xi32, #tpu.memory_space<hbm>>
    %dma_start3A_47 = tpu.memref_squeeze %dma_start3A_46 : memref<1x128xi32, #tpu.memory_space<hbm>> -> memref<128xi32, #tpu.memory_space<hbm>>
    tpu.enqueue_dma source(%dma_start3A_47 : memref<128xi32, #tpu.memory_space<hbm>>) target(%dma_start3A_44 : memref<128xi32, #tpu.memory_space<vmem>>) target_semaphore(%arg14 : memref<!tpu.dma_semaphore, #tpu.memory_space<semaphore_mem>>)
    %add3A_48 = arith.constant 1 : i32
    %add3A_49 = arith.addi %select_n3A_8, %add3A_48 : i32
    %dma_start3A_50 = arith.constant 0 : i32
    %dma_start3A_51 = arith.constant 0 : i32
    %dma_start3A_52 = tpu.memref_slice %arg8[%dma_start3A_50, %dma_start3A_51] : memref<1x128xi32, #tpu.memory_space<vmem>> -> memref<1x128xi32, #tpu.memory_space<vmem>>
    %dma_start3A_53 = tpu.memref_squeeze %dma_start3A_52 : memref<1x128xi32, #tpu.memory_space<vmem>> -> memref<128xi32, #tpu.memory_space<vmem>>
    %dma_start3A_54 = arith.constant 0 : i32
    %dma_start3A_55 = tpu.memref_slice %arg3[%add3A_49, %dma_start3A_54] : memref<2528x128xi32, #tpu.memory_space<hbm>> -> memref<1x128xi32, #tpu.memory_space<hbm>>
    %dma_start3A_56 = tpu.memref_squeeze %dma_start3A_55 : memref<1x128xi32, #tpu.memory_space<hbm>> -> memref<128xi32, #tpu.memory_space<hbm>>
    %dma_start3A_57 = arith.constant 0 : i32
    %dma_start3A_58 = tpu.memref_slice %arg8[%dma_start3A_50, %dma_start3A_57] : memref<1x128xi32, #tpu.memory_space<vmem>> -> memref<1x128xi32, #tpu.memory_space<vmem>>
    %dma_start3A_59 = tpu.memref_squeeze %dma_start3A_58 : memref<1x128xi32, #tpu.memory_space<vmem>> -> memref<128xi32, #tpu.memory_space<vmem>>
    %dma_start3A_60 = arith.constant 0 : i32
    %dma_start3A_61 = tpu.memref_slice %arg3[%add3A_49, %dma_start3A_60] : memref<2528x128xi32, #tpu.memory_space<hbm>> -> memref<1x128xi32, #tpu.memory_space<hbm>>
    %dma_start3A_62 = tpu.memref_squeeze %dma_start3A_61 : memref<1x128xi32, #tpu.memory_space<hbm>> -> memref<128xi32, #tpu.memory_space<hbm>>
    tpu.enqueue_dma source(%dma_start3A_62 : memref<128xi32, #tpu.memory_space<hbm>>) target(%dma_start3A_59 : memref<128xi32, #tpu.memory_space<vmem>>) target_semaphore(%arg15 : memref<!tpu.dma_semaphore, #tpu.memory_space<semaphore_mem>>)
    %add3A_63 = arith.constant 1 : i32
    %add3A_64 = arith.addi %select_n3A_8, %add3A_63 : i32
    %dma_start3A_65 = arith.constant 0 : i32
    %dma_start3A_66 = arith.constant 0 : i32
    %dma_start3A_67 = tpu.memref_slice %arg10[%dma_start3A_65, %dma_start3A_66] : memref<1x128xi32, #tpu.memory_space<vmem>> -> memref<1x128xi32, #tpu.memory_space<vmem>>
    %dma_start3A_68 = tpu.memref_squeeze %dma_start3A_67 : memref<1x128xi32, #tpu.memory_space<vmem>> -> memref<128xi32, #tpu.memory_space<vmem>>
    %dma_start3A_69 = arith.constant 0 : i32
    %dma_start3A_70 = tpu.memref_slice %arg4[%add3A_64, %dma_start3A_69] : memref<2528x128xi32, #tpu.memory_space<hbm>> -> memref<1x128xi32, #tpu.memory_space<hbm>>
    %dma_start3A_71 = tpu.memref_squeeze %dma_start3A_70 : memref<1x128xi32, #tpu.memory_space<hbm>> -> memref<128xi32, #tpu.memory_space<hbm>>
    %dma_start3A_72 = arith.constant 0 : i32
    %dma_start3A_73 = tpu.memref_slice %arg10[%dma_start3A_65, %dma_start3A_72] : memref<1x128xi32, #tpu.memory_space<vmem>> -> memref<1x128xi32, #tpu.memory_space<vmem>>
    %dma_start3A_74 = tpu.memref_squeeze %dma_start3A_73 : memref<1x128xi32, #tpu.memory_space<vmem>> -> memref<128xi32, #tpu.memory_space<vmem>>
    %dma_start3A_75 = arith.constant 0 : i32
    %dma_start3A_76 = tpu.memref_slice %arg4[%add3A_64, %dma_start3A_75] : memref<2528x128xi32, #tpu.memory_space<hbm>> -> memref<1x128xi32, #tpu.memory_space<hbm>>
    %dma_start3A_77 = tpu.memref_squeeze %dma_start3A_76 : memref<1x128xi32, #tpu.memory_space<hbm>> -> memref<128xi32, #tpu.memory_space<hbm>>
    tpu.enqueue_dma source(%dma_start3A_77 : memref<128xi32, #tpu.memory_space<hbm>>) target(%dma_start3A_74 : memref<128xi32, #tpu.memory_space<vmem>>) target_semaphore(%arg15 : memref<!tpu.dma_semaphore, #tpu.memory_space<semaphore_mem>>)
    %dma_wait3A = arith.constant 0 : i32
    %dma_wait3A_78 = arith.constant 0 : i32
    %dma_wait3A_79 = arith.constant 0 : i32
    %dma_wait3A_80 = tpu.memref_slice %arg7[%dma_wait3A_78, %dma_wait3A_79] : memref<1x128xi32, #tpu.memory_space<vmem>> -> memref<1x128xi32, #tpu.memory_space<vmem>>
    %dma_wait3A_81 = tpu.memref_squeeze %dma_wait3A_80 : memref<1x128xi32, #tpu.memory_space<vmem>> -> memref<128xi32, #tpu.memory_space<vmem>>
    %dma_wait3A_82 = arith.constant 0 : i32
    %dma_wait3A_83 = tpu.memref_slice %arg3[%dma_wait3A, %dma_wait3A_82] : memref<2528x128xi32, #tpu.memory_space<hbm>> -> memref<1x128xi32, #tpu.memory_space<hbm>>
    %dma_wait3A_84 = tpu.memref_squeeze %dma_wait3A_83 : memref<1x128xi32, #tpu.memory_space<hbm>> -> memref<128xi32, #tpu.memory_space<hbm>>
    %dma_wait3A_85 = arith.constant 0 : i32
    %dma_wait3A_86 = tpu.memref_slice %arg7[%dma_wait3A_78, %dma_wait3A_85] : memref<1x128xi32, #tpu.memory_space<vmem>> -> memref<1x128xi32, #tpu.memory_space<vmem>>
    %dma_wait3A_87 = tpu.memref_squeeze %dma_wait3A_86 : memref<1x128xi32, #tpu.memory_space<vmem>> -> memref<128xi32, #tpu.memory_space<vmem>>
    %dma_wait3A_88 = arith.constant 0 : i32
    %dma_wait3A_89 = tpu.memref_slice %arg3[%dma_wait3A, %dma_wait3A_88] : memref<2528x128xi32, #tpu.memory_space<hbm>> -> memref<1x128xi32, #tpu.memory_space<hbm>>
    %dma_wait3A_90 = tpu.memref_squeeze %dma_wait3A_89 : memref<1x128xi32, #tpu.memory_space<hbm>> -> memref<128xi32, #tpu.memory_space<hbm>>
    tpu.wait_dma2 semaphore(%arg14 : memref<!tpu.dma_semaphore, #tpu.memory_space<semaphore_mem>>) src(%dma_wait3A_90 : memref<128xi32, #tpu.memory_space<hbm>>) dst(%dma_wait3A_87 : memref<128xi32, #tpu.memory_space<vmem>>)
    %dma_wait3A_91 = arith.constant 0 : i32
    %dma_wait3A_92 = arith.constant 0 : i32
    %dma_wait3A_93 = arith.constant 0 : i32
    %dma_wait3A_94 = tpu.memref_slice %arg9[%dma_wait3A_92, %dma_wait3A_93] : memref<1x128xi32, #tpu.memory_space<vmem>> -> memref<1x128xi32, #tpu.memory_space<vmem>>
    %dma_wait3A_95 = tpu.memref_squeeze %dma_wait3A_94 : memref<1x128xi32, #tpu.memory_space<vmem>> -> memref<128xi32, #tpu.memory_space<vmem>>
    %dma_wait3A_96 = arith.constant 0 : i32
    %dma_wait3A_97 = tpu.memref_slice %arg4[%dma_wait3A_91, %dma_wait3A_96] : memref<2528x128xi32, #tpu.memory_space<hbm>> -> memref<1x128xi32, #tpu.memory_space<hbm>>
    %dma_wait3A_98 = tpu.memref_squeeze %dma_wait3A_97 : memref<1x128xi32, #tpu.memory_space<hbm>> -> memref<128xi32, #tpu.memory_space<hbm>>
    %dma_wait3A_99 = arith.constant 0 : i32
    %dma_wait3A_100 = tpu.memref_slice %arg9[%dma_wait3A_92, %dma_wait3A_99] : memref<1x128xi32, #tpu.memory_space<vmem>> -> memref<1x128xi32, #tpu.memory_space<vmem>>
    %dma_wait3A_101 = tpu.memref_squeeze %dma_wait3A_100 : memref<1x128xi32, #tpu.memory_space<vmem>> -> memref<128xi32, #tpu.memory_space<vmem>>
    %dma_wait3A_102 = arith.constant 0 : i32
    %dma_wait3A_103 = tpu.memref_slice %arg4[%dma_wait3A_91, %dma_wait3A_102] : memref<2528x128xi32, #tpu.memory_space<hbm>> -> memref<1x128xi32, #tpu.memory_space<hbm>>
    %dma_wait3A_104 = tpu.memref_squeeze %dma_wait3A_103 : memref<1x128xi32, #tpu.memory_space<hbm>> -> memref<128xi32, #tpu.memory_space<hbm>>
    tpu.wait_dma2 semaphore(%arg14 : memref<!tpu.dma_semaphore, #tpu.memory_space<semaphore_mem>>) src(%dma_wait3A_104 : memref<128xi32, #tpu.memory_space<hbm>>) dst(%dma_wait3A_101 : memref<128xi32, #tpu.memory_space<vmem>>)
    %dma_start3A_105 = arith.constant 0 : i32
    %dma_start3A_106 = arith.constant 0 : i32
    %dma_start3A_107 = tpu.memref_slice %arg7[%dma_start3A_105, %dma_start3A_106] : memref<1x128xi32, #tpu.memory_space<vmem>> -> memref<1x128xi32, #tpu.memory_space<vmem>>
    %dma_start3A_108 = tpu.memref_squeeze %dma_start3A_107 : memref<1x128xi32, #tpu.memory_space<vmem>> -> memref<128xi32, #tpu.memory_space<vmem>>
    %dma_start3A_109 = arith.constant 0 : i32
    %dma_start3A_110 = arith.constant 0 : i32
    %dma_start3A_111 = tpu.memref_slice %arg2[%dma_start3A_109, %dma_start3A_110] : memref<10240x128xf32, #tpu.memory_space<hbm>> -> memref<10240x128xf32, #tpu.memory_space<hbm>>
    tpu.enqueue_indirect_dma source(%dma_start3A_111 : memref<10240x128xf32, #tpu.memory_space<hbm>>) target(%arg11 : memref<128x128xf32, #tpu.memory_space<vmem>>) offsets(%dma_start3A_108 : memref<128xi32, #tpu.memory_space<vmem>>) semaphore(%arg16 : memref<!tpu.dma_semaphore, #tpu.memory_space<semaphore_mem>>)
    %barrier3A = arith.constant 0 : index
    tpu.barrier barrier_id(%barrier3A)
    %sub3A = arith.constant 1 : i32
    %sub3A_112 = arith.subi %select_n3A, %sub3A : i32
    %jit3A_113 = arith.constant 2 : i32
    %div3A = arith.divsi %sub3A_112, %jit3A_113 : i32
    %sign3A = arith.constant 0 : i32
    %sign3A_114 = arith.cmpi sgt, %sub3A_112, %sign3A : i32
    %sign3A_115 = arith.extui %sign3A_114 : i1 to i32
    %sign3A_116 = arith.constant 0 : i32
    %sign3A_117 = arith.cmpi slt, %sub3A_112, %sign3A_116 : i32
    %sign3A_118 = arith.extui %sign3A_117 : i1 to i32
    %sign3A_119 = arith.subi %sign3A_115, %sign3A_118 : i32
    %sign3A_120 = arith.constant 0 : i32
    %sign3A_121 = arith.cmpi sgt, %jit3A_113, %sign3A_120 : i32
    %sign3A_122 = arith.extui %sign3A_121 : i1 to i32
    %sign3A_123 = arith.constant 0 : i32
    %sign3A_124 = arith.cmpi slt, %jit3A_113, %sign3A_123 : i32
    %sign3A_125 = arith.extui %sign3A_124 : i1 to i32
    %sign3A_126 = arith.subi %sign3A_122, %sign3A_125 : i32
    %ne3A = arith.cmpi ne, %sign3A_119, %sign3A_126 : i32
    %rem3A = arith.remsi %sub3A_112, %jit3A_113 : i32
    %ne3A_127 = arith.constant 0 : i32
    %ne3A_128 = arith.cmpi ne, %rem3A, %ne3A_127 : i32
    %and3A = arith.andi %ne3A, %ne3A_128 : i1
    %sub3A_129 = arith.constant 1 : i32
    %sub3A_130 = arith.subi %div3A, %sub3A_129 : i32
    %select_n3A_131 = arith.select %and3A, %sub3A_130, %div3A : i32
    %while3A = arith.constant 0 : i32
    %while3A_132 = arith.constant 0 : i32
    %while3A_133 = arith.subi %select_n3A_131, %while3A_132 : i32
    %while3A_134 = arith.addi %while3A_132, %while3A_133 : i32
    %while3A_135 = arith.constant 1 : i32
    %while3A_136 = arith.divsi %while3A_133, %while3A_135 : i32
    %while3A_137 = arith.muli %while3A_136, %while3A_135 : i32
    %while3A_138 = arith.addi %while3A_132, %while3A_137 : i32
    %while3A_139 = arith.constant 1 : i32
    scf.for %while3A_149 = %while3A_132 to %while3A_138 step %while3A_139  : i32 {
      %mul3A_150 = arith.constant 2 : i32
      %mul3A_151 = arith.muli %mul3A_150, %while3A_149 : i32
      %dma_wait3A_152 = arith.constant 0 : i32
      %dma_wait3A_153 = arith.constant 0 : i32
      %dma_wait3A_154 = tpu.memref_slice %arg7[%dma_wait3A_152, %dma_wait3A_153] : memref<1x128xi32, #tpu.memory_space<vmem>> -> memref<1x128xi32, #tpu.memory_space<vmem>>
      %dma_wait3A_155 = tpu.memref_squeeze %dma_wait3A_154 : memref<1x128xi32, #tpu.memory_space<vmem>> -> memref<128xi32, #tpu.memory_space<vmem>>
      %dma_wait3A_156 = arith.constant 0 : i32
      %dma_wait3A_157 = arith.constant 0 : i32
      %dma_wait3A_158 = tpu.memref_slice %arg2[%dma_wait3A_156, %dma_wait3A_157] : memref<10240x128xf32, #tpu.memory_space<hbm>> -> memref<10240x128xf32, #tpu.memory_space<hbm>>
      tpu.wait_indirect_dma semaphore(%arg16 : memref<!tpu.dma_semaphore, #tpu.memory_space<semaphore_mem>>) src(%dma_wait3A_158 : memref<10240x128xf32, #tpu.memory_space<hbm>>) dst(%arg11 : memref<128x128xf32, #tpu.memory_space<vmem>>)
      %dma_wait3A_159 = arith.constant 0 : i32
      %dma_wait3A_160 = arith.constant 0 : i32
      %dma_wait3A_161 = arith.constant 0 : i32
      %dma_wait3A_162 = tpu.memref_slice %arg8[%dma_wait3A_160, %dma_wait3A_161] : memref<1x128xi32, #tpu.memory_space<vmem>> -> memref<1x128xi32, #tpu.memory_space<vmem>>
      %dma_wait3A_163 = tpu.memref_squeeze %dma_wait3A_162 : memref<1x128xi32, #tpu.memory_space<vmem>> -> memref<128xi32, #tpu.memory_space<vmem>>
      %dma_wait3A_164 = arith.constant 0 : i32
      %dma_wait3A_165 = tpu.memref_slice %arg3[%dma_wait3A_159, %dma_wait3A_164] : memref<2528x128xi32, #tpu.memory_space<hbm>> -> memref<1x128xi32, #tpu.memory_space<hbm>>
      %dma_wait3A_166 = tpu.memref_squeeze %dma_wait3A_165 : memref<1x128xi32, #tpu.memory_space<hbm>> -> memref<128xi32, #tpu.memory_space<hbm>>
      %dma_wait3A_167 = arith.constant 0 : i32
      %dma_wait3A_168 = tpu.memref_slice %arg8[%dma_wait3A_160, %dma_wait3A_167] : memref<1x128xi32, #tpu.memory_space<vmem>> -> memref<1x128xi32, #tpu.memory_space<vmem>>
      %dma_wait3A_169 = tpu.memref_squeeze %dma_wait3A_168 : memref<1x128xi32, #tpu.memory_space<vmem>> -> memref<128xi32, #tpu.memory_space<vmem>>
      %dma_wait3A_170 = arith.constant 0 : i32
      %dma_wait3A_171 = tpu.memref_slice %arg3[%dma_wait3A_159, %dma_wait3A_170] : memref<2528x128xi32, #tpu.memory_space<hbm>> -> memref<1x128xi32, #tpu.memory_space<hbm>>
      %dma_wait3A_172 = tpu.memref_squeeze %dma_wait3A_171 : memref<1x128xi32, #tpu.memory_space<hbm>> -> memref<128xi32, #tpu.memory_space<hbm>>
      tpu.wait_dma2 semaphore(%arg15 : memref<!tpu.dma_semaphore, #tpu.memory_space<semaphore_mem>>) src(%dma_wait3A_172 : memref<128xi32, #tpu.memory_space<hbm>>) dst(%dma_wait3A_169 : memref<128xi32, #tpu.memory_space<vmem>>)
      %dma_wait3A_173 = arith.constant 0 : i32
      %dma_wait3A_174 = arith.constant 0 : i32
      %dma_wait3A_175 = arith.constant 0 : i32
      %dma_wait3A_176 = tpu.memref_slice %arg10[%dma_wait3A_174, %dma_wait3A_175] : memref<1x128xi32, #tpu.memory_space<vmem>> -> memref<1x128xi32, #tpu.memory_space<vmem>>
      %dma_wait3A_177 = tpu.memref_squeeze %dma_wait3A_176 : memref<1x128xi32, #tpu.memory_space<vmem>> -> memref<128xi32, #tpu.memory_space<vmem>>
      %dma_wait3A_178 = arith.constant 0 : i32
      %dma_wait3A_179 = tpu.memref_slice %arg4[%dma_wait3A_173, %dma_wait3A_178] : memref<2528x128xi32, #tpu.memory_space<hbm>> -> memref<1x128xi32, #tpu.memory_space<hbm>>
      %dma_wait3A_180 = tpu.memref_squeeze %dma_wait3A_179 : memref<1x128xi32, #tpu.memory_space<hbm>> -> memref<128xi32, #tpu.memory_space<hbm>>
      %dma_wait3A_181 = arith.constant 0 : i32
      %dma_wait3A_182 = tpu.memref_slice %arg10[%dma_wait3A_174, %dma_wait3A_181] : memref<1x128xi32, #tpu.memory_space<vmem>> -> memref<1x128xi32, #tpu.memory_space<vmem>>
      %dma_wait3A_183 = tpu.memref_squeeze %dma_wait3A_182 : memref<1x128xi32, #tpu.memory_space<vmem>> -> memref<128xi32, #tpu.memory_space<vmem>>
      %dma_wait3A_184 = arith.constant 0 : i32
      %dma_wait3A_185 = tpu.memref_slice %arg4[%dma_wait3A_173, %dma_wait3A_184] : memref<2528x128xi32, #tpu.memory_space<hbm>> -> memref<1x128xi32, #tpu.memory_space<hbm>>
      %dma_wait3A_186 = tpu.memref_squeeze %dma_wait3A_185 : memref<1x128xi32, #tpu.memory_space<hbm>> -> memref<128xi32, #tpu.memory_space<hbm>>
      tpu.wait_dma2 semaphore(%arg15 : memref<!tpu.dma_semaphore, #tpu.memory_space<semaphore_mem>>) src(%dma_wait3A_186 : memref<128xi32, #tpu.memory_space<hbm>>) dst(%dma_wait3A_183 : memref<128xi32, #tpu.memory_space<vmem>>)
      %dma_start3A_187 = arith.constant 0 : i32
      %dma_start3A_188 = arith.constant 0 : i32
      %dma_start3A_189 = tpu.memref_slice %arg8[%dma_start3A_187, %dma_start3A_188] : memref<1x128xi32, #tpu.memory_space<vmem>> -> memref<1x128xi32, #tpu.memory_space<vmem>>
      %dma_start3A_190 = tpu.memref_squeeze %dma_start3A_189 : memref<1x128xi32, #tpu.memory_space<vmem>> -> memref<128xi32, #tpu.memory_space<vmem>>
      %dma_start3A_191 = arith.constant 0 : i32
      %dma_start3A_192 = arith.constant 0 : i32
      %dma_start3A_193 = tpu.memref_slice %arg2[%dma_start3A_191, %dma_start3A_192] : memref<10240x128xf32, #tpu.memory_space<hbm>> -> memref<10240x128xf32, #tpu.memory_space<hbm>>
      tpu.enqueue_indirect_dma source(%dma_start3A_193 : memref<10240x128xf32, #tpu.memory_space<hbm>>) target(%arg12 : memref<128x128xf32, #tpu.memory_space<vmem>>) offsets(%dma_start3A_190 : memref<128xi32, #tpu.memory_space<vmem>>) semaphore(%arg17 : memref<!tpu.dma_semaphore, #tpu.memory_space<semaphore_mem>>)
      %run_scoped3A_194 = arith.constant 0 : i32
      "tpu.region"() ({
        %run_scoped3A_273 = tpu.sem_alloc : memref<!tpu.dma_semaphore, #tpu.memory_space<semaphore_mem>>
        %dma_start3A_274 = arith.constant 0 : i32
        %dma_start3A_275 = tpu.memref_slice %arg9[%run_scoped3A_194, %dma_start3A_274] : memref<1x128xi32, #tpu.memory_space<vmem>> -> memref<1x128xi32, #tpu.memory_space<vmem>>
        %dma_start3A_276 = tpu.memref_squeeze %dma_start3A_275 : memref<1x128xi32, #tpu.memory_space<vmem>> -> memref<128xi32, #tpu.memory_space<vmem>>
        %dma_start3A_277 = arith.constant 0 : i32
        %dma_start3A_278 = arith.constant 0 : i32
        %dma_start3A_279 = tpu.memref_slice %arg13[%dma_start3A_277, %dma_start3A_278] : memref<10240x128xf32, #tpu.memory_space<vmem_shared>> -> memref<10240x128xf32, #tpu.memory_space<vmem_shared>>
        tpu.enqueue_indirect_dma source(%arg11 : memref<128x128xf32, #tpu.memory_space<vmem>>) target(%dma_start3A_279 : memref<10240x128xf32, #tpu.memory_space<vmem_shared>>) offsets(%dma_start3A_276 : memref<128xi32, #tpu.memory_space<vmem>>) semaphore(%run_scoped3A_273 : memref<!tpu.dma_semaphore, #tpu.memory_space<semaphore_mem>>) {add = true}
        %dma_wait3A_280 = arith.constant 0 : i32
        %dma_wait3A_281 = tpu.memref_slice %arg9[%run_scoped3A_194, %dma_wait3A_280] : memref<1x128xi32, #tpu.memory_space<vmem>> -> memref<1x128xi32, #tpu.memory_space<vmem>>
        %dma_wait3A_282 = tpu.memref_squeeze %dma_wait3A_281 : memref<1x128xi32, #tpu.memory_space<vmem>> -> memref<128xi32, #tpu.memory_space<vmem>>
        %dma_wait3A_283 = arith.constant 0 : i32
        %dma_wait3A_284 = arith.constant 0 : i32
        %dma_wait3A_285 = tpu.memref_slice %arg13[%dma_wait3A_283, %dma_wait3A_284] : memref<10240x128xf32, #tpu.memory_space<vmem_shared>> -> memref<10240x128xf32, #tpu.memory_space<vmem_shared>>
        tpu.wait_indirect_dma semaphore(%run_scoped3A_273 : memref<!tpu.dma_semaphore, #tpu.memory_space<semaphore_mem>>) src(%arg11 : memref<128x128xf32, #tpu.memory_space<vmem>>) dst(%dma_wait3A_285 : memref<10240x128xf32, #tpu.memory_space<vmem_shared>>)
        tpu.yield
      }) : () -> ()
      %add3A_195 = arith.constant 2 : i32
      %add3A_196 = arith.addi %mul3A_151, %add3A_195 : i32
      %add3A_197 = arith.addi %select_n3A_8, %add3A_196 : i32
      %dma_start3A_198 = arith.constant 0 : i32
      %dma_start3A_199 = arith.constant 0 : i32
      %dma_start3A_200 = tpu.memref_slice %arg7[%dma_start3A_198, %dma_start3A_199] : memref<1x128xi32, #tpu.memory_space<vmem>> -> memref<1x128xi32, #tpu.memory_space<vmem>>
      %dma_start3A_201 = tpu.memref_squeeze %dma_start3A_200 : memref<1x128xi32, #tpu.memory_space<vmem>> -> memref<128xi32, #tpu.memory_space<vmem>>
      %dma_start3A_202 = arith.constant 0 : i32
      %dma_start3A_203 = tpu.memref_slice %arg3[%add3A_197, %dma_start3A_202] : memref<2528x128xi32, #tpu.memory_space<hbm>> -> memref<1x128xi32, #tpu.memory_space<hbm>>
      %dma_start3A_204 = tpu.memref_squeeze %dma_start3A_203 : memref<1x128xi32, #tpu.memory_space<hbm>> -> memref<128xi32, #tpu.memory_space<hbm>>
      %dma_start3A_205 = arith.constant 0 : i32
      %dma_start3A_206 = tpu.memref_slice %arg7[%dma_start3A_198, %dma_start3A_205] : memref<1x128xi32, #tpu.memory_space<vmem>> -> memref<1x128xi32, #tpu.memory_space<vmem>>
      %dma_start3A_207 = tpu.memref_squeeze %dma_start3A_206 : memref<1x128xi32, #tpu.memory_space<vmem>> -> memref<128xi32, #tpu.memory_space<vmem>>
      %dma_start3A_208 = arith.constant 0 : i32
      %dma_start3A_209 = tpu.memref_slice %arg3[%add3A_197, %dma_start3A_208] : memref<2528x128xi32, #tpu.memory_space<hbm>> -> memref<1x128xi32, #tpu.memory_space<hbm>>
      %dma_start3A_210 = tpu.memref_squeeze %dma_start3A_209 : memref<1x128xi32, #tpu.memory_space<hbm>> -> memref<128xi32, #tpu.memory_space<hbm>>
      tpu.enqueue_dma source(%dma_start3A_210 : memref<128xi32, #tpu.memory_space<hbm>>) target(%dma_start3A_207 : memref<128xi32, #tpu.memory_space<vmem>>) target_semaphore(%arg14 : memref<!tpu.dma_semaphore, #tpu.memory_space<semaphore_mem>>)
      %add3A_211 = arith.addi %select_n3A_8, %add3A_196 : i32
      %dma_start3A_212 = arith.constant 0 : i32
      %dma_start3A_213 = arith.constant 0 : i32
      %dma_start3A_214 = tpu.memref_slice %arg9[%dma_start3A_212, %dma_start3A_213] : memref<1x128xi32, #tpu.memory_space<vmem>> -> memref<1x128xi32, #tpu.memory_space<vmem>>
      %dma_start3A_215 = tpu.memref_squeeze %dma_start3A_214 : memref<1x128xi32, #tpu.memory_space<vmem>> -> memref<128xi32, #tpu.memory_space<vmem>>
      %dma_start3A_216 = arith.constant 0 : i32
      %dma_start3A_217 = tpu.memref_slice %arg4[%add3A_211, %dma_start3A_216] : memref<2528x128xi32, #tpu.memory_space<hbm>> -> memref<1x128xi32, #tpu.memory_space<hbm>>
      %dma_start3A_218 = tpu.memref_squeeze %dma_start3A_217 : memref<1x128xi32, #tpu.memory_space<hbm>> -> memref<128xi32, #tpu.memory_space<hbm>>
      %dma_start3A_219 = arith.constant 0 : i32
      %dma_start3A_220 = tpu.memref_slice %arg9[%dma_start3A_212, %dma_start3A_219] : memref<1x128xi32, #tpu.memory_space<vmem>> -> memref<1x128xi32, #tpu.memory_space<vmem>>
      %dma_start3A_221 = tpu.memref_squeeze %dma_start3A_220 : memref<1x128xi32, #tpu.memory_space<vmem>> -> memref<128xi32, #tpu.memory_space<vmem>>
      %dma_start3A_222 = arith.constant 0 : i32
      %dma_start3A_223 = tpu.memref_slice %arg4[%add3A_211, %dma_start3A_222] : memref<2528x128xi32, #tpu.memory_space<hbm>> -> memref<1x128xi32, #tpu.memory_space<hbm>>
      %dma_start3A_224 = tpu.memref_squeeze %dma_start3A_223 : memref<1x128xi32, #tpu.memory_space<hbm>> -> memref<128xi32, #tpu.memory_space<hbm>>
      tpu.enqueue_dma source(%dma_start3A_224 : memref<128xi32, #tpu.memory_space<hbm>>) target(%dma_start3A_221 : memref<128xi32, #tpu.memory_space<vmem>>) target_semaphore(%arg14 : memref<!tpu.dma_semaphore, #tpu.memory_space<semaphore_mem>>)
      %dma_wait3A_225 = arith.constant 0 : i32
      %dma_wait3A_226 = arith.constant 0 : i32
      %dma_wait3A_227 = tpu.memref_slice %arg8[%dma_wait3A_225, %dma_wait3A_226] : memref<1x128xi32, #tpu.memory_space<vmem>> -> memref<1x128xi32, #tpu.memory_space<vmem>>
      %dma_wait3A_228 = tpu.memref_squeeze %dma_wait3A_227 : memref<1x128xi32, #tpu.memory_space<vmem>> -> memref<128xi32, #tpu.memory_space<vmem>>
      %dma_wait3A_229 = arith.constant 0 : i32
      %dma_wait3A_230 = arith.constant 0 : i32
      %dma_wait3A_231 = tpu.memref_slice %arg2[%dma_wait3A_229, %dma_wait3A_230] : memref<10240x128xf32, #tpu.memory_space<hbm>> -> memref<10240x128xf32, #tpu.memory_space<hbm>>
      tpu.wait_indirect_dma semaphore(%arg17 : memref<!tpu.dma_semaphore, #tpu.memory_space<semaphore_mem>>) src(%dma_wait3A_231 : memref<10240x128xf32, #tpu.memory_space<hbm>>) dst(%arg12 : memref<128x128xf32, #tpu.memory_space<vmem>>)
      %dma_wait3A_232 = arith.constant 0 : i32
      %dma_wait3A_233 = arith.constant 0 : i32
      %dma_wait3A_234 = arith.constant 0 : i32
      %dma_wait3A_235 = tpu.memref_slice %arg7[%dma_wait3A_233, %dma_wait3A_234] : memref<1x128xi32, #tpu.memory_space<vmem>> -> memref<1x128xi32, #tpu.memory_space<vmem>>
      %dma_wait3A_236 = tpu.memref_squeeze %dma_wait3A_235 : memref<1x128xi32, #tpu.memory_space<vmem>> -> memref<128xi32, #tpu.memory_space<vmem>>
      %dma_wait3A_237 = arith.constant 0 : i32
      %dma_wait3A_238 = tpu.memref_slice %arg3[%dma_wait3A_232, %dma_wait3A_237] : memref<2528x128xi32, #tpu.memory_space<hbm>> -> memref<1x128xi32, #tpu.memory_space<hbm>>
      %dma_wait3A_239 = tpu.memref_squeeze %dma_wait3A_238 : memref<1x128xi32, #tpu.memory_space<hbm>> -> memref<128xi32, #tpu.memory_space<hbm>>
      %dma_wait3A_240 = arith.constant 0 : i32
      %dma_wait3A_241 = tpu.memref_slice %arg7[%dma_wait3A_233, %dma_wait3A_240] : memref<1x128xi32, #tpu.memory_space<vmem>> -> memref<1x128xi32, #tpu.memory_space<vmem>>
      %dma_wait3A_242 = tpu.memref_squeeze %dma_wait3A_241 : memref<1x128xi32, #tpu.memory_space<vmem>> -> memref<128xi32, #tpu.memory_space<vmem>>
      %dma_wait3A_243 = arith.constant 0 : i32
      %dma_wait3A_244 = tpu.memref_slice %arg3[%dma_wait3A_232, %dma_wait3A_243] : memref<2528x128xi32, #tpu.memory_space<hbm>> -> memref<1x128xi32, #tpu.memory_space<hbm>>
      %dma_wait3A_245 = tpu.memref_squeeze %dma_wait3A_244 : memref<1x128xi32, #tpu.memory_space<hbm>> -> memref<128xi32, #tpu.memory_space<hbm>>
      tpu.wait_dma2 semaphore(%arg14 : memref<!tpu.dma_semaphore, #tpu.memory_space<semaphore_mem>>) src(%dma_wait3A_245 : memref<128xi32, #tpu.memory_space<hbm>>) dst(%dma_wait3A_242 : memref<128xi32, #tpu.memory_space<vmem>>)
      %dma_wait3A_246 = arith.constant 0 : i32
      %dma_wait3A_247 = arith.constant 0 : i32
      %dma_wait3A_248 = arith.constant 0 : i32
      %dma_wait3A_249 = tpu.memref_slice %arg9[%dma_wait3A_247, %dma_wait3A_248] : memref<1x128xi32, #tpu.memory_space<vmem>> -> memref<1x128xi32, #tpu.memory_space<vmem>>
      %dma_wait3A_250 = tpu.memref_squeeze %dma_wait3A_249 : memref<1x128xi32, #tpu.memory_space<vmem>> -> memref<128xi32, #tpu.memory_space<vmem>>
      %dma_wait3A_251 = arith.constant 0 : i32
      %dma_wait3A_252 = tpu.memref_slice %arg4[%dma_wait3A_246, %dma_wait3A_251] : memref<2528x128xi32, #tpu.memory_space<hbm>> -> memref<1x128xi32, #tpu.memory_space<hbm>>
      %dma_wait3A_253 = tpu.memref_squeeze %dma_wait3A_252 : memref<1x128xi32, #tpu.memory_space<hbm>> -> memref<128xi32, #tpu.memory_space<hbm>>
      %dma_wait3A_254 = arith.constant 0 : i32
      %dma_wait3A_255 = tpu.memref_slice %arg9[%dma_wait3A_247, %dma_wait3A_254] : memref<1x128xi32, #tpu.memory_space<vmem>> -> memref<1x128xi32, #tpu.memory_space<vmem>>
      %dma_wait3A_256 = tpu.memref_squeeze %dma_wait3A_255 : memref<1x128xi32, #tpu.memory_space<vmem>> -> memref<128xi32, #tpu.memory_space<vmem>>
      %dma_wait3A_257 = arith.constant 0 : i32
      %dma_wait3A_258 = tpu.memref_slice %arg4[%dma_wait3A_246, %dma_wait3A_257] : memref<2528x128xi32, #tpu.memory_space<hbm>> -> memref<1x128xi32, #tpu.memory_space<hbm>>
      %dma_wait3A_259 = tpu.memref_squeeze %dma_wait3A_258 : memref<1x128xi32, #tpu.memory_space<hbm>> -> memref<128xi32, #tpu.memory_space<hbm>>
      tpu.wait_dma2 semaphore(%arg14 : memref<!tpu.dma_semaphore, #tpu.memory_space<semaphore_mem>>) src(%dma_wait3A_259 : memref<128xi32, #tpu.memory_space<hbm>>) dst(%dma_wait3A_256 : memref<128xi32, #tpu.memory_space<vmem>>)
      %dma_start3A_260 = arith.constant 0 : i32
      %dma_start3A_261 = arith.constant 0 : i32
      %dma_start3A_262 = tpu.memref_slice %arg7[%dma_start3A_260, %dma_start3A_261] : memref<1x128xi32, #tpu.memory_space<vmem>> -> memref<1x128xi32, #tpu.memory_space<vmem>>
      %dma_start3A_263 = tpu.memref_squeeze %dma_start3A_262 : memref<1x128xi32, #tpu.memory_space<vmem>> -> memref<128xi32, #tpu.memory_space<vmem>>
      %dma_start3A_264 = arith.constant 0 : i32
      %dma_start3A_265 = arith.constant 0 : i32
      %dma_start3A_266 = tpu.memref_slice %arg2[%dma_start3A_264, %dma_start3A_265] : memref<10240x128xf32, #tpu.memory_space<hbm>> -> memref<10240x128xf32, #tpu.memory_space<hbm>>
      tpu.enqueue_indirect_dma source(%dma_start3A_266 : memref<10240x128xf32, #tpu.memory_space<hbm>>) target(%arg11 : memref<128x128xf32, #tpu.memory_space<vmem>>) offsets(%dma_start3A_263 : memref<128xi32, #tpu.memory_space<vmem>>) semaphore(%arg16 : memref<!tpu.dma_semaphore, #tpu.memory_space<semaphore_mem>>)
      %run_scoped3A_267 = arith.constant 0 : i32
      "tpu.region"() ({
        %run_scoped3A_273 = tpu.sem_alloc : memref<!tpu.dma_semaphore, #tpu.memory_space<semaphore_mem>>
        %dma_start3A_274 = arith.constant 0 : i32
        %dma_start3A_275 = tpu.memref_slice %arg10[%run_scoped3A_267, %dma_start3A_274] : memref<1x128xi32, #tpu.memory_space<vmem>> -> memref<1x128xi32, #tpu.memory_space<vmem>>
        %dma_start3A_276 = tpu.memref_squeeze %dma_start3A_275 : memref<1x128xi32, #tpu.memory_space<vmem>> -> memref<128xi32, #tpu.memory_space<vmem>>
        %dma_start3A_277 = arith.constant 0 : i32
        %dma_start3A_278 = arith.constant 0 : i32
        %dma_start3A_279 = tpu.memref_slice %arg13[%dma_start3A_277, %dma_start3A_278] : memref<10240x128xf32, #tpu.memory_space<vmem_shared>> -> memref<10240x128xf32, #tpu.memory_space<vmem_shared>>
        tpu.enqueue_indirect_dma source(%arg12 : memref<128x128xf32, #tpu.memory_space<vmem>>) target(%dma_start3A_279 : memref<10240x128xf32, #tpu.memory_space<vmem_shared>>) offsets(%dma_start3A_276 : memref<128xi32, #tpu.memory_space<vmem>>) semaphore(%run_scoped3A_273 : memref<!tpu.dma_semaphore, #tpu.memory_space<semaphore_mem>>) {add = true}
        %dma_wait3A_280 = arith.constant 0 : i32
        %dma_wait3A_281 = tpu.memref_slice %arg10[%run_scoped3A_267, %dma_wait3A_280] : memref<1x128xi32, #tpu.memory_space<vmem>> -> memref<1x128xi32, #tpu.memory_space<vmem>>
        %dma_wait3A_282 = tpu.memref_squeeze %dma_wait3A_281 : memref<1x128xi32, #tpu.memory_space<vmem>> -> memref<128xi32, #tpu.memory_space<vmem>>
        %dma_wait3A_283 = arith.constant 0 : i32
        %dma_wait3A_284 = arith.constant 0 : i32
        %dma_wait3A_285 = tpu.memref_slice %arg13[%dma_wait3A_283, %dma_wait3A_284] : memref<10240x128xf32, #tpu.memory_space<vmem_shared>> -> memref<10240x128xf32, #tpu.memory_space<vmem_shared>>
        tpu.wait_indirect_dma semaphore(%run_scoped3A_273 : memref<!tpu.dma_semaphore, #tpu.memory_space<semaphore_mem>>) src(%arg12 : memref<128x128xf32, #tpu.memory_space<vmem>>) dst(%dma_wait3A_285 : memref<10240x128xf32, #tpu.memory_space<vmem_shared>>)
        tpu.yield
      }) : () -> ()
      %add3A_268 = arith.constant 3 : i32
      %add3A_269 = arith.addi %mul3A_151, %add3A_268 : i32
      %lt3A = arith.cmpi slt, %add3A_269, %select_n3A : i32
      %convert_element_type3A_270 = arith.extui %lt3A : i1 to i32
      %cond3A_271 = arith.constant 0 : i32
      %cond3A_272 = arith.cmpi ne, %convert_element_type3A_270, %cond3A_271 : i32
      scf.if %cond3A_272 {
        %add3A_273 = arith.constant 3 : i32
        %add3A_274 = arith.addi %mul3A_151, %add3A_273 : i32
        %add3A_275 = arith.addi %select_n3A_8, %add3A_274 : i32
        %dma_start3A_276 = arith.constant 0 : i32
        %dma_start3A_277 = arith.constant 0 : i32
        %dma_start3A_278 = tpu.memref_slice %arg8[%dma_start3A_276, %dma_start3A_277] : memref<1x128xi32, #tpu.memory_space<vmem>> -> memref<1x128xi32, #tpu.memory_space<vmem>>
        %dma_start3A_279 = tpu.memref_squeeze %dma_start3A_278 : memref<1x128xi32, #tpu.memory_space<vmem>> -> memref<128xi32, #tpu.memory_space<vmem>>
        %dma_start3A_280 = arith.constant 0 : i32
        %dma_start3A_281 = tpu.memref_slice %arg3[%add3A_275, %dma_start3A_280] : memref<2528x128xi32, #tpu.memory_space<hbm>> -> memref<1x128xi32, #tpu.memory_space<hbm>>
        %dma_start3A_282 = tpu.memref_squeeze %dma_start3A_281 : memref<1x128xi32, #tpu.memory_space<hbm>> -> memref<128xi32, #tpu.memory_space<hbm>>
        %dma_start3A_283 = arith.constant 0 : i32
        %dma_start3A_284 = tpu.memref_slice %arg8[%dma_start3A_276, %dma_start3A_283] : memref<1x128xi32, #tpu.memory_space<vmem>> -> memref<1x128xi32, #tpu.memory_space<vmem>>
        %dma_start3A_285 = tpu.memref_squeeze %dma_start3A_284 : memref<1x128xi32, #tpu.memory_space<vmem>> -> memref<128xi32, #tpu.memory_space<vmem>>
        %dma_start3A_286 = arith.constant 0 : i32
        %dma_start3A_287 = tpu.memref_slice %arg3[%add3A_275, %dma_start3A_286] : memref<2528x128xi32, #tpu.memory_space<hbm>> -> memref<1x128xi32, #tpu.memory_space<hbm>>
        %dma_start3A_288 = tpu.memref_squeeze %dma_start3A_287 : memref<1x128xi32, #tpu.memory_space<hbm>> -> memref<128xi32, #tpu.memory_space<hbm>>
        tpu.enqueue_dma source(%dma_start3A_288 : memref<128xi32, #tpu.memory_space<hbm>>) target(%dma_start3A_285 : memref<128xi32, #tpu.memory_space<vmem>>) target_semaphore(%arg15 : memref<!tpu.dma_semaphore, #tpu.memory_space<semaphore_mem>>)
        %add3A_289 = arith.addi %select_n3A_8, %add3A_274 : i32
        %dma_start3A_290 = arith.constant 0 : i32
        %dma_start3A_291 = arith.constant 0 : i32
        %dma_start3A_292 = tpu.memref_slice %arg10[%dma_start3A_290, %dma_start3A_291] : memref<1x128xi32, #tpu.memory_space<vmem>> -> memref<1x128xi32, #tpu.memory_space<vmem>>
        %dma_start3A_293 = tpu.memref_squeeze %dma_start3A_292 : memref<1x128xi32, #tpu.memory_space<vmem>> -> memref<128xi32, #tpu.memory_space<vmem>>
        %dma_start3A_294 = arith.constant 0 : i32
        %dma_start3A_295 = tpu.memref_slice %arg4[%add3A_289, %dma_start3A_294] : memref<2528x128xi32, #tpu.memory_space<hbm>> -> memref<1x128xi32, #tpu.memory_space<hbm>>
        %dma_start3A_296 = tpu.memref_squeeze %dma_start3A_295 : memref<1x128xi32, #tpu.memory_space<hbm>> -> memref<128xi32, #tpu.memory_space<hbm>>
        %dma_start3A_297 = arith.constant 0 : i32
        %dma_start3A_298 = tpu.memref_slice %arg10[%dma_start3A_290, %dma_start3A_297] : memref<1x128xi32, #tpu.memory_space<vmem>> -> memref<1x128xi32, #tpu.memory_space<vmem>>
        %dma_start3A_299 = tpu.memref_squeeze %dma_start3A_298 : memref<1x128xi32, #tpu.memory_space<vmem>> -> memref<128xi32, #tpu.memory_space<vmem>>
        %dma_start3A_300 = arith.constant 0 : i32
        %dma_start3A_301 = tpu.memref_slice %arg4[%add3A_289, %dma_start3A_300] : memref<2528x128xi32, #tpu.memory_space<hbm>> -> memref<1x128xi32, #tpu.memory_space<hbm>>
        %dma_start3A_302 = tpu.memref_squeeze %dma_start3A_301 : memref<1x128xi32, #tpu.memory_space<hbm>> -> memref<128xi32, #tpu.memory_space<hbm>>
        tpu.enqueue_dma source(%dma_start3A_302 : memref<128xi32, #tpu.memory_space<hbm>>) target(%dma_start3A_299 : memref<128xi32, #tpu.memory_space<vmem>>) target_semaphore(%arg15 : memref<!tpu.dma_semaphore, #tpu.memory_space<semaphore_mem>>)
      } else {
      }
    }
    %while3A_140 = arith.constant 1 : i32
    scf.for %while3A_149 = %while3A_138 to %while3A_134 step %while3A_140  : i32 {
      %mul3A_150 = arith.constant 2 : i32
      %mul3A_151 = arith.muli %mul3A_150, %while3A_149 : i32
      %dma_wait3A_152 = arith.constant 0 : i32
      %dma_wait3A_153 = arith.constant 0 : i32
      %dma_wait3A_154 = tpu.memref_slice %arg7[%dma_wait3A_152, %dma_wait3A_153] : memref<1x128xi32, #tpu.memory_space<vmem>> -> memref<1x128xi32, #tpu.memory_space<vmem>>
      %dma_wait3A_155 = tpu.memref_squeeze %dma_wait3A_154 : memref<1x128xi32, #tpu.memory_space<vmem>> -> memref<128xi32, #tpu.memory_space<vmem>>
      %dma_wait3A_156 = arith.constant 0 : i32
      %dma_wait3A_157 = arith.constant 0 : i32
      %dma_wait3A_158 = tpu.memref_slice %arg2[%dma_wait3A_156, %dma_wait3A_157] : memref<10240x128xf32, #tpu.memory_space<hbm>> -> memref<10240x128xf32, #tpu.memory_space<hbm>>
      tpu.wait_indirect_dma semaphore(%arg16 : memref<!tpu.dma_semaphore, #tpu.memory_space<semaphore_mem>>) src(%dma_wait3A_158 : memref<10240x128xf32, #tpu.memory_space<hbm>>) dst(%arg11 : memref<128x128xf32, #tpu.memory_space<vmem>>)
      %dma_wait3A_159 = arith.constant 0 : i32
      %dma_wait3A_160 = arith.constant 0 : i32
      %dma_wait3A_161 = arith.constant 0 : i32
      %dma_wait3A_162 = tpu.memref_slice %arg8[%dma_wait3A_160, %dma_wait3A_161] : memref<1x128xi32, #tpu.memory_space<vmem>> -> memref<1x128xi32, #tpu.memory_space<vmem>>
      %dma_wait3A_163 = tpu.memref_squeeze %dma_wait3A_162 : memref<1x128xi32, #tpu.memory_space<vmem>> -> memref<128xi32, #tpu.memory_space<vmem>>
      %dma_wait3A_164 = arith.constant 0 : i32
      %dma_wait3A_165 = tpu.memref_slice %arg3[%dma_wait3A_159, %dma_wait3A_164] : memref<2528x128xi32, #tpu.memory_space<hbm>> -> memref<1x128xi32, #tpu.memory_space<hbm>>
      %dma_wait3A_166 = tpu.memref_squeeze %dma_wait3A_165 : memref<1x128xi32, #tpu.memory_space<hbm>> -> memref<128xi32, #tpu.memory_space<hbm>>
      %dma_wait3A_167 = arith.constant 0 : i32
      %dma_wait3A_168 = tpu.memref_slice %arg8[%dma_wait3A_160, %dma_wait3A_167] : memref<1x128xi32, #tpu.memory_space<vmem>> -> memref<1x128xi32, #tpu.memory_space<vmem>>
      %dma_wait3A_169 = tpu.memref_squeeze %dma_wait3A_168 : memref<1x128xi32, #tpu.memory_space<vmem>> -> memref<128xi32, #tpu.memory_space<vmem>>
      %dma_wait3A_170 = arith.constant 0 : i32
      %dma_wait3A_171 = tpu.memref_slice %arg3[%dma_wait3A_159, %dma_wait3A_170] : memref<2528x128xi32, #tpu.memory_space<hbm>> -> memref<1x128xi32, #tpu.memory_space<hbm>>
      %dma_wait3A_172 = tpu.memref_squeeze %dma_wait3A_171 : memref<1x128xi32, #tpu.memory_space<hbm>> -> memref<128xi32, #tpu.memory_space<hbm>>
      tpu.wait_dma2 semaphore(%arg15 : memref<!tpu.dma_semaphore, #tpu.memory_space<semaphore_mem>>) src(%dma_wait3A_172 : memref<128xi32, #tpu.memory_space<hbm>>) dst(%dma_wait3A_169 : memref<128xi32, #tpu.memory_space<vmem>>)
      %dma_wait3A_173 = arith.constant 0 : i32
      %dma_wait3A_174 = arith.constant 0 : i32
      %dma_wait3A_175 = arith.constant 0 : i32
      %dma_wait3A_176 = tpu.memref_slice %arg10[%dma_wait3A_174, %dma_wait3A_175] : memref<1x128xi32, #tpu.memory_space<vmem>> -> memref<1x128xi32, #tpu.memory_space<vmem>>
      %dma_wait3A_177 = tpu.memref_squeeze %dma_wait3A_176 : memref<1x128xi32, #tpu.memory_space<vmem>> -> memref<128xi32, #tpu.memory_space<vmem>>
      %dma_wait3A_178 = arith.constant 0 : i32
      %dma_wait3A_179 = tpu.memref_slice %arg4[%dma_wait3A_173, %dma_wait3A_178] : memref<2528x128xi32, #tpu.memory_space<hbm>> -> memref<1x128xi32, #tpu.memory_space<hbm>>
      %dma_wait3A_180 = tpu.memref_squeeze %dma_wait3A_179 : memref<1x128xi32, #tpu.memory_space<hbm>> -> memref<128xi32, #tpu.memory_space<hbm>>
      %dma_wait3A_181 = arith.constant 0 : i32
      %dma_wait3A_182 = tpu.memref_slice %arg10[%dma_wait3A_174, %dma_wait3A_181] : memref<1x128xi32, #tpu.memory_space<vmem>> -> memref<1x128xi32, #tpu.memory_space<vmem>>
      %dma_wait3A_183 = tpu.memref_squeeze %dma_wait3A_182 : memref<1x128xi32, #tpu.memory_space<vmem>> -> memref<128xi32, #tpu.memory_space<vmem>>
      %dma_wait3A_184 = arith.constant 0 : i32
      %dma_wait3A_185 = tpu.memref_slice %arg4[%dma_wait3A_173, %dma_wait3A_184] : memref<2528x128xi32, #tpu.memory_space<hbm>> -> memref<1x128xi32, #tpu.memory_space<hbm>>
      %dma_wait3A_186 = tpu.memref_squeeze %dma_wait3A_185 : memref<1x128xi32, #tpu.memory_space<hbm>> -> memref<128xi32, #tpu.memory_space<hbm>>
      tpu.wait_dma2 semaphore(%arg15 : memref<!tpu.dma_semaphore, #tpu.memory_space<semaphore_mem>>) src(%dma_wait3A_186 : memref<128xi32, #tpu.memory_space<hbm>>) dst(%dma_wait3A_183 : memref<128xi32, #tpu.memory_space<vmem>>)
      %dma_start3A_187 = arith.constant 0 : i32
      %dma_start3A_188 = arith.constant 0 : i32
      %dma_start3A_189 = tpu.memref_slice %arg8[%dma_start3A_187, %dma_start3A_188] : memref<1x128xi32, #tpu.memory_space<vmem>> -> memref<1x128xi32, #tpu.memory_space<vmem>>
      %dma_start3A_190 = tpu.memref_squeeze %dma_start3A_189 : memref<1x128xi32, #tpu.memory_space<vmem>> -> memref<128xi32, #tpu.memory_space<vmem>>
      %dma_start3A_191 = arith.constant 0 : i32
      %dma_start3A_192 = arith.constant 0 : i32
      %dma_start3A_193 = tpu.memref_slice %arg2[%dma_start3A_191, %dma_start3A_192] : memref<10240x128xf32, #tpu.memory_space<hbm>> -> memref<10240x128xf32, #tpu.memory_space<hbm>>
      tpu.enqueue_indirect_dma source(%dma_start3A_193 : memref<10240x128xf32, #tpu.memory_space<hbm>>) target(%arg12 : memref<128x128xf32, #tpu.memory_space<vmem>>) offsets(%dma_start3A_190 : memref<128xi32, #tpu.memory_space<vmem>>) semaphore(%arg17 : memref<!tpu.dma_semaphore, #tpu.memory_space<semaphore_mem>>)
      %run_scoped3A_194 = arith.constant 0 : i32
      "tpu.region"() ({
        %run_scoped3A_273 = tpu.sem_alloc : memref<!tpu.dma_semaphore, #tpu.memory_space<semaphore_mem>>
        %dma_start3A_274 = arith.constant 0 : i32
        %dma_start3A_275 = tpu.memref_slice %arg9[%run_scoped3A_194, %dma_start3A_274] : memref<1x128xi32, #tpu.memory_space<vmem>> -> memref<1x128xi32, #tpu.memory_space<vmem>>
        %dma_start3A_276 = tpu.memref_squeeze %dma_start3A_275 : memref<1x128xi32, #tpu.memory_space<vmem>> -> memref<128xi32, #tpu.memory_space<vmem>>
        %dma_start3A_277 = arith.constant 0 : i32
        %dma_start3A_278 = arith.constant 0 : i32
        %dma_start3A_279 = tpu.memref_slice %arg13[%dma_start3A_277, %dma_start3A_278] : memref<10240x128xf32, #tpu.memory_space<vmem_shared>> -> memref<10240x128xf32, #tpu.memory_space<vmem_shared>>
        tpu.enqueue_indirect_dma source(%arg11 : memref<128x128xf32, #tpu.memory_space<vmem>>) target(%dma_start3A_279 : memref<10240x128xf32, #tpu.memory_space<vmem_shared>>) offsets(%dma_start3A_276 : memref<128xi32, #tpu.memory_space<vmem>>) semaphore(%run_scoped3A_273 : memref<!tpu.dma_semaphore, #tpu.memory_space<semaphore_mem>>) {add = true}
        %dma_wait3A_280 = arith.constant 0 : i32
        %dma_wait3A_281 = tpu.memref_slice %arg9[%run_scoped3A_194, %dma_wait3A_280] : memref<1x128xi32, #tpu.memory_space<vmem>> -> memref<1x128xi32, #tpu.memory_space<vmem>>
        %dma_wait3A_282 = tpu.memref_squeeze %dma_wait3A_281 : memref<1x128xi32, #tpu.memory_space<vmem>> -> memref<128xi32, #tpu.memory_space<vmem>>
        %dma_wait3A_283 = arith.constant 0 : i32
        %dma_wait3A_284 = arith.constant 0 : i32
        %dma_wait3A_285 = tpu.memref_slice %arg13[%dma_wait3A_283, %dma_wait3A_284] : memref<10240x128xf32, #tpu.memory_space<vmem_shared>> -> memref<10240x128xf32, #tpu.memory_space<vmem_shared>>
        tpu.wait_indirect_dma semaphore(%run_scoped3A_273 : memref<!tpu.dma_semaphore, #tpu.memory_space<semaphore_mem>>) src(%arg11 : memref<128x128xf32, #tpu.memory_space<vmem>>) dst(%dma_wait3A_285 : memref<10240x128xf32, #tpu.memory_space<vmem_shared>>)
        tpu.yield
      }) : () -> ()
      %add3A_195 = arith.constant 2 : i32
      %add3A_196 = arith.addi %mul3A_151, %add3A_195 : i32
      %add3A_197 = arith.addi %select_n3A_8, %add3A_196 : i32
      %dma_start3A_198 = arith.constant 0 : i32
      %dma_start3A_199 = arith.constant 0 : i32
      %dma_start3A_200 = tpu.memref_slice %arg7[%dma_start3A_198, %dma_start3A_199] : memref<1x128xi32, #tpu.memory_space<vmem>> -> memref<1x128xi32, #tpu.memory_space<vmem>>
      %dma_start3A_201 = tpu.memref_squeeze %dma_start3A_200 : memref<1x128xi32, #tpu.memory_space<vmem>> -> memref<128xi32, #tpu.memory_space<vmem>>
      %dma_start3A_202 = arith.constant 0 : i32
      %dma_start3A_203 = tpu.memref_slice %arg3[%add3A_197, %dma_start3A_202] : memref<2528x128xi32, #tpu.memory_space<hbm>> -> memref<1x128xi32, #tpu.memory_space<hbm>>
      %dma_start3A_204 = tpu.memref_squeeze %dma_start3A_203 : memref<1x128xi32, #tpu.memory_space<hbm>> -> memref<128xi32, #tpu.memory_space<hbm>>
      %dma_start3A_205 = arith.constant 0 : i32
      %dma_start3A_206 = tpu.memref_slice %arg7[%dma_start3A_198, %dma_start3A_205] : memref<1x128xi32, #tpu.memory_space<vmem>> -> memref<1x128xi32, #tpu.memory_space<vmem>>
      %dma_start3A_207 = tpu.memref_squeeze %dma_start3A_206 : memref<1x128xi32, #tpu.memory_space<vmem>> -> memref<128xi32, #tpu.memory_space<vmem>>
      %dma_start3A_208 = arith.constant 0 : i32
      %dma_start3A_209 = tpu.memref_slice %arg3[%add3A_197, %dma_start3A_208] : memref<2528x128xi32, #tpu.memory_space<hbm>> -> memref<1x128xi32, #tpu.memory_space<hbm>>
      %dma_start3A_210 = tpu.memref_squeeze %dma_start3A_209 : memref<1x128xi32, #tpu.memory_space<hbm>> -> memref<128xi32, #tpu.memory_space<hbm>>
      tpu.enqueue_dma source(%dma_start3A_210 : memref<128xi32, #tpu.memory_space<hbm>>) target(%dma_start3A_207 : memref<128xi32, #tpu.memory_space<vmem>>) target_semaphore(%arg14 : memref<!tpu.dma_semaphore, #tpu.memory_space<semaphore_mem>>)
      %add3A_211 = arith.addi %select_n3A_8, %add3A_196 : i32
      %dma_start3A_212 = arith.constant 0 : i32
      %dma_start3A_213 = arith.constant 0 : i32
      %dma_start3A_214 = tpu.memref_slice %arg9[%dma_start3A_212, %dma_start3A_213] : memref<1x128xi32, #tpu.memory_space<vmem>> -> memref<1x128xi32, #tpu.memory_space<vmem>>
      %dma_start3A_215 = tpu.memref_squeeze %dma_start3A_214 : memref<1x128xi32, #tpu.memory_space<vmem>> -> memref<128xi32, #tpu.memory_space<vmem>>
      %dma_start3A_216 = arith.constant 0 : i32
      %dma_start3A_217 = tpu.memref_slice %arg4[%add3A_211, %dma_start3A_216] : memref<2528x128xi32, #tpu.memory_space<hbm>> -> memref<1x128xi32, #tpu.memory_space<hbm>>
      %dma_start3A_218 = tpu.memref_squeeze %dma_start3A_217 : memref<1x128xi32, #tpu.memory_space<hbm>> -> memref<128xi32, #tpu.memory_space<hbm>>
      %dma_start3A_219 = arith.constant 0 : i32
      %dma_start3A_220 = tpu.memref_slice %arg9[%dma_start3A_212, %dma_start3A_219] : memref<1x128xi32, #tpu.memory_space<vmem>> -> memref<1x128xi32, #tpu.memory_space<vmem>>
      %dma_start3A_221 = tpu.memref_squeeze %dma_start3A_220 : memref<1x128xi32, #tpu.memory_space<vmem>> -> memref<128xi32, #tpu.memory_space<vmem>>
      %dma_start3A_222 = arith.constant 0 : i32
      %dma_start3A_223 = tpu.memref_slice %arg4[%add3A_211, %dma_start3A_222] : memref<2528x128xi32, #tpu.memory_space<hbm>> -> memref<1x128xi32, #tpu.memory_space<hbm>>
      %dma_start3A_224 = tpu.memref_squeeze %dma_start3A_223 : memref<1x128xi32, #tpu.memory_space<hbm>> -> memref<128xi32, #tpu.memory_space<hbm>>
      tpu.enqueue_dma source(%dma_start3A_224 : memref<128xi32, #tpu.memory_space<hbm>>) target(%dma_start3A_221 : memref<128xi32, #tpu.memory_space<vmem>>) target_semaphore(%arg14 : memref<!tpu.dma_semaphore, #tpu.memory_space<semaphore_mem>>)
      %dma_wait3A_225 = arith.constant 0 : i32
      %dma_wait3A_226 = arith.constant 0 : i32
      %dma_wait3A_227 = tpu.memref_slice %arg8[%dma_wait3A_225, %dma_wait3A_226] : memref<1x128xi32, #tpu.memory_space<vmem>> -> memref<1x128xi32, #tpu.memory_space<vmem>>
      %dma_wait3A_228 = tpu.memref_squeeze %dma_wait3A_227 : memref<1x128xi32, #tpu.memory_space<vmem>> -> memref<128xi32, #tpu.memory_space<vmem>>
      %dma_wait3A_229 = arith.constant 0 : i32
      %dma_wait3A_230 = arith.constant 0 : i32
      %dma_wait3A_231 = tpu.memref_slice %arg2[%dma_wait3A_229, %dma_wait3A_230] : memref<10240x128xf32, #tpu.memory_space<hbm>> -> memref<10240x128xf32, #tpu.memory_space<hbm>>
      tpu.wait_indirect_dma semaphore(%arg17 : memref<!tpu.dma_semaphore, #tpu.memory_space<semaphore_mem>>) src(%dma_wait3A_231 : memref<10240x128xf32, #tpu.memory_space<hbm>>) dst(%arg12 : memref<128x128xf32, #tpu.memory_space<vmem>>)
      %dma_wait3A_232 = arith.constant 0 : i32
      %dma_wait3A_233 = arith.constant 0 : i32
      %dma_wait3A_234 = arith.constant 0 : i32
      %dma_wait3A_235 = tpu.memref_slice %arg7[%dma_wait3A_233, %dma_wait3A_234] : memref<1x128xi32, #tpu.memory_space<vmem>> -> memref<1x128xi32, #tpu.memory_space<vmem>>
      %dma_wait3A_236 = tpu.memref_squeeze %dma_wait3A_235 : memref<1x128xi32, #tpu.memory_space<vmem>> -> memref<128xi32, #tpu.memory_space<vmem>>
      %dma_wait3A_237 = arith.constant 0 : i32
      %dma_wait3A_238 = tpu.memref_slice %arg3[%dma_wait3A_232, %dma_wait3A_237] : memref<2528x128xi32, #tpu.memory_space<hbm>> -> memref<1x128xi32, #tpu.memory_space<hbm>>
      %dma_wait3A_239 = tpu.memref_squeeze %dma_wait3A_238 : memref<1x128xi32, #tpu.memory_space<hbm>> -> memref<128xi32, #tpu.memory_space<hbm>>
      %dma_wait3A_240 = arith.constant 0 : i32
      %dma_wait3A_241 = tpu.memref_slice %arg7[%dma_wait3A_233, %dma_wait3A_240] : memref<1x128xi32, #tpu.memory_space<vmem>> -> memref<1x128xi32, #tpu.memory_space<vmem>>
      %dma_wait3A_242 = tpu.memref_squeeze %dma_wait3A_241 : memref<1x128xi32, #tpu.memory_space<vmem>> -> memref<128xi32, #tpu.memory_space<vmem>>
      %dma_wait3A_243 = arith.constant 0 : i32
      %dma_wait3A_244 = tpu.memref_slice %arg3[%dma_wait3A_232, %dma_wait3A_243] : memref<2528x128xi32, #tpu.memory_space<hbm>> -> memref<1x128xi32, #tpu.memory_space<hbm>>
      %dma_wait3A_245 = tpu.memref_squeeze %dma_wait3A_244 : memref<1x128xi32, #tpu.memory_space<hbm>> -> memref<128xi32, #tpu.memory_space<hbm>>
      tpu.wait_dma2 semaphore(%arg14 : memref<!tpu.dma_semaphore, #tpu.memory_space<semaphore_mem>>) src(%dma_wait3A_245 : memref<128xi32, #tpu.memory_space<hbm>>) dst(%dma_wait3A_242 : memref<128xi32, #tpu.memory_space<vmem>>)
      %dma_wait3A_246 = arith.constant 0 : i32
      %dma_wait3A_247 = arith.constant 0 : i32
      %dma_wait3A_248 = arith.constant 0 : i32
      %dma_wait3A_249 = tpu.memref_slice %arg9[%dma_wait3A_247, %dma_wait3A_248] : memref<1x128xi32, #tpu.memory_space<vmem>> -> memref<1x128xi32, #tpu.memory_space<vmem>>
      %dma_wait3A_250 = tpu.memref_squeeze %dma_wait3A_249 : memref<1x128xi32, #tpu.memory_space<vmem>> -> memref<128xi32, #tpu.memory_space<vmem>>
      %dma_wait3A_251 = arith.constant 0 : i32
      %dma_wait3A_252 = tpu.memref_slice %arg4[%dma_wait3A_246, %dma_wait3A_251] : memref<2528x128xi32, #tpu.memory_space<hbm>> -> memref<1x128xi32, #tpu.memory_space<hbm>>
      %dma_wait3A_253 = tpu.memref_squeeze %dma_wait3A_252 : memref<1x128xi32, #tpu.memory_space<hbm>> -> memref<128xi32, #tpu.memory_space<hbm>>
      %dma_wait3A_254 = arith.constant 0 : i32
      %dma_wait3A_255 = tpu.memref_slice %arg9[%dma_wait3A_247, %dma_wait3A_254] : memref<1x128xi32, #tpu.memory_space<vmem>> -> memref<1x128xi32, #tpu.memory_space<vmem>>
      %dma_wait3A_256 = tpu.memref_squeeze %dma_wait3A_255 : memref<1x128xi32, #tpu.memory_space<vmem>> -> memref<128xi32, #tpu.memory_space<vmem>>
      %dma_wait3A_257 = arith.constant 0 : i32
      %dma_wait3A_258 = tpu.memref_slice %arg4[%dma_wait3A_246, %dma_wait3A_257] : memref<2528x128xi32, #tpu.memory_space<hbm>> -> memref<1x128xi32, #tpu.memory_space<hbm>>
      %dma_wait3A_259 = tpu.memref_squeeze %dma_wait3A_258 : memref<1x128xi32, #tpu.memory_space<hbm>> -> memref<128xi32, #tpu.memory_space<hbm>>
      tpu.wait_dma2 semaphore(%arg14 : memref<!tpu.dma_semaphore, #tpu.memory_space<semaphore_mem>>) src(%dma_wait3A_259 : memref<128xi32, #tpu.memory_space<hbm>>) dst(%dma_wait3A_256 : memref<128xi32, #tpu.memory_space<vmem>>)
      %dma_start3A_260 = arith.constant 0 : i32
      %dma_start3A_261 = arith.constant 0 : i32
      %dma_start3A_262 = tpu.memref_slice %arg7[%dma_start3A_260, %dma_start3A_261] : memref<1x128xi32, #tpu.memory_space<vmem>> -> memref<1x128xi32, #tpu.memory_space<vmem>>
      %dma_start3A_263 = tpu.memref_squeeze %dma_start3A_262 : memref<1x128xi32, #tpu.memory_space<vmem>> -> memref<128xi32, #tpu.memory_space<vmem>>
      %dma_start3A_264 = arith.constant 0 : i32
      %dma_start3A_265 = arith.constant 0 : i32
      %dma_start3A_266 = tpu.memref_slice %arg2[%dma_start3A_264, %dma_start3A_265] : memref<10240x128xf32, #tpu.memory_space<hbm>> -> memref<10240x128xf32, #tpu.memory_space<hbm>>
      tpu.enqueue_indirect_dma source(%dma_start3A_266 : memref<10240x128xf32, #tpu.memory_space<hbm>>) target(%arg11 : memref<128x128xf32, #tpu.memory_space<vmem>>) offsets(%dma_start3A_263 : memref<128xi32, #tpu.memory_space<vmem>>) semaphore(%arg16 : memref<!tpu.dma_semaphore, #tpu.memory_space<semaphore_mem>>)
      %run_scoped3A_267 = arith.constant 0 : i32
      "tpu.region"() ({
        %run_scoped3A_273 = tpu.sem_alloc : memref<!tpu.dma_semaphore, #tpu.memory_space<semaphore_mem>>
        %dma_start3A_274 = arith.constant 0 : i32
        %dma_start3A_275 = tpu.memref_slice %arg10[%run_scoped3A_267, %dma_start3A_274] : memref<1x128xi32, #tpu.memory_space<vmem>> -> memref<1x128xi32, #tpu.memory_space<vmem>>
        %dma_start3A_276 = tpu.memref_squeeze %dma_start3A_275 : memref<1x128xi32, #tpu.memory_space<vmem>> -> memref<128xi32, #tpu.memory_space<vmem>>
        %dma_start3A_277 = arith.constant 0 : i32
        %dma_start3A_278 = arith.constant 0 : i32
        %dma_start3A_279 = tpu.memref_slice %arg13[%dma_start3A_277, %dma_start3A_278] : memref<10240x128xf32, #tpu.memory_space<vmem_shared>> -> memref<10240x128xf32, #tpu.memory_space<vmem_shared>>
        tpu.enqueue_indirect_dma source(%arg12 : memref<128x128xf32, #tpu.memory_space<vmem>>) target(%dma_start3A_279 : memref<10240x128xf32, #tpu.memory_space<vmem_shared>>) offsets(%dma_start3A_276 : memref<128xi32, #tpu.memory_space<vmem>>) semaphore(%run_scoped3A_273 : memref<!tpu.dma_semaphore, #tpu.memory_space<semaphore_mem>>) {add = true}
        %dma_wait3A_280 = arith.constant 0 : i32
        %dma_wait3A_281 = tpu.memref_slice %arg10[%run_scoped3A_267, %dma_wait3A_280] : memref<1x128xi32, #tpu.memory_space<vmem>> -> memref<1x128xi32, #tpu.memory_space<vmem>>
        %dma_wait3A_282 = tpu.memref_squeeze %dma_wait3A_281 : memref<1x128xi32, #tpu.memory_space<vmem>> -> memref<128xi32, #tpu.memory_space<vmem>>
        %dma_wait3A_283 = arith.constant 0 : i32
        %dma_wait3A_284 = arith.constant 0 : i32
        %dma_wait3A_285 = tpu.memref_slice %arg13[%dma_wait3A_283, %dma_wait3A_284] : memref<10240x128xf32, #tpu.memory_space<vmem_shared>> -> memref<10240x128xf32, #tpu.memory_space<vmem_shared>>
        tpu.wait_indirect_dma semaphore(%run_scoped3A_273 : memref<!tpu.dma_semaphore, #tpu.memory_space<semaphore_mem>>) src(%arg12 : memref<128x128xf32, #tpu.memory_space<vmem>>) dst(%dma_wait3A_285 : memref<10240x128xf32, #tpu.memory_space<vmem_shared>>)
        tpu.yield
      }) : () -> ()
      %add3A_268 = arith.constant 3 : i32
      %add3A_269 = arith.addi %mul3A_151, %add3A_268 : i32
      %lt3A = arith.cmpi slt, %add3A_269, %select_n3A : i32
      %convert_element_type3A_270 = arith.extui %lt3A : i1 to i32
      %cond3A_271 = arith.constant 0 : i32
      %cond3A_272 = arith.cmpi ne, %convert_element_type3A_270, %cond3A_271 : i32
      scf.if %cond3A_272 {
        %add3A_273 = arith.constant 3 : i32
        %add3A_274 = arith.addi %mul3A_151, %add3A_273 : i32
        %add3A_275 = arith.addi %select_n3A_8, %add3A_274 : i32
        %dma_start3A_276 = arith.constant 0 : i32
        %dma_start3A_277 = arith.constant 0 : i32
        %dma_start3A_278 = tpu.memref_slice %arg8[%dma_start3A_276, %dma_start3A_277] : memref<1x128xi32, #tpu.memory_space<vmem>> -> memref<1x128xi32, #tpu.memory_space<vmem>>
        %dma_start3A_279 = tpu.memref_squeeze %dma_start3A_278 : memref<1x128xi32, #tpu.memory_space<vmem>> -> memref<128xi32, #tpu.memory_space<vmem>>
        %dma_start3A_280 = arith.constant 0 : i32
        %dma_start3A_281 = tpu.memref_slice %arg3[%add3A_275, %dma_start3A_280] : memref<2528x128xi32, #tpu.memory_space<hbm>> -> memref<1x128xi32, #tpu.memory_space<hbm>>
        %dma_start3A_282 = tpu.memref_squeeze %dma_start3A_281 : memref<1x128xi32, #tpu.memory_space<hbm>> -> memref<128xi32, #tpu.memory_space<hbm>>
        %dma_start3A_283 = arith.constant 0 : i32
        %dma_start3A_284 = tpu.memref_slice %arg8[%dma_start3A_276, %dma_start3A_283] : memref<1x128xi32, #tpu.memory_space<vmem>> -> memref<1x128xi32, #tpu.memory_space<vmem>>
        %dma_start3A_285 = tpu.memref_squeeze %dma_start3A_284 : memref<1x128xi32, #tpu.memory_space<vmem>> -> memref<128xi32, #tpu.memory_space<vmem>>
        %dma_start3A_286 = arith.constant 0 : i32
        %dma_start3A_287 = tpu.memref_slice %arg3[%add3A_275, %dma_start3A_286] : memref<2528x128xi32, #tpu.memory_space<hbm>> -> memref<1x128xi32, #tpu.memory_space<hbm>>
        %dma_start3A_288 = tpu.memref_squeeze %dma_start3A_287 : memref<1x128xi32, #tpu.memory_space<hbm>> -> memref<128xi32, #tpu.memory_space<hbm>>
        tpu.enqueue_dma source(%dma_start3A_288 : memref<128xi32, #tpu.memory_space<hbm>>) target(%dma_start3A_285 : memref<128xi32, #tpu.memory_space<vmem>>) target_semaphore(%arg15 : memref<!tpu.dma_semaphore, #tpu.memory_space<semaphore_mem>>)
        %add3A_289 = arith.addi %select_n3A_8, %add3A_274 : i32
        %dma_start3A_290 = arith.constant 0 : i32
        %dma_start3A_291 = arith.constant 0 : i32
        %dma_start3A_292 = tpu.memref_slice %arg10[%dma_start3A_290, %dma_start3A_291] : memref<1x128xi32, #tpu.memory_space<vmem>> -> memref<1x128xi32, #tpu.memory_space<vmem>>
        %dma_start3A_293 = tpu.memref_squeeze %dma_start3A_292 : memref<1x128xi32, #tpu.memory_space<vmem>> -> memref<128xi32, #tpu.memory_space<vmem>>
        %dma_start3A_294 = arith.constant 0 : i32
        %dma_start3A_295 = tpu.memref_slice %arg4[%add3A_289, %dma_start3A_294] : memref<2528x128xi32, #tpu.memory_space<hbm>> -> memref<1x128xi32, #tpu.memory_space<hbm>>
        %dma_start3A_296 = tpu.memref_squeeze %dma_start3A_295 : memref<1x128xi32, #tpu.memory_space<hbm>> -> memref<128xi32, #tpu.memory_space<hbm>>
        %dma_start3A_297 = arith.constant 0 : i32
        %dma_start3A_298 = tpu.memref_slice %arg10[%dma_start3A_290, %dma_start3A_297] : memref<1x128xi32, #tpu.memory_space<vmem>> -> memref<1x128xi32, #tpu.memory_space<vmem>>
        %dma_start3A_299 = tpu.memref_squeeze %dma_start3A_298 : memref<1x128xi32, #tpu.memory_space<vmem>> -> memref<128xi32, #tpu.memory_space<vmem>>
        %dma_start3A_300 = arith.constant 0 : i32
        %dma_start3A_301 = tpu.memref_slice %arg4[%add3A_289, %dma_start3A_300] : memref<2528x128xi32, #tpu.memory_space<hbm>> -> memref<1x128xi32, #tpu.memory_space<hbm>>
        %dma_start3A_302 = tpu.memref_squeeze %dma_start3A_301 : memref<1x128xi32, #tpu.memory_space<hbm>> -> memref<128xi32, #tpu.memory_space<hbm>>
        tpu.enqueue_dma source(%dma_start3A_302 : memref<128xi32, #tpu.memory_space<hbm>>) target(%dma_start3A_299 : memref<128xi32, #tpu.memory_space<vmem>>) target_semaphore(%arg15 : memref<!tpu.dma_semaphore, #tpu.memory_space<semaphore_mem>>)
      } else {
      }
    }
    %dma_wait3A_141 = arith.constant 0 : i32
    %dma_wait3A_142 = arith.constant 0 : i32
    %dma_wait3A_143 = tpu.memref_slice %arg7[%dma_wait3A_141, %dma_wait3A_142] : memref<1x128xi32, #tpu.memory_space<vmem>> -> memref<1x128xi32, #tpu.memory_space<vmem>>
    %dma_wait3A_144 = tpu.memref_squeeze %dma_wait3A_143 : memref<1x128xi32, #tpu.memory_space<vmem>> -> memref<128xi32, #tpu.memory_space<vmem>>
    %dma_wait3A_145 = arith.constant 0 : i32
    %dma_wait3A_146 = arith.constant 0 : i32
    %dma_wait3A_147 = tpu.memref_slice %arg2[%dma_wait3A_145, %dma_wait3A_146] : memref<10240x128xf32, #tpu.memory_space<hbm>> -> memref<10240x128xf32, #tpu.memory_space<hbm>>
    tpu.wait_indirect_dma semaphore(%arg16 : memref<!tpu.dma_semaphore, #tpu.memory_space<semaphore_mem>>) src(%dma_wait3A_147 : memref<10240x128xf32, #tpu.memory_space<hbm>>) dst(%arg11 : memref<128x128xf32, #tpu.memory_space<vmem>>)
    %run_scoped3A = arith.constant 0 : i32
    "tpu.region"() ({
      %run_scoped3A_149 = tpu.sem_alloc : memref<!tpu.dma_semaphore, #tpu.memory_space<semaphore_mem>>
      %dma_start3A_150 = arith.constant 0 : i32
      %dma_start3A_151 = tpu.memref_slice %arg9[%run_scoped3A, %dma_start3A_150] : memref<1x128xi32, #tpu.memory_space<vmem>> -> memref<1x128xi32, #tpu.memory_space<vmem>>
      %dma_start3A_152 = tpu.memref_squeeze %dma_start3A_151 : memref<1x128xi32, #tpu.memory_space<vmem>> -> memref<128xi32, #tpu.memory_space<vmem>>
      %dma_start3A_153 = arith.constant 0 : i32
      %dma_start3A_154 = arith.constant 0 : i32
      %dma_start3A_155 = tpu.memref_slice %arg13[%dma_start3A_153, %dma_start3A_154] : memref<10240x128xf32, #tpu.memory_space<vmem_shared>> -> memref<10240x128xf32, #tpu.memory_space<vmem_shared>>
      tpu.enqueue_indirect_dma source(%arg11 : memref<128x128xf32, #tpu.memory_space<vmem>>) target(%dma_start3A_155 : memref<10240x128xf32, #tpu.memory_space<vmem_shared>>) offsets(%dma_start3A_152 : memref<128xi32, #tpu.memory_space<vmem>>) semaphore(%run_scoped3A_149 : memref<!tpu.dma_semaphore, #tpu.memory_space<semaphore_mem>>) {add = true}
      %dma_wait3A_156 = arith.constant 0 : i32
      %dma_wait3A_157 = tpu.memref_slice %arg9[%run_scoped3A, %dma_wait3A_156] : memref<1x128xi32, #tpu.memory_space<vmem>> -> memref<1x128xi32, #tpu.memory_space<vmem>>
      %dma_wait3A_158 = tpu.memref_squeeze %dma_wait3A_157 : memref<1x128xi32, #tpu.memory_space<vmem>> -> memref<128xi32, #tpu.memory_space<vmem>>
      %dma_wait3A_159 = arith.constant 0 : i32
      %dma_wait3A_160 = arith.constant 0 : i32
      %dma_wait3A_161 = tpu.memref_slice %arg13[%dma_wait3A_159, %dma_wait3A_160] : memref<10240x128xf32, #tpu.memory_space<vmem_shared>> -> memref<10240x128xf32, #tpu.memory_space<vmem_shared>>
      tpu.wait_indirect_dma semaphore(%run_scoped3A_149 : memref<!tpu.dma_semaphore, #tpu.memory_space<semaphore_mem>>) src(%arg11 : memref<128x128xf32, #tpu.memory_space<vmem>>) dst(%dma_wait3A_161 : memref<10240x128xf32, #tpu.memory_space<vmem_shared>>)
      tpu.yield
    }) : () -> ()
    %barrier3A_148 = arith.constant 0 : index
    tpu.barrier barrier_id(%barrier3A_148)
    "tpu.region"() ({
      %run_scoped3A_149 = tpu.sem_alloc : memref<!tpu.dma_semaphore, #tpu.memory_space<semaphore_mem>>
      %dma_start3A_150 = arith.constant 0 : i32
      %dma_start3A_151 = arith.constant 0 : i32
      %dma_start3A_152 = tpu.memref_slice %arg6[%arg0, %dma_start3A_150, %dma_start3A_151] : memref<2x10240x128xf32, #tpu.memory_space<hbm>> -> memref<1x10240x128xf32, #tpu.memory_space<hbm>>
      %dma_start3A_153 = tpu.memref_squeeze %dma_start3A_152 : memref<1x10240x128xf32, #tpu.memory_space<hbm>> -> memref<10240x128xf32, #tpu.memory_space<hbm>>
      %dma_start3A_154 = arith.constant 0 : i32
      %dma_start3A_155 = tpu.memref_slice %dma_start3A_153[%mul3A_10, %dma_start3A_154] : memref<10240x128xf32, #tpu.memory_space<hbm>> -> memref<640x128xf32, #tpu.memory_space<hbm>>
      %dma_start3A_156 = arith.constant 0 : i32
      %dma_start3A_157 = tpu.memref_slice %arg13[%mul3A_10, %dma_start3A_156] : memref<10240x128xf32, #tpu.memory_space<vmem_shared>> -> memref<640x128xf32, #tpu.memory_space<vmem_shared>>
      tpu.enqueue_dma source(%dma_start3A_157 : memref<640x128xf32, #tpu.memory_space<vmem_shared>>) target(%dma_start3A_155 : memref<640x128xf32, #tpu.memory_space<hbm>>) target_semaphore(%run_scoped3A_149 : memref<!tpu.dma_semaphore, #tpu.memory_space<semaphore_mem>>)
      %dma_wait3A_158 = arith.constant 0 : i32
      %dma_wait3A_159 = arith.constant 0 : i32
      %dma_wait3A_160 = tpu.memref_slice %arg6[%arg0, %dma_wait3A_158, %dma_wait3A_159] : memref<2x10240x128xf32, #tpu.memory_space<hbm>> -> memref<1x10240x128xf32, #tpu.memory_space<hbm>>
      %dma_wait3A_161 = tpu.memref_squeeze %dma_wait3A_160 : memref<1x10240x128xf32, #tpu.memory_space<hbm>> -> memref<10240x128xf32, #tpu.memory_space<hbm>>
      %dma_wait3A_162 = arith.constant 0 : i32
      %dma_wait3A_163 = tpu.memref_slice %dma_wait3A_161[%mul3A_10, %dma_wait3A_162] : memref<10240x128xf32, #tpu.memory_space<hbm>> -> memref<640x128xf32, #tpu.memory_space<hbm>>
      %dma_wait3A_164 = arith.constant 0 : i32
      %dma_wait3A_165 = tpu.memref_slice %arg13[%mul3A_10, %dma_wait3A_164] : memref<10240x128xf32, #tpu.memory_space<vmem_shared>> -> memref<640x128xf32, #tpu.memory_space<vmem_shared>>
      tpu.wait_dma2 semaphore(%run_scoped3A_149 : memref<!tpu.dma_semaphore, #tpu.memory_space<semaphore_mem>>) src(%dma_wait3A_165 : memref<640x128xf32, #tpu.memory_space<vmem_shared>>) dst(%dma_wait3A_163 : memref<640x128xf32, #tpu.memory_space<hbm>>)
      tpu.yield
    }) : () -> ()
    return
  }
}

#map = affine_map<(d0, d1) -> (0, 0)>
#map1 = affine_map<(d0, d1) -> (0, 0, 0)>
module attributes {stable_mosaic.version = 14 : i64} {
  func.func @_sc_aggregate_body(%arg0: i32, %arg1: i32, %arg2: memref<10240x128xf32, #tpu.memory_space<hbm>>, %arg3: memref<2528x128xi32, #tpu.memory_space<hbm>>, %arg4: memref<2528x128xi32, #tpu.memory_space<hbm>>, %arg5: memref<10240x128xf32, #tpu.memory_space<hbm>>, %arg6: memref<2x10240x128xf32, #tpu.memory_space<hbm>>, %arg7: memref<1x128xi32, #tpu.memory_space<vmem>>, %arg8: memref<1x128xi32, #tpu.memory_space<vmem>>, %arg9: memref<1x128xi32, #tpu.memory_space<vmem>>, %arg10: memref<1x128xi32, #tpu.memory_space<vmem>>, %arg11: memref<128x128xf32, #tpu.memory_space<vmem>>, %arg12: memref<128x128xf32, #tpu.memory_space<vmem>>, %arg13: memref<10240x128xf32, #tpu.memory_space<vmem_shared>>, %arg14: memref<!tpu.dma_semaphore, #tpu.memory_space<semaphore_mem>>, %arg15: memref<!tpu.dma_semaphore, #tpu.memory_space<semaphore_mem>>, %arg16: memref<!tpu.dma_semaphore, #tpu.memory_space<semaphore_mem>>, %arg17: memref<!tpu.dma_semaphore, #tpu.memory_space<semaphore_mem>>) attributes {dimension_semantics = [#tpu.dimension_semantics<core_parallel>, #tpu.dimension_semantics<subcore_parallel>], iteration_bounds = array<i64: 2, 16>, scalar_prefetch = 0 : i64, scratch_operands = 11 : i64, tpu.core_type = #tpu.core_type<sc_vector_subcore>, window_params = [{transform_indices = #map}, {transform_indices = #map}, {transform_indices = #map}, {transform_indices = #map}, {transform_indices = #map1}]} {
    %eq3A = arith.constant 0 : i32
    %eq3A_0 = arith.cmpi eq, %arg0, %eq3A : i32
    %jit3A = arith.constant 105 : i32
    %jit3A_1 = arith.constant 53 : i32
    %select_n3A = arith.select %eq3A_0, %jit3A, %jit3A_1 : i32
    %eq3A_2 = arith.constant 0 : i32
    %eq3A_3 = arith.cmpi eq, %arg0, %eq3A_2 : i32
    %mul3A = arith.constant 105 : i32
    %mul3A_4 = arith.muli %arg1, %mul3A : i32
    %mul3A_5 = arith.constant 53 : i32
    %mul3A_6 = arith.muli %arg1, %mul3A_5 : i32
    %add3A = arith.constant 1680 : i32
    %add3A_7 = arith.addi %add3A, %mul3A_6 : i32
    %select_n3A_8 = arith.select %eq3A_3, %mul3A_4, %add3A_7 : i32
    %mul3A_9 = arith.constant 640 : i32
    %mul3A_10 = arith.muli %arg1, %mul3A_9 : i32
    %eq3A_11 = arith.constant 0 : i32
    %eq3A_12 = arith.cmpi eq, %arg0, %eq3A_11 : i32
    %convert_element_type3A = arith.extui %eq3A_12 : i1 to i32
    %cond3A = arith.constant 0 : i32
    %cond3A_13 = arith.cmpi ne, %convert_element_type3A, %cond3A : i32
    scf.if %cond3A_13 {
      "tpu.region"() ({
        %run_scoped3A_149 = tpu.sem_alloc : memref<!tpu.dma_semaphore, #tpu.memory_space<semaphore_mem>>
        %dma_start3A_150 = arith.constant 0 : i32
        %dma_start3A_151 = tpu.memref_slice %arg13[%mul3A_10, %dma_start3A_150] : memref<10240x128xf32, #tpu.memory_space<vmem_shared>> -> memref<640x128xf32, #tpu.memory_space<vmem_shared>>
        %dma_start3A_152 = arith.constant 0 : i32
        %dma_start3A_153 = tpu.memref_slice %arg2[%mul3A_10, %dma_start3A_152] : memref<10240x128xf32, #tpu.memory_space<hbm>> -> memref<640x128xf32, #tpu.memory_space<hbm>>
        tpu.enqueue_dma source(%dma_start3A_153 : memref<640x128xf32, #tpu.memory_space<hbm>>) target(%dma_start3A_151 : memref<640x128xf32, #tpu.memory_space<vmem_shared>>) target_semaphore(%run_scoped3A_149 : memref<!tpu.dma_semaphore, #tpu.memory_space<semaphore_mem>>)
        %dma_wait3A_154 = arith.constant 0 : i32
        %dma_wait3A_155 = tpu.memref_slice %arg13[%mul3A_10, %dma_wait3A_154] : memref<10240x128xf32, #tpu.memory_space<vmem_shared>> -> memref<640x128xf32, #tpu.memory_space<vmem_shared>>
        %dma_wait3A_156 = arith.constant 0 : i32
        %dma_wait3A_157 = tpu.memref_slice %arg2[%mul3A_10, %dma_wait3A_156] : memref<10240x128xf32, #tpu.memory_space<hbm>> -> memref<640x128xf32, #tpu.memory_space<hbm>>
        tpu.wait_dma2 semaphore(%run_scoped3A_149 : memref<!tpu.dma_semaphore, #tpu.memory_space<semaphore_mem>>) src(%dma_wait3A_157 : memref<640x128xf32, #tpu.memory_space<hbm>>) dst(%dma_wait3A_155 : memref<640x128xf32, #tpu.memory_space<vmem_shared>>)
        tpu.yield
      }) : () -> ()
    } else {
    }
    %eq3A_14 = arith.constant 1 : i32
    %eq3A_15 = arith.cmpi eq, %arg0, %eq3A_14 : i32
    %convert_element_type3A_16 = arith.extui %eq3A_15 : i1 to i32
    %cond3A_17 = arith.constant 0 : i32
    %cond3A_18 = arith.cmpi ne, %convert_element_type3A_16, %cond3A_17 : i32
    scf.if %cond3A_18 {
      "tpu.region"() ({
        %run_scoped3A_149 = tpu.sem_alloc : memref<!tpu.dma_semaphore, #tpu.memory_space<semaphore_mem>>
        %dma_start3A_150 = arith.constant 0 : i32
        %dma_start3A_151 = tpu.memref_slice %arg13[%mul3A_10, %dma_start3A_150] : memref<10240x128xf32, #tpu.memory_space<vmem_shared>> -> memref<640x128xf32, #tpu.memory_space<vmem_shared>>
        %dma_start3A_152 = arith.constant 0 : i32
        %dma_start3A_153 = tpu.memref_slice %arg5[%mul3A_10, %dma_start3A_152] : memref<10240x128xf32, #tpu.memory_space<hbm>> -> memref<640x128xf32, #tpu.memory_space<hbm>>
        tpu.enqueue_dma source(%dma_start3A_153 : memref<640x128xf32, #tpu.memory_space<hbm>>) target(%dma_start3A_151 : memref<640x128xf32, #tpu.memory_space<vmem_shared>>) target_semaphore(%run_scoped3A_149 : memref<!tpu.dma_semaphore, #tpu.memory_space<semaphore_mem>>)
        %dma_wait3A_154 = arith.constant 0 : i32
        %dma_wait3A_155 = tpu.memref_slice %arg13[%mul3A_10, %dma_wait3A_154] : memref<10240x128xf32, #tpu.memory_space<vmem_shared>> -> memref<640x128xf32, #tpu.memory_space<vmem_shared>>
        %dma_wait3A_156 = arith.constant 0 : i32
        %dma_wait3A_157 = tpu.memref_slice %arg5[%mul3A_10, %dma_wait3A_156] : memref<10240x128xf32, #tpu.memory_space<hbm>> -> memref<640x128xf32, #tpu.memory_space<hbm>>
        tpu.wait_dma2 semaphore(%run_scoped3A_149 : memref<!tpu.dma_semaphore, #tpu.memory_space<semaphore_mem>>) src(%dma_wait3A_157 : memref<640x128xf32, #tpu.memory_space<hbm>>) dst(%dma_wait3A_155 : memref<640x128xf32, #tpu.memory_space<vmem_shared>>)
        tpu.yield
      }) : () -> ()
    } else {
    }
    %add3A_19 = arith.constant 0 : i32
    %add3A_20 = arith.addi %select_n3A_8, %add3A_19 : i32
    %dma_start3A = arith.constant 0 : i32
    %dma_start3A_21 = arith.constant 0 : i32
    %dma_start3A_22 = tpu.memref_slice %arg7[%dma_start3A, %dma_start3A_21] : memref<1x128xi32, #tpu.memory_space<vmem>> -> memref<1x128xi32, #tpu.memory_space<vmem>>
    %dma_start3A_23 = tpu.memref_squeeze %dma_start3A_22 : memref<1x128xi32, #tpu.memory_space<vmem>> -> memref<128xi32, #tpu.memory_space<vmem>>
    %dma_start3A_24 = arith.constant 0 : i32
    %dma_start3A_25 = tpu.memref_slice %arg3[%add3A_20, %dma_start3A_24] : memref<2528x128xi32, #tpu.memory_space<hbm>> -> memref<1x128xi32, #tpu.memory_space<hbm>>
    %dma_start3A_26 = tpu.memref_squeeze %dma_start3A_25 : memref<1x128xi32, #tpu.memory_space<hbm>> -> memref<128xi32, #tpu.memory_space<hbm>>
    %dma_start3A_27 = arith.constant 0 : i32
    %dma_start3A_28 = tpu.memref_slice %arg7[%dma_start3A, %dma_start3A_27] : memref<1x128xi32, #tpu.memory_space<vmem>> -> memref<1x128xi32, #tpu.memory_space<vmem>>
    %dma_start3A_29 = tpu.memref_squeeze %dma_start3A_28 : memref<1x128xi32, #tpu.memory_space<vmem>> -> memref<128xi32, #tpu.memory_space<vmem>>
    %dma_start3A_30 = arith.constant 0 : i32
    %dma_start3A_31 = tpu.memref_slice %arg3[%add3A_20, %dma_start3A_30] : memref<2528x128xi32, #tpu.memory_space<hbm>> -> memref<1x128xi32, #tpu.memory_space<hbm>>
    %dma_start3A_32 = tpu.memref_squeeze %dma_start3A_31 : memref<1x128xi32, #tpu.memory_space<hbm>> -> memref<128xi32, #tpu.memory_space<hbm>>
    tpu.enqueue_dma source(%dma_start3A_32 : memref<128xi32, #tpu.memory_space<hbm>>) target(%dma_start3A_29 : memref<128xi32, #tpu.memory_space<vmem>>) target_semaphore(%arg14 : memref<!tpu.dma_semaphore, #tpu.memory_space<semaphore_mem>>)
    %add3A_33 = arith.constant 0 : i32
    %add3A_34 = arith.addi %select_n3A_8, %add3A_33 : i32
    %dma_start3A_35 = arith.constant 0 : i32
    %dma_start3A_36 = arith.constant 0 : i32
    %dma_start3A_37 = tpu.memref_slice %arg9[%dma_start3A_35, %dma_start3A_36] : memref<1x128xi32, #tpu.memory_space<vmem>> -> memref<1x128xi32, #tpu.memory_space<vmem>>
    %dma_start3A_38 = tpu.memref_squeeze %dma_start3A_37 : memref<1x128xi32, #tpu.memory_space<vmem>> -> memref<128xi32, #tpu.memory_space<vmem>>
    %dma_start3A_39 = arith.constant 0 : i32
    %dma_start3A_40 = tpu.memref_slice %arg4[%add3A_34, %dma_start3A_39] : memref<2528x128xi32, #tpu.memory_space<hbm>> -> memref<1x128xi32, #tpu.memory_space<hbm>>
    %dma_start3A_41 = tpu.memref_squeeze %dma_start3A_40 : memref<1x128xi32, #tpu.memory_space<hbm>> -> memref<128xi32, #tpu.memory_space<hbm>>
    %dma_start3A_42 = arith.constant 0 : i32
    %dma_start3A_43 = tpu.memref_slice %arg9[%dma_start3A_35, %dma_start3A_42] : memref<1x128xi32, #tpu.memory_space<vmem>> -> memref<1x128xi32, #tpu.memory_space<vmem>>
    %dma_start3A_44 = tpu.memref_squeeze %dma_start3A_43 : memref<1x128xi32, #tpu.memory_space<vmem>> -> memref<128xi32, #tpu.memory_space<vmem>>
    %dma_start3A_45 = arith.constant 0 : i32
    %dma_start3A_46 = tpu.memref_slice %arg4[%add3A_34, %dma_start3A_45] : memref<2528x128xi32, #tpu.memory_space<hbm>> -> memref<1x128xi32, #tpu.memory_space<hbm>>
    %dma_start3A_47 = tpu.memref_squeeze %dma_start3A_46 : memref<1x128xi32, #tpu.memory_space<hbm>> -> memref<128xi32, #tpu.memory_space<hbm>>
    tpu.enqueue_dma source(%dma_start3A_47 : memref<128xi32, #tpu.memory_space<hbm>>) target(%dma_start3A_44 : memref<128xi32, #tpu.memory_space<vmem>>) target_semaphore(%arg14 : memref<!tpu.dma_semaphore, #tpu.memory_space<semaphore_mem>>)
    %add3A_48 = arith.constant 1 : i32
    %add3A_49 = arith.addi %select_n3A_8, %add3A_48 : i32
    %dma_start3A_50 = arith.constant 0 : i32
    %dma_start3A_51 = arith.constant 0 : i32
    %dma_start3A_52 = tpu.memref_slice %arg8[%dma_start3A_50, %dma_start3A_51] : memref<1x128xi32, #tpu.memory_space<vmem>> -> memref<1x128xi32, #tpu.memory_space<vmem>>
    %dma_start3A_53 = tpu.memref_squeeze %dma_start3A_52 : memref<1x128xi32, #tpu.memory_space<vmem>> -> memref<128xi32, #tpu.memory_space<vmem>>
    %dma_start3A_54 = arith.constant 0 : i32
    %dma_start3A_55 = tpu.memref_slice %arg3[%add3A_49, %dma_start3A_54] : memref<2528x128xi32, #tpu.memory_space<hbm>> -> memref<1x128xi32, #tpu.memory_space<hbm>>
    %dma_start3A_56 = tpu.memref_squeeze %dma_start3A_55 : memref<1x128xi32, #tpu.memory_space<hbm>> -> memref<128xi32, #tpu.memory_space<hbm>>
    %dma_start3A_57 = arith.constant 0 : i32
    %dma_start3A_58 = tpu.memref_slice %arg8[%dma_start3A_50, %dma_start3A_57] : memref<1x128xi32, #tpu.memory_space<vmem>> -> memref<1x128xi32, #tpu.memory_space<vmem>>
    %dma_start3A_59 = tpu.memref_squeeze %dma_start3A_58 : memref<1x128xi32, #tpu.memory_space<vmem>> -> memref<128xi32, #tpu.memory_space<vmem>>
    %dma_start3A_60 = arith.constant 0 : i32
    %dma_start3A_61 = tpu.memref_slice %arg3[%add3A_49, %dma_start3A_60] : memref<2528x128xi32, #tpu.memory_space<hbm>> -> memref<1x128xi32, #tpu.memory_space<hbm>>
    %dma_start3A_62 = tpu.memref_squeeze %dma_start3A_61 : memref<1x128xi32, #tpu.memory_space<hbm>> -> memref<128xi32, #tpu.memory_space<hbm>>
    tpu.enqueue_dma source(%dma_start3A_62 : memref<128xi32, #tpu.memory_space<hbm>>) target(%dma_start3A_59 : memref<128xi32, #tpu.memory_space<vmem>>) target_semaphore(%arg15 : memref<!tpu.dma_semaphore, #tpu.memory_space<semaphore_mem>>)
    %add3A_63 = arith.constant 1 : i32
    %add3A_64 = arith.addi %select_n3A_8, %add3A_63 : i32
    %dma_start3A_65 = arith.constant 0 : i32
    %dma_start3A_66 = arith.constant 0 : i32
    %dma_start3A_67 = tpu.memref_slice %arg10[%dma_start3A_65, %dma_start3A_66] : memref<1x128xi32, #tpu.memory_space<vmem>> -> memref<1x128xi32, #tpu.memory_space<vmem>>
    %dma_start3A_68 = tpu.memref_squeeze %dma_start3A_67 : memref<1x128xi32, #tpu.memory_space<vmem>> -> memref<128xi32, #tpu.memory_space<vmem>>
    %dma_start3A_69 = arith.constant 0 : i32
    %dma_start3A_70 = tpu.memref_slice %arg4[%add3A_64, %dma_start3A_69] : memref<2528x128xi32, #tpu.memory_space<hbm>> -> memref<1x128xi32, #tpu.memory_space<hbm>>
    %dma_start3A_71 = tpu.memref_squeeze %dma_start3A_70 : memref<1x128xi32, #tpu.memory_space<hbm>> -> memref<128xi32, #tpu.memory_space<hbm>>
    %dma_start3A_72 = arith.constant 0 : i32
    %dma_start3A_73 = tpu.memref_slice %arg10[%dma_start3A_65, %dma_start3A_72] : memref<1x128xi32, #tpu.memory_space<vmem>> -> memref<1x128xi32, #tpu.memory_space<vmem>>
    %dma_start3A_74 = tpu.memref_squeeze %dma_start3A_73 : memref<1x128xi32, #tpu.memory_space<vmem>> -> memref<128xi32, #tpu.memory_space<vmem>>
    %dma_start3A_75 = arith.constant 0 : i32
    %dma_start3A_76 = tpu.memref_slice %arg4[%add3A_64, %dma_start3A_75] : memref<2528x128xi32, #tpu.memory_space<hbm>> -> memref<1x128xi32, #tpu.memory_space<hbm>>
    %dma_start3A_77 = tpu.memref_squeeze %dma_start3A_76 : memref<1x128xi32, #tpu.memory_space<hbm>> -> memref<128xi32, #tpu.memory_space<hbm>>
    tpu.enqueue_dma source(%dma_start3A_77 : memref<128xi32, #tpu.memory_space<hbm>>) target(%dma_start3A_74 : memref<128xi32, #tpu.memory_space<vmem>>) target_semaphore(%arg15 : memref<!tpu.dma_semaphore, #tpu.memory_space<semaphore_mem>>)
    %dma_wait3A = arith.constant 0 : i32
    %dma_wait3A_78 = arith.constant 0 : i32
    %dma_wait3A_79 = arith.constant 0 : i32
    %dma_wait3A_80 = tpu.memref_slice %arg7[%dma_wait3A_78, %dma_wait3A_79] : memref<1x128xi32, #tpu.memory_space<vmem>> -> memref<1x128xi32, #tpu.memory_space<vmem>>
    %dma_wait3A_81 = tpu.memref_squeeze %dma_wait3A_80 : memref<1x128xi32, #tpu.memory_space<vmem>> -> memref<128xi32, #tpu.memory_space<vmem>>
    %dma_wait3A_82 = arith.constant 0 : i32
    %dma_wait3A_83 = tpu.memref_slice %arg3[%dma_wait3A, %dma_wait3A_82] : memref<2528x128xi32, #tpu.memory_space<hbm>> -> memref<1x128xi32, #tpu.memory_space<hbm>>
    %dma_wait3A_84 = tpu.memref_squeeze %dma_wait3A_83 : memref<1x128xi32, #tpu.memory_space<hbm>> -> memref<128xi32, #tpu.memory_space<hbm>>
    %dma_wait3A_85 = arith.constant 0 : i32
    %dma_wait3A_86 = tpu.memref_slice %arg7[%dma_wait3A_78, %dma_wait3A_85] : memref<1x128xi32, #tpu.memory_space<vmem>> -> memref<1x128xi32, #tpu.memory_space<vmem>>
    %dma_wait3A_87 = tpu.memref_squeeze %dma_wait3A_86 : memref<1x128xi32, #tpu.memory_space<vmem>> -> memref<128xi32, #tpu.memory_space<vmem>>
    %dma_wait3A_88 = arith.constant 0 : i32
    %dma_wait3A_89 = tpu.memref_slice %arg3[%dma_wait3A, %dma_wait3A_88] : memref<2528x128xi32, #tpu.memory_space<hbm>> -> memref<1x128xi32, #tpu.memory_space<hbm>>
    %dma_wait3A_90 = tpu.memref_squeeze %dma_wait3A_89 : memref<1x128xi32, #tpu.memory_space<hbm>> -> memref<128xi32, #tpu.memory_space<hbm>>
    tpu.wait_dma2 semaphore(%arg14 : memref<!tpu.dma_semaphore, #tpu.memory_space<semaphore_mem>>) src(%dma_wait3A_90 : memref<128xi32, #tpu.memory_space<hbm>>) dst(%dma_wait3A_87 : memref<128xi32, #tpu.memory_space<vmem>>)
    %dma_wait3A_91 = arith.constant 0 : i32
    %dma_wait3A_92 = arith.constant 0 : i32
    %dma_wait3A_93 = arith.constant 0 : i32
    %dma_wait3A_94 = tpu.memref_slice %arg9[%dma_wait3A_92, %dma_wait3A_93] : memref<1x128xi32, #tpu.memory_space<vmem>> -> memref<1x128xi32, #tpu.memory_space<vmem>>
    %dma_wait3A_95 = tpu.memref_squeeze %dma_wait3A_94 : memref<1x128xi32, #tpu.memory_space<vmem>> -> memref<128xi32, #tpu.memory_space<vmem>>
    %dma_wait3A_96 = arith.constant 0 : i32
    %dma_wait3A_97 = tpu.memref_slice %arg4[%dma_wait3A_91, %dma_wait3A_96] : memref<2528x128xi32, #tpu.memory_space<hbm>> -> memref<1x128xi32, #tpu.memory_space<hbm>>
    %dma_wait3A_98 = tpu.memref_squeeze %dma_wait3A_97 : memref<1x128xi32, #tpu.memory_space<hbm>> -> memref<128xi32, #tpu.memory_space<hbm>>
    %dma_wait3A_99 = arith.constant 0 : i32
    %dma_wait3A_100 = tpu.memref_slice %arg9[%dma_wait3A_92, %dma_wait3A_99] : memref<1x128xi32, #tpu.memory_space<vmem>> -> memref<1x128xi32, #tpu.memory_space<vmem>>
    %dma_wait3A_101 = tpu.memref_squeeze %dma_wait3A_100 : memref<1x128xi32, #tpu.memory_space<vmem>> -> memref<128xi32, #tpu.memory_space<vmem>>
    %dma_wait3A_102 = arith.constant 0 : i32
    %dma_wait3A_103 = tpu.memref_slice %arg4[%dma_wait3A_91, %dma_wait3A_102] : memref<2528x128xi32, #tpu.memory_space<hbm>> -> memref<1x128xi32, #tpu.memory_space<hbm>>
    %dma_wait3A_104 = tpu.memref_squeeze %dma_wait3A_103 : memref<1x128xi32, #tpu.memory_space<hbm>> -> memref<128xi32, #tpu.memory_space<hbm>>
    tpu.wait_dma2 semaphore(%arg14 : memref<!tpu.dma_semaphore, #tpu.memory_space<semaphore_mem>>) src(%dma_wait3A_104 : memref<128xi32, #tpu.memory_space<hbm>>) dst(%dma_wait3A_101 : memref<128xi32, #tpu.memory_space<vmem>>)
    %dma_start3A_105 = arith.constant 0 : i32
    %dma_start3A_106 = arith.constant 0 : i32
    %dma_start3A_107 = tpu.memref_slice %arg7[%dma_start3A_105, %dma_start3A_106] : memref<1x128xi32, #tpu.memory_space<vmem>> -> memref<1x128xi32, #tpu.memory_space<vmem>>
    %dma_start3A_108 = tpu.memref_squeeze %dma_start3A_107 : memref<1x128xi32, #tpu.memory_space<vmem>> -> memref<128xi32, #tpu.memory_space<vmem>>
    %dma_start3A_109 = arith.constant 0 : i32
    %dma_start3A_110 = arith.constant 0 : i32
    %dma_start3A_111 = tpu.memref_slice %arg2[%dma_start3A_109, %dma_start3A_110] : memref<10240x128xf32, #tpu.memory_space<hbm>> -> memref<10240x128xf32, #tpu.memory_space<hbm>>
    tpu.enqueue_indirect_dma source(%dma_start3A_111 : memref<10240x128xf32, #tpu.memory_space<hbm>>) target(%arg11 : memref<128x128xf32, #tpu.memory_space<vmem>>) offsets(%dma_start3A_108 : memref<128xi32, #tpu.memory_space<vmem>>) semaphore(%arg16 : memref<!tpu.dma_semaphore, #tpu.memory_space<semaphore_mem>>)
    %barrier3A = arith.constant 0 : index
    tpu.barrier barrier_id(%barrier3A)
    %sub3A = arith.constant 1 : i32
    %sub3A_112 = arith.subi %select_n3A, %sub3A : i32
    %jit3A_113 = arith.constant 2 : i32
    %div3A = arith.divsi %sub3A_112, %jit3A_113 : i32
    %sign3A = arith.constant 0 : i32
    %sign3A_114 = arith.cmpi sgt, %sub3A_112, %sign3A : i32
    %sign3A_115 = arith.extui %sign3A_114 : i1 to i32
    %sign3A_116 = arith.constant 0 : i32
    %sign3A_117 = arith.cmpi slt, %sub3A_112, %sign3A_116 : i32
    %sign3A_118 = arith.extui %sign3A_117 : i1 to i32
    %sign3A_119 = arith.subi %sign3A_115, %sign3A_118 : i32
    %sign3A_120 = arith.constant 0 : i32
    %sign3A_121 = arith.cmpi sgt, %jit3A_113, %sign3A_120 : i32
    %sign3A_122 = arith.extui %sign3A_121 : i1 to i32
    %sign3A_123 = arith.constant 0 : i32
    %sign3A_124 = arith.cmpi slt, %jit3A_113, %sign3A_123 : i32
    %sign3A_125 = arith.extui %sign3A_124 : i1 to i32
    %sign3A_126 = arith.subi %sign3A_122, %sign3A_125 : i32
    %ne3A = arith.cmpi ne, %sign3A_119, %sign3A_126 : i32
    %rem3A = arith.remsi %sub3A_112, %jit3A_113 : i32
    %ne3A_127 = arith.constant 0 : i32
    %ne3A_128 = arith.cmpi ne, %rem3A, %ne3A_127 : i32
    %and3A = arith.andi %ne3A, %ne3A_128 : i1
    %sub3A_129 = arith.constant 1 : i32
    %sub3A_130 = arith.subi %div3A, %sub3A_129 : i32
    %select_n3A_131 = arith.select %and3A, %sub3A_130, %div3A : i32
    %while3A = arith.constant 0 : i32
    %while3A_132 = arith.constant 0 : i32
    %while3A_133 = arith.subi %select_n3A_131, %while3A_132 : i32
    %while3A_134 = arith.addi %while3A_132, %while3A_133 : i32
    %while3A_135 = arith.constant 1 : i32
    %while3A_136 = arith.divsi %while3A_133, %while3A_135 : i32
    %while3A_137 = arith.muli %while3A_136, %while3A_135 : i32
    %while3A_138 = arith.addi %while3A_132, %while3A_137 : i32
    %while3A_139 = arith.constant 1 : i32
    scf.for %while3A_149 = %while3A_132 to %while3A_138 step %while3A_139  : i32 {
      %mul3A_150 = arith.constant 2 : i32
      %mul3A_151 = arith.muli %mul3A_150, %while3A_149 : i32
      %dma_wait3A_152 = arith.constant 0 : i32
      %dma_wait3A_153 = arith.constant 0 : i32
      %dma_wait3A_154 = tpu.memref_slice %arg7[%dma_wait3A_152, %dma_wait3A_153] : memref<1x128xi32, #tpu.memory_space<vmem>> -> memref<1x128xi32, #tpu.memory_space<vmem>>
      %dma_wait3A_155 = tpu.memref_squeeze %dma_wait3A_154 : memref<1x128xi32, #tpu.memory_space<vmem>> -> memref<128xi32, #tpu.memory_space<vmem>>
      %dma_wait3A_156 = arith.constant 0 : i32
      %dma_wait3A_157 = arith.constant 0 : i32
      %dma_wait3A_158 = tpu.memref_slice %arg2[%dma_wait3A_156, %dma_wait3A_157] : memref<10240x128xf32, #tpu.memory_space<hbm>> -> memref<10240x128xf32, #tpu.memory_space<hbm>>
      tpu.wait_indirect_dma semaphore(%arg16 : memref<!tpu.dma_semaphore, #tpu.memory_space<semaphore_mem>>) src(%dma_wait3A_158 : memref<10240x128xf32, #tpu.memory_space<hbm>>) dst(%arg11 : memref<128x128xf32, #tpu.memory_space<vmem>>)
      %dma_wait3A_159 = arith.constant 0 : i32
      %dma_wait3A_160 = arith.constant 0 : i32
      %dma_wait3A_161 = arith.constant 0 : i32
      %dma_wait3A_162 = tpu.memref_slice %arg8[%dma_wait3A_160, %dma_wait3A_161] : memref<1x128xi32, #tpu.memory_space<vmem>> -> memref<1x128xi32, #tpu.memory_space<vmem>>
      %dma_wait3A_163 = tpu.memref_squeeze %dma_wait3A_162 : memref<1x128xi32, #tpu.memory_space<vmem>> -> memref<128xi32, #tpu.memory_space<vmem>>
      %dma_wait3A_164 = arith.constant 0 : i32
      %dma_wait3A_165 = tpu.memref_slice %arg3[%dma_wait3A_159, %dma_wait3A_164] : memref<2528x128xi32, #tpu.memory_space<hbm>> -> memref<1x128xi32, #tpu.memory_space<hbm>>
      %dma_wait3A_166 = tpu.memref_squeeze %dma_wait3A_165 : memref<1x128xi32, #tpu.memory_space<hbm>> -> memref<128xi32, #tpu.memory_space<hbm>>
      %dma_wait3A_167 = arith.constant 0 : i32
      %dma_wait3A_168 = tpu.memref_slice %arg8[%dma_wait3A_160, %dma_wait3A_167] : memref<1x128xi32, #tpu.memory_space<vmem>> -> memref<1x128xi32, #tpu.memory_space<vmem>>
      %dma_wait3A_169 = tpu.memref_squeeze %dma_wait3A_168 : memref<1x128xi32, #tpu.memory_space<vmem>> -> memref<128xi32, #tpu.memory_space<vmem>>
      %dma_wait3A_170 = arith.constant 0 : i32
      %dma_wait3A_171 = tpu.memref_slice %arg3[%dma_wait3A_159, %dma_wait3A_170] : memref<2528x128xi32, #tpu.memory_space<hbm>> -> memref<1x128xi32, #tpu.memory_space<hbm>>
      %dma_wait3A_172 = tpu.memref_squeeze %dma_wait3A_171 : memref<1x128xi32, #tpu.memory_space<hbm>> -> memref<128xi32, #tpu.memory_space<hbm>>
      tpu.wait_dma2 semaphore(%arg15 : memref<!tpu.dma_semaphore, #tpu.memory_space<semaphore_mem>>) src(%dma_wait3A_172 : memref<128xi32, #tpu.memory_space<hbm>>) dst(%dma_wait3A_169 : memref<128xi32, #tpu.memory_space<vmem>>)
      %dma_wait3A_173 = arith.constant 0 : i32
      %dma_wait3A_174 = arith.constant 0 : i32
      %dma_wait3A_175 = arith.constant 0 : i32
      %dma_wait3A_176 = tpu.memref_slice %arg10[%dma_wait3A_174, %dma_wait3A_175] : memref<1x128xi32, #tpu.memory_space<vmem>> -> memref<1x128xi32, #tpu.memory_space<vmem>>
      %dma_wait3A_177 = tpu.memref_squeeze %dma_wait3A_176 : memref<1x128xi32, #tpu.memory_space<vmem>> -> memref<128xi32, #tpu.memory_space<vmem>>
      %dma_wait3A_178 = arith.constant 0 : i32
      %dma_wait3A_179 = tpu.memref_slice %arg4[%dma_wait3A_173, %dma_wait3A_178] : memref<2528x128xi32, #tpu.memory_space<hbm>> -> memref<1x128xi32, #tpu.memory_space<hbm>>
      %dma_wait3A_180 = tpu.memref_squeeze %dma_wait3A_179 : memref<1x128xi32, #tpu.memory_space<hbm>> -> memref<128xi32, #tpu.memory_space<hbm>>
      %dma_wait3A_181 = arith.constant 0 : i32
      %dma_wait3A_182 = tpu.memref_slice %arg10[%dma_wait3A_174, %dma_wait3A_181] : memref<1x128xi32, #tpu.memory_space<vmem>> -> memref<1x128xi32, #tpu.memory_space<vmem>>
      %dma_wait3A_183 = tpu.memref_squeeze %dma_wait3A_182 : memref<1x128xi32, #tpu.memory_space<vmem>> -> memref<128xi32, #tpu.memory_space<vmem>>
      %dma_wait3A_184 = arith.constant 0 : i32
      %dma_wait3A_185 = tpu.memref_slice %arg4[%dma_wait3A_173, %dma_wait3A_184] : memref<2528x128xi32, #tpu.memory_space<hbm>> -> memref<1x128xi32, #tpu.memory_space<hbm>>
      %dma_wait3A_186 = tpu.memref_squeeze %dma_wait3A_185 : memref<1x128xi32, #tpu.memory_space<hbm>> -> memref<128xi32, #tpu.memory_space<hbm>>
      tpu.wait_dma2 semaphore(%arg15 : memref<!tpu.dma_semaphore, #tpu.memory_space<semaphore_mem>>) src(%dma_wait3A_186 : memref<128xi32, #tpu.memory_space<hbm>>) dst(%dma_wait3A_183 : memref<128xi32, #tpu.memory_space<vmem>>)
      %dma_start3A_187 = arith.constant 0 : i32
      %dma_start3A_188 = arith.constant 0 : i32
      %dma_start3A_189 = tpu.memref_slice %arg8[%dma_start3A_187, %dma_start3A_188] : memref<1x128xi32, #tpu.memory_space<vmem>> -> memref<1x128xi32, #tpu.memory_space<vmem>>
      %dma_start3A_190 = tpu.memref_squeeze %dma_start3A_189 : memref<1x128xi32, #tpu.memory_space<vmem>> -> memref<128xi32, #tpu.memory_space<vmem>>
      %dma_start3A_191 = arith.constant 0 : i32
      %dma_start3A_192 = arith.constant 0 : i32
      %dma_start3A_193 = tpu.memref_slice %arg2[%dma_start3A_191, %dma_start3A_192] : memref<10240x128xf32, #tpu.memory_space<hbm>> -> memref<10240x128xf32, #tpu.memory_space<hbm>>
      tpu.enqueue_indirect_dma source(%dma_start3A_193 : memref<10240x128xf32, #tpu.memory_space<hbm>>) target(%arg12 : memref<128x128xf32, #tpu.memory_space<vmem>>) offsets(%dma_start3A_190 : memref<128xi32, #tpu.memory_space<vmem>>) semaphore(%arg17 : memref<!tpu.dma_semaphore, #tpu.memory_space<semaphore_mem>>)
      %run_scoped3A_194 = arith.constant 0 : i32
      "tpu.region"() ({
        %run_scoped3A_273 = tpu.sem_alloc : memref<!tpu.dma_semaphore, #tpu.memory_space<semaphore_mem>>
        %dma_start3A_274 = arith.constant 0 : i32
        %dma_start3A_275 = tpu.memref_slice %arg9[%run_scoped3A_194, %dma_start3A_274] : memref<1x128xi32, #tpu.memory_space<vmem>> -> memref<1x128xi32, #tpu.memory_space<vmem>>
        %dma_start3A_276 = tpu.memref_squeeze %dma_start3A_275 : memref<1x128xi32, #tpu.memory_space<vmem>> -> memref<128xi32, #tpu.memory_space<vmem>>
        %dma_start3A_277 = arith.constant 0 : i32
        %dma_start3A_278 = arith.constant 0 : i32
        %dma_start3A_279 = tpu.memref_slice %arg13[%dma_start3A_277, %dma_start3A_278] : memref<10240x128xf32, #tpu.memory_space<vmem_shared>> -> memref<10240x128xf32, #tpu.memory_space<vmem_shared>>
        tpu.enqueue_indirect_dma source(%arg11 : memref<128x128xf32, #tpu.memory_space<vmem>>) target(%dma_start3A_279 : memref<10240x128xf32, #tpu.memory_space<vmem_shared>>) offsets(%dma_start3A_276 : memref<128xi32, #tpu.memory_space<vmem>>) semaphore(%run_scoped3A_273 : memref<!tpu.dma_semaphore, #tpu.memory_space<semaphore_mem>>) {add = true}
        %dma_wait3A_280 = arith.constant 0 : i32
        %dma_wait3A_281 = tpu.memref_slice %arg9[%run_scoped3A_194, %dma_wait3A_280] : memref<1x128xi32, #tpu.memory_space<vmem>> -> memref<1x128xi32, #tpu.memory_space<vmem>>
        %dma_wait3A_282 = tpu.memref_squeeze %dma_wait3A_281 : memref<1x128xi32, #tpu.memory_space<vmem>> -> memref<128xi32, #tpu.memory_space<vmem>>
        %dma_wait3A_283 = arith.constant 0 : i32
        %dma_wait3A_284 = arith.constant 0 : i32
        %dma_wait3A_285 = tpu.memref_slice %arg13[%dma_wait3A_283, %dma_wait3A_284] : memref<10240x128xf32, #tpu.memory_space<vmem_shared>> -> memref<10240x128xf32, #tpu.memory_space<vmem_shared>>
        tpu.wait_indirect_dma semaphore(%run_scoped3A_273 : memref<!tpu.dma_semaphore, #tpu.memory_space<semaphore_mem>>) src(%arg11 : memref<128x128xf32, #tpu.memory_space<vmem>>) dst(%dma_wait3A_285 : memref<10240x128xf32, #tpu.memory_space<vmem_shared>>)
        tpu.yield
      }) : () -> ()
      %add3A_195 = arith.constant 2 : i32
      %add3A_196 = arith.addi %mul3A_151, %add3A_195 : i32
      %add3A_197 = arith.addi %select_n3A_8, %add3A_196 : i32
      %dma_start3A_198 = arith.constant 0 : i32
      %dma_start3A_199 = arith.constant 0 : i32
      %dma_start3A_200 = tpu.memref_slice %arg7[%dma_start3A_198, %dma_start3A_199] : memref<1x128xi32, #tpu.memory_space<vmem>> -> memref<1x128xi32, #tpu.memory_space<vmem>>
      %dma_start3A_201 = tpu.memref_squeeze %dma_start3A_200 : memref<1x128xi32, #tpu.memory_space<vmem>> -> memref<128xi32, #tpu.memory_space<vmem>>
      %dma_start3A_202 = arith.constant 0 : i32
      %dma_start3A_203 = tpu.memref_slice %arg3[%add3A_197, %dma_start3A_202] : memref<2528x128xi32, #tpu.memory_space<hbm>> -> memref<1x128xi32, #tpu.memory_space<hbm>>
      %dma_start3A_204 = tpu.memref_squeeze %dma_start3A_203 : memref<1x128xi32, #tpu.memory_space<hbm>> -> memref<128xi32, #tpu.memory_space<hbm>>
      %dma_start3A_205 = arith.constant 0 : i32
      %dma_start3A_206 = tpu.memref_slice %arg7[%dma_start3A_198, %dma_start3A_205] : memref<1x128xi32, #tpu.memory_space<vmem>> -> memref<1x128xi32, #tpu.memory_space<vmem>>
      %dma_start3A_207 = tpu.memref_squeeze %dma_start3A_206 : memref<1x128xi32, #tpu.memory_space<vmem>> -> memref<128xi32, #tpu.memory_space<vmem>>
      %dma_start3A_208 = arith.constant 0 : i32
      %dma_start3A_209 = tpu.memref_slice %arg3[%add3A_197, %dma_start3A_208] : memref<2528x128xi32, #tpu.memory_space<hbm>> -> memref<1x128xi32, #tpu.memory_space<hbm>>
      %dma_start3A_210 = tpu.memref_squeeze %dma_start3A_209 : memref<1x128xi32, #tpu.memory_space<hbm>> -> memref<128xi32, #tpu.memory_space<hbm>>
      tpu.enqueue_dma source(%dma_start3A_210 : memref<128xi32, #tpu.memory_space<hbm>>) target(%dma_start3A_207 : memref<128xi32, #tpu.memory_space<vmem>>) target_semaphore(%arg14 : memref<!tpu.dma_semaphore, #tpu.memory_space<semaphore_mem>>)
      %add3A_211 = arith.addi %select_n3A_8, %add3A_196 : i32
      %dma_start3A_212 = arith.constant 0 : i32
      %dma_start3A_213 = arith.constant 0 : i32
      %dma_start3A_214 = tpu.memref_slice %arg9[%dma_start3A_212, %dma_start3A_213] : memref<1x128xi32, #tpu.memory_space<vmem>> -> memref<1x128xi32, #tpu.memory_space<vmem>>
      %dma_start3A_215 = tpu.memref_squeeze %dma_start3A_214 : memref<1x128xi32, #tpu.memory_space<vmem>> -> memref<128xi32, #tpu.memory_space<vmem>>
      %dma_start3A_216 = arith.constant 0 : i32
      %dma_start3A_217 = tpu.memref_slice %arg4[%add3A_211, %dma_start3A_216] : memref<2528x128xi32, #tpu.memory_space<hbm>> -> memref<1x128xi32, #tpu.memory_space<hbm>>
      %dma_start3A_218 = tpu.memref_squeeze %dma_start3A_217 : memref<1x128xi32, #tpu.memory_space<hbm>> -> memref<128xi32, #tpu.memory_space<hbm>>
      %dma_start3A_219 = arith.constant 0 : i32
      %dma_start3A_220 = tpu.memref_slice %arg9[%dma_start3A_212, %dma_start3A_219] : memref<1x128xi32, #tpu.memory_space<vmem>> -> memref<1x128xi32, #tpu.memory_space<vmem>>
      %dma_start3A_221 = tpu.memref_squeeze %dma_start3A_220 : memref<1x128xi32, #tpu.memory_space<vmem>> -> memref<128xi32, #tpu.memory_space<vmem>>
      %dma_start3A_222 = arith.constant 0 : i32
      %dma_start3A_223 = tpu.memref_slice %arg4[%add3A_211, %dma_start3A_222] : memref<2528x128xi32, #tpu.memory_space<hbm>> -> memref<1x128xi32, #tpu.memory_space<hbm>>
      %dma_start3A_224 = tpu.memref_squeeze %dma_start3A_223 : memref<1x128xi32, #tpu.memory_space<hbm>> -> memref<128xi32, #tpu.memory_space<hbm>>
      tpu.enqueue_dma source(%dma_start3A_224 : memref<128xi32, #tpu.memory_space<hbm>>) target(%dma_start3A_221 : memref<128xi32, #tpu.memory_space<vmem>>) target_semaphore(%arg14 : memref<!tpu.dma_semaphore, #tpu.memory_space<semaphore_mem>>)
      %dma_wait3A_225 = arith.constant 0 : i32
      %dma_wait3A_226 = arith.constant 0 : i32
      %dma_wait3A_227 = tpu.memref_slice %arg8[%dma_wait3A_225, %dma_wait3A_226] : memref<1x128xi32, #tpu.memory_space<vmem>> -> memref<1x128xi32, #tpu.memory_space<vmem>>
      %dma_wait3A_228 = tpu.memref_squeeze %dma_wait3A_227 : memref<1x128xi32, #tpu.memory_space<vmem>> -> memref<128xi32, #tpu.memory_space<vmem>>
      %dma_wait3A_229 = arith.constant 0 : i32
      %dma_wait3A_230 = arith.constant 0 : i32
      %dma_wait3A_231 = tpu.memref_slice %arg2[%dma_wait3A_229, %dma_wait3A_230] : memref<10240x128xf32, #tpu.memory_space<hbm>> -> memref<10240x128xf32, #tpu.memory_space<hbm>>
      tpu.wait_indirect_dma semaphore(%arg17 : memref<!tpu.dma_semaphore, #tpu.memory_space<semaphore_mem>>) src(%dma_wait3A_231 : memref<10240x128xf32, #tpu.memory_space<hbm>>) dst(%arg12 : memref<128x128xf32, #tpu.memory_space<vmem>>)
      %dma_wait3A_232 = arith.constant 0 : i32
      %dma_wait3A_233 = arith.constant 0 : i32
      %dma_wait3A_234 = arith.constant 0 : i32
      %dma_wait3A_235 = tpu.memref_slice %arg7[%dma_wait3A_233, %dma_wait3A_234] : memref<1x128xi32, #tpu.memory_space<vmem>> -> memref<1x128xi32, #tpu.memory_space<vmem>>
      %dma_wait3A_236 = tpu.memref_squeeze %dma_wait3A_235 : memref<1x128xi32, #tpu.memory_space<vmem>> -> memref<128xi32, #tpu.memory_space<vmem>>
      %dma_wait3A_237 = arith.constant 0 : i32
      %dma_wait3A_238 = tpu.memref_slice %arg3[%dma_wait3A_232, %dma_wait3A_237] : memref<2528x128xi32, #tpu.memory_space<hbm>> -> memref<1x128xi32, #tpu.memory_space<hbm>>
      %dma_wait3A_239 = tpu.memref_squeeze %dma_wait3A_238 : memref<1x128xi32, #tpu.memory_space<hbm>> -> memref<128xi32, #tpu.memory_space<hbm>>
      %dma_wait3A_240 = arith.constant 0 : i32
      %dma_wait3A_241 = tpu.memref_slice %arg7[%dma_wait3A_233, %dma_wait3A_240] : memref<1x128xi32, #tpu.memory_space<vmem>> -> memref<1x128xi32, #tpu.memory_space<vmem>>
      %dma_wait3A_242 = tpu.memref_squeeze %dma_wait3A_241 : memref<1x128xi32, #tpu.memory_space<vmem>> -> memref<128xi32, #tpu.memory_space<vmem>>
      %dma_wait3A_243 = arith.constant 0 : i32
      %dma_wait3A_244 = tpu.memref_slice %arg3[%dma_wait3A_232, %dma_wait3A_243] : memref<2528x128xi32, #tpu.memory_space<hbm>> -> memref<1x128xi32, #tpu.memory_space<hbm>>
      %dma_wait3A_245 = tpu.memref_squeeze %dma_wait3A_244 : memref<1x128xi32, #tpu.memory_space<hbm>> -> memref<128xi32, #tpu.memory_space<hbm>>
      tpu.wait_dma2 semaphore(%arg14 : memref<!tpu.dma_semaphore, #tpu.memory_space<semaphore_mem>>) src(%dma_wait3A_245 : memref<128xi32, #tpu.memory_space<hbm>>) dst(%dma_wait3A_242 : memref<128xi32, #tpu.memory_space<vmem>>)
      %dma_wait3A_246 = arith.constant 0 : i32
      %dma_wait3A_247 = arith.constant 0 : i32
      %dma_wait3A_248 = arith.constant 0 : i32
      %dma_wait3A_249 = tpu.memref_slice %arg9[%dma_wait3A_247, %dma_wait3A_248] : memref<1x128xi32, #tpu.memory_space<vmem>> -> memref<1x128xi32, #tpu.memory_space<vmem>>
      %dma_wait3A_250 = tpu.memref_squeeze %dma_wait3A_249 : memref<1x128xi32, #tpu.memory_space<vmem>> -> memref<128xi32, #tpu.memory_space<vmem>>
      %dma_wait3A_251 = arith.constant 0 : i32
      %dma_wait3A_252 = tpu.memref_slice %arg4[%dma_wait3A_246, %dma_wait3A_251] : memref<2528x128xi32, #tpu.memory_space<hbm>> -> memref<1x128xi32, #tpu.memory_space<hbm>>
      %dma_wait3A_253 = tpu.memref_squeeze %dma_wait3A_252 : memref<1x128xi32, #tpu.memory_space<hbm>> -> memref<128xi32, #tpu.memory_space<hbm>>
      %dma_wait3A_254 = arith.constant 0 : i32
      %dma_wait3A_255 = tpu.memref_slice %arg9[%dma_wait3A_247, %dma_wait3A_254] : memref<1x128xi32, #tpu.memory_space<vmem>> -> memref<1x128xi32, #tpu.memory_space<vmem>>
      %dma_wait3A_256 = tpu.memref_squeeze %dma_wait3A_255 : memref<1x128xi32, #tpu.memory_space<vmem>> -> memref<128xi32, #tpu.memory_space<vmem>>
      %dma_wait3A_257 = arith.constant 0 : i32
      %dma_wait3A_258 = tpu.memref_slice %arg4[%dma_wait3A_246, %dma_wait3A_257] : memref<2528x128xi32, #tpu.memory_space<hbm>> -> memref<1x128xi32, #tpu.memory_space<hbm>>
      %dma_wait3A_259 = tpu.memref_squeeze %dma_wait3A_258 : memref<1x128xi32, #tpu.memory_space<hbm>> -> memref<128xi32, #tpu.memory_space<hbm>>
      tpu.wait_dma2 semaphore(%arg14 : memref<!tpu.dma_semaphore, #tpu.memory_space<semaphore_mem>>) src(%dma_wait3A_259 : memref<128xi32, #tpu.memory_space<hbm>>) dst(%dma_wait3A_256 : memref<128xi32, #tpu.memory_space<vmem>>)
      %dma_start3A_260 = arith.constant 0 : i32
      %dma_start3A_261 = arith.constant 0 : i32
      %dma_start3A_262 = tpu.memref_slice %arg7[%dma_start3A_260, %dma_start3A_261] : memref<1x128xi32, #tpu.memory_space<vmem>> -> memref<1x128xi32, #tpu.memory_space<vmem>>
      %dma_start3A_263 = tpu.memref_squeeze %dma_start3A_262 : memref<1x128xi32, #tpu.memory_space<vmem>> -> memref<128xi32, #tpu.memory_space<vmem>>
      %dma_start3A_264 = arith.constant 0 : i32
      %dma_start3A_265 = arith.constant 0 : i32
      %dma_start3A_266 = tpu.memref_slice %arg2[%dma_start3A_264, %dma_start3A_265] : memref<10240x128xf32, #tpu.memory_space<hbm>> -> memref<10240x128xf32, #tpu.memory_space<hbm>>
      tpu.enqueue_indirect_dma source(%dma_start3A_266 : memref<10240x128xf32, #tpu.memory_space<hbm>>) target(%arg11 : memref<128x128xf32, #tpu.memory_space<vmem>>) offsets(%dma_start3A_263 : memref<128xi32, #tpu.memory_space<vmem>>) semaphore(%arg16 : memref<!tpu.dma_semaphore, #tpu.memory_space<semaphore_mem>>)
      %run_scoped3A_267 = arith.constant 0 : i32
      "tpu.region"() ({
        %run_scoped3A_273 = tpu.sem_alloc : memref<!tpu.dma_semaphore, #tpu.memory_space<semaphore_mem>>
        %dma_start3A_274 = arith.constant 0 : i32
        %dma_start3A_275 = tpu.memref_slice %arg10[%run_scoped3A_267, %dma_start3A_274] : memref<1x128xi32, #tpu.memory_space<vmem>> -> memref<1x128xi32, #tpu.memory_space<vmem>>
        %dma_start3A_276 = tpu.memref_squeeze %dma_start3A_275 : memref<1x128xi32, #tpu.memory_space<vmem>> -> memref<128xi32, #tpu.memory_space<vmem>>
        %dma_start3A_277 = arith.constant 0 : i32
        %dma_start3A_278 = arith.constant 0 : i32
        %dma_start3A_279 = tpu.memref_slice %arg13[%dma_start3A_277, %dma_start3A_278] : memref<10240x128xf32, #tpu.memory_space<vmem_shared>> -> memref<10240x128xf32, #tpu.memory_space<vmem_shared>>
        tpu.enqueue_indirect_dma source(%arg12 : memref<128x128xf32, #tpu.memory_space<vmem>>) target(%dma_start3A_279 : memref<10240x128xf32, #tpu.memory_space<vmem_shared>>) offsets(%dma_start3A_276 : memref<128xi32, #tpu.memory_space<vmem>>) semaphore(%run_scoped3A_273 : memref<!tpu.dma_semaphore, #tpu.memory_space<semaphore_mem>>) {add = true}
        %dma_wait3A_280 = arith.constant 0 : i32
        %dma_wait3A_281 = tpu.memref_slice %arg10[%run_scoped3A_267, %dma_wait3A_280] : memref<1x128xi32, #tpu.memory_space<vmem>> -> memref<1x128xi32, #tpu.memory_space<vmem>>
        %dma_wait3A_282 = tpu.memref_squeeze %dma_wait3A_281 : memref<1x128xi32, #tpu.memory_space<vmem>> -> memref<128xi32, #tpu.memory_space<vmem>>
        %dma_wait3A_283 = arith.constant 0 : i32
        %dma_wait3A_284 = arith.constant 0 : i32
        %dma_wait3A_285 = tpu.memref_slice %arg13[%dma_wait3A_283, %dma_wait3A_284] : memref<10240x128xf32, #tpu.memory_space<vmem_shared>> -> memref<10240x128xf32, #tpu.memory_space<vmem_shared>>
        tpu.wait_indirect_dma semaphore(%run_scoped3A_273 : memref<!tpu.dma_semaphore, #tpu.memory_space<semaphore_mem>>) src(%arg12 : memref<128x128xf32, #tpu.memory_space<vmem>>) dst(%dma_wait3A_285 : memref<10240x128xf32, #tpu.memory_space<vmem_shared>>)
        tpu.yield
      }) : () -> ()
      %add3A_268 = arith.constant 3 : i32
      %add3A_269 = arith.addi %mul3A_151, %add3A_268 : i32
      %lt3A = arith.cmpi slt, %add3A_269, %select_n3A : i32
      %convert_element_type3A_270 = arith.extui %lt3A : i1 to i32
      %cond3A_271 = arith.constant 0 : i32
      %cond3A_272 = arith.cmpi ne, %convert_element_type3A_270, %cond3A_271 : i32
      scf.if %cond3A_272 {
        %add3A_273 = arith.constant 3 : i32
        %add3A_274 = arith.addi %mul3A_151, %add3A_273 : i32
        %add3A_275 = arith.addi %select_n3A_8, %add3A_274 : i32
        %dma_start3A_276 = arith.constant 0 : i32
        %dma_start3A_277 = arith.constant 0 : i32
        %dma_start3A_278 = tpu.memref_slice %arg8[%dma_start3A_276, %dma_start3A_277] : memref<1x128xi32, #tpu.memory_space<vmem>> -> memref<1x128xi32, #tpu.memory_space<vmem>>
        %dma_start3A_279 = tpu.memref_squeeze %dma_start3A_278 : memref<1x128xi32, #tpu.memory_space<vmem>> -> memref<128xi32, #tpu.memory_space<vmem>>
        %dma_start3A_280 = arith.constant 0 : i32
        %dma_start3A_281 = tpu.memref_slice %arg3[%add3A_275, %dma_start3A_280] : memref<2528x128xi32, #tpu.memory_space<hbm>> -> memref<1x128xi32, #tpu.memory_space<hbm>>
        %dma_start3A_282 = tpu.memref_squeeze %dma_start3A_281 : memref<1x128xi32, #tpu.memory_space<hbm>> -> memref<128xi32, #tpu.memory_space<hbm>>
        %dma_start3A_283 = arith.constant 0 : i32
        %dma_start3A_284 = tpu.memref_slice %arg8[%dma_start3A_276, %dma_start3A_283] : memref<1x128xi32, #tpu.memory_space<vmem>> -> memref<1x128xi32, #tpu.memory_space<vmem>>
        %dma_start3A_285 = tpu.memref_squeeze %dma_start3A_284 : memref<1x128xi32, #tpu.memory_space<vmem>> -> memref<128xi32, #tpu.memory_space<vmem>>
        %dma_start3A_286 = arith.constant 0 : i32
        %dma_start3A_287 = tpu.memref_slice %arg3[%add3A_275, %dma_start3A_286] : memref<2528x128xi32, #tpu.memory_space<hbm>> -> memref<1x128xi32, #tpu.memory_space<hbm>>
        %dma_start3A_288 = tpu.memref_squeeze %dma_start3A_287 : memref<1x128xi32, #tpu.memory_space<hbm>> -> memref<128xi32, #tpu.memory_space<hbm>>
        tpu.enqueue_dma source(%dma_start3A_288 : memref<128xi32, #tpu.memory_space<hbm>>) target(%dma_start3A_285 : memref<128xi32, #tpu.memory_space<vmem>>) target_semaphore(%arg15 : memref<!tpu.dma_semaphore, #tpu.memory_space<semaphore_mem>>)
        %add3A_289 = arith.addi %select_n3A_8, %add3A_274 : i32
        %dma_start3A_290 = arith.constant 0 : i32
        %dma_start3A_291 = arith.constant 0 : i32
        %dma_start3A_292 = tpu.memref_slice %arg10[%dma_start3A_290, %dma_start3A_291] : memref<1x128xi32, #tpu.memory_space<vmem>> -> memref<1x128xi32, #tpu.memory_space<vmem>>
        %dma_start3A_293 = tpu.memref_squeeze %dma_start3A_292 : memref<1x128xi32, #tpu.memory_space<vmem>> -> memref<128xi32, #tpu.memory_space<vmem>>
        %dma_start3A_294 = arith.constant 0 : i32
        %dma_start3A_295 = tpu.memref_slice %arg4[%add3A_289, %dma_start3A_294] : memref<2528x128xi32, #tpu.memory_space<hbm>> -> memref<1x128xi32, #tpu.memory_space<hbm>>
        %dma_start3A_296 = tpu.memref_squeeze %dma_start3A_295 : memref<1x128xi32, #tpu.memory_space<hbm>> -> memref<128xi32, #tpu.memory_space<hbm>>
        %dma_start3A_297 = arith.constant 0 : i32
        %dma_start3A_298 = tpu.memref_slice %arg10[%dma_start3A_290, %dma_start3A_297] : memref<1x128xi32, #tpu.memory_space<vmem>> -> memref<1x128xi32, #tpu.memory_space<vmem>>
        %dma_start3A_299 = tpu.memref_squeeze %dma_start3A_298 : memref<1x128xi32, #tpu.memory_space<vmem>> -> memref<128xi32, #tpu.memory_space<vmem>>
        %dma_start3A_300 = arith.constant 0 : i32
        %dma_start3A_301 = tpu.memref_slice %arg4[%add3A_289, %dma_start3A_300] : memref<2528x128xi32, #tpu.memory_space<hbm>> -> memref<1x128xi32, #tpu.memory_space<hbm>>
        %dma_start3A_302 = tpu.memref_squeeze %dma_start3A_301 : memref<1x128xi32, #tpu.memory_space<hbm>> -> memref<128xi32, #tpu.memory_space<hbm>>
        tpu.enqueue_dma source(%dma_start3A_302 : memref<128xi32, #tpu.memory_space<hbm>>) target(%dma_start3A_299 : memref<128xi32, #tpu.memory_space<vmem>>) target_semaphore(%arg15 : memref<!tpu.dma_semaphore, #tpu.memory_space<semaphore_mem>>)
      } else {
      }
    }
    %while3A_140 = arith.constant 1 : i32
    scf.for %while3A_149 = %while3A_138 to %while3A_134 step %while3A_140  : i32 {
      %mul3A_150 = arith.constant 2 : i32
      %mul3A_151 = arith.muli %mul3A_150, %while3A_149 : i32
      %dma_wait3A_152 = arith.constant 0 : i32
      %dma_wait3A_153 = arith.constant 0 : i32
      %dma_wait3A_154 = tpu.memref_slice %arg7[%dma_wait3A_152, %dma_wait3A_153] : memref<1x128xi32, #tpu.memory_space<vmem>> -> memref<1x128xi32, #tpu.memory_space<vmem>>
      %dma_wait3A_155 = tpu.memref_squeeze %dma_wait3A_154 : memref<1x128xi32, #tpu.memory_space<vmem>> -> memref<128xi32, #tpu.memory_space<vmem>>
      %dma_wait3A_156 = arith.constant 0 : i32
      %dma_wait3A_157 = arith.constant 0 : i32
      %dma_wait3A_158 = tpu.memref_slice %arg2[%dma_wait3A_156, %dma_wait3A_157] : memref<10240x128xf32, #tpu.memory_space<hbm>> -> memref<10240x128xf32, #tpu.memory_space<hbm>>
      tpu.wait_indirect_dma semaphore(%arg16 : memref<!tpu.dma_semaphore, #tpu.memory_space<semaphore_mem>>) src(%dma_wait3A_158 : memref<10240x128xf32, #tpu.memory_space<hbm>>) dst(%arg11 : memref<128x128xf32, #tpu.memory_space<vmem>>)
      %dma_wait3A_159 = arith.constant 0 : i32
      %dma_wait3A_160 = arith.constant 0 : i32
      %dma_wait3A_161 = arith.constant 0 : i32
      %dma_wait3A_162 = tpu.memref_slice %arg8[%dma_wait3A_160, %dma_wait3A_161] : memref<1x128xi32, #tpu.memory_space<vmem>> -> memref<1x128xi32, #tpu.memory_space<vmem>>
      %dma_wait3A_163 = tpu.memref_squeeze %dma_wait3A_162 : memref<1x128xi32, #tpu.memory_space<vmem>> -> memref<128xi32, #tpu.memory_space<vmem>>
      %dma_wait3A_164 = arith.constant 0 : i32
      %dma_wait3A_165 = tpu.memref_slice %arg3[%dma_wait3A_159, %dma_wait3A_164] : memref<2528x128xi32, #tpu.memory_space<hbm>> -> memref<1x128xi32, #tpu.memory_space<hbm>>
      %dma_wait3A_166 = tpu.memref_squeeze %dma_wait3A_165 : memref<1x128xi32, #tpu.memory_space<hbm>> -> memref<128xi32, #tpu.memory_space<hbm>>
      %dma_wait3A_167 = arith.constant 0 : i32
      %dma_wait3A_168 = tpu.memref_slice %arg8[%dma_wait3A_160, %dma_wait3A_167] : memref<1x128xi32, #tpu.memory_space<vmem>> -> memref<1x128xi32, #tpu.memory_space<vmem>>
      %dma_wait3A_169 = tpu.memref_squeeze %dma_wait3A_168 : memref<1x128xi32, #tpu.memory_space<vmem>> -> memref<128xi32, #tpu.memory_space<vmem>>
      %dma_wait3A_170 = arith.constant 0 : i32
      %dma_wait3A_171 = tpu.memref_slice %arg3[%dma_wait3A_159, %dma_wait3A_170] : memref<2528x128xi32, #tpu.memory_space<hbm>> -> memref<1x128xi32, #tpu.memory_space<hbm>>
      %dma_wait3A_172 = tpu.memref_squeeze %dma_wait3A_171 : memref<1x128xi32, #tpu.memory_space<hbm>> -> memref<128xi32, #tpu.memory_space<hbm>>
      tpu.wait_dma2 semaphore(%arg15 : memref<!tpu.dma_semaphore, #tpu.memory_space<semaphore_mem>>) src(%dma_wait3A_172 : memref<128xi32, #tpu.memory_space<hbm>>) dst(%dma_wait3A_169 : memref<128xi32, #tpu.memory_space<vmem>>)
      %dma_wait3A_173 = arith.constant 0 : i32
      %dma_wait3A_174 = arith.constant 0 : i32
      %dma_wait3A_175 = arith.constant 0 : i32
      %dma_wait3A_176 = tpu.memref_slice %arg10[%dma_wait3A_174, %dma_wait3A_175] : memref<1x128xi32, #tpu.memory_space<vmem>> -> memref<1x128xi32, #tpu.memory_space<vmem>>
      %dma_wait3A_177 = tpu.memref_squeeze %dma_wait3A_176 : memref<1x128xi32, #tpu.memory_space<vmem>> -> memref<128xi32, #tpu.memory_space<vmem>>
      %dma_wait3A_178 = arith.constant 0 : i32
      %dma_wait3A_179 = tpu.memref_slice %arg4[%dma_wait3A_173, %dma_wait3A_178] : memref<2528x128xi32, #tpu.memory_space<hbm>> -> memref<1x128xi32, #tpu.memory_space<hbm>>
      %dma_wait3A_180 = tpu.memref_squeeze %dma_wait3A_179 : memref<1x128xi32, #tpu.memory_space<hbm>> -> memref<128xi32, #tpu.memory_space<hbm>>
      %dma_wait3A_181 = arith.constant 0 : i32
      %dma_wait3A_182 = tpu.memref_slice %arg10[%dma_wait3A_174, %dma_wait3A_181] : memref<1x128xi32, #tpu.memory_space<vmem>> -> memref<1x128xi32, #tpu.memory_space<vmem>>
      %dma_wait3A_183 = tpu.memref_squeeze %dma_wait3A_182 : memref<1x128xi32, #tpu.memory_space<vmem>> -> memref<128xi32, #tpu.memory_space<vmem>>
      %dma_wait3A_184 = arith.constant 0 : i32
      %dma_wait3A_185 = tpu.memref_slice %arg4[%dma_wait3A_173, %dma_wait3A_184] : memref<2528x128xi32, #tpu.memory_space<hbm>> -> memref<1x128xi32, #tpu.memory_space<hbm>>
      %dma_wait3A_186 = tpu.memref_squeeze %dma_wait3A_185 : memref<1x128xi32, #tpu.memory_space<hbm>> -> memref<128xi32, #tpu.memory_space<hbm>>
      tpu.wait_dma2 semaphore(%arg15 : memref<!tpu.dma_semaphore, #tpu.memory_space<semaphore_mem>>) src(%dma_wait3A_186 : memref<128xi32, #tpu.memory_space<hbm>>) dst(%dma_wait3A_183 : memref<128xi32, #tpu.memory_space<vmem>>)
      %dma_start3A_187 = arith.constant 0 : i32
      %dma_start3A_188 = arith.constant 0 : i32
      %dma_start3A_189 = tpu.memref_slice %arg8[%dma_start3A_187, %dma_start3A_188] : memref<1x128xi32, #tpu.memory_space<vmem>> -> memref<1x128xi32, #tpu.memory_space<vmem>>
      %dma_start3A_190 = tpu.memref_squeeze %dma_start3A_189 : memref<1x128xi32, #tpu.memory_space<vmem>> -> memref<128xi32, #tpu.memory_space<vmem>>
      %dma_start3A_191 = arith.constant 0 : i32
      %dma_start3A_192 = arith.constant 0 : i32
      %dma_start3A_193 = tpu.memref_slice %arg2[%dma_start3A_191, %dma_start3A_192] : memref<10240x128xf32, #tpu.memory_space<hbm>> -> memref<10240x128xf32, #tpu.memory_space<hbm>>
      tpu.enqueue_indirect_dma source(%dma_start3A_193 : memref<10240x128xf32, #tpu.memory_space<hbm>>) target(%arg12 : memref<128x128xf32, #tpu.memory_space<vmem>>) offsets(%dma_start3A_190 : memref<128xi32, #tpu.memory_space<vmem>>) semaphore(%arg17 : memref<!tpu.dma_semaphore, #tpu.memory_space<semaphore_mem>>)
      %run_scoped3A_194 = arith.constant 0 : i32
      "tpu.region"() ({
        %run_scoped3A_273 = tpu.sem_alloc : memref<!tpu.dma_semaphore, #tpu.memory_space<semaphore_mem>>
        %dma_start3A_274 = arith.constant 0 : i32
        %dma_start3A_275 = tpu.memref_slice %arg9[%run_scoped3A_194, %dma_start3A_274] : memref<1x128xi32, #tpu.memory_space<vmem>> -> memref<1x128xi32, #tpu.memory_space<vmem>>
        %dma_start3A_276 = tpu.memref_squeeze %dma_start3A_275 : memref<1x128xi32, #tpu.memory_space<vmem>> -> memref<128xi32, #tpu.memory_space<vmem>>
        %dma_start3A_277 = arith.constant 0 : i32
        %dma_start3A_278 = arith.constant 0 : i32
        %dma_start3A_279 = tpu.memref_slice %arg13[%dma_start3A_277, %dma_start3A_278] : memref<10240x128xf32, #tpu.memory_space<vmem_shared>> -> memref<10240x128xf32, #tpu.memory_space<vmem_shared>>
        tpu.enqueue_indirect_dma source(%arg11 : memref<128x128xf32, #tpu.memory_space<vmem>>) target(%dma_start3A_279 : memref<10240x128xf32, #tpu.memory_space<vmem_shared>>) offsets(%dma_start3A_276 : memref<128xi32, #tpu.memory_space<vmem>>) semaphore(%run_scoped3A_273 : memref<!tpu.dma_semaphore, #tpu.memory_space<semaphore_mem>>) {add = true}
        %dma_wait3A_280 = arith.constant 0 : i32
        %dma_wait3A_281 = tpu.memref_slice %arg9[%run_scoped3A_194, %dma_wait3A_280] : memref<1x128xi32, #tpu.memory_space<vmem>> -> memref<1x128xi32, #tpu.memory_space<vmem>>
        %dma_wait3A_282 = tpu.memref_squeeze %dma_wait3A_281 : memref<1x128xi32, #tpu.memory_space<vmem>> -> memref<128xi32, #tpu.memory_space<vmem>>
        %dma_wait3A_283 = arith.constant 0 : i32
        %dma_wait3A_284 = arith.constant 0 : i32
        %dma_wait3A_285 = tpu.memref_slice %arg13[%dma_wait3A_283, %dma_wait3A_284] : memref<10240x128xf32, #tpu.memory_space<vmem_shared>> -> memref<10240x128xf32, #tpu.memory_space<vmem_shared>>
        tpu.wait_indirect_dma semaphore(%run_scoped3A_273 : memref<!tpu.dma_semaphore, #tpu.memory_space<semaphore_mem>>) src(%arg11 : memref<128x128xf32, #tpu.memory_space<vmem>>) dst(%dma_wait3A_285 : memref<10240x128xf32, #tpu.memory_space<vmem_shared>>)
        tpu.yield
      }) : () -> ()
      %add3A_195 = arith.constant 2 : i32
      %add3A_196 = arith.addi %mul3A_151, %add3A_195 : i32
      %add3A_197 = arith.addi %select_n3A_8, %add3A_196 : i32
      %dma_start3A_198 = arith.constant 0 : i32
      %dma_start3A_199 = arith.constant 0 : i32
      %dma_start3A_200 = tpu.memref_slice %arg7[%dma_start3A_198, %dma_start3A_199] : memref<1x128xi32, #tpu.memory_space<vmem>> -> memref<1x128xi32, #tpu.memory_space<vmem>>
      %dma_start3A_201 = tpu.memref_squeeze %dma_start3A_200 : memref<1x128xi32, #tpu.memory_space<vmem>> -> memref<128xi32, #tpu.memory_space<vmem>>
      %dma_start3A_202 = arith.constant 0 : i32
      %dma_start3A_203 = tpu.memref_slice %arg3[%add3A_197, %dma_start3A_202] : memref<2528x128xi32, #tpu.memory_space<hbm>> -> memref<1x128xi32, #tpu.memory_space<hbm>>
      %dma_start3A_204 = tpu.memref_squeeze %dma_start3A_203 : memref<1x128xi32, #tpu.memory_space<hbm>> -> memref<128xi32, #tpu.memory_space<hbm>>
      %dma_start3A_205 = arith.constant 0 : i32
      %dma_start3A_206 = tpu.memref_slice %arg7[%dma_start3A_198, %dma_start3A_205] : memref<1x128xi32, #tpu.memory_space<vmem>> -> memref<1x128xi32, #tpu.memory_space<vmem>>
      %dma_start3A_207 = tpu.memref_squeeze %dma_start3A_206 : memref<1x128xi32, #tpu.memory_space<vmem>> -> memref<128xi32, #tpu.memory_space<vmem>>
      %dma_start3A_208 = arith.constant 0 : i32
      %dma_start3A_209 = tpu.memref_slice %arg3[%add3A_197, %dma_start3A_208] : memref<2528x128xi32, #tpu.memory_space<hbm>> -> memref<1x128xi32, #tpu.memory_space<hbm>>
      %dma_start3A_210 = tpu.memref_squeeze %dma_start3A_209 : memref<1x128xi32, #tpu.memory_space<hbm>> -> memref<128xi32, #tpu.memory_space<hbm>>
      tpu.enqueue_dma source(%dma_start3A_210 : memref<128xi32, #tpu.memory_space<hbm>>) target(%dma_start3A_207 : memref<128xi32, #tpu.memory_space<vmem>>) target_semaphore(%arg14 : memref<!tpu.dma_semaphore, #tpu.memory_space<semaphore_mem>>)
      %add3A_211 = arith.addi %select_n3A_8, %add3A_196 : i32
      %dma_start3A_212 = arith.constant 0 : i32
      %dma_start3A_213 = arith.constant 0 : i32
      %dma_start3A_214 = tpu.memref_slice %arg9[%dma_start3A_212, %dma_start3A_213] : memref<1x128xi32, #tpu.memory_space<vmem>> -> memref<1x128xi32, #tpu.memory_space<vmem>>
      %dma_start3A_215 = tpu.memref_squeeze %dma_start3A_214 : memref<1x128xi32, #tpu.memory_space<vmem>> -> memref<128xi32, #tpu.memory_space<vmem>>
      %dma_start3A_216 = arith.constant 0 : i32
      %dma_start3A_217 = tpu.memref_slice %arg4[%add3A_211, %dma_start3A_216] : memref<2528x128xi32, #tpu.memory_space<hbm>> -> memref<1x128xi32, #tpu.memory_space<hbm>>
      %dma_start3A_218 = tpu.memref_squeeze %dma_start3A_217 : memref<1x128xi32, #tpu.memory_space<hbm>> -> memref<128xi32, #tpu.memory_space<hbm>>
      %dma_start3A_219 = arith.constant 0 : i32
      %dma_start3A_220 = tpu.memref_slice %arg9[%dma_start3A_212, %dma_start3A_219] : memref<1x128xi32, #tpu.memory_space<vmem>> -> memref<1x128xi32, #tpu.memory_space<vmem>>
      %dma_start3A_221 = tpu.memref_squeeze %dma_start3A_220 : memref<1x128xi32, #tpu.memory_space<vmem>> -> memref<128xi32, #tpu.memory_space<vmem>>
      %dma_start3A_222 = arith.constant 0 : i32
      %dma_start3A_223 = tpu.memref_slice %arg4[%add3A_211, %dma_start3A_222] : memref<2528x128xi32, #tpu.memory_space<hbm>> -> memref<1x128xi32, #tpu.memory_space<hbm>>
      %dma_start3A_224 = tpu.memref_squeeze %dma_start3A_223 : memref<1x128xi32, #tpu.memory_space<hbm>> -> memref<128xi32, #tpu.memory_space<hbm>>
      tpu.enqueue_dma source(%dma_start3A_224 : memref<128xi32, #tpu.memory_space<hbm>>) target(%dma_start3A_221 : memref<128xi32, #tpu.memory_space<vmem>>) target_semaphore(%arg14 : memref<!tpu.dma_semaphore, #tpu.memory_space<semaphore_mem>>)
      %dma_wait3A_225 = arith.constant 0 : i32
      %dma_wait3A_226 = arith.constant 0 : i32
      %dma_wait3A_227 = tpu.memref_slice %arg8[%dma_wait3A_225, %dma_wait3A_226] : memref<1x128xi32, #tpu.memory_space<vmem>> -> memref<1x128xi32, #tpu.memory_space<vmem>>
      %dma_wait3A_228 = tpu.memref_squeeze %dma_wait3A_227 : memref<1x128xi32, #tpu.memory_space<vmem>> -> memref<128xi32, #tpu.memory_space<vmem>>
      %dma_wait3A_229 = arith.constant 0 : i32
      %dma_wait3A_230 = arith.constant 0 : i32
      %dma_wait3A_231 = tpu.memref_slice %arg2[%dma_wait3A_229, %dma_wait3A_230] : memref<10240x128xf32, #tpu.memory_space<hbm>> -> memref<10240x128xf32, #tpu.memory_space<hbm>>
      tpu.wait_indirect_dma semaphore(%arg17 : memref<!tpu.dma_semaphore, #tpu.memory_space<semaphore_mem>>) src(%dma_wait3A_231 : memref<10240x128xf32, #tpu.memory_space<hbm>>) dst(%arg12 : memref<128x128xf32, #tpu.memory_space<vmem>>)
      %dma_wait3A_232 = arith.constant 0 : i32
      %dma_wait3A_233 = arith.constant 0 : i32
      %dma_wait3A_234 = arith.constant 0 : i32
      %dma_wait3A_235 = tpu.memref_slice %arg7[%dma_wait3A_233, %dma_wait3A_234] : memref<1x128xi32, #tpu.memory_space<vmem>> -> memref<1x128xi32, #tpu.memory_space<vmem>>
      %dma_wait3A_236 = tpu.memref_squeeze %dma_wait3A_235 : memref<1x128xi32, #tpu.memory_space<vmem>> -> memref<128xi32, #tpu.memory_space<vmem>>
      %dma_wait3A_237 = arith.constant 0 : i32
      %dma_wait3A_238 = tpu.memref_slice %arg3[%dma_wait3A_232, %dma_wait3A_237] : memref<2528x128xi32, #tpu.memory_space<hbm>> -> memref<1x128xi32, #tpu.memory_space<hbm>>
      %dma_wait3A_239 = tpu.memref_squeeze %dma_wait3A_238 : memref<1x128xi32, #tpu.memory_space<hbm>> -> memref<128xi32, #tpu.memory_space<hbm>>
      %dma_wait3A_240 = arith.constant 0 : i32
      %dma_wait3A_241 = tpu.memref_slice %arg7[%dma_wait3A_233, %dma_wait3A_240] : memref<1x128xi32, #tpu.memory_space<vmem>> -> memref<1x128xi32, #tpu.memory_space<vmem>>
      %dma_wait3A_242 = tpu.memref_squeeze %dma_wait3A_241 : memref<1x128xi32, #tpu.memory_space<vmem>> -> memref<128xi32, #tpu.memory_space<vmem>>
      %dma_wait3A_243 = arith.constant 0 : i32
      %dma_wait3A_244 = tpu.memref_slice %arg3[%dma_wait3A_232, %dma_wait3A_243] : memref<2528x128xi32, #tpu.memory_space<hbm>> -> memref<1x128xi32, #tpu.memory_space<hbm>>
      %dma_wait3A_245 = tpu.memref_squeeze %dma_wait3A_244 : memref<1x128xi32, #tpu.memory_space<hbm>> -> memref<128xi32, #tpu.memory_space<hbm>>
      tpu.wait_dma2 semaphore(%arg14 : memref<!tpu.dma_semaphore, #tpu.memory_space<semaphore_mem>>) src(%dma_wait3A_245 : memref<128xi32, #tpu.memory_space<hbm>>) dst(%dma_wait3A_242 : memref<128xi32, #tpu.memory_space<vmem>>)
      %dma_wait3A_246 = arith.constant 0 : i32
      %dma_wait3A_247 = arith.constant 0 : i32
      %dma_wait3A_248 = arith.constant 0 : i32
      %dma_wait3A_249 = tpu.memref_slice %arg9[%dma_wait3A_247, %dma_wait3A_248] : memref<1x128xi32, #tpu.memory_space<vmem>> -> memref<1x128xi32, #tpu.memory_space<vmem>>
      %dma_wait3A_250 = tpu.memref_squeeze %dma_wait3A_249 : memref<1x128xi32, #tpu.memory_space<vmem>> -> memref<128xi32, #tpu.memory_space<vmem>>
      %dma_wait3A_251 = arith.constant 0 : i32
      %dma_wait3A_252 = tpu.memref_slice %arg4[%dma_wait3A_246, %dma_wait3A_251] : memref<2528x128xi32, #tpu.memory_space<hbm>> -> memref<1x128xi32, #tpu.memory_space<hbm>>
      %dma_wait3A_253 = tpu.memref_squeeze %dma_wait3A_252 : memref<1x128xi32, #tpu.memory_space<hbm>> -> memref<128xi32, #tpu.memory_space<hbm>>
      %dma_wait3A_254 = arith.constant 0 : i32
      %dma_wait3A_255 = tpu.memref_slice %arg9[%dma_wait3A_247, %dma_wait3A_254] : memref<1x128xi32, #tpu.memory_space<vmem>> -> memref<1x128xi32, #tpu.memory_space<vmem>>
      %dma_wait3A_256 = tpu.memref_squeeze %dma_wait3A_255 : memref<1x128xi32, #tpu.memory_space<vmem>> -> memref<128xi32, #tpu.memory_space<vmem>>
      %dma_wait3A_257 = arith.constant 0 : i32
      %dma_wait3A_258 = tpu.memref_slice %arg4[%dma_wait3A_246, %dma_wait3A_257] : memref<2528x128xi32, #tpu.memory_space<hbm>> -> memref<1x128xi32, #tpu.memory_space<hbm>>
      %dma_wait3A_259 = tpu.memref_squeeze %dma_wait3A_258 : memref<1x128xi32, #tpu.memory_space<hbm>> -> memref<128xi32, #tpu.memory_space<hbm>>
      tpu.wait_dma2 semaphore(%arg14 : memref<!tpu.dma_semaphore, #tpu.memory_space<semaphore_mem>>) src(%dma_wait3A_259 : memref<128xi32, #tpu.memory_space<hbm>>) dst(%dma_wait3A_256 : memref<128xi32, #tpu.memory_space<vmem>>)
      %dma_start3A_260 = arith.constant 0 : i32
      %dma_start3A_261 = arith.constant 0 : i32
      %dma_start3A_262 = tpu.memref_slice %arg7[%dma_start3A_260, %dma_start3A_261] : memref<1x128xi32, #tpu.memory_space<vmem>> -> memref<1x128xi32, #tpu.memory_space<vmem>>
      %dma_start3A_263 = tpu.memref_squeeze %dma_start3A_262 : memref<1x128xi32, #tpu.memory_space<vmem>> -> memref<128xi32, #tpu.memory_space<vmem>>
      %dma_start3A_264 = arith.constant 0 : i32
      %dma_start3A_265 = arith.constant 0 : i32
      %dma_start3A_266 = tpu.memref_slice %arg2[%dma_start3A_264, %dma_start3A_265] : memref<10240x128xf32, #tpu.memory_space<hbm>> -> memref<10240x128xf32, #tpu.memory_space<hbm>>
      tpu.enqueue_indirect_dma source(%dma_start3A_266 : memref<10240x128xf32, #tpu.memory_space<hbm>>) target(%arg11 : memref<128x128xf32, #tpu.memory_space<vmem>>) offsets(%dma_start3A_263 : memref<128xi32, #tpu.memory_space<vmem>>) semaphore(%arg16 : memref<!tpu.dma_semaphore, #tpu.memory_space<semaphore_mem>>)
      %run_scoped3A_267 = arith.constant 0 : i32
      "tpu.region"() ({
        %run_scoped3A_273 = tpu.sem_alloc : memref<!tpu.dma_semaphore, #tpu.memory_space<semaphore_mem>>
        %dma_start3A_274 = arith.constant 0 : i32
        %dma_start3A_275 = tpu.memref_slice %arg10[%run_scoped3A_267, %dma_start3A_274] : memref<1x128xi32, #tpu.memory_space<vmem>> -> memref<1x128xi32, #tpu.memory_space<vmem>>
        %dma_start3A_276 = tpu.memref_squeeze %dma_start3A_275 : memref<1x128xi32, #tpu.memory_space<vmem>> -> memref<128xi32, #tpu.memory_space<vmem>>
        %dma_start3A_277 = arith.constant 0 : i32
        %dma_start3A_278 = arith.constant 0 : i32
        %dma_start3A_279 = tpu.memref_slice %arg13[%dma_start3A_277, %dma_start3A_278] : memref<10240x128xf32, #tpu.memory_space<vmem_shared>> -> memref<10240x128xf32, #tpu.memory_space<vmem_shared>>
        tpu.enqueue_indirect_dma source(%arg12 : memref<128x128xf32, #tpu.memory_space<vmem>>) target(%dma_start3A_279 : memref<10240x128xf32, #tpu.memory_space<vmem_shared>>) offsets(%dma_start3A_276 : memref<128xi32, #tpu.memory_space<vmem>>) semaphore(%run_scoped3A_273 : memref<!tpu.dma_semaphore, #tpu.memory_space<semaphore_mem>>) {add = true}
        %dma_wait3A_280 = arith.constant 0 : i32
        %dma_wait3A_281 = tpu.memref_slice %arg10[%run_scoped3A_267, %dma_wait3A_280] : memref<1x128xi32, #tpu.memory_space<vmem>> -> memref<1x128xi32, #tpu.memory_space<vmem>>
        %dma_wait3A_282 = tpu.memref_squeeze %dma_wait3A_281 : memref<1x128xi32, #tpu.memory_space<vmem>> -> memref<128xi32, #tpu.memory_space<vmem>>
        %dma_wait3A_283 = arith.constant 0 : i32
        %dma_wait3A_284 = arith.constant 0 : i32
        %dma_wait3A_285 = tpu.memref_slice %arg13[%dma_wait3A_283, %dma_wait3A_284] : memref<10240x128xf32, #tpu.memory_space<vmem_shared>> -> memref<10240x128xf32, #tpu.memory_space<vmem_shared>>
        tpu.wait_indirect_dma semaphore(%run_scoped3A_273 : memref<!tpu.dma_semaphore, #tpu.memory_space<semaphore_mem>>) src(%arg12 : memref<128x128xf32, #tpu.memory_space<vmem>>) dst(%dma_wait3A_285 : memref<10240x128xf32, #tpu.memory_space<vmem_shared>>)
        tpu.yield
      }) : () -> ()
      %add3A_268 = arith.constant 3 : i32
      %add3A_269 = arith.addi %mul3A_151, %add3A_268 : i32
      %lt3A = arith.cmpi slt, %add3A_269, %select_n3A : i32
      %convert_element_type3A_270 = arith.extui %lt3A : i1 to i32
      %cond3A_271 = arith.constant 0 : i32
      %cond3A_272 = arith.cmpi ne, %convert_element_type3A_270, %cond3A_271 : i32
      scf.if %cond3A_272 {
        %add3A_273 = arith.constant 3 : i32
        %add3A_274 = arith.addi %mul3A_151, %add3A_273 : i32
        %add3A_275 = arith.addi %select_n3A_8, %add3A_274 : i32
        %dma_start3A_276 = arith.constant 0 : i32
        %dma_start3A_277 = arith.constant 0 : i32
        %dma_start3A_278 = tpu.memref_slice %arg8[%dma_start3A_276, %dma_start3A_277] : memref<1x128xi32, #tpu.memory_space<vmem>> -> memref<1x128xi32, #tpu.memory_space<vmem>>
        %dma_start3A_279 = tpu.memref_squeeze %dma_start3A_278 : memref<1x128xi32, #tpu.memory_space<vmem>> -> memref<128xi32, #tpu.memory_space<vmem>>
        %dma_start3A_280 = arith.constant 0 : i32
        %dma_start3A_281 = tpu.memref_slice %arg3[%add3A_275, %dma_start3A_280] : memref<2528x128xi32, #tpu.memory_space<hbm>> -> memref<1x128xi32, #tpu.memory_space<hbm>>
        %dma_start3A_282 = tpu.memref_squeeze %dma_start3A_281 : memref<1x128xi32, #tpu.memory_space<hbm>> -> memref<128xi32, #tpu.memory_space<hbm>>
        %dma_start3A_283 = arith.constant 0 : i32
        %dma_start3A_284 = tpu.memref_slice %arg8[%dma_start3A_276, %dma_start3A_283] : memref<1x128xi32, #tpu.memory_space<vmem>> -> memref<1x128xi32, #tpu.memory_space<vmem>>
        %dma_start3A_285 = tpu.memref_squeeze %dma_start3A_284 : memref<1x128xi32, #tpu.memory_space<vmem>> -> memref<128xi32, #tpu.memory_space<vmem>>
        %dma_start3A_286 = arith.constant 0 : i32
        %dma_start3A_287 = tpu.memref_slice %arg3[%add3A_275, %dma_start3A_286] : memref<2528x128xi32, #tpu.memory_space<hbm>> -> memref<1x128xi32, #tpu.memory_space<hbm>>
        %dma_start3A_288 = tpu.memref_squeeze %dma_start3A_287 : memref<1x128xi32, #tpu.memory_space<hbm>> -> memref<128xi32, #tpu.memory_space<hbm>>
        tpu.enqueue_dma source(%dma_start3A_288 : memref<128xi32, #tpu.memory_space<hbm>>) target(%dma_start3A_285 : memref<128xi32, #tpu.memory_space<vmem>>) target_semaphore(%arg15 : memref<!tpu.dma_semaphore, #tpu.memory_space<semaphore_mem>>)
        %add3A_289 = arith.addi %select_n3A_8, %add3A_274 : i32
        %dma_start3A_290 = arith.constant 0 : i32
        %dma_start3A_291 = arith.constant 0 : i32
        %dma_start3A_292 = tpu.memref_slice %arg10[%dma_start3A_290, %dma_start3A_291] : memref<1x128xi32, #tpu.memory_space<vmem>> -> memref<1x128xi32, #tpu.memory_space<vmem>>
        %dma_start3A_293 = tpu.memref_squeeze %dma_start3A_292 : memref<1x128xi32, #tpu.memory_space<vmem>> -> memref<128xi32, #tpu.memory_space<vmem>>
        %dma_start3A_294 = arith.constant 0 : i32
        %dma_start3A_295 = tpu.memref_slice %arg4[%add3A_289, %dma_start3A_294] : memref<2528x128xi32, #tpu.memory_space<hbm>> -> memref<1x128xi32, #tpu.memory_space<hbm>>
        %dma_start3A_296 = tpu.memref_squeeze %dma_start3A_295 : memref<1x128xi32, #tpu.memory_space<hbm>> -> memref<128xi32, #tpu.memory_space<hbm>>
        %dma_start3A_297 = arith.constant 0 : i32
        %dma_start3A_298 = tpu.memref_slice %arg10[%dma_start3A_290, %dma_start3A_297] : memref<1x128xi32, #tpu.memory_space<vmem>> -> memref<1x128xi32, #tpu.memory_space<vmem>>
        %dma_start3A_299 = tpu.memref_squeeze %dma_start3A_298 : memref<1x128xi32, #tpu.memory_space<vmem>> -> memref<128xi32, #tpu.memory_space<vmem>>
        %dma_start3A_300 = arith.constant 0 : i32
        %dma_start3A_301 = tpu.memref_slice %arg4[%add3A_289, %dma_start3A_300] : memref<2528x128xi32, #tpu.memory_space<hbm>> -> memref<1x128xi32, #tpu.memory_space<hbm>>
        %dma_start3A_302 = tpu.memref_squeeze %dma_start3A_301 : memref<1x128xi32, #tpu.memory_space<hbm>> -> memref<128xi32, #tpu.memory_space<hbm>>
        tpu.enqueue_dma source(%dma_start3A_302 : memref<128xi32, #tpu.memory_space<hbm>>) target(%dma_start3A_299 : memref<128xi32, #tpu.memory_space<vmem>>) target_semaphore(%arg15 : memref<!tpu.dma_semaphore, #tpu.memory_space<semaphore_mem>>)
      } else {
      }
    }
    %dma_wait3A_141 = arith.constant 0 : i32
    %dma_wait3A_142 = arith.constant 0 : i32
    %dma_wait3A_143 = tpu.memref_slice %arg7[%dma_wait3A_141, %dma_wait3A_142] : memref<1x128xi32, #tpu.memory_space<vmem>> -> memref<1x128xi32, #tpu.memory_space<vmem>>
    %dma_wait3A_144 = tpu.memref_squeeze %dma_wait3A_143 : memref<1x128xi32, #tpu.memory_space<vmem>> -> memref<128xi32, #tpu.memory_space<vmem>>
    %dma_wait3A_145 = arith.constant 0 : i32
    %dma_wait3A_146 = arith.constant 0 : i32
    %dma_wait3A_147 = tpu.memref_slice %arg2[%dma_wait3A_145, %dma_wait3A_146] : memref<10240x128xf32, #tpu.memory_space<hbm>> -> memref<10240x128xf32, #tpu.memory_space<hbm>>
    tpu.wait_indirect_dma semaphore(%arg16 : memref<!tpu.dma_semaphore, #tpu.memory_space<semaphore_mem>>) src(%dma_wait3A_147 : memref<10240x128xf32, #tpu.memory_space<hbm>>) dst(%arg11 : memref<128x128xf32, #tpu.memory_space<vmem>>)
    %run_scoped3A = arith.constant 0 : i32
    "tpu.region"() ({
      %run_scoped3A_149 = tpu.sem_alloc : memref<!tpu.dma_semaphore, #tpu.memory_space<semaphore_mem>>
      %dma_start3A_150 = arith.constant 0 : i32
      %dma_start3A_151 = tpu.memref_slice %arg9[%run_scoped3A, %dma_start3A_150] : memref<1x128xi32, #tpu.memory_space<vmem>> -> memref<1x128xi32, #tpu.memory_space<vmem>>
      %dma_start3A_152 = tpu.memref_squeeze %dma_start3A_151 : memref<1x128xi32, #tpu.memory_space<vmem>> -> memref<128xi32, #tpu.memory_space<vmem>>
      %dma_start3A_153 = arith.constant 0 : i32
      %dma_start3A_154 = arith.constant 0 : i32
      %dma_start3A_155 = tpu.memref_slice %arg13[%dma_start3A_153, %dma_start3A_154] : memref<10240x128xf32, #tpu.memory_space<vmem_shared>> -> memref<10240x128xf32, #tpu.memory_space<vmem_shared>>
      tpu.enqueue_indirect_dma source(%arg11 : memref<128x128xf32, #tpu.memory_space<vmem>>) target(%dma_start3A_155 : memref<10240x128xf32, #tpu.memory_space<vmem_shared>>) offsets(%dma_start3A_152 : memref<128xi32, #tpu.memory_space<vmem>>) semaphore(%run_scoped3A_149 : memref<!tpu.dma_semaphore, #tpu.memory_space<semaphore_mem>>) {add = true}
      %dma_wait3A_156 = arith.constant 0 : i32
      %dma_wait3A_157 = tpu.memref_slice %arg9[%run_scoped3A, %dma_wait3A_156] : memref<1x128xi32, #tpu.memory_space<vmem>> -> memref<1x128xi32, #tpu.memory_space<vmem>>
      %dma_wait3A_158 = tpu.memref_squeeze %dma_wait3A_157 : memref<1x128xi32, #tpu.memory_space<vmem>> -> memref<128xi32, #tpu.memory_space<vmem>>
      %dma_wait3A_159 = arith.constant 0 : i32
      %dma_wait3A_160 = arith.constant 0 : i32
      %dma_wait3A_161 = tpu.memref_slice %arg13[%dma_wait3A_159, %dma_wait3A_160] : memref<10240x128xf32, #tpu.memory_space<vmem_shared>> -> memref<10240x128xf32, #tpu.memory_space<vmem_shared>>
      tpu.wait_indirect_dma semaphore(%run_scoped3A_149 : memref<!tpu.dma_semaphore, #tpu.memory_space<semaphore_mem>>) src(%arg11 : memref<128x128xf32, #tpu.memory_space<vmem>>) dst(%dma_wait3A_161 : memref<10240x128xf32, #tpu.memory_space<vmem_shared>>)
      tpu.yield
    }) : () -> ()
    %barrier3A_148 = arith.constant 0 : index
    tpu.barrier barrier_id(%barrier3A_148)
    "tpu.region"() ({
      %run_scoped3A_149 = tpu.sem_alloc : memref<!tpu.dma_semaphore, #tpu.memory_space<semaphore_mem>>
      %dma_start3A_150 = arith.constant 0 : i32
      %dma_start3A_151 = arith.constant 0 : i32
      %dma_start3A_152 = tpu.memref_slice %arg6[%arg0, %dma_start3A_150, %dma_start3A_151] : memref<2x10240x128xf32, #tpu.memory_space<hbm>> -> memref<1x10240x128xf32, #tpu.memory_space<hbm>>
      %dma_start3A_153 = tpu.memref_squeeze %dma_start3A_152 : memref<1x10240x128xf32, #tpu.memory_space<hbm>> -> memref<10240x128xf32, #tpu.memory_space<hbm>>
      %dma_start3A_154 = arith.constant 0 : i32
      %dma_start3A_155 = tpu.memref_slice %dma_start3A_153[%mul3A_10, %dma_start3A_154] : memref<10240x128xf32, #tpu.memory_space<hbm>> -> memref<640x128xf32, #tpu.memory_space<hbm>>
      %dma_start3A_156 = arith.constant 0 : i32
      %dma_start3A_157 = tpu.memref_slice %arg13[%mul3A_10, %dma_start3A_156] : memref<10240x128xf32, #tpu.memory_space<vmem_shared>> -> memref<640x128xf32, #tpu.memory_space<vmem_shared>>
      tpu.enqueue_dma source(%dma_start3A_157 : memref<640x128xf32, #tpu.memory_space<vmem_shared>>) target(%dma_start3A_155 : memref<640x128xf32, #tpu.memory_space<hbm>>) target_semaphore(%run_scoped3A_149 : memref<!tpu.dma_semaphore, #tpu.memory_space<semaphore_mem>>)
      %dma_wait3A_158 = arith.constant 0 : i32
      %dma_wait3A_159 = arith.constant 0 : i32
      %dma_wait3A_160 = tpu.memref_slice %arg6[%arg0, %dma_wait3A_158, %dma_wait3A_159] : memref<2x10240x128xf32, #tpu.memory_space<hbm>> -> memref<1x10240x128xf32, #tpu.memory_space<hbm>>
      %dma_wait3A_161 = tpu.memref_squeeze %dma_wait3A_160 : memref<1x10240x128xf32, #tpu.memory_space<hbm>> -> memref<10240x128xf32, #tpu.memory_space<hbm>>
      %dma_wait3A_162 = arith.constant 0 : i32
      %dma_wait3A_163 = tpu.memref_slice %dma_wait3A_161[%mul3A_10, %dma_wait3A_162] : memref<10240x128xf32, #tpu.memory_space<hbm>> -> memref<640x128xf32, #tpu.memory_space<hbm>>
      %dma_wait3A_164 = arith.constant 0 : i32
      %dma_wait3A_165 = tpu.memref_slice %arg13[%mul3A_10, %dma_wait3A_164] : memref<10240x128xf32, #tpu.memory_space<vmem_shared>> -> memref<640x128xf32, #tpu.memory_space<vmem_shared>>
      tpu.wait_dma2 semaphore(%run_scoped3A_149 : memref<!tpu.dma_semaphore, #tpu.memory_space<semaphore_mem>>) src(%dma_wait3A_165 : memref<640x128xf32, #tpu.memory_space<vmem_shared>>) dst(%dma_wait3A_163 : memref<640x128xf32, #tpu.memory_space<hbm>>)
      tpu.yield
    }) : () -> ()
    return
  }
}

#map = affine_map<(d0, d1) -> (0, 0)>
#map1 = affine_map<(d0, d1) -> (0, 0, 0)>
module attributes {stable_mosaic.version = 14 : i64} {
  func.func @_sc_aggregate_body(%arg0: i32, %arg1: i32, %arg2: memref<10240x128xf32, #tpu.memory_space<hbm>>, %arg3: memref<2528x128xi32, #tpu.memory_space<hbm>>, %arg4: memref<2528x128xi32, #tpu.memory_space<hbm>>, %arg5: memref<10240x128xf32, #tpu.memory_space<hbm>>, %arg6: memref<2x10240x128xf32, #tpu.memory_space<hbm>>, %arg7: memref<1x128xi32, #tpu.memory_space<vmem>>, %arg8: memref<1x128xi32, #tpu.memory_space<vmem>>, %arg9: memref<1x128xi32, #tpu.memory_space<vmem>>, %arg10: memref<1x128xi32, #tpu.memory_space<vmem>>, %arg11: memref<128x128xf32, #tpu.memory_space<vmem>>, %arg12: memref<128x128xf32, #tpu.memory_space<vmem>>, %arg13: memref<10240x128xf32, #tpu.memory_space<vmem_shared>>, %arg14: memref<!tpu.dma_semaphore, #tpu.memory_space<semaphore_mem>>, %arg15: memref<!tpu.dma_semaphore, #tpu.memory_space<semaphore_mem>>, %arg16: memref<!tpu.dma_semaphore, #tpu.memory_space<semaphore_mem>>, %arg17: memref<!tpu.dma_semaphore, #tpu.memory_space<semaphore_mem>>) attributes {dimension_semantics = [#tpu.dimension_semantics<core_parallel>, #tpu.dimension_semantics<subcore_parallel>], iteration_bounds = array<i64: 2, 16>, scalar_prefetch = 0 : i64, scratch_operands = 11 : i64, tpu.core_type = #tpu.core_type<sc_vector_subcore>, window_params = [{transform_indices = #map}, {transform_indices = #map}, {transform_indices = #map}, {transform_indices = #map}, {transform_indices = #map1}]} {
    %eq3A = arith.constant 0 : i32
    %eq3A_0 = arith.cmpi eq, %arg0, %eq3A : i32
    %jit3A = arith.constant 105 : i32
    %jit3A_1 = arith.constant 53 : i32
    %select_n3A = arith.select %eq3A_0, %jit3A, %jit3A_1 : i32
    %eq3A_2 = arith.constant 0 : i32
    %eq3A_3 = arith.cmpi eq, %arg0, %eq3A_2 : i32
    %mul3A = arith.constant 105 : i32
    %mul3A_4 = arith.muli %arg1, %mul3A : i32
    %mul3A_5 = arith.constant 53 : i32
    %mul3A_6 = arith.muli %arg1, %mul3A_5 : i32
    %add3A = arith.constant 1680 : i32
    %add3A_7 = arith.addi %add3A, %mul3A_6 : i32
    %select_n3A_8 = arith.select %eq3A_3, %mul3A_4, %add3A_7 : i32
    %mul3A_9 = arith.constant 640 : i32
    %mul3A_10 = arith.muli %arg1, %mul3A_9 : i32
    %eq3A_11 = arith.constant 0 : i32
    %eq3A_12 = arith.cmpi eq, %arg0, %eq3A_11 : i32
    %convert_element_type3A = arith.extui %eq3A_12 : i1 to i32
    %cond3A = arith.constant 0 : i32
    %cond3A_13 = arith.cmpi ne, %convert_element_type3A, %cond3A : i32
    scf.if %cond3A_13 {
      "tpu.region"() ({
        %run_scoped3A_149 = tpu.sem_alloc : memref<!tpu.dma_semaphore, #tpu.memory_space<semaphore_mem>>
        %dma_start3A_150 = arith.constant 0 : i32
        %dma_start3A_151 = tpu.memref_slice %arg13[%mul3A_10, %dma_start3A_150] : memref<10240x128xf32, #tpu.memory_space<vmem_shared>> -> memref<640x128xf32, #tpu.memory_space<vmem_shared>>
        %dma_start3A_152 = arith.constant 0 : i32
        %dma_start3A_153 = tpu.memref_slice %arg2[%mul3A_10, %dma_start3A_152] : memref<10240x128xf32, #tpu.memory_space<hbm>> -> memref<640x128xf32, #tpu.memory_space<hbm>>
        tpu.enqueue_dma source(%dma_start3A_153 : memref<640x128xf32, #tpu.memory_space<hbm>>) target(%dma_start3A_151 : memref<640x128xf32, #tpu.memory_space<vmem_shared>>) target_semaphore(%run_scoped3A_149 : memref<!tpu.dma_semaphore, #tpu.memory_space<semaphore_mem>>)
        %dma_wait3A_154 = arith.constant 0 : i32
        %dma_wait3A_155 = tpu.memref_slice %arg13[%mul3A_10, %dma_wait3A_154] : memref<10240x128xf32, #tpu.memory_space<vmem_shared>> -> memref<640x128xf32, #tpu.memory_space<vmem_shared>>
        %dma_wait3A_156 = arith.constant 0 : i32
        %dma_wait3A_157 = tpu.memref_slice %arg2[%mul3A_10, %dma_wait3A_156] : memref<10240x128xf32, #tpu.memory_space<hbm>> -> memref<640x128xf32, #tpu.memory_space<hbm>>
        tpu.wait_dma2 semaphore(%run_scoped3A_149 : memref<!tpu.dma_semaphore, #tpu.memory_space<semaphore_mem>>) src(%dma_wait3A_157 : memref<640x128xf32, #tpu.memory_space<hbm>>) dst(%dma_wait3A_155 : memref<640x128xf32, #tpu.memory_space<vmem_shared>>)
        tpu.yield
      }) : () -> ()
    } else {
    }
    %eq3A_14 = arith.constant 1 : i32
    %eq3A_15 = arith.cmpi eq, %arg0, %eq3A_14 : i32
    %convert_element_type3A_16 = arith.extui %eq3A_15 : i1 to i32
    %cond3A_17 = arith.constant 0 : i32
    %cond3A_18 = arith.cmpi ne, %convert_element_type3A_16, %cond3A_17 : i32
    scf.if %cond3A_18 {
      "tpu.region"() ({
        %run_scoped3A_149 = tpu.sem_alloc : memref<!tpu.dma_semaphore, #tpu.memory_space<semaphore_mem>>
        %dma_start3A_150 = arith.constant 0 : i32
        %dma_start3A_151 = tpu.memref_slice %arg13[%mul3A_10, %dma_start3A_150] : memref<10240x128xf32, #tpu.memory_space<vmem_shared>> -> memref<640x128xf32, #tpu.memory_space<vmem_shared>>
        %dma_start3A_152 = arith.constant 0 : i32
        %dma_start3A_153 = tpu.memref_slice %arg5[%mul3A_10, %dma_start3A_152] : memref<10240x128xf32, #tpu.memory_space<hbm>> -> memref<640x128xf32, #tpu.memory_space<hbm>>
        tpu.enqueue_dma source(%dma_start3A_153 : memref<640x128xf32, #tpu.memory_space<hbm>>) target(%dma_start3A_151 : memref<640x128xf32, #tpu.memory_space<vmem_shared>>) target_semaphore(%run_scoped3A_149 : memref<!tpu.dma_semaphore, #tpu.memory_space<semaphore_mem>>)
        %dma_wait3A_154 = arith.constant 0 : i32
        %dma_wait3A_155 = tpu.memref_slice %arg13[%mul3A_10, %dma_wait3A_154] : memref<10240x128xf32, #tpu.memory_space<vmem_shared>> -> memref<640x128xf32, #tpu.memory_space<vmem_shared>>
        %dma_wait3A_156 = arith.constant 0 : i32
        %dma_wait3A_157 = tpu.memref_slice %arg5[%mul3A_10, %dma_wait3A_156] : memref<10240x128xf32, #tpu.memory_space<hbm>> -> memref<640x128xf32, #tpu.memory_space<hbm>>
        tpu.wait_dma2 semaphore(%run_scoped3A_149 : memref<!tpu.dma_semaphore, #tpu.memory_space<semaphore_mem>>) src(%dma_wait3A_157 : memref<640x128xf32, #tpu.memory_space<hbm>>) dst(%dma_wait3A_155 : memref<640x128xf32, #tpu.memory_space<vmem_shared>>)
        tpu.yield
      }) : () -> ()
    } else {
    }
    %add3A_19 = arith.constant 0 : i32
    %add3A_20 = arith.addi %select_n3A_8, %add3A_19 : i32
    %dma_start3A = arith.constant 0 : i32
    %dma_start3A_21 = arith.constant 0 : i32
    %dma_start3A_22 = tpu.memref_slice %arg7[%dma_start3A, %dma_start3A_21] : memref<1x128xi32, #tpu.memory_space<vmem>> -> memref<1x128xi32, #tpu.memory_space<vmem>>
    %dma_start3A_23 = tpu.memref_squeeze %dma_start3A_22 : memref<1x128xi32, #tpu.memory_space<vmem>> -> memref<128xi32, #tpu.memory_space<vmem>>
    %dma_start3A_24 = arith.constant 0 : i32
    %dma_start3A_25 = tpu.memref_slice %arg3[%add3A_20, %dma_start3A_24] : memref<2528x128xi32, #tpu.memory_space<hbm>> -> memref<1x128xi32, #tpu.memory_space<hbm>>
    %dma_start3A_26 = tpu.memref_squeeze %dma_start3A_25 : memref<1x128xi32, #tpu.memory_space<hbm>> -> memref<128xi32, #tpu.memory_space<hbm>>
    %dma_start3A_27 = arith.constant 0 : i32
    %dma_start3A_28 = tpu.memref_slice %arg7[%dma_start3A, %dma_start3A_27] : memref<1x128xi32, #tpu.memory_space<vmem>> -> memref<1x128xi32, #tpu.memory_space<vmem>>
    %dma_start3A_29 = tpu.memref_squeeze %dma_start3A_28 : memref<1x128xi32, #tpu.memory_space<vmem>> -> memref<128xi32, #tpu.memory_space<vmem>>
    %dma_start3A_30 = arith.constant 0 : i32
    %dma_start3A_31 = tpu.memref_slice %arg3[%add3A_20, %dma_start3A_30] : memref<2528x128xi32, #tpu.memory_space<hbm>> -> memref<1x128xi32, #tpu.memory_space<hbm>>
    %dma_start3A_32 = tpu.memref_squeeze %dma_start3A_31 : memref<1x128xi32, #tpu.memory_space<hbm>> -> memref<128xi32, #tpu.memory_space<hbm>>
    tpu.enqueue_dma source(%dma_start3A_32 : memref<128xi32, #tpu.memory_space<hbm>>) target(%dma_start3A_29 : memref<128xi32, #tpu.memory_space<vmem>>) target_semaphore(%arg14 : memref<!tpu.dma_semaphore, #tpu.memory_space<semaphore_mem>>)
    %add3A_33 = arith.constant 0 : i32
    %add3A_34 = arith.addi %select_n3A_8, %add3A_33 : i32
    %dma_start3A_35 = arith.constant 0 : i32
    %dma_start3A_36 = arith.constant 0 : i32
    %dma_start3A_37 = tpu.memref_slice %arg9[%dma_start3A_35, %dma_start3A_36] : memref<1x128xi32, #tpu.memory_space<vmem>> -> memref<1x128xi32, #tpu.memory_space<vmem>>
    %dma_start3A_38 = tpu.memref_squeeze %dma_start3A_37 : memref<1x128xi32, #tpu.memory_space<vmem>> -> memref<128xi32, #tpu.memory_space<vmem>>
    %dma_start3A_39 = arith.constant 0 : i32
    %dma_start3A_40 = tpu.memref_slice %arg4[%add3A_34, %dma_start3A_39] : memref<2528x128xi32, #tpu.memory_space<hbm>> -> memref<1x128xi32, #tpu.memory_space<hbm>>
    %dma_start3A_41 = tpu.memref_squeeze %dma_start3A_40 : memref<1x128xi32, #tpu.memory_space<hbm>> -> memref<128xi32, #tpu.memory_space<hbm>>
    %dma_start3A_42 = arith.constant 0 : i32
    %dma_start3A_43 = tpu.memref_slice %arg9[%dma_start3A_35, %dma_start3A_42] : memref<1x128xi32, #tpu.memory_space<vmem>> -> memref<1x128xi32, #tpu.memory_space<vmem>>
    %dma_start3A_44 = tpu.memref_squeeze %dma_start3A_43 : memref<1x128xi32, #tpu.memory_space<vmem>> -> memref<128xi32, #tpu.memory_space<vmem>>
    %dma_start3A_45 = arith.constant 0 : i32
    %dma_start3A_46 = tpu.memref_slice %arg4[%add3A_34, %dma_start3A_45] : memref<2528x128xi32, #tpu.memory_space<hbm>> -> memref<1x128xi32, #tpu.memory_space<hbm>>
    %dma_start3A_47 = tpu.memref_squeeze %dma_start3A_46 : memref<1x128xi32, #tpu.memory_space<hbm>> -> memref<128xi32, #tpu.memory_space<hbm>>
    tpu.enqueue_dma source(%dma_start3A_47 : memref<128xi32, #tpu.memory_space<hbm>>) target(%dma_start3A_44 : memref<128xi32, #tpu.memory_space<vmem>>) target_semaphore(%arg14 : memref<!tpu.dma_semaphore, #tpu.memory_space<semaphore_mem>>)
    %add3A_48 = arith.constant 1 : i32
    %add3A_49 = arith.addi %select_n3A_8, %add3A_48 : i32
    %dma_start3A_50 = arith.constant 0 : i32
    %dma_start3A_51 = arith.constant 0 : i32
    %dma_start3A_52 = tpu.memref_slice %arg8[%dma_start3A_50, %dma_start3A_51] : memref<1x128xi32, #tpu.memory_space<vmem>> -> memref<1x128xi32, #tpu.memory_space<vmem>>
    %dma_start3A_53 = tpu.memref_squeeze %dma_start3A_52 : memref<1x128xi32, #tpu.memory_space<vmem>> -> memref<128xi32, #tpu.memory_space<vmem>>
    %dma_start3A_54 = arith.constant 0 : i32
    %dma_start3A_55 = tpu.memref_slice %arg3[%add3A_49, %dma_start3A_54] : memref<2528x128xi32, #tpu.memory_space<hbm>> -> memref<1x128xi32, #tpu.memory_space<hbm>>
    %dma_start3A_56 = tpu.memref_squeeze %dma_start3A_55 : memref<1x128xi32, #tpu.memory_space<hbm>> -> memref<128xi32, #tpu.memory_space<hbm>>
    %dma_start3A_57 = arith.constant 0 : i32
    %dma_start3A_58 = tpu.memref_slice %arg8[%dma_start3A_50, %dma_start3A_57] : memref<1x128xi32, #tpu.memory_space<vmem>> -> memref<1x128xi32, #tpu.memory_space<vmem>>
    %dma_start3A_59 = tpu.memref_squeeze %dma_start3A_58 : memref<1x128xi32, #tpu.memory_space<vmem>> -> memref<128xi32, #tpu.memory_space<vmem>>
    %dma_start3A_60 = arith.constant 0 : i32
    %dma_start3A_61 = tpu.memref_slice %arg3[%add3A_49, %dma_start3A_60] : memref<2528x128xi32, #tpu.memory_space<hbm>> -> memref<1x128xi32, #tpu.memory_space<hbm>>
    %dma_start3A_62 = tpu.memref_squeeze %dma_start3A_61 : memref<1x128xi32, #tpu.memory_space<hbm>> -> memref<128xi32, #tpu.memory_space<hbm>>
    tpu.enqueue_dma source(%dma_start3A_62 : memref<128xi32, #tpu.memory_space<hbm>>) target(%dma_start3A_59 : memref<128xi32, #tpu.memory_space<vmem>>) target_semaphore(%arg15 : memref<!tpu.dma_semaphore, #tpu.memory_space<semaphore_mem>>)
    %add3A_63 = arith.constant 1 : i32
    %add3A_64 = arith.addi %select_n3A_8, %add3A_63 : i32
    %dma_start3A_65 = arith.constant 0 : i32
    %dma_start3A_66 = arith.constant 0 : i32
    %dma_start3A_67 = tpu.memref_slice %arg10[%dma_start3A_65, %dma_start3A_66] : memref<1x128xi32, #tpu.memory_space<vmem>> -> memref<1x128xi32, #tpu.memory_space<vmem>>
    %dma_start3A_68 = tpu.memref_squeeze %dma_start3A_67 : memref<1x128xi32, #tpu.memory_space<vmem>> -> memref<128xi32, #tpu.memory_space<vmem>>
    %dma_start3A_69 = arith.constant 0 : i32
    %dma_start3A_70 = tpu.memref_slice %arg4[%add3A_64, %dma_start3A_69] : memref<2528x128xi32, #tpu.memory_space<hbm>> -> memref<1x128xi32, #tpu.memory_space<hbm>>
    %dma_start3A_71 = tpu.memref_squeeze %dma_start3A_70 : memref<1x128xi32, #tpu.memory_space<hbm>> -> memref<128xi32, #tpu.memory_space<hbm>>
    %dma_start3A_72 = arith.constant 0 : i32
    %dma_start3A_73 = tpu.memref_slice %arg10[%dma_start3A_65, %dma_start3A_72] : memref<1x128xi32, #tpu.memory_space<vmem>> -> memref<1x128xi32, #tpu.memory_space<vmem>>
    %dma_start3A_74 = tpu.memref_squeeze %dma_start3A_73 : memref<1x128xi32, #tpu.memory_space<vmem>> -> memref<128xi32, #tpu.memory_space<vmem>>
    %dma_start3A_75 = arith.constant 0 : i32
    %dma_start3A_76 = tpu.memref_slice %arg4[%add3A_64, %dma_start3A_75] : memref<2528x128xi32, #tpu.memory_space<hbm>> -> memref<1x128xi32, #tpu.memory_space<hbm>>
    %dma_start3A_77 = tpu.memref_squeeze %dma_start3A_76 : memref<1x128xi32, #tpu.memory_space<hbm>> -> memref<128xi32, #tpu.memory_space<hbm>>
    tpu.enqueue_dma source(%dma_start3A_77 : memref<128xi32, #tpu.memory_space<hbm>>) target(%dma_start3A_74 : memref<128xi32, #tpu.memory_space<vmem>>) target_semaphore(%arg15 : memref<!tpu.dma_semaphore, #tpu.memory_space<semaphore_mem>>)
    %dma_wait3A = arith.constant 0 : i32
    %dma_wait3A_78 = arith.constant 0 : i32
    %dma_wait3A_79 = arith.constant 0 : i32
    %dma_wait3A_80 = tpu.memref_slice %arg7[%dma_wait3A_78, %dma_wait3A_79] : memref<1x128xi32, #tpu.memory_space<vmem>> -> memref<1x128xi32, #tpu.memory_space<vmem>>
    %dma_wait3A_81 = tpu.memref_squeeze %dma_wait3A_80 : memref<1x128xi32, #tpu.memory_space<vmem>> -> memref<128xi32, #tpu.memory_space<vmem>>
    %dma_wait3A_82 = arith.constant 0 : i32
    %dma_wait3A_83 = tpu.memref_slice %arg3[%dma_wait3A, %dma_wait3A_82] : memref<2528x128xi32, #tpu.memory_space<hbm>> -> memref<1x128xi32, #tpu.memory_space<hbm>>
    %dma_wait3A_84 = tpu.memref_squeeze %dma_wait3A_83 : memref<1x128xi32, #tpu.memory_space<hbm>> -> memref<128xi32, #tpu.memory_space<hbm>>
    %dma_wait3A_85 = arith.constant 0 : i32
    %dma_wait3A_86 = tpu.memref_slice %arg7[%dma_wait3A_78, %dma_wait3A_85] : memref<1x128xi32, #tpu.memory_space<vmem>> -> memref<1x128xi32, #tpu.memory_space<vmem>>
    %dma_wait3A_87 = tpu.memref_squeeze %dma_wait3A_86 : memref<1x128xi32, #tpu.memory_space<vmem>> -> memref<128xi32, #tpu.memory_space<vmem>>
    %dma_wait3A_88 = arith.constant 0 : i32
    %dma_wait3A_89 = tpu.memref_slice %arg3[%dma_wait3A, %dma_wait3A_88] : memref<2528x128xi32, #tpu.memory_space<hbm>> -> memref<1x128xi32, #tpu.memory_space<hbm>>
    %dma_wait3A_90 = tpu.memref_squeeze %dma_wait3A_89 : memref<1x128xi32, #tpu.memory_space<hbm>> -> memref<128xi32, #tpu.memory_space<hbm>>
    tpu.wait_dma2 semaphore(%arg14 : memref<!tpu.dma_semaphore, #tpu.memory_space<semaphore_mem>>) src(%dma_wait3A_90 : memref<128xi32, #tpu.memory_space<hbm>>) dst(%dma_wait3A_87 : memref<128xi32, #tpu.memory_space<vmem>>)
    %dma_wait3A_91 = arith.constant 0 : i32
    %dma_wait3A_92 = arith.constant 0 : i32
    %dma_wait3A_93 = arith.constant 0 : i32
    %dma_wait3A_94 = tpu.memref_slice %arg9[%dma_wait3A_92, %dma_wait3A_93] : memref<1x128xi32, #tpu.memory_space<vmem>> -> memref<1x128xi32, #tpu.memory_space<vmem>>
    %dma_wait3A_95 = tpu.memref_squeeze %dma_wait3A_94 : memref<1x128xi32, #tpu.memory_space<vmem>> -> memref<128xi32, #tpu.memory_space<vmem>>
    %dma_wait3A_96 = arith.constant 0 : i32
    %dma_wait3A_97 = tpu.memref_slice %arg4[%dma_wait3A_91, %dma_wait3A_96] : memref<2528x128xi32, #tpu.memory_space<hbm>> -> memref<1x128xi32, #tpu.memory_space<hbm>>
    %dma_wait3A_98 = tpu.memref_squeeze %dma_wait3A_97 : memref<1x128xi32, #tpu.memory_space<hbm>> -> memref<128xi32, #tpu.memory_space<hbm>>
    %dma_wait3A_99 = arith.constant 0 : i32
    %dma_wait3A_100 = tpu.memref_slice %arg9[%dma_wait3A_92, %dma_wait3A_99] : memref<1x128xi32, #tpu.memory_space<vmem>> -> memref<1x128xi32, #tpu.memory_space<vmem>>
    %dma_wait3A_101 = tpu.memref_squeeze %dma_wait3A_100 : memref<1x128xi32, #tpu.memory_space<vmem>> -> memref<128xi32, #tpu.memory_space<vmem>>
    %dma_wait3A_102 = arith.constant 0 : i32
    %dma_wait3A_103 = tpu.memref_slice %arg4[%dma_wait3A_91, %dma_wait3A_102] : memref<2528x128xi32, #tpu.memory_space<hbm>> -> memref<1x128xi32, #tpu.memory_space<hbm>>
    %dma_wait3A_104 = tpu.memref_squeeze %dma_wait3A_103 : memref<1x128xi32, #tpu.memory_space<hbm>> -> memref<128xi32, #tpu.memory_space<hbm>>
    tpu.wait_dma2 semaphore(%arg14 : memref<!tpu.dma_semaphore, #tpu.memory_space<semaphore_mem>>) src(%dma_wait3A_104 : memref<128xi32, #tpu.memory_space<hbm>>) dst(%dma_wait3A_101 : memref<128xi32, #tpu.memory_space<vmem>>)
    %dma_start3A_105 = arith.constant 0 : i32
    %dma_start3A_106 = arith.constant 0 : i32
    %dma_start3A_107 = tpu.memref_slice %arg7[%dma_start3A_105, %dma_start3A_106] : memref<1x128xi32, #tpu.memory_space<vmem>> -> memref<1x128xi32, #tpu.memory_space<vmem>>
    %dma_start3A_108 = tpu.memref_squeeze %dma_start3A_107 : memref<1x128xi32, #tpu.memory_space<vmem>> -> memref<128xi32, #tpu.memory_space<vmem>>
    %dma_start3A_109 = arith.constant 0 : i32
    %dma_start3A_110 = arith.constant 0 : i32
    %dma_start3A_111 = tpu.memref_slice %arg2[%dma_start3A_109, %dma_start3A_110] : memref<10240x128xf32, #tpu.memory_space<hbm>> -> memref<10240x128xf32, #tpu.memory_space<hbm>>
    tpu.enqueue_indirect_dma source(%dma_start3A_111 : memref<10240x128xf32, #tpu.memory_space<hbm>>) target(%arg11 : memref<128x128xf32, #tpu.memory_space<vmem>>) offsets(%dma_start3A_108 : memref<128xi32, #tpu.memory_space<vmem>>) semaphore(%arg16 : memref<!tpu.dma_semaphore, #tpu.memory_space<semaphore_mem>>)
    %barrier3A = arith.constant 0 : index
    tpu.barrier barrier_id(%barrier3A)
    %sub3A = arith.constant 1 : i32
    %sub3A_112 = arith.subi %select_n3A, %sub3A : i32
    %jit3A_113 = arith.constant 2 : i32
    %div3A = arith.divsi %sub3A_112, %jit3A_113 : i32
    %sign3A = arith.constant 0 : i32
    %sign3A_114 = arith.cmpi sgt, %sub3A_112, %sign3A : i32
    %sign3A_115 = arith.extui %sign3A_114 : i1 to i32
    %sign3A_116 = arith.constant 0 : i32
    %sign3A_117 = arith.cmpi slt, %sub3A_112, %sign3A_116 : i32
    %sign3A_118 = arith.extui %sign3A_117 : i1 to i32
    %sign3A_119 = arith.subi %sign3A_115, %sign3A_118 : i32
    %sign3A_120 = arith.constant 0 : i32
    %sign3A_121 = arith.cmpi sgt, %jit3A_113, %sign3A_120 : i32
    %sign3A_122 = arith.extui %sign3A_121 : i1 to i32
    %sign3A_123 = arith.constant 0 : i32
    %sign3A_124 = arith.cmpi slt, %jit3A_113, %sign3A_123 : i32
    %sign3A_125 = arith.extui %sign3A_124 : i1 to i32
    %sign3A_126 = arith.subi %sign3A_122, %sign3A_125 : i32
    %ne3A = arith.cmpi ne, %sign3A_119, %sign3A_126 : i32
    %rem3A = arith.remsi %sub3A_112, %jit3A_113 : i32
    %ne3A_127 = arith.constant 0 : i32
    %ne3A_128 = arith.cmpi ne, %rem3A, %ne3A_127 : i32
    %and3A = arith.andi %ne3A, %ne3A_128 : i1
    %sub3A_129 = arith.constant 1 : i32
    %sub3A_130 = arith.subi %div3A, %sub3A_129 : i32
    %select_n3A_131 = arith.select %and3A, %sub3A_130, %div3A : i32
    %while3A = arith.constant 0 : i32
    %while3A_132 = arith.constant 0 : i32
    %while3A_133 = arith.subi %select_n3A_131, %while3A_132 : i32
    %while3A_134 = arith.addi %while3A_132, %while3A_133 : i32
    %while3A_135 = arith.constant 1 : i32
    %while3A_136 = arith.divsi %while3A_133, %while3A_135 : i32
    %while3A_137 = arith.muli %while3A_136, %while3A_135 : i32
    %while3A_138 = arith.addi %while3A_132, %while3A_137 : i32
    %while3A_139 = arith.constant 1 : i32
    scf.for %while3A_149 = %while3A_132 to %while3A_138 step %while3A_139  : i32 {
      %mul3A_150 = arith.constant 2 : i32
      %mul3A_151 = arith.muli %mul3A_150, %while3A_149 : i32
      %dma_wait3A_152 = arith.constant 0 : i32
      %dma_wait3A_153 = arith.constant 0 : i32
      %dma_wait3A_154 = tpu.memref_slice %arg7[%dma_wait3A_152, %dma_wait3A_153] : memref<1x128xi32, #tpu.memory_space<vmem>> -> memref<1x128xi32, #tpu.memory_space<vmem>>
      %dma_wait3A_155 = tpu.memref_squeeze %dma_wait3A_154 : memref<1x128xi32, #tpu.memory_space<vmem>> -> memref<128xi32, #tpu.memory_space<vmem>>
      %dma_wait3A_156 = arith.constant 0 : i32
      %dma_wait3A_157 = arith.constant 0 : i32
      %dma_wait3A_158 = tpu.memref_slice %arg2[%dma_wait3A_156, %dma_wait3A_157] : memref<10240x128xf32, #tpu.memory_space<hbm>> -> memref<10240x128xf32, #tpu.memory_space<hbm>>
      tpu.wait_indirect_dma semaphore(%arg16 : memref<!tpu.dma_semaphore, #tpu.memory_space<semaphore_mem>>) src(%dma_wait3A_158 : memref<10240x128xf32, #tpu.memory_space<hbm>>) dst(%arg11 : memref<128x128xf32, #tpu.memory_space<vmem>>)
      %dma_wait3A_159 = arith.constant 0 : i32
      %dma_wait3A_160 = arith.constant 0 : i32
      %dma_wait3A_161 = arith.constant 0 : i32
      %dma_wait3A_162 = tpu.memref_slice %arg8[%dma_wait3A_160, %dma_wait3A_161] : memref<1x128xi32, #tpu.memory_space<vmem>> -> memref<1x128xi32, #tpu.memory_space<vmem>>
      %dma_wait3A_163 = tpu.memref_squeeze %dma_wait3A_162 : memref<1x128xi32, #tpu.memory_space<vmem>> -> memref<128xi32, #tpu.memory_space<vmem>>
      %dma_wait3A_164 = arith.constant 0 : i32
      %dma_wait3A_165 = tpu.memref_slice %arg3[%dma_wait3A_159, %dma_wait3A_164] : memref<2528x128xi32, #tpu.memory_space<hbm>> -> memref<1x128xi32, #tpu.memory_space<hbm>>
      %dma_wait3A_166 = tpu.memref_squeeze %dma_wait3A_165 : memref<1x128xi32, #tpu.memory_space<hbm>> -> memref<128xi32, #tpu.memory_space<hbm>>
      %dma_wait3A_167 = arith.constant 0 : i32
      %dma_wait3A_168 = tpu.memref_slice %arg8[%dma_wait3A_160, %dma_wait3A_167] : memref<1x128xi32, #tpu.memory_space<vmem>> -> memref<1x128xi32, #tpu.memory_space<vmem>>
      %dma_wait3A_169 = tpu.memref_squeeze %dma_wait3A_168 : memref<1x128xi32, #tpu.memory_space<vmem>> -> memref<128xi32, #tpu.memory_space<vmem>>
      %dma_wait3A_170 = arith.constant 0 : i32
      %dma_wait3A_171 = tpu.memref_slice %arg3[%dma_wait3A_159, %dma_wait3A_170] : memref<2528x128xi32, #tpu.memory_space<hbm>> -> memref<1x128xi32, #tpu.memory_space<hbm>>
      %dma_wait3A_172 = tpu.memref_squeeze %dma_wait3A_171 : memref<1x128xi32, #tpu.memory_space<hbm>> -> memref<128xi32, #tpu.memory_space<hbm>>
      tpu.wait_dma2 semaphore(%arg15 : memref<!tpu.dma_semaphore, #tpu.memory_space<semaphore_mem>>) src(%dma_wait3A_172 : memref<128xi32, #tpu.memory_space<hbm>>) dst(%dma_wait3A_169 : memref<128xi32, #tpu.memory_space<vmem>>)
      %dma_wait3A_173 = arith.constant 0 : i32
      %dma_wait3A_174 = arith.constant 0 : i32
      %dma_wait3A_175 = arith.constant 0 : i32
      %dma_wait3A_176 = tpu.memref_slice %arg10[%dma_wait3A_174, %dma_wait3A_175] : memref<1x128xi32, #tpu.memory_space<vmem>> -> memref<1x128xi32, #tpu.memory_space<vmem>>
      %dma_wait3A_177 = tpu.memref_squeeze %dma_wait3A_176 : memref<1x128xi32, #tpu.memory_space<vmem>> -> memref<128xi32, #tpu.memory_space<vmem>>
      %dma_wait3A_178 = arith.constant 0 : i32
      %dma_wait3A_179 = tpu.memref_slice %arg4[%dma_wait3A_173, %dma_wait3A_178] : memref<2528x128xi32, #tpu.memory_space<hbm>> -> memref<1x128xi32, #tpu.memory_space<hbm>>
      %dma_wait3A_180 = tpu.memref_squeeze %dma_wait3A_179 : memref<1x128xi32, #tpu.memory_space<hbm>> -> memref<128xi32, #tpu.memory_space<hbm>>
      %dma_wait3A_181 = arith.constant 0 : i32
      %dma_wait3A_182 = tpu.memref_slice %arg10[%dma_wait3A_174, %dma_wait3A_181] : memref<1x128xi32, #tpu.memory_space<vmem>> -> memref<1x128xi32, #tpu.memory_space<vmem>>
      %dma_wait3A_183 = tpu.memref_squeeze %dma_wait3A_182 : memref<1x128xi32, #tpu.memory_space<vmem>> -> memref<128xi32, #tpu.memory_space<vmem>>
      %dma_wait3A_184 = arith.constant 0 : i32
      %dma_wait3A_185 = tpu.memref_slice %arg4[%dma_wait3A_173, %dma_wait3A_184] : memref<2528x128xi32, #tpu.memory_space<hbm>> -> memref<1x128xi32, #tpu.memory_space<hbm>>
      %dma_wait3A_186 = tpu.memref_squeeze %dma_wait3A_185 : memref<1x128xi32, #tpu.memory_space<hbm>> -> memref<128xi32, #tpu.memory_space<hbm>>
      tpu.wait_dma2 semaphore(%arg15 : memref<!tpu.dma_semaphore, #tpu.memory_space<semaphore_mem>>) src(%dma_wait3A_186 : memref<128xi32, #tpu.memory_space<hbm>>) dst(%dma_wait3A_183 : memref<128xi32, #tpu.memory_space<vmem>>)
      %dma_start3A_187 = arith.constant 0 : i32
      %dma_start3A_188 = arith.constant 0 : i32
      %dma_start3A_189 = tpu.memref_slice %arg8[%dma_start3A_187, %dma_start3A_188] : memref<1x128xi32, #tpu.memory_space<vmem>> -> memref<1x128xi32, #tpu.memory_space<vmem>>
      %dma_start3A_190 = tpu.memref_squeeze %dma_start3A_189 : memref<1x128xi32, #tpu.memory_space<vmem>> -> memref<128xi32, #tpu.memory_space<vmem>>
      %dma_start3A_191 = arith.constant 0 : i32
      %dma_start3A_192 = arith.constant 0 : i32
      %dma_start3A_193 = tpu.memref_slice %arg2[%dma_start3A_191, %dma_start3A_192] : memref<10240x128xf32, #tpu.memory_space<hbm>> -> memref<10240x128xf32, #tpu.memory_space<hbm>>
      tpu.enqueue_indirect_dma source(%dma_start3A_193 : memref<10240x128xf32, #tpu.memory_space<hbm>>) target(%arg12 : memref<128x128xf32, #tpu.memory_space<vmem>>) offsets(%dma_start3A_190 : memref<128xi32, #tpu.memory_space<vmem>>) semaphore(%arg17 : memref<!tpu.dma_semaphore, #tpu.memory_space<semaphore_mem>>)
      %run_scoped3A_194 = arith.constant 0 : i32
      "tpu.region"() ({
        %run_scoped3A_273 = tpu.sem_alloc : memref<!tpu.dma_semaphore, #tpu.memory_space<semaphore_mem>>
        %dma_start3A_274 = arith.constant 0 : i32
        %dma_start3A_275 = tpu.memref_slice %arg9[%run_scoped3A_194, %dma_start3A_274] : memref<1x128xi32, #tpu.memory_space<vmem>> -> memref<1x128xi32, #tpu.memory_space<vmem>>
        %dma_start3A_276 = tpu.memref_squeeze %dma_start3A_275 : memref<1x128xi32, #tpu.memory_space<vmem>> -> memref<128xi32, #tpu.memory_space<vmem>>
        %dma_start3A_277 = arith.constant 0 : i32
        %dma_start3A_278 = arith.constant 0 : i32
        %dma_start3A_279 = tpu.memref_slice %arg13[%dma_start3A_277, %dma_start3A_278] : memref<10240x128xf32, #tpu.memory_space<vmem_shared>> -> memref<10240x128xf32, #tpu.memory_space<vmem_shared>>
        tpu.enqueue_indirect_dma source(%arg11 : memref<128x128xf32, #tpu.memory_space<vmem>>) target(%dma_start3A_279 : memref<10240x128xf32, #tpu.memory_space<vmem_shared>>) offsets(%dma_start3A_276 : memref<128xi32, #tpu.memory_space<vmem>>) semaphore(%run_scoped3A_273 : memref<!tpu.dma_semaphore, #tpu.memory_space<semaphore_mem>>) {add = true}
        %dma_wait3A_280 = arith.constant 0 : i32
        %dma_wait3A_281 = tpu.memref_slice %arg9[%run_scoped3A_194, %dma_wait3A_280] : memref<1x128xi32, #tpu.memory_space<vmem>> -> memref<1x128xi32, #tpu.memory_space<vmem>>
        %dma_wait3A_282 = tpu.memref_squeeze %dma_wait3A_281 : memref<1x128xi32, #tpu.memory_space<vmem>> -> memref<128xi32, #tpu.memory_space<vmem>>
        %dma_wait3A_283 = arith.constant 0 : i32
        %dma_wait3A_284 = arith.constant 0 : i32
        %dma_wait3A_285 = tpu.memref_slice %arg13[%dma_wait3A_283, %dma_wait3A_284] : memref<10240x128xf32, #tpu.memory_space<vmem_shared>> -> memref<10240x128xf32, #tpu.memory_space<vmem_shared>>
        tpu.wait_indirect_dma semaphore(%run_scoped3A_273 : memref<!tpu.dma_semaphore, #tpu.memory_space<semaphore_mem>>) src(%arg11 : memref<128x128xf32, #tpu.memory_space<vmem>>) dst(%dma_wait3A_285 : memref<10240x128xf32, #tpu.memory_space<vmem_shared>>)
        tpu.yield
      }) : () -> ()
      %add3A_195 = arith.constant 2 : i32
      %add3A_196 = arith.addi %mul3A_151, %add3A_195 : i32
      %add3A_197 = arith.addi %select_n3A_8, %add3A_196 : i32
      %dma_start3A_198 = arith.constant 0 : i32
      %dma_start3A_199 = arith.constant 0 : i32
      %dma_start3A_200 = tpu.memref_slice %arg7[%dma_start3A_198, %dma_start3A_199] : memref<1x128xi32, #tpu.memory_space<vmem>> -> memref<1x128xi32, #tpu.memory_space<vmem>>
      %dma_start3A_201 = tpu.memref_squeeze %dma_start3A_200 : memref<1x128xi32, #tpu.memory_space<vmem>> -> memref<128xi32, #tpu.memory_space<vmem>>
      %dma_start3A_202 = arith.constant 0 : i32
      %dma_start3A_203 = tpu.memref_slice %arg3[%add3A_197, %dma_start3A_202] : memref<2528x128xi32, #tpu.memory_space<hbm>> -> memref<1x128xi32, #tpu.memory_space<hbm>>
      %dma_start3A_204 = tpu.memref_squeeze %dma_start3A_203 : memref<1x128xi32, #tpu.memory_space<hbm>> -> memref<128xi32, #tpu.memory_space<hbm>>
      %dma_start3A_205 = arith.constant 0 : i32
      %dma_start3A_206 = tpu.memref_slice %arg7[%dma_start3A_198, %dma_start3A_205] : memref<1x128xi32, #tpu.memory_space<vmem>> -> memref<1x128xi32, #tpu.memory_space<vmem>>
      %dma_start3A_207 = tpu.memref_squeeze %dma_start3A_206 : memref<1x128xi32, #tpu.memory_space<vmem>> -> memref<128xi32, #tpu.memory_space<vmem>>
      %dma_start3A_208 = arith.constant 0 : i32
      %dma_start3A_209 = tpu.memref_slice %arg3[%add3A_197, %dma_start3A_208] : memref<2528x128xi32, #tpu.memory_space<hbm>> -> memref<1x128xi32, #tpu.memory_space<hbm>>
      %dma_start3A_210 = tpu.memref_squeeze %dma_start3A_209 : memref<1x128xi32, #tpu.memory_space<hbm>> -> memref<128xi32, #tpu.memory_space<hbm>>
      tpu.enqueue_dma source(%dma_start3A_210 : memref<128xi32, #tpu.memory_space<hbm>>) target(%dma_start3A_207 : memref<128xi32, #tpu.memory_space<vmem>>) target_semaphore(%arg14 : memref<!tpu.dma_semaphore, #tpu.memory_space<semaphore_mem>>)
      %add3A_211 = arith.addi %select_n3A_8, %add3A_196 : i32
      %dma_start3A_212 = arith.constant 0 : i32
      %dma_start3A_213 = arith.constant 0 : i32
      %dma_start3A_214 = tpu.memref_slice %arg9[%dma_start3A_212, %dma_start3A_213] : memref<1x128xi32, #tpu.memory_space<vmem>> -> memref<1x128xi32, #tpu.memory_space<vmem>>
      %dma_start3A_215 = tpu.memref_squeeze %dma_start3A_214 : memref<1x128xi32, #tpu.memory_space<vmem>> -> memref<128xi32, #tpu.memory_space<vmem>>
      %dma_start3A_216 = arith.constant 0 : i32
      %dma_start3A_217 = tpu.memref_slice %arg4[%add3A_211, %dma_start3A_216] : memref<2528x128xi32, #tpu.memory_space<hbm>> -> memref<1x128xi32, #tpu.memory_space<hbm>>
      %dma_start3A_218 = tpu.memref_squeeze %dma_start3A_217 : memref<1x128xi32, #tpu.memory_space<hbm>> -> memref<128xi32, #tpu.memory_space<hbm>>
      %dma_start3A_219 = arith.constant 0 : i32
      %dma_start3A_220 = tpu.memref_slice %arg9[%dma_start3A_212, %dma_start3A_219] : memref<1x128xi32, #tpu.memory_space<vmem>> -> memref<1x128xi32, #tpu.memory_space<vmem>>
      %dma_start3A_221 = tpu.memref_squeeze %dma_start3A_220 : memref<1x128xi32, #tpu.memory_space<vmem>> -> memref<128xi32, #tpu.memory_space<vmem>>
      %dma_start3A_222 = arith.constant 0 : i32
      %dma_start3A_223 = tpu.memref_slice %arg4[%add3A_211, %dma_start3A_222] : memref<2528x128xi32, #tpu.memory_space<hbm>> -> memref<1x128xi32, #tpu.memory_space<hbm>>
      %dma_start3A_224 = tpu.memref_squeeze %dma_start3A_223 : memref<1x128xi32, #tpu.memory_space<hbm>> -> memref<128xi32, #tpu.memory_space<hbm>>
      tpu.enqueue_dma source(%dma_start3A_224 : memref<128xi32, #tpu.memory_space<hbm>>) target(%dma_start3A_221 : memref<128xi32, #tpu.memory_space<vmem>>) target_semaphore(%arg14 : memref<!tpu.dma_semaphore, #tpu.memory_space<semaphore_mem>>)
      %dma_wait3A_225 = arith.constant 0 : i32
      %dma_wait3A_226 = arith.constant 0 : i32
      %dma_wait3A_227 = tpu.memref_slice %arg8[%dma_wait3A_225, %dma_wait3A_226] : memref<1x128xi32, #tpu.memory_space<vmem>> -> memref<1x128xi32, #tpu.memory_space<vmem>>
      %dma_wait3A_228 = tpu.memref_squeeze %dma_wait3A_227 : memref<1x128xi32, #tpu.memory_space<vmem>> -> memref<128xi32, #tpu.memory_space<vmem>>
      %dma_wait3A_229 = arith.constant 0 : i32
      %dma_wait3A_230 = arith.constant 0 : i32
      %dma_wait3A_231 = tpu.memref_slice %arg2[%dma_wait3A_229, %dma_wait3A_230] : memref<10240x128xf32, #tpu.memory_space<hbm>> -> memref<10240x128xf32, #tpu.memory_space<hbm>>
      tpu.wait_indirect_dma semaphore(%arg17 : memref<!tpu.dma_semaphore, #tpu.memory_space<semaphore_mem>>) src(%dma_wait3A_231 : memref<10240x128xf32, #tpu.memory_space<hbm>>) dst(%arg12 : memref<128x128xf32, #tpu.memory_space<vmem>>)
      %dma_wait3A_232 = arith.constant 0 : i32
      %dma_wait3A_233 = arith.constant 0 : i32
      %dma_wait3A_234 = arith.constant 0 : i32
      %dma_wait3A_235 = tpu.memref_slice %arg7[%dma_wait3A_233, %dma_wait3A_234] : memref<1x128xi32, #tpu.memory_space<vmem>> -> memref<1x128xi32, #tpu.memory_space<vmem>>
      %dma_wait3A_236 = tpu.memref_squeeze %dma_wait3A_235 : memref<1x128xi32, #tpu.memory_space<vmem>> -> memref<128xi32, #tpu.memory_space<vmem>>
      %dma_wait3A_237 = arith.constant 0 : i32
      %dma_wait3A_238 = tpu.memref_slice %arg3[%dma_wait3A_232, %dma_wait3A_237] : memref<2528x128xi32, #tpu.memory_space<hbm>> -> memref<1x128xi32, #tpu.memory_space<hbm>>
      %dma_wait3A_239 = tpu.memref_squeeze %dma_wait3A_238 : memref<1x128xi32, #tpu.memory_space<hbm>> -> memref<128xi32, #tpu.memory_space<hbm>>
      %dma_wait3A_240 = arith.constant 0 : i32
      %dma_wait3A_241 = tpu.memref_slice %arg7[%dma_wait3A_233, %dma_wait3A_240] : memref<1x128xi32, #tpu.memory_space<vmem>> -> memref<1x128xi32, #tpu.memory_space<vmem>>
      %dma_wait3A_242 = tpu.memref_squeeze %dma_wait3A_241 : memref<1x128xi32, #tpu.memory_space<vmem>> -> memref<128xi32, #tpu.memory_space<vmem>>
      %dma_wait3A_243 = arith.constant 0 : i32
      %dma_wait3A_244 = tpu.memref_slice %arg3[%dma_wait3A_232, %dma_wait3A_243] : memref<2528x128xi32, #tpu.memory_space<hbm>> -> memref<1x128xi32, #tpu.memory_space<hbm>>
      %dma_wait3A_245 = tpu.memref_squeeze %dma_wait3A_244 : memref<1x128xi32, #tpu.memory_space<hbm>> -> memref<128xi32, #tpu.memory_space<hbm>>
      tpu.wait_dma2 semaphore(%arg14 : memref<!tpu.dma_semaphore, #tpu.memory_space<semaphore_mem>>) src(%dma_wait3A_245 : memref<128xi32, #tpu.memory_space<hbm>>) dst(%dma_wait3A_242 : memref<128xi32, #tpu.memory_space<vmem>>)
      %dma_wait3A_246 = arith.constant 0 : i32
      %dma_wait3A_247 = arith.constant 0 : i32
      %dma_wait3A_248 = arith.constant 0 : i32
      %dma_wait3A_249 = tpu.memref_slice %arg9[%dma_wait3A_247, %dma_wait3A_248] : memref<1x128xi32, #tpu.memory_space<vmem>> -> memref<1x128xi32, #tpu.memory_space<vmem>>
      %dma_wait3A_250 = tpu.memref_squeeze %dma_wait3A_249 : memref<1x128xi32, #tpu.memory_space<vmem>> -> memref<128xi32, #tpu.memory_space<vmem>>
      %dma_wait3A_251 = arith.constant 0 : i32
      %dma_wait3A_252 = tpu.memref_slice %arg4[%dma_wait3A_246, %dma_wait3A_251] : memref<2528x128xi32, #tpu.memory_space<hbm>> -> memref<1x128xi32, #tpu.memory_space<hbm>>
      %dma_wait3A_253 = tpu.memref_squeeze %dma_wait3A_252 : memref<1x128xi32, #tpu.memory_space<hbm>> -> memref<128xi32, #tpu.memory_space<hbm>>
      %dma_wait3A_254 = arith.constant 0 : i32
      %dma_wait3A_255 = tpu.memref_slice %arg9[%dma_wait3A_247, %dma_wait3A_254] : memref<1x128xi32, #tpu.memory_space<vmem>> -> memref<1x128xi32, #tpu.memory_space<vmem>>
      %dma_wait3A_256 = tpu.memref_squeeze %dma_wait3A_255 : memref<1x128xi32, #tpu.memory_space<vmem>> -> memref<128xi32, #tpu.memory_space<vmem>>
      %dma_wait3A_257 = arith.constant 0 : i32
      %dma_wait3A_258 = tpu.memref_slice %arg4[%dma_wait3A_246, %dma_wait3A_257] : memref<2528x128xi32, #tpu.memory_space<hbm>> -> memref<1x128xi32, #tpu.memory_space<hbm>>
      %dma_wait3A_259 = tpu.memref_squeeze %dma_wait3A_258 : memref<1x128xi32, #tpu.memory_space<hbm>> -> memref<128xi32, #tpu.memory_space<hbm>>
      tpu.wait_dma2 semaphore(%arg14 : memref<!tpu.dma_semaphore, #tpu.memory_space<semaphore_mem>>) src(%dma_wait3A_259 : memref<128xi32, #tpu.memory_space<hbm>>) dst(%dma_wait3A_256 : memref<128xi32, #tpu.memory_space<vmem>>)
      %dma_start3A_260 = arith.constant 0 : i32
      %dma_start3A_261 = arith.constant 0 : i32
      %dma_start3A_262 = tpu.memref_slice %arg7[%dma_start3A_260, %dma_start3A_261] : memref<1x128xi32, #tpu.memory_space<vmem>> -> memref<1x128xi32, #tpu.memory_space<vmem>>
      %dma_start3A_263 = tpu.memref_squeeze %dma_start3A_262 : memref<1x128xi32, #tpu.memory_space<vmem>> -> memref<128xi32, #tpu.memory_space<vmem>>
      %dma_start3A_264 = arith.constant 0 : i32
      %dma_start3A_265 = arith.constant 0 : i32
      %dma_start3A_266 = tpu.memref_slice %arg2[%dma_start3A_264, %dma_start3A_265] : memref<10240x128xf32, #tpu.memory_space<hbm>> -> memref<10240x128xf32, #tpu.memory_space<hbm>>
      tpu.enqueue_indirect_dma source(%dma_start3A_266 : memref<10240x128xf32, #tpu.memory_space<hbm>>) target(%arg11 : memref<128x128xf32, #tpu.memory_space<vmem>>) offsets(%dma_start3A_263 : memref<128xi32, #tpu.memory_space<vmem>>) semaphore(%arg16 : memref<!tpu.dma_semaphore, #tpu.memory_space<semaphore_mem>>)
      %run_scoped3A_267 = arith.constant 0 : i32
      "tpu.region"() ({
        %run_scoped3A_273 = tpu.sem_alloc : memref<!tpu.dma_semaphore, #tpu.memory_space<semaphore_mem>>
        %dma_start3A_274 = arith.constant 0 : i32
        %dma_start3A_275 = tpu.memref_slice %arg10[%run_scoped3A_267, %dma_start3A_274] : memref<1x128xi32, #tpu.memory_space<vmem>> -> memref<1x128xi32, #tpu.memory_space<vmem>>
        %dma_start3A_276 = tpu.memref_squeeze %dma_start3A_275 : memref<1x128xi32, #tpu.memory_space<vmem>> -> memref<128xi32, #tpu.memory_space<vmem>>
        %dma_start3A_277 = arith.constant 0 : i32
        %dma_start3A_278 = arith.constant 0 : i32
        %dma_start3A_279 = tpu.memref_slice %arg13[%dma_start3A_277, %dma_start3A_278] : memref<10240x128xf32, #tpu.memory_space<vmem_shared>> -> memref<10240x128xf32, #tpu.memory_space<vmem_shared>>
        tpu.enqueue_indirect_dma source(%arg12 : memref<128x128xf32, #tpu.memory_space<vmem>>) target(%dma_start3A_279 : memref<10240x128xf32, #tpu.memory_space<vmem_shared>>) offsets(%dma_start3A_276 : memref<128xi32, #tpu.memory_space<vmem>>) semaphore(%run_scoped3A_273 : memref<!tpu.dma_semaphore, #tpu.memory_space<semaphore_mem>>) {add = true}
        %dma_wait3A_280 = arith.constant 0 : i32
        %dma_wait3A_281 = tpu.memref_slice %arg10[%run_scoped3A_267, %dma_wait3A_280] : memref<1x128xi32, #tpu.memory_space<vmem>> -> memref<1x128xi32, #tpu.memory_space<vmem>>
        %dma_wait3A_282 = tpu.memref_squeeze %dma_wait3A_281 : memref<1x128xi32, #tpu.memory_space<vmem>> -> memref<128xi32, #tpu.memory_space<vmem>>
        %dma_wait3A_283 = arith.constant 0 : i32
        %dma_wait3A_284 = arith.constant 0 : i32
        %dma_wait3A_285 = tpu.memref_slice %arg13[%dma_wait3A_283, %dma_wait3A_284] : memref<10240x128xf32, #tpu.memory_space<vmem_shared>> -> memref<10240x128xf32, #tpu.memory_space<vmem_shared>>
        tpu.wait_indirect_dma semaphore(%run_scoped3A_273 : memref<!tpu.dma_semaphore, #tpu.memory_space<semaphore_mem>>) src(%arg12 : memref<128x128xf32, #tpu.memory_space<vmem>>) dst(%dma_wait3A_285 : memref<10240x128xf32, #tpu.memory_space<vmem_shared>>)
        tpu.yield
      }) : () -> ()
      %add3A_268 = arith.constant 3 : i32
      %add3A_269 = arith.addi %mul3A_151, %add3A_268 : i32
      %lt3A = arith.cmpi slt, %add3A_269, %select_n3A : i32
      %convert_element_type3A_270 = arith.extui %lt3A : i1 to i32
      %cond3A_271 = arith.constant 0 : i32
      %cond3A_272 = arith.cmpi ne, %convert_element_type3A_270, %cond3A_271 : i32
      scf.if %cond3A_272 {
        %add3A_273 = arith.constant 3 : i32
        %add3A_274 = arith.addi %mul3A_151, %add3A_273 : i32
        %add3A_275 = arith.addi %select_n3A_8, %add3A_274 : i32
        %dma_start3A_276 = arith.constant 0 : i32
        %dma_start3A_277 = arith.constant 0 : i32
        %dma_start3A_278 = tpu.memref_slice %arg8[%dma_start3A_276, %dma_start3A_277] : memref<1x128xi32, #tpu.memory_space<vmem>> -> memref<1x128xi32, #tpu.memory_space<vmem>>
        %dma_start3A_279 = tpu.memref_squeeze %dma_start3A_278 : memref<1x128xi32, #tpu.memory_space<vmem>> -> memref<128xi32, #tpu.memory_space<vmem>>
        %dma_start3A_280 = arith.constant 0 : i32
        %dma_start3A_281 = tpu.memref_slice %arg3[%add3A_275, %dma_start3A_280] : memref<2528x128xi32, #tpu.memory_space<hbm>> -> memref<1x128xi32, #tpu.memory_space<hbm>>
        %dma_start3A_282 = tpu.memref_squeeze %dma_start3A_281 : memref<1x128xi32, #tpu.memory_space<hbm>> -> memref<128xi32, #tpu.memory_space<hbm>>
        %dma_start3A_283 = arith.constant 0 : i32
        %dma_start3A_284 = tpu.memref_slice %arg8[%dma_start3A_276, %dma_start3A_283] : memref<1x128xi32, #tpu.memory_space<vmem>> -> memref<1x128xi32, #tpu.memory_space<vmem>>
        %dma_start3A_285 = tpu.memref_squeeze %dma_start3A_284 : memref<1x128xi32, #tpu.memory_space<vmem>> -> memref<128xi32, #tpu.memory_space<vmem>>
        %dma_start3A_286 = arith.constant 0 : i32
        %dma_start3A_287 = tpu.memref_slice %arg3[%add3A_275, %dma_start3A_286] : memref<2528x128xi32, #tpu.memory_space<hbm>> -> memref<1x128xi32, #tpu.memory_space<hbm>>
        %dma_start3A_288 = tpu.memref_squeeze %dma_start3A_287 : memref<1x128xi32, #tpu.memory_space<hbm>> -> memref<128xi32, #tpu.memory_space<hbm>>
        tpu.enqueue_dma source(%dma_start3A_288 : memref<128xi32, #tpu.memory_space<hbm>>) target(%dma_start3A_285 : memref<128xi32, #tpu.memory_space<vmem>>) target_semaphore(%arg15 : memref<!tpu.dma_semaphore, #tpu.memory_space<semaphore_mem>>)
        %add3A_289 = arith.addi %select_n3A_8, %add3A_274 : i32
        %dma_start3A_290 = arith.constant 0 : i32
        %dma_start3A_291 = arith.constant 0 : i32
        %dma_start3A_292 = tpu.memref_slice %arg10[%dma_start3A_290, %dma_start3A_291] : memref<1x128xi32, #tpu.memory_space<vmem>> -> memref<1x128xi32, #tpu.memory_space<vmem>>
        %dma_start3A_293 = tpu.memref_squeeze %dma_start3A_292 : memref<1x128xi32, #tpu.memory_space<vmem>> -> memref<128xi32, #tpu.memory_space<vmem>>
        %dma_start3A_294 = arith.constant 0 : i32
        %dma_start3A_295 = tpu.memref_slice %arg4[%add3A_289, %dma_start3A_294] : memref<2528x128xi32, #tpu.memory_space<hbm>> -> memref<1x128xi32, #tpu.memory_space<hbm>>
        %dma_start3A_296 = tpu.memref_squeeze %dma_start3A_295 : memref<1x128xi32, #tpu.memory_space<hbm>> -> memref<128xi32, #tpu.memory_space<hbm>>
        %dma_start3A_297 = arith.constant 0 : i32
        %dma_start3A_298 = tpu.memref_slice %arg10[%dma_start3A_290, %dma_start3A_297] : memref<1x128xi32, #tpu.memory_space<vmem>> -> memref<1x128xi32, #tpu.memory_space<vmem>>
        %dma_start3A_299 = tpu.memref_squeeze %dma_start3A_298 : memref<1x128xi32, #tpu.memory_space<vmem>> -> memref<128xi32, #tpu.memory_space<vmem>>
        %dma_start3A_300 = arith.constant 0 : i32
        %dma_start3A_301 = tpu.memref_slice %arg4[%add3A_289, %dma_start3A_300] : memref<2528x128xi32, #tpu.memory_space<hbm>> -> memref<1x128xi32, #tpu.memory_space<hbm>>
        %dma_start3A_302 = tpu.memref_squeeze %dma_start3A_301 : memref<1x128xi32, #tpu.memory_space<hbm>> -> memref<128xi32, #tpu.memory_space<hbm>>
        tpu.enqueue_dma source(%dma_start3A_302 : memref<128xi32, #tpu.memory_space<hbm>>) target(%dma_start3A_299 : memref<128xi32, #tpu.memory_space<vmem>>) target_semaphore(%arg15 : memref<!tpu.dma_semaphore, #tpu.memory_space<semaphore_mem>>)
      } else {
      }
    }
    %while3A_140 = arith.constant 1 : i32
    scf.for %while3A_149 = %while3A_138 to %while3A_134 step %while3A_140  : i32 {
      %mul3A_150 = arith.constant 2 : i32
      %mul3A_151 = arith.muli %mul3A_150, %while3A_149 : i32
      %dma_wait3A_152 = arith.constant 0 : i32
      %dma_wait3A_153 = arith.constant 0 : i32
      %dma_wait3A_154 = tpu.memref_slice %arg7[%dma_wait3A_152, %dma_wait3A_153] : memref<1x128xi32, #tpu.memory_space<vmem>> -> memref<1x128xi32, #tpu.memory_space<vmem>>
      %dma_wait3A_155 = tpu.memref_squeeze %dma_wait3A_154 : memref<1x128xi32, #tpu.memory_space<vmem>> -> memref<128xi32, #tpu.memory_space<vmem>>
      %dma_wait3A_156 = arith.constant 0 : i32
      %dma_wait3A_157 = arith.constant 0 : i32
      %dma_wait3A_158 = tpu.memref_slice %arg2[%dma_wait3A_156, %dma_wait3A_157] : memref<10240x128xf32, #tpu.memory_space<hbm>> -> memref<10240x128xf32, #tpu.memory_space<hbm>>
      tpu.wait_indirect_dma semaphore(%arg16 : memref<!tpu.dma_semaphore, #tpu.memory_space<semaphore_mem>>) src(%dma_wait3A_158 : memref<10240x128xf32, #tpu.memory_space<hbm>>) dst(%arg11 : memref<128x128xf32, #tpu.memory_space<vmem>>)
      %dma_wait3A_159 = arith.constant 0 : i32
      %dma_wait3A_160 = arith.constant 0 : i32
      %dma_wait3A_161 = arith.constant 0 : i32
      %dma_wait3A_162 = tpu.memref_slice %arg8[%dma_wait3A_160, %dma_wait3A_161] : memref<1x128xi32, #tpu.memory_space<vmem>> -> memref<1x128xi32, #tpu.memory_space<vmem>>
      %dma_wait3A_163 = tpu.memref_squeeze %dma_wait3A_162 : memref<1x128xi32, #tpu.memory_space<vmem>> -> memref<128xi32, #tpu.memory_space<vmem>>
      %dma_wait3A_164 = arith.constant 0 : i32
      %dma_wait3A_165 = tpu.memref_slice %arg3[%dma_wait3A_159, %dma_wait3A_164] : memref<2528x128xi32, #tpu.memory_space<hbm>> -> memref<1x128xi32, #tpu.memory_space<hbm>>
      %dma_wait3A_166 = tpu.memref_squeeze %dma_wait3A_165 : memref<1x128xi32, #tpu.memory_space<hbm>> -> memref<128xi32, #tpu.memory_space<hbm>>
      %dma_wait3A_167 = arith.constant 0 : i32
      %dma_wait3A_168 = tpu.memref_slice %arg8[%dma_wait3A_160, %dma_wait3A_167] : memref<1x128xi32, #tpu.memory_space<vmem>> -> memref<1x128xi32, #tpu.memory_space<vmem>>
      %dma_wait3A_169 = tpu.memref_squeeze %dma_wait3A_168 : memref<1x128xi32, #tpu.memory_space<vmem>> -> memref<128xi32, #tpu.memory_space<vmem>>
      %dma_wait3A_170 = arith.constant 0 : i32
      %dma_wait3A_171 = tpu.memref_slice %arg3[%dma_wait3A_159, %dma_wait3A_170] : memref<2528x128xi32, #tpu.memory_space<hbm>> -> memref<1x128xi32, #tpu.memory_space<hbm>>
      %dma_wait3A_172 = tpu.memref_squeeze %dma_wait3A_171 : memref<1x128xi32, #tpu.memory_space<hbm>> -> memref<128xi32, #tpu.memory_space<hbm>>
      tpu.wait_dma2 semaphore(%arg15 : memref<!tpu.dma_semaphore, #tpu.memory_space<semaphore_mem>>) src(%dma_wait3A_172 : memref<128xi32, #tpu.memory_space<hbm>>) dst(%dma_wait3A_169 : memref<128xi32, #tpu.memory_space<vmem>>)
      %dma_wait3A_173 = arith.constant 0 : i32
      %dma_wait3A_174 = arith.constant 0 : i32
      %dma_wait3A_175 = arith.constant 0 : i32
      %dma_wait3A_176 = tpu.memref_slice %arg10[%dma_wait3A_174, %dma_wait3A_175] : memref<1x128xi32, #tpu.memory_space<vmem>> -> memref<1x128xi32, #tpu.memory_space<vmem>>
      %dma_wait3A_177 = tpu.memref_squeeze %dma_wait3A_176 : memref<1x128xi32, #tpu.memory_space<vmem>> -> memref<128xi32, #tpu.memory_space<vmem>>
      %dma_wait3A_178 = arith.constant 0 : i32
      %dma_wait3A_179 = tpu.memref_slice %arg4[%dma_wait3A_173, %dma_wait3A_178] : memref<2528x128xi32, #tpu.memory_space<hbm>> -> memref<1x128xi32, #tpu.memory_space<hbm>>
      %dma_wait3A_180 = tpu.memref_squeeze %dma_wait3A_179 : memref<1x128xi32, #tpu.memory_space<hbm>> -> memref<128xi32, #tpu.memory_space<hbm>>
      %dma_wait3A_181 = arith.constant 0 : i32
      %dma_wait3A_182 = tpu.memref_slice %arg10[%dma_wait3A_174, %dma_wait3A_181] : memref<1x128xi32, #tpu.memory_space<vmem>> -> memref<1x128xi32, #tpu.memory_space<vmem>>
      %dma_wait3A_183 = tpu.memref_squeeze %dma_wait3A_182 : memref<1x128xi32, #tpu.memory_space<vmem>> -> memref<128xi32, #tpu.memory_space<vmem>>
      %dma_wait3A_184 = arith.constant 0 : i32
      %dma_wait3A_185 = tpu.memref_slice %arg4[%dma_wait3A_173, %dma_wait3A_184] : memref<2528x128xi32, #tpu.memory_space<hbm>> -> memref<1x128xi32, #tpu.memory_space<hbm>>
      %dma_wait3A_186 = tpu.memref_squeeze %dma_wait3A_185 : memref<1x128xi32, #tpu.memory_space<hbm>> -> memref<128xi32, #tpu.memory_space<hbm>>
      tpu.wait_dma2 semaphore(%arg15 : memref<!tpu.dma_semaphore, #tpu.memory_space<semaphore_mem>>) src(%dma_wait3A_186 : memref<128xi32, #tpu.memory_space<hbm>>) dst(%dma_wait3A_183 : memref<128xi32, #tpu.memory_space<vmem>>)
      %dma_start3A_187 = arith.constant 0 : i32
      %dma_start3A_188 = arith.constant 0 : i32
      %dma_start3A_189 = tpu.memref_slice %arg8[%dma_start3A_187, %dma_start3A_188] : memref<1x128xi32, #tpu.memory_space<vmem>> -> memref<1x128xi32, #tpu.memory_space<vmem>>
      %dma_start3A_190 = tpu.memref_squeeze %dma_start3A_189 : memref<1x128xi32, #tpu.memory_space<vmem>> -> memref<128xi32, #tpu.memory_space<vmem>>
      %dma_start3A_191 = arith.constant 0 : i32
      %dma_start3A_192 = arith.constant 0 : i32
      %dma_start3A_193 = tpu.memref_slice %arg2[%dma_start3A_191, %dma_start3A_192] : memref<10240x128xf32, #tpu.memory_space<hbm>> -> memref<10240x128xf32, #tpu.memory_space<hbm>>
      tpu.enqueue_indirect_dma source(%dma_start3A_193 : memref<10240x128xf32, #tpu.memory_space<hbm>>) target(%arg12 : memref<128x128xf32, #tpu.memory_space<vmem>>) offsets(%dma_start3A_190 : memref<128xi32, #tpu.memory_space<vmem>>) semaphore(%arg17 : memref<!tpu.dma_semaphore, #tpu.memory_space<semaphore_mem>>)
      %run_scoped3A_194 = arith.constant 0 : i32
      "tpu.region"() ({
        %run_scoped3A_273 = tpu.sem_alloc : memref<!tpu.dma_semaphore, #tpu.memory_space<semaphore_mem>>
        %dma_start3A_274 = arith.constant 0 : i32
        %dma_start3A_275 = tpu.memref_slice %arg9[%run_scoped3A_194, %dma_start3A_274] : memref<1x128xi32, #tpu.memory_space<vmem>> -> memref<1x128xi32, #tpu.memory_space<vmem>>
        %dma_start3A_276 = tpu.memref_squeeze %dma_start3A_275 : memref<1x128xi32, #tpu.memory_space<vmem>> -> memref<128xi32, #tpu.memory_space<vmem>>
        %dma_start3A_277 = arith.constant 0 : i32
        %dma_start3A_278 = arith.constant 0 : i32
        %dma_start3A_279 = tpu.memref_slice %arg13[%dma_start3A_277, %dma_start3A_278] : memref<10240x128xf32, #tpu.memory_space<vmem_shared>> -> memref<10240x128xf32, #tpu.memory_space<vmem_shared>>
        tpu.enqueue_indirect_dma source(%arg11 : memref<128x128xf32, #tpu.memory_space<vmem>>) target(%dma_start3A_279 : memref<10240x128xf32, #tpu.memory_space<vmem_shared>>) offsets(%dma_start3A_276 : memref<128xi32, #tpu.memory_space<vmem>>) semaphore(%run_scoped3A_273 : memref<!tpu.dma_semaphore, #tpu.memory_space<semaphore_mem>>) {add = true}
        %dma_wait3A_280 = arith.constant 0 : i32
        %dma_wait3A_281 = tpu.memref_slice %arg9[%run_scoped3A_194, %dma_wait3A_280] : memref<1x128xi32, #tpu.memory_space<vmem>> -> memref<1x128xi32, #tpu.memory_space<vmem>>
        %dma_wait3A_282 = tpu.memref_squeeze %dma_wait3A_281 : memref<1x128xi32, #tpu.memory_space<vmem>> -> memref<128xi32, #tpu.memory_space<vmem>>
        %dma_wait3A_283 = arith.constant 0 : i32
        %dma_wait3A_284 = arith.constant 0 : i32
        %dma_wait3A_285 = tpu.memref_slice %arg13[%dma_wait3A_283, %dma_wait3A_284] : memref<10240x128xf32, #tpu.memory_space<vmem_shared>> -> memref<10240x128xf32, #tpu.memory_space<vmem_shared>>
        tpu.wait_indirect_dma semaphore(%run_scoped3A_273 : memref<!tpu.dma_semaphore, #tpu.memory_space<semaphore_mem>>) src(%arg11 : memref<128x128xf32, #tpu.memory_space<vmem>>) dst(%dma_wait3A_285 : memref<10240x128xf32, #tpu.memory_space<vmem_shared>>)
        tpu.yield
      }) : () -> ()
      %add3A_195 = arith.constant 2 : i32
      %add3A_196 = arith.addi %mul3A_151, %add3A_195 : i32
      %add3A_197 = arith.addi %select_n3A_8, %add3A_196 : i32
      %dma_start3A_198 = arith.constant 0 : i32
      %dma_start3A_199 = arith.constant 0 : i32
      %dma_start3A_200 = tpu.memref_slice %arg7[%dma_start3A_198, %dma_start3A_199] : memref<1x128xi32, #tpu.memory_space<vmem>> -> memref<1x128xi32, #tpu.memory_space<vmem>>
      %dma_start3A_201 = tpu.memref_squeeze %dma_start3A_200 : memref<1x128xi32, #tpu.memory_space<vmem>> -> memref<128xi32, #tpu.memory_space<vmem>>
      %dma_start3A_202 = arith.constant 0 : i32
      %dma_start3A_203 = tpu.memref_slice %arg3[%add3A_197, %dma_start3A_202] : memref<2528x128xi32, #tpu.memory_space<hbm>> -> memref<1x128xi32, #tpu.memory_space<hbm>>
      %dma_start3A_204 = tpu.memref_squeeze %dma_start3A_203 : memref<1x128xi32, #tpu.memory_space<hbm>> -> memref<128xi32, #tpu.memory_space<hbm>>
      %dma_start3A_205 = arith.constant 0 : i32
      %dma_start3A_206 = tpu.memref_slice %arg7[%dma_start3A_198, %dma_start3A_205] : memref<1x128xi32, #tpu.memory_space<vmem>> -> memref<1x128xi32, #tpu.memory_space<vmem>>
      %dma_start3A_207 = tpu.memref_squeeze %dma_start3A_206 : memref<1x128xi32, #tpu.memory_space<vmem>> -> memref<128xi32, #tpu.memory_space<vmem>>
      %dma_start3A_208 = arith.constant 0 : i32
      %dma_start3A_209 = tpu.memref_slice %arg3[%add3A_197, %dma_start3A_208] : memref<2528x128xi32, #tpu.memory_space<hbm>> -> memref<1x128xi32, #tpu.memory_space<hbm>>
      %dma_start3A_210 = tpu.memref_squeeze %dma_start3A_209 : memref<1x128xi32, #tpu.memory_space<hbm>> -> memref<128xi32, #tpu.memory_space<hbm>>
      tpu.enqueue_dma source(%dma_start3A_210 : memref<128xi32, #tpu.memory_space<hbm>>) target(%dma_start3A_207 : memref<128xi32, #tpu.memory_space<vmem>>) target_semaphore(%arg14 : memref<!tpu.dma_semaphore, #tpu.memory_space<semaphore_mem>>)
      %add3A_211 = arith.addi %select_n3A_8, %add3A_196 : i32
      %dma_start3A_212 = arith.constant 0 : i32
      %dma_start3A_213 = arith.constant 0 : i32
      %dma_start3A_214 = tpu.memref_slice %arg9[%dma_start3A_212, %dma_start3A_213] : memref<1x128xi32, #tpu.memory_space<vmem>> -> memref<1x128xi32, #tpu.memory_space<vmem>>
      %dma_start3A_215 = tpu.memref_squeeze %dma_start3A_214 : memref<1x128xi32, #tpu.memory_space<vmem>> -> memref<128xi32, #tpu.memory_space<vmem>>
      %dma_start3A_216 = arith.constant 0 : i32
      %dma_start3A_217 = tpu.memref_slice %arg4[%add3A_211, %dma_start3A_216] : memref<2528x128xi32, #tpu.memory_space<hbm>> -> memref<1x128xi32, #tpu.memory_space<hbm>>
      %dma_start3A_218 = tpu.memref_squeeze %dma_start3A_217 : memref<1x128xi32, #tpu.memory_space<hbm>> -> memref<128xi32, #tpu.memory_space<hbm>>
      %dma_start3A_219 = arith.constant 0 : i32
      %dma_start3A_220 = tpu.memref_slice %arg9[%dma_start3A_212, %dma_start3A_219] : memref<1x128xi32, #tpu.memory_space<vmem>> -> memref<1x128xi32, #tpu.memory_space<vmem>>
      %dma_start3A_221 = tpu.memref_squeeze %dma_start3A_220 : memref<1x128xi32, #tpu.memory_space<vmem>> -> memref<128xi32, #tpu.memory_space<vmem>>
      %dma_start3A_222 = arith.constant 0 : i32
      %dma_start3A_223 = tpu.memref_slice %arg4[%add3A_211, %dma_start3A_222] : memref<2528x128xi32, #tpu.memory_space<hbm>> -> memref<1x128xi32, #tpu.memory_space<hbm>>
      %dma_start3A_224 = tpu.memref_squeeze %dma_start3A_223 : memref<1x128xi32, #tpu.memory_space<hbm>> -> memref<128xi32, #tpu.memory_space<hbm>>
      tpu.enqueue_dma source(%dma_start3A_224 : memref<128xi32, #tpu.memory_space<hbm>>) target(%dma_start3A_221 : memref<128xi32, #tpu.memory_space<vmem>>) target_semaphore(%arg14 : memref<!tpu.dma_semaphore, #tpu.memory_space<semaphore_mem>>)
      %dma_wait3A_225 = arith.constant 0 : i32
      %dma_wait3A_226 = arith.constant 0 : i32
      %dma_wait3A_227 = tpu.memref_slice %arg8[%dma_wait3A_225, %dma_wait3A_226] : memref<1x128xi32, #tpu.memory_space<vmem>> -> memref<1x128xi32, #tpu.memory_space<vmem>>
      %dma_wait3A_228 = tpu.memref_squeeze %dma_wait3A_227 : memref<1x128xi32, #tpu.memory_space<vmem>> -> memref<128xi32, #tpu.memory_space<vmem>>
      %dma_wait3A_229 = arith.constant 0 : i32
      %dma_wait3A_230 = arith.constant 0 : i32
      %dma_wait3A_231 = tpu.memref_slice %arg2[%dma_wait3A_229, %dma_wait3A_230] : memref<10240x128xf32, #tpu.memory_space<hbm>> -> memref<10240x128xf32, #tpu.memory_space<hbm>>
      tpu.wait_indirect_dma semaphore(%arg17 : memref<!tpu.dma_semaphore, #tpu.memory_space<semaphore_mem>>) src(%dma_wait3A_231 : memref<10240x128xf32, #tpu.memory_space<hbm>>) dst(%arg12 : memref<128x128xf32, #tpu.memory_space<vmem>>)
      %dma_wait3A_232 = arith.constant 0 : i32
      %dma_wait3A_233 = arith.constant 0 : i32
      %dma_wait3A_234 = arith.constant 0 : i32
      %dma_wait3A_235 = tpu.memref_slice %arg7[%dma_wait3A_233, %dma_wait3A_234] : memref<1x128xi32, #tpu.memory_space<vmem>> -> memref<1x128xi32, #tpu.memory_space<vmem>>
      %dma_wait3A_236 = tpu.memref_squeeze %dma_wait3A_235 : memref<1x128xi32, #tpu.memory_space<vmem>> -> memref<128xi32, #tpu.memory_space<vmem>>
      %dma_wait3A_237 = arith.constant 0 : i32
      %dma_wait3A_238 = tpu.memref_slice %arg3[%dma_wait3A_232, %dma_wait3A_237] : memref<2528x128xi32, #tpu.memory_space<hbm>> -> memref<1x128xi32, #tpu.memory_space<hbm>>
      %dma_wait3A_239 = tpu.memref_squeeze %dma_wait3A_238 : memref<1x128xi32, #tpu.memory_space<hbm>> -> memref<128xi32, #tpu.memory_space<hbm>>
      %dma_wait3A_240 = arith.constant 0 : i32
      %dma_wait3A_241 = tpu.memref_slice %arg7[%dma_wait3A_233, %dma_wait3A_240] : memref<1x128xi32, #tpu.memory_space<vmem>> -> memref<1x128xi32, #tpu.memory_space<vmem>>
      %dma_wait3A_242 = tpu.memref_squeeze %dma_wait3A_241 : memref<1x128xi32, #tpu.memory_space<vmem>> -> memref<128xi32, #tpu.memory_space<vmem>>
      %dma_wait3A_243 = arith.constant 0 : i32
      %dma_wait3A_244 = tpu.memref_slice %arg3[%dma_wait3A_232, %dma_wait3A_243] : memref<2528x128xi32, #tpu.memory_space<hbm>> -> memref<1x128xi32, #tpu.memory_space<hbm>>
      %dma_wait3A_245 = tpu.memref_squeeze %dma_wait3A_244 : memref<1x128xi32, #tpu.memory_space<hbm>> -> memref<128xi32, #tpu.memory_space<hbm>>
      tpu.wait_dma2 semaphore(%arg14 : memref<!tpu.dma_semaphore, #tpu.memory_space<semaphore_mem>>) src(%dma_wait3A_245 : memref<128xi32, #tpu.memory_space<hbm>>) dst(%dma_wait3A_242 : memref<128xi32, #tpu.memory_space<vmem>>)
      %dma_wait3A_246 = arith.constant 0 : i32
      %dma_wait3A_247 = arith.constant 0 : i32
      %dma_wait3A_248 = arith.constant 0 : i32
      %dma_wait3A_249 = tpu.memref_slice %arg9[%dma_wait3A_247, %dma_wait3A_248] : memref<1x128xi32, #tpu.memory_space<vmem>> -> memref<1x128xi32, #tpu.memory_space<vmem>>
      %dma_wait3A_250 = tpu.memref_squeeze %dma_wait3A_249 : memref<1x128xi32, #tpu.memory_space<vmem>> -> memref<128xi32, #tpu.memory_space<vmem>>
      %dma_wait3A_251 = arith.constant 0 : i32
      %dma_wait3A_252 = tpu.memref_slice %arg4[%dma_wait3A_246, %dma_wait3A_251] : memref<2528x128xi32, #tpu.memory_space<hbm>> -> memref<1x128xi32, #tpu.memory_space<hbm>>
      %dma_wait3A_253 = tpu.memref_squeeze %dma_wait3A_252 : memref<1x128xi32, #tpu.memory_space<hbm>> -> memref<128xi32, #tpu.memory_space<hbm>>
      %dma_wait3A_254 = arith.constant 0 : i32
      %dma_wait3A_255 = tpu.memref_slice %arg9[%dma_wait3A_247, %dma_wait3A_254] : memref<1x128xi32, #tpu.memory_space<vmem>> -> memref<1x128xi32, #tpu.memory_space<vmem>>
      %dma_wait3A_256 = tpu.memref_squeeze %dma_wait3A_255 : memref<1x128xi32, #tpu.memory_space<vmem>> -> memref<128xi32, #tpu.memory_space<vmem>>
      %dma_wait3A_257 = arith.constant 0 : i32
      %dma_wait3A_258 = tpu.memref_slice %arg4[%dma_wait3A_246, %dma_wait3A_257] : memref<2528x128xi32, #tpu.memory_space<hbm>> -> memref<1x128xi32, #tpu.memory_space<hbm>>
      %dma_wait3A_259 = tpu.memref_squeeze %dma_wait3A_258 : memref<1x128xi32, #tpu.memory_space<hbm>> -> memref<128xi32, #tpu.memory_space<hbm>>
      tpu.wait_dma2 semaphore(%arg14 : memref<!tpu.dma_semaphore, #tpu.memory_space<semaphore_mem>>) src(%dma_wait3A_259 : memref<128xi32, #tpu.memory_space<hbm>>) dst(%dma_wait3A_256 : memref<128xi32, #tpu.memory_space<vmem>>)
      %dma_start3A_260 = arith.constant 0 : i32
      %dma_start3A_261 = arith.constant 0 : i32
      %dma_start3A_262 = tpu.memref_slice %arg7[%dma_start3A_260, %dma_start3A_261] : memref<1x128xi32, #tpu.memory_space<vmem>> -> memref<1x128xi32, #tpu.memory_space<vmem>>
      %dma_start3A_263 = tpu.memref_squeeze %dma_start3A_262 : memref<1x128xi32, #tpu.memory_space<vmem>> -> memref<128xi32, #tpu.memory_space<vmem>>
      %dma_start3A_264 = arith.constant 0 : i32
      %dma_start3A_265 = arith.constant 0 : i32
      %dma_start3A_266 = tpu.memref_slice %arg2[%dma_start3A_264, %dma_start3A_265] : memref<10240x128xf32, #tpu.memory_space<hbm>> -> memref<10240x128xf32, #tpu.memory_space<hbm>>
      tpu.enqueue_indirect_dma source(%dma_start3A_266 : memref<10240x128xf32, #tpu.memory_space<hbm>>) target(%arg11 : memref<128x128xf32, #tpu.memory_space<vmem>>) offsets(%dma_start3A_263 : memref<128xi32, #tpu.memory_space<vmem>>) semaphore(%arg16 : memref<!tpu.dma_semaphore, #tpu.memory_space<semaphore_mem>>)
      %run_scoped3A_267 = arith.constant 0 : i32
      "tpu.region"() ({
        %run_scoped3A_273 = tpu.sem_alloc : memref<!tpu.dma_semaphore, #tpu.memory_space<semaphore_mem>>
        %dma_start3A_274 = arith.constant 0 : i32
        %dma_start3A_275 = tpu.memref_slice %arg10[%run_scoped3A_267, %dma_start3A_274] : memref<1x128xi32, #tpu.memory_space<vmem>> -> memref<1x128xi32, #tpu.memory_space<vmem>>
        %dma_start3A_276 = tpu.memref_squeeze %dma_start3A_275 : memref<1x128xi32, #tpu.memory_space<vmem>> -> memref<128xi32, #tpu.memory_space<vmem>>
        %dma_start3A_277 = arith.constant 0 : i32
        %dma_start3A_278 = arith.constant 0 : i32
        %dma_start3A_279 = tpu.memref_slice %arg13[%dma_start3A_277, %dma_start3A_278] : memref<10240x128xf32, #tpu.memory_space<vmem_shared>> -> memref<10240x128xf32, #tpu.memory_space<vmem_shared>>
        tpu.enqueue_indirect_dma source(%arg12 : memref<128x128xf32, #tpu.memory_space<vmem>>) target(%dma_start3A_279 : memref<10240x128xf32, #tpu.memory_space<vmem_shared>>) offsets(%dma_start3A_276 : memref<128xi32, #tpu.memory_space<vmem>>) semaphore(%run_scoped3A_273 : memref<!tpu.dma_semaphore, #tpu.memory_space<semaphore_mem>>) {add = true}
        %dma_wait3A_280 = arith.constant 0 : i32
        %dma_wait3A_281 = tpu.memref_slice %arg10[%run_scoped3A_267, %dma_wait3A_280] : memref<1x128xi32, #tpu.memory_space<vmem>> -> memref<1x128xi32, #tpu.memory_space<vmem>>
        %dma_wait3A_282 = tpu.memref_squeeze %dma_wait3A_281 : memref<1x128xi32, #tpu.memory_space<vmem>> -> memref<128xi32, #tpu.memory_space<vmem>>
        %dma_wait3A_283 = arith.constant 0 : i32
        %dma_wait3A_284 = arith.constant 0 : i32
        %dma_wait3A_285 = tpu.memref_slice %arg13[%dma_wait3A_283, %dma_wait3A_284] : memref<10240x128xf32, #tpu.memory_space<vmem_shared>> -> memref<10240x128xf32, #tpu.memory_space<vmem_shared>>
        tpu.wait_indirect_dma semaphore(%run_scoped3A_273 : memref<!tpu.dma_semaphore, #tpu.memory_space<semaphore_mem>>) src(%arg12 : memref<128x128xf32, #tpu.memory_space<vmem>>) dst(%dma_wait3A_285 : memref<10240x128xf32, #tpu.memory_space<vmem_shared>>)
        tpu.yield
      }) : () -> ()
      %add3A_268 = arith.constant 3 : i32
      %add3A_269 = arith.addi %mul3A_151, %add3A_268 : i32
      %lt3A = arith.cmpi slt, %add3A_269, %select_n3A : i32
      %convert_element_type3A_270 = arith.extui %lt3A : i1 to i32
      %cond3A_271 = arith.constant 0 : i32
      %cond3A_272 = arith.cmpi ne, %convert_element_type3A_270, %cond3A_271 : i32
      scf.if %cond3A_272 {
        %add3A_273 = arith.constant 3 : i32
        %add3A_274 = arith.addi %mul3A_151, %add3A_273 : i32
        %add3A_275 = arith.addi %select_n3A_8, %add3A_274 : i32
        %dma_start3A_276 = arith.constant 0 : i32
        %dma_start3A_277 = arith.constant 0 : i32
        %dma_start3A_278 = tpu.memref_slice %arg8[%dma_start3A_276, %dma_start3A_277] : memref<1x128xi32, #tpu.memory_space<vmem>> -> memref<1x128xi32, #tpu.memory_space<vmem>>
        %dma_start3A_279 = tpu.memref_squeeze %dma_start3A_278 : memref<1x128xi32, #tpu.memory_space<vmem>> -> memref<128xi32, #tpu.memory_space<vmem>>
        %dma_start3A_280 = arith.constant 0 : i32
        %dma_start3A_281 = tpu.memref_slice %arg3[%add3A_275, %dma_start3A_280] : memref<2528x128xi32, #tpu.memory_space<hbm>> -> memref<1x128xi32, #tpu.memory_space<hbm>>
        %dma_start3A_282 = tpu.memref_squeeze %dma_start3A_281 : memref<1x128xi32, #tpu.memory_space<hbm>> -> memref<128xi32, #tpu.memory_space<hbm>>
        %dma_start3A_283 = arith.constant 0 : i32
        %dma_start3A_284 = tpu.memref_slice %arg8[%dma_start3A_276, %dma_start3A_283] : memref<1x128xi32, #tpu.memory_space<vmem>> -> memref<1x128xi32, #tpu.memory_space<vmem>>
        %dma_start3A_285 = tpu.memref_squeeze %dma_start3A_284 : memref<1x128xi32, #tpu.memory_space<vmem>> -> memref<128xi32, #tpu.memory_space<vmem>>
        %dma_start3A_286 = arith.constant 0 : i32
        %dma_start3A_287 = tpu.memref_slice %arg3[%add3A_275, %dma_start3A_286] : memref<2528x128xi32, #tpu.memory_space<hbm>> -> memref<1x128xi32, #tpu.memory_space<hbm>>
        %dma_start3A_288 = tpu.memref_squeeze %dma_start3A_287 : memref<1x128xi32, #tpu.memory_space<hbm>> -> memref<128xi32, #tpu.memory_space<hbm>>
        tpu.enqueue_dma source(%dma_start3A_288 : memref<128xi32, #tpu.memory_space<hbm>>) target(%dma_start3A_285 : memref<128xi32, #tpu.memory_space<vmem>>) target_semaphore(%arg15 : memref<!tpu.dma_semaphore, #tpu.memory_space<semaphore_mem>>)
        %add3A_289 = arith.addi %select_n3A_8, %add3A_274 : i32
        %dma_start3A_290 = arith.constant 0 : i32
        %dma_start3A_291 = arith.constant 0 : i32
        %dma_start3A_292 = tpu.memref_slice %arg10[%dma_start3A_290, %dma_start3A_291] : memref<1x128xi32, #tpu.memory_space<vmem>> -> memref<1x128xi32, #tpu.memory_space<vmem>>
        %dma_start3A_293 = tpu.memref_squeeze %dma_start3A_292 : memref<1x128xi32, #tpu.memory_space<vmem>> -> memref<128xi32, #tpu.memory_space<vmem>>
        %dma_start3A_294 = arith.constant 0 : i32
        %dma_start3A_295 = tpu.memref_slice %arg4[%add3A_289, %dma_start3A_294] : memref<2528x128xi32, #tpu.memory_space<hbm>> -> memref<1x128xi32, #tpu.memory_space<hbm>>
        %dma_start3A_296 = tpu.memref_squeeze %dma_start3A_295 : memref<1x128xi32, #tpu.memory_space<hbm>> -> memref<128xi32, #tpu.memory_space<hbm>>
        %dma_start3A_297 = arith.constant 0 : i32
        %dma_start3A_298 = tpu.memref_slice %arg10[%dma_start3A_290, %dma_start3A_297] : memref<1x128xi32, #tpu.memory_space<vmem>> -> memref<1x128xi32, #tpu.memory_space<vmem>>
        %dma_start3A_299 = tpu.memref_squeeze %dma_start3A_298 : memref<1x128xi32, #tpu.memory_space<vmem>> -> memref<128xi32, #tpu.memory_space<vmem>>
        %dma_start3A_300 = arith.constant 0 : i32
        %dma_start3A_301 = tpu.memref_slice %arg4[%add3A_289, %dma_start3A_300] : memref<2528x128xi32, #tpu.memory_space<hbm>> -> memref<1x128xi32, #tpu.memory_space<hbm>>
        %dma_start3A_302 = tpu.memref_squeeze %dma_start3A_301 : memref<1x128xi32, #tpu.memory_space<hbm>> -> memref<128xi32, #tpu.memory_space<hbm>>
        tpu.enqueue_dma source(%dma_start3A_302 : memref<128xi32, #tpu.memory_space<hbm>>) target(%dma_start3A_299 : memref<128xi32, #tpu.memory_space<vmem>>) target_semaphore(%arg15 : memref<!tpu.dma_semaphore, #tpu.memory_space<semaphore_mem>>)
      } else {
      }
    }
    %dma_wait3A_141 = arith.constant 0 : i32
    %dma_wait3A_142 = arith.constant 0 : i32
    %dma_wait3A_143 = tpu.memref_slice %arg7[%dma_wait3A_141, %dma_wait3A_142] : memref<1x128xi32, #tpu.memory_space<vmem>> -> memref<1x128xi32, #tpu.memory_space<vmem>>
    %dma_wait3A_144 = tpu.memref_squeeze %dma_wait3A_143 : memref<1x128xi32, #tpu.memory_space<vmem>> -> memref<128xi32, #tpu.memory_space<vmem>>
    %dma_wait3A_145 = arith.constant 0 : i32
    %dma_wait3A_146 = arith.constant 0 : i32
    %dma_wait3A_147 = tpu.memref_slice %arg2[%dma_wait3A_145, %dma_wait3A_146] : memref<10240x128xf32, #tpu.memory_space<hbm>> -> memref<10240x128xf32, #tpu.memory_space<hbm>>
    tpu.wait_indirect_dma semaphore(%arg16 : memref<!tpu.dma_semaphore, #tpu.memory_space<semaphore_mem>>) src(%dma_wait3A_147 : memref<10240x128xf32, #tpu.memory_space<hbm>>) dst(%arg11 : memref<128x128xf32, #tpu.memory_space<vmem>>)
    %run_scoped3A = arith.constant 0 : i32
    "tpu.region"() ({
      %run_scoped3A_149 = tpu.sem_alloc : memref<!tpu.dma_semaphore, #tpu.memory_space<semaphore_mem>>
      %dma_start3A_150 = arith.constant 0 : i32
      %dma_start3A_151 = tpu.memref_slice %arg9[%run_scoped3A, %dma_start3A_150] : memref<1x128xi32, #tpu.memory_space<vmem>> -> memref<1x128xi32, #tpu.memory_space<vmem>>
      %dma_start3A_152 = tpu.memref_squeeze %dma_start3A_151 : memref<1x128xi32, #tpu.memory_space<vmem>> -> memref<128xi32, #tpu.memory_space<vmem>>
      %dma_start3A_153 = arith.constant 0 : i32
      %dma_start3A_154 = arith.constant 0 : i32
      %dma_start3A_155 = tpu.memref_slice %arg13[%dma_start3A_153, %dma_start3A_154] : memref<10240x128xf32, #tpu.memory_space<vmem_shared>> -> memref<10240x128xf32, #tpu.memory_space<vmem_shared>>
      tpu.enqueue_indirect_dma source(%arg11 : memref<128x128xf32, #tpu.memory_space<vmem>>) target(%dma_start3A_155 : memref<10240x128xf32, #tpu.memory_space<vmem_shared>>) offsets(%dma_start3A_152 : memref<128xi32, #tpu.memory_space<vmem>>) semaphore(%run_scoped3A_149 : memref<!tpu.dma_semaphore, #tpu.memory_space<semaphore_mem>>) {add = true}
      %dma_wait3A_156 = arith.constant 0 : i32
      %dma_wait3A_157 = tpu.memref_slice %arg9[%run_scoped3A, %dma_wait3A_156] : memref<1x128xi32, #tpu.memory_space<vmem>> -> memref<1x128xi32, #tpu.memory_space<vmem>>
      %dma_wait3A_158 = tpu.memref_squeeze %dma_wait3A_157 : memref<1x128xi32, #tpu.memory_space<vmem>> -> memref<128xi32, #tpu.memory_space<vmem>>
      %dma_wait3A_159 = arith.constant 0 : i32
      %dma_wait3A_160 = arith.constant 0 : i32
      %dma_wait3A_161 = tpu.memref_slice %arg13[%dma_wait3A_159, %dma_wait3A_160] : memref<10240x128xf32, #tpu.memory_space<vmem_shared>> -> memref<10240x128xf32, #tpu.memory_space<vmem_shared>>
      tpu.wait_indirect_dma semaphore(%run_scoped3A_149 : memref<!tpu.dma_semaphore, #tpu.memory_space<semaphore_mem>>) src(%arg11 : memref<128x128xf32, #tpu.memory_space<vmem>>) dst(%dma_wait3A_161 : memref<10240x128xf32, #tpu.memory_space<vmem_shared>>)
      tpu.yield
    }) : () -> ()
    %barrier3A_148 = arith.constant 0 : index
    tpu.barrier barrier_id(%barrier3A_148)
    "tpu.region"() ({
      %run_scoped3A_149 = tpu.sem_alloc : memref<!tpu.dma_semaphore, #tpu.memory_space<semaphore_mem>>
      %dma_start3A_150 = arith.constant 0 : i32
      %dma_start3A_151 = arith.constant 0 : i32
      %dma_start3A_152 = tpu.memref_slice %arg6[%arg0, %dma_start3A_150, %dma_start3A_151] : memref<2x10240x128xf32, #tpu.memory_space<hbm>> -> memref<1x10240x128xf32, #tpu.memory_space<hbm>>
      %dma_start3A_153 = tpu.memref_squeeze %dma_start3A_152 : memref<1x10240x128xf32, #tpu.memory_space<hbm>> -> memref<10240x128xf32, #tpu.memory_space<hbm>>
      %dma_start3A_154 = arith.constant 0 : i32
      %dma_start3A_155 = tpu.memref_slice %dma_start3A_153[%mul3A_10, %dma_start3A_154] : memref<10240x128xf32, #tpu.memory_space<hbm>> -> memref<640x128xf32, #tpu.memory_space<hbm>>
      %dma_start3A_156 = arith.constant 0 : i32
      %dma_start3A_157 = tpu.memref_slice %arg13[%mul3A_10, %dma_start3A_156] : memref<10240x128xf32, #tpu.memory_space<vmem_shared>> -> memref<640x128xf32, #tpu.memory_space<vmem_shared>>
      tpu.enqueue_dma source(%dma_start3A_157 : memref<640x128xf32, #tpu.memory_space<vmem_shared>>) target(%dma_start3A_155 : memref<640x128xf32, #tpu.memory_space<hbm>>) target_semaphore(%run_scoped3A_149 : memref<!tpu.dma_semaphore, #tpu.memory_space<semaphore_mem>>)
      %dma_wait3A_158 = arith.constant 0 : i32
      %dma_wait3A_159 = arith.constant 0 : i32
      %dma_wait3A_160 = tpu.memref_slice %arg6[%arg0, %dma_wait3A_158, %dma_wait3A_159] : memref<2x10240x128xf32, #tpu.memory_space<hbm>> -> memref<1x10240x128xf32, #tpu.memory_space<hbm>>
      %dma_wait3A_161 = tpu.memref_squeeze %dma_wait3A_160 : memref<1x10240x128xf32, #tpu.memory_space<hbm>> -> memref<10240x128xf32, #tpu.memory_space<hbm>>
      %dma_wait3A_162 = arith.constant 0 : i32
      %dma_wait3A_163 = tpu.memref_slice %dma_wait3A_161[%mul3A_10, %dma_wait3A_162] : memref<10240x128xf32, #tpu.memory_space<hbm>> -> memref<640x128xf32, #tpu.memory_space<hbm>>
      %dma_wait3A_164 = arith.constant 0 : i32
      %dma_wait3A_165 = tpu.memref_slice %arg13[%mul3A_10, %dma_wait3A_164] : memref<10240x128xf32, #tpu.memory_space<vmem_shared>> -> memref<640x128xf32, #tpu.memory_space<vmem_shared>>
      tpu.wait_dma2 semaphore(%run_scoped3A_149 : memref<!tpu.dma_semaphore, #tpu.memory_space<semaphore_mem>>) src(%dma_wait3A_165 : memref<640x128xf32, #tpu.memory_space<vmem_shared>>) dst(%dma_wait3A_163 : memref<640x128xf32, #tpu.memory_space<hbm>>)
      tpu.yield
    }) : () -> ()
    return
  }
}

module attributes {stable_mosaic.version = 14 : i64} {
  func.func @_tc_pre_body(%arg0: i32, %arg1: memref<1024x128xf32, #tpu.memory_space<vmem>>, %arg2: memref<128x128xf32, #tpu.memory_space<vmem>>, %arg3: memref<1x128xf32, #tpu.memory_space<vmem>>, %arg4: memref<128x128xf32, #tpu.memory_space<vmem>>, %arg5: memref<2x1024x128xf32, #tpu.memory_space<vmem>>, %arg6: memref<1024x128xf32, #tpu.memory_space<vmem>>, %arg7: memref<1024x128xf32, #tpu.memory_space<vmem>>, %arg8: memref<1024x16xf32, #tpu.memory_space<vmem>>) attributes {dimension_semantics = [#tpu.dimension_semantics<arbitrary>], iteration_bounds = array<i64: 10>, scalar_prefetch = 0 : i64, scratch_operands = 0 : i64, tpu.core_type = #tpu.core_type<tc>, window_params = [{transform_indices = @transform_0, window_bounds = array<i64: 1024, 128>}, {pipeline_mode = #tpu.pipeline_mode<synchronous>, transform_indices = @transform_1, window_bounds = array<i64: 128, 128>}, {pipeline_mode = #tpu.pipeline_mode<synchronous>, transform_indices = @transform_2, window_bounds = array<i64: 1, 128>}, {pipeline_mode = #tpu.pipeline_mode<synchronous>, transform_indices = @transform_3, window_bounds = array<i64: 128, 128>}, {transform_indices = @transform_4, window_bounds = array<i64: 2, 1024, 128>}, {transform_indices = @transform_5, window_bounds = array<i64: 1024, 128>}, {transform_indices = @transform_6, window_bounds = array<i64: 1024, 128>}, {transform_indices = @transform_7, window_bounds = array<i64: 1024, 16>}]} {
    %get3A = arith.constant 0 : index
    %get3A_0 = arith.constant 0 : index
    %get3A_1 = vector.load %arg1[%get3A, %get3A_0] : memref<1024x128xf32, #tpu.memory_space<vmem>>, vector<1024x128xf32>
    %get3A_2 = arith.constant 0 : index
    %get3A_3 = arith.constant 0 : index
    %get3A_4 = vector.load %arg2[%get3A_2, %get3A_3] : memref<128x128xf32, #tpu.memory_space<vmem>>, vector<128x128xf32>
    %dot_general3A = arith.constant dense<0.000000e+00> : vector<1024x128xf32>
    %dot_general3A_5 = tpu.matmul %get3A_1, %get3A_4, %dot_general3A {dimension_numbers = #tpu.dot_dimension_numbers<[1], [0], [0], [1], [0, 0, 1, 1], [], []>, transpose_lhs_hint = false} : vector<1024x128xf32>, vector<128x128xf32>, vector<1024x128xf32> -> vector<1024x128xf32>
    %get3A_6 = arith.constant 0 : index
    %get3A_7 = arith.constant 0 : index
    %get3A_8 = vector.load %arg3[%get3A_6, %get3A_7] : memref<1x128xf32, #tpu.memory_space<vmem>>, vector<1x128xf32>
    %add3A = vector.broadcast %get3A_8 : vector<1x128xf32> to vector<1024x128xf32>
    %add3A_9 = arith.addf %dot_general3A_5, %add3A : vector<1024x128xf32>
    %get3A_10 = arith.constant 0 : index
    %get3A_11 = arith.constant 0 : index
    %get3A_12 = arith.constant 0 : index
    %get3A_13 = vector.load %arg5[%get3A_10, %get3A_11, %get3A_12] : memref<2x1024x128xf32, #tpu.memory_space<vmem>>, vector<1x1024x128xf32>
    %get3A_14 = vector.shape_cast %get3A_13 : vector<1x1024x128xf32> to vector<1024x128xf32>
    %slice3A = vector.extract_strided_slice %get3A_14 {offsets = [0, 0], sizes = [1024, 16], strides = [1, 1]} : vector<1024x128xf32> to vector<1024x16xf32>
    %get3A_15 = arith.constant 1 : index
    %get3A_16 = arith.constant 0 : index
    %get3A_17 = arith.constant 0 : index
    %get3A_18 = vector.load %arg5[%get3A_15, %get3A_16, %get3A_17] : memref<2x1024x128xf32, #tpu.memory_space<vmem>>, vector<1x1024x128xf32>
    %get3A_19 = vector.shape_cast %get3A_18 : vector<1x1024x128xf32> to vector<1024x128xf32>
    %slice3A_20 = vector.extract_strided_slice %get3A_19 {offsets = [0, 0], sizes = [1024, 16], strides = [1, 1]} : vector<1024x128xf32> to vector<1024x16xf32>
    %add3A_21 = arith.addf %slice3A, %slice3A_20 : vector<1024x16xf32>
    %add3A_22 = arith.constant 1.000000e+00 : f32
    %add3A_23 = vector.broadcast %add3A_22 : f32 to vector<1024x16xf32>
    %add3A_24 = arith.addf %add3A_21, %add3A_23 : vector<1024x16xf32>
    %iota3A = tpu.iota {dimensions = array<i32: 0>} : vector<1024x16xi32>
    %mul3A = arith.constant 1024 : i32
    %mul3A_25 = arith.muli %arg0, %mul3A : i32
    %add3A_26 = vector.broadcast %mul3A_25 : i32 to vector<1024x16xi32>
    %add3A_27 = arith.addi %iota3A, %add3A_26 : vector<1024x16xi32>
    %rsqrt3A = math.rsqrt %add3A_24 : vector<1024x16xf32>
    %lt3A = arith.constant 10000 : i32
    %lt3A_28 = vector.broadcast %lt3A : i32 to vector<1024x16xi32>
    %lt3A_29 = arith.cmpi slt, %add3A_27, %lt3A_28 : vector<1024x16xi32>
    %convert_element_type3A = arith.extui %lt3A_29 : vector<1024x16xi1> to vector<1024x16xi32>
    %convert_element_type3A_30 = arith.sitofp %convert_element_type3A : vector<1024x16xi32> to vector<1024x16xf32>
    %mul3A_31 = arith.mulf %rsqrt3A, %convert_element_type3A_30 : vector<1024x16xf32>
    %get3A_32 = arith.constant 0 : index
    %get3A_33 = arith.constant 0 : index
    %get3A_34 = vector.load %arg4[%get3A_32, %get3A_33] : memref<128x128xf32, #tpu.memory_space<vmem>>, vector<128x128xf32>
    %dot_general3A_35 = arith.constant dense<0.000000e+00> : vector<1024x128xf32>
    %dot_general3A_36 = tpu.matmul %add3A_9, %get3A_34, %dot_general3A_35 {dimension_numbers = #tpu.dot_dimension_numbers<[1], [0], [0], [1], [0, 0, 1, 1], [], []>, transpose_lhs_hint = false} : vector<1024x128xf32>, vector<128x128xf32>, vector<1024x128xf32> -> vector<1024x128xf32>
    %swap3A = arith.constant 0 : index
    %swap3A_37 = arith.constant 0 : index
    %swap3A_38 = vector.load %arg6[%swap3A, %swap3A_37] : memref<1024x128xf32, #tpu.memory_space<vmem>>, vector<1024x128xf32>
    tpu.vector_store %arg6[%swap3A, %swap3A_37], %add3A_9 {strides = array<i32>} : memref<1024x128xf32, #tpu.memory_space<vmem>>, vector<1024x128xf32>,
    %swap3A_39 = arith.constant 0 : index
    %swap3A_40 = arith.constant 0 : index
    %swap3A_41 = vector.load %arg8[%swap3A_39, %swap3A_40] : memref<1024x16xf32, #tpu.memory_space<vmem>>, vector<1024x16xf32>
    tpu.vector_store %arg8[%swap3A_39, %swap3A_40], %mul3A_31 {strides = array<i32>} : memref<1024x16xf32, #tpu.memory_space<vmem>>, vector<1024x16xf32>,
    %slice3A_42 = vector.extract_strided_slice %mul3A_31 {offsets = [0, 0], sizes = [1024, 1], strides = [1, 1]} : vector<1024x16xf32> to vector<1024x1xf32>
    %mul3A_43 = vector.broadcast %slice3A_42 : vector<1024x1xf32> to vector<1024x128xf32>
    %mul3A_44 = arith.mulf %dot_general3A_36, %mul3A_43 : vector<1024x128xf32>
    %swap3A_45 = arith.constant 0 : index
    %swap3A_46 = arith.constant 0 : index
    %swap3A_47 = vector.load %arg7[%swap3A_45, %swap3A_46] : memref<1024x128xf32, #tpu.memory_space<vmem>>, vector<1024x128xf32>
    tpu.vector_store %arg7[%swap3A_45, %swap3A_46], %mul3A_44 {strides = array<i32>} : memref<1024x128xf32, #tpu.memory_space<vmem>>, vector<1024x128xf32>,
    return
  }
  func.func @transform_0(%arg0: i32) -> (i32, i32) {
    %c0_i32 = arith.constant 0 : i32
    %c0_i32_0 = arith.constant 0 : i32
    return %arg0, %c0_i32 : i32, i32
  }
  func.func @transform_1(%arg0: i32) -> (i32, i32) {
    %c0_i32 = arith.constant 0 : i32
    %c0_i32_0 = arith.constant 0 : i32
    %c0_i32_1 = arith.constant 0 : i32
    return %c0_i32, %c0_i32_0 : i32, i32
  }
  func.func @transform_2(%arg0: i32) -> (i32, i32) {
    %c0_i32 = arith.constant 0 : i32
    %c0_i32_0 = arith.constant 0 : i32
    %c0_i32_1 = arith.constant 0 : i32
    return %c0_i32, %c0_i32_0 : i32, i32
  }
  func.func @transform_3(%arg0: i32) -> (i32, i32) {
    %c0_i32 = arith.constant 0 : i32
    %c0_i32_0 = arith.constant 0 : i32
    %c0_i32_1 = arith.constant 0 : i32
    return %c0_i32, %c0_i32_0 : i32, i32
  }
  func.func @transform_4(%arg0: i32) -> (i32, i32, i32) {
    %c0_i32 = arith.constant 0 : i32
    %c0_i32_0 = arith.constant 0 : i32
    %c0_i32_1 = arith.constant 0 : i32
    return %c0_i32, %arg0, %c0_i32_0 : i32, i32, i32
  }
  func.func @transform_5(%arg0: i32) -> (i32, i32) {
    %c0_i32 = arith.constant 0 : i32
    %c0_i32_0 = arith.constant 0 : i32
    return %arg0, %c0_i32 : i32, i32
  }
  func.func @transform_6(%arg0: i32) -> (i32, i32) {
    %c0_i32 = arith.constant 0 : i32
    %c0_i32_0 = arith.constant 0 : i32
    return %arg0, %c0_i32 : i32, i32
  }
  func.func @transform_7(%arg0: i32) -> (i32, i32) {
    %c0_i32 = arith.constant 0 : i32
    %c0_i32_0 = arith.constant 0 : i32
    return %arg0, %c0_i32 : i32, i32
  }
}

module attributes {stable_mosaic.version = 14 : i64} {
  func.func @body(%arg0: i32, %arg1: memref<2x1024x128xf32, #tpu.memory_space<vmem>>, %arg2: memref<1024x16xf32, #tpu.memory_space<vmem>>, %arg3: memref<1024x128xf32, #tpu.memory_space<vmem>>, %arg4: memref<1024x128xf32, #tpu.memory_space<vmem>>, %arg5: memref<1x128xf32, #tpu.memory_space<vmem>>, %arg6: memref<128x128xf32, #tpu.memory_space<vmem>>, %arg7: memref<1024x128xf32, #tpu.memory_space<vmem>>, %arg8: memref<1024x128xf32, #tpu.memory_space<vmem>>) attributes {dimension_semantics = [#tpu.dimension_semantics<arbitrary>], iteration_bounds = array<i64: 10>, scalar_prefetch = 0 : i64, scratch_operands = 0 : i64, tpu.core_type = #tpu.core_type<tc>, window_params = [{transform_indices = @transform_0, window_bounds = array<i64: 2, 1024, 128>}, {transform_indices = @transform_1, window_bounds = array<i64: 1024, 16>}, {transform_indices = @transform_2, window_bounds = array<i64: 1024, 128>}, {transform_indices = @transform_3, window_bounds = array<i64: 1024, 128>}, {pipeline_mode = #tpu.pipeline_mode<synchronous>, transform_indices = @transform_4, window_bounds = array<i64: 1, 128>}, {pipeline_mode = #tpu.pipeline_mode<synchronous>, transform_indices = @transform_5, window_bounds = array<i64: 128, 128>}, {transform_indices = @transform_6, window_bounds = array<i64: 1024, 128>}, {transform_indices = @transform_7, window_bounds = array<i64: 1024, 128>}]} {
    %get3A = arith.constant 0 : index
    %get3A_0 = arith.constant 0 : index
    %get3A_1 = vector.load %arg2[%get3A, %get3A_0] : memref<1024x16xf32, #tpu.memory_space<vmem>>, vector<1024x1xf32>
    %get3A_2 = arith.constant 0 : index
    %get3A_3 = arith.constant 0 : index
    %get3A_4 = arith.constant 0 : index
    %get3A_5 = vector.load %arg1[%get3A_2, %get3A_3, %get3A_4] : memref<2x1024x128xf32, #tpu.memory_space<vmem>>, vector<1x1024x128xf32>
    %get3A_6 = vector.shape_cast %get3A_5 : vector<1x1024x128xf32> to vector<1024x128xf32>
    %get3A_7 = arith.constant 1 : index
    %get3A_8 = arith.constant 0 : index
    %get3A_9 = arith.constant 0 : index
    %get3A_10 = vector.load %arg1[%get3A_7, %get3A_8, %get3A_9] : memref<2x1024x128xf32, #tpu.memory_space<vmem>>, vector<1x1024x128xf32>
    %get3A_11 = vector.shape_cast %get3A_10 : vector<1x1024x128xf32> to vector<1024x128xf32>
    %add3A = arith.addf %get3A_6, %get3A_11 : vector<1024x128xf32>
    %mul3A = vector.broadcast %get3A_1 : vector<1024x1xf32> to vector<1024x128xf32>
    %mul3A_12 = arith.mulf %add3A, %mul3A : vector<1024x128xf32>
    %get3A_13 = arith.constant 0 : index
    %get3A_14 = arith.constant 0 : index
    %get3A_15 = vector.load %arg5[%get3A_13, %get3A_14] : memref<1x128xf32, #tpu.memory_space<vmem>>, vector<1x128xf32>
    %add3A_16 = vector.broadcast %get3A_15 : vector<1x128xf32> to vector<1024x128xf32>
    %add3A_17 = arith.addf %mul3A_12, %add3A_16 : vector<1024x128xf32>
    %get3A_18 = arith.constant 0 : index
    %get3A_19 = arith.constant 0 : index
    %get3A_20 = vector.load %arg3[%get3A_18, %get3A_19] : memref<1024x128xf32, #tpu.memory_space<vmem>>, vector<1024x128xf32>
    %add3A_21 = arith.addf %add3A_17, %get3A_20 : vector<1024x128xf32>
    %max3A = arith.constant 0.000000e+00 : f32
    %max3A_22 = vector.broadcast %max3A : f32 to vector<1024x128xf32>
    %max3A_23 = arith.maximumf %add3A_21, %max3A_22 : vector<1024x128xf32>
    %get3A_24 = arith.constant 0 : index
    %get3A_25 = arith.constant 0 : index
    %get3A_26 = vector.load %arg4[%get3A_24, %get3A_25] : memref<1024x128xf32, #tpu.memory_space<vmem>>, vector<1024x128xf32>
    %add3A_27 = arith.addf %get3A_26, %max3A_23 : vector<1024x128xf32>
    %get3A_28 = arith.constant 0 : index
    %get3A_29 = arith.constant 0 : index
    %get3A_30 = vector.load %arg6[%get3A_28, %get3A_29] : memref<128x128xf32, #tpu.memory_space<vmem>>, vector<128x128xf32>
    %dot_general3A = arith.constant dense<0.000000e+00> : vector<1024x128xf32>
    %dot_general3A_31 = tpu.matmul %add3A_27, %get3A_30, %dot_general3A {dimension_numbers = #tpu.dot_dimension_numbers<[1], [0], [0], [1], [0, 0, 1, 1], [], []>, transpose_lhs_hint = false} : vector<1024x128xf32>, vector<128x128xf32>, vector<1024x128xf32> -> vector<1024x128xf32>
    %swap3A = arith.constant 0 : index
    %swap3A_32 = arith.constant 0 : index
    %swap3A_33 = vector.load %arg7[%swap3A, %swap3A_32] : memref<1024x128xf32, #tpu.memory_space<vmem>>, vector<1024x128xf32>
    tpu.vector_store %arg7[%swap3A, %swap3A_32], %max3A_23 {strides = array<i32>} : memref<1024x128xf32, #tpu.memory_space<vmem>>, vector<1024x128xf32>,
    %mul3A_34 = vector.broadcast %get3A_1 : vector<1024x1xf32> to vector<1024x128xf32>
    %mul3A_35 = arith.mulf %dot_general3A_31, %mul3A_34 : vector<1024x128xf32>
    %swap3A_36 = arith.constant 0 : index
    %swap3A_37 = arith.constant 0 : index
    %swap3A_38 = vector.load %arg8[%swap3A_36, %swap3A_37] : memref<1024x128xf32, #tpu.memory_space<vmem>>, vector<1024x128xf32>
    tpu.vector_store %arg8[%swap3A_36, %swap3A_37], %mul3A_35 {strides = array<i32>} : memref<1024x128xf32, #tpu.memory_space<vmem>>, vector<1024x128xf32>,
    return
  }
  func.func @transform_0(%arg0: i32) -> (i32, i32, i32) {
    %c0_i32 = arith.constant 0 : i32
    %c0_i32_0 = arith.constant 0 : i32
    %c0_i32_1 = arith.constant 0 : i32
    return %c0_i32, %arg0, %c0_i32_0 : i32, i32, i32
  }
  func.func @transform_1(%arg0: i32) -> (i32, i32) {
    %c0_i32 = arith.constant 0 : i32
    %c0_i32_0 = arith.constant 0 : i32
    return %arg0, %c0_i32 : i32, i32
  }
  func.func @transform_2(%arg0: i32) -> (i32, i32) {
    %c0_i32 = arith.constant 0 : i32
    %c0_i32_0 = arith.constant 0 : i32
    return %arg0, %c0_i32 : i32, i32
  }
  func.func @transform_3(%arg0: i32) -> (i32, i32) {
    %c0_i32 = arith.constant 0 : i32
    %c0_i32_0 = arith.constant 0 : i32
    return %arg0, %c0_i32 : i32, i32
  }
  func.func @transform_4(%arg0: i32) -> (i32, i32) {
    %c0_i32 = arith.constant 0 : i32
    %c0_i32_0 = arith.constant 0 : i32
    %c0_i32_1 = arith.constant 0 : i32
    return %c0_i32, %c0_i32_0 : i32, i32
  }
  func.func @transform_5(%arg0: i32) -> (i32, i32) {
    %c0_i32 = arith.constant 0 : i32
    %c0_i32_0 = arith.constant 0 : i32
    %c0_i32_1 = arith.constant 0 : i32
    return %c0_i32, %c0_i32_0 : i32, i32
  }
  func.func @transform_6(%arg0: i32) -> (i32, i32) {
    %c0_i32 = arith.constant 0 : i32
    %c0_i32_0 = arith.constant 0 : i32
    return %arg0, %c0_i32 : i32, i32
  }
  func.func @transform_7(%arg0: i32) -> (i32, i32) {
    %c0_i32 = arith.constant 0 : i32
    %c0_i32_0 = arith.constant 0 : i32
    return %arg0, %c0_i32 : i32, i32
  }
}

module attributes {stable_mosaic.version = 14 : i64} {
  func.func @body(%arg0: i32, %arg1: memref<2x1024x128xf32, #tpu.memory_space<vmem>>, %arg2: memref<1024x16xf32, #tpu.memory_space<vmem>>, %arg3: memref<1024x128xf32, #tpu.memory_space<vmem>>, %arg4: memref<1x128xf32, #tpu.memory_space<vmem>>, %arg5: memref<128x128xf32, #tpu.memory_space<vmem>>, %arg6: memref<1024x128xf32, #tpu.memory_space<vmem>>, %arg7: memref<1024x128xf32, #tpu.memory_space<vmem>>) attributes {dimension_semantics = [#tpu.dimension_semantics<arbitrary>], iteration_bounds = array<i64: 10>, scalar_prefetch = 0 : i64, scratch_operands = 0 : i64, tpu.core_type = #tpu.core_type<tc>, window_params = [{transform_indices = @transform_0, window_bounds = array<i64: 2, 1024, 128>}, {transform_indices = @transform_1, window_bounds = array<i64: 1024, 16>}, {transform_indices = @transform_2, window_bounds = array<i64: 1024, 128>}, {pipeline_mode = #tpu.pipeline_mode<synchronous>, transform_indices = @transform_3, window_bounds = array<i64: 1, 128>}, {pipeline_mode = #tpu.pipeline_mode<synchronous>, transform_indices = @transform_4, window_bounds = array<i64: 128, 128>}, {transform_indices = @transform_5, window_bounds = array<i64: 1024, 128>}, {transform_indices = @transform_6, window_bounds = array<i64: 1024, 128>}]} {
    %get3A = arith.constant 0 : index
    %get3A_0 = arith.constant 0 : index
    %get3A_1 = vector.load %arg2[%get3A, %get3A_0] : memref<1024x16xf32, #tpu.memory_space<vmem>>, vector<1024x1xf32>
    %get3A_2 = arith.constant 0 : index
    %get3A_3 = arith.constant 0 : index
    %get3A_4 = arith.constant 0 : index
    %get3A_5 = vector.load %arg1[%get3A_2, %get3A_3, %get3A_4] : memref<2x1024x128xf32, #tpu.memory_space<vmem>>, vector<1x1024x128xf32>
    %get3A_6 = vector.shape_cast %get3A_5 : vector<1x1024x128xf32> to vector<1024x128xf32>
    %get3A_7 = arith.constant 1 : index
    %get3A_8 = arith.constant 0 : index
    %get3A_9 = arith.constant 0 : index
    %get3A_10 = vector.load %arg1[%get3A_7, %get3A_8, %get3A_9] : memref<2x1024x128xf32, #tpu.memory_space<vmem>>, vector<1x1024x128xf32>
    %get3A_11 = vector.shape_cast %get3A_10 : vector<1x1024x128xf32> to vector<1024x128xf32>
    %add3A = arith.addf %get3A_6, %get3A_11 : vector<1024x128xf32>
    %mul3A = vector.broadcast %get3A_1 : vector<1024x1xf32> to vector<1024x128xf32>
    %mul3A_12 = arith.mulf %add3A, %mul3A : vector<1024x128xf32>
    %get3A_13 = arith.constant 0 : index
    %get3A_14 = arith.constant 0 : index
    %get3A_15 = vector.load %arg4[%get3A_13, %get3A_14] : memref<1x128xf32, #tpu.memory_space<vmem>>, vector<1x128xf32>
    %add3A_16 = vector.broadcast %get3A_15 : vector<1x128xf32> to vector<1024x128xf32>
    %add3A_17 = arith.addf %mul3A_12, %add3A_16 : vector<1024x128xf32>
    %get3A_18 = arith.constant 0 : index
    %get3A_19 = arith.constant 0 : index
    %get3A_20 = vector.load %arg3[%get3A_18, %get3A_19] : memref<1024x128xf32, #tpu.memory_space<vmem>>, vector<1024x128xf32>
    %add3A_21 = arith.addf %add3A_17, %get3A_20 : vector<1024x128xf32>
    %max3A = arith.constant 0.000000e+00 : f32
    %max3A_22 = vector.broadcast %max3A : f32 to vector<1024x128xf32>
    %max3A_23 = arith.maximumf %add3A_21, %max3A_22 : vector<1024x128xf32>
    %get3A_24 = arith.constant 0 : index
    %get3A_25 = arith.constant 0 : index
    %get3A_26 = vector.load %arg5[%get3A_24, %get3A_25] : memref<128x128xf32, #tpu.memory_space<vmem>>, vector<128x128xf32>
    %dot_general3A = arith.constant dense<0.000000e+00> : vector<1024x128xf32>
    %dot_general3A_27 = tpu.matmul %max3A_23, %get3A_26, %dot_general3A {dimension_numbers = #tpu.dot_dimension_numbers<[1], [0], [0], [1], [0, 0, 1, 1], [], []>, transpose_lhs_hint = false} : vector<1024x128xf32>, vector<128x128xf32>, vector<1024x128xf32> -> vector<1024x128xf32>
    %swap3A = arith.constant 0 : index
    %swap3A_28 = arith.constant 0 : index
    %swap3A_29 = vector.load %arg6[%swap3A, %swap3A_28] : memref<1024x128xf32, #tpu.memory_space<vmem>>, vector<1024x128xf32>
    tpu.vector_store %arg6[%swap3A, %swap3A_28], %max3A_23 {strides = array<i32>} : memref<1024x128xf32, #tpu.memory_space<vmem>>, vector<1024x128xf32>,
    %mul3A_30 = vector.broadcast %get3A_1 : vector<1024x1xf32> to vector<1024x128xf32>
    %mul3A_31 = arith.mulf %dot_general3A_27, %mul3A_30 : vector<1024x128xf32>
    %swap3A_32 = arith.constant 0 : index
    %swap3A_33 = arith.constant 0 : index
    %swap3A_34 = vector.load %arg7[%swap3A_32, %swap3A_33] : memref<1024x128xf32, #tpu.memory_space<vmem>>, vector<1024x128xf32>
    tpu.vector_store %arg7[%swap3A_32, %swap3A_33], %mul3A_31 {strides = array<i32>} : memref<1024x128xf32, #tpu.memory_space<vmem>>, vector<1024x128xf32>,
    return
  }
  func.func @transform_0(%arg0: i32) -> (i32, i32, i32) {
    %c0_i32 = arith.constant 0 : i32
    %c0_i32_0 = arith.constant 0 : i32
    %c0_i32_1 = arith.constant 0 : i32
    return %c0_i32, %arg0, %c0_i32_0 : i32, i32, i32
  }
  func.func @transform_1(%arg0: i32) -> (i32, i32) {
    %c0_i32 = arith.constant 0 : i32
    %c0_i32_0 = arith.constant 0 : i32
    return %arg0, %c0_i32 : i32, i32
  }
  func.func @transform_2(%arg0: i32) -> (i32, i32) {
    %c0_i32 = arith.constant 0 : i32
    %c0_i32_0 = arith.constant 0 : i32
    return %arg0, %c0_i32 : i32, i32
  }
  func.func @transform_3(%arg0: i32) -> (i32, i32) {
    %c0_i32 = arith.constant 0 : i32
    %c0_i32_0 = arith.constant 0 : i32
    %c0_i32_1 = arith.constant 0 : i32
    return %c0_i32, %c0_i32_0 : i32, i32
  }
  func.func @transform_4(%arg0: i32) -> (i32, i32) {
    %c0_i32 = arith.constant 0 : i32
    %c0_i32_0 = arith.constant 0 : i32
    %c0_i32_1 = arith.constant 0 : i32
    return %c0_i32, %c0_i32_0 : i32, i32
  }
  func.func @transform_5(%arg0: i32) -> (i32, i32) {
    %c0_i32 = arith.constant 0 : i32
    %c0_i32_0 = arith.constant 0 : i32
    return %arg0, %c0_i32 : i32, i32
  }
  func.func @transform_6(%arg0: i32) -> (i32, i32) {
    %c0_i32 = arith.constant 0 : i32
    %c0_i32_0 = arith.constant 0 : i32
    return %arg0, %c0_i32 : i32, i32
  }
}

module attributes {stable_mosaic.version = 14 : i64} {
  func.func @body(%arg0: i32, %arg1: memref<2x1024x128xf32, #tpu.memory_space<vmem>>, %arg2: memref<1024x16xf32, #tpu.memory_space<vmem>>, %arg3: memref<1024x128xf32, #tpu.memory_space<vmem>>, %arg4: memref<1024x128xf32, #tpu.memory_space<vmem>>, %arg5: memref<1x128xf32, #tpu.memory_space<vmem>>, %arg6: memref<128x128xf32, #tpu.memory_space<vmem>>, %arg7: memref<1x128xf32, #tpu.memory_space<vmem>>, %arg8: memref<1024x128xf32, #tpu.memory_space<vmem>>) attributes {dimension_semantics = [#tpu.dimension_semantics<arbitrary>], iteration_bounds = array<i64: 10>, scalar_prefetch = 0 : i64, scratch_operands = 0 : i64, tpu.core_type = #tpu.core_type<tc>, window_params = [{transform_indices = @transform_0, window_bounds = array<i64: 2, 1024, 128>}, {transform_indices = @transform_1, window_bounds = array<i64: 1024, 16>}, {transform_indices = @transform_2, window_bounds = array<i64: 1024, 128>}, {transform_indices = @transform_3, window_bounds = array<i64: 1024, 128>}, {pipeline_mode = #tpu.pipeline_mode<synchronous>, transform_indices = @transform_4, window_bounds = array<i64: 1, 128>}, {pipeline_mode = #tpu.pipeline_mode<synchronous>, transform_indices = @transform_5, window_bounds = array<i64: 128, 128>}, {pipeline_mode = #tpu.pipeline_mode<synchronous>, transform_indices = @transform_6, window_bounds = array<i64: 1, 128>}, {transform_indices = @transform_7, window_bounds = array<i64: 1024, 128>}]} {
    %get3A = arith.constant 0 : index
    %get3A_0 = arith.constant 0 : index
    %get3A_1 = vector.load %arg2[%get3A, %get3A_0] : memref<1024x16xf32, #tpu.memory_space<vmem>>, vector<1024x1xf32>
    %get3A_2 = arith.constant 0 : index
    %get3A_3 = arith.constant 0 : index
    %get3A_4 = arith.constant 0 : index
    %get3A_5 = vector.load %arg1[%get3A_2, %get3A_3, %get3A_4] : memref<2x1024x128xf32, #tpu.memory_space<vmem>>, vector<1x1024x128xf32>
    %get3A_6 = vector.shape_cast %get3A_5 : vector<1x1024x128xf32> to vector<1024x128xf32>
    %get3A_7 = arith.constant 1 : index
    %get3A_8 = arith.constant 0 : index
    %get3A_9 = arith.constant 0 : index
    %get3A_10 = vector.load %arg1[%get3A_7, %get3A_8, %get3A_9] : memref<2x1024x128xf32, #tpu.memory_space<vmem>>, vector<1x1024x128xf32>
    %get3A_11 = vector.shape_cast %get3A_10 : vector<1x1024x128xf32> to vector<1024x128xf32>
    %add3A = arith.addf %get3A_6, %get3A_11 : vector<1024x128xf32>
    %mul3A = vector.broadcast %get3A_1 : vector<1024x1xf32> to vector<1024x128xf32>
    %mul3A_12 = arith.mulf %add3A, %mul3A : vector<1024x128xf32>
    %get3A_13 = arith.constant 0 : index
    %get3A_14 = arith.constant 0 : index
    %get3A_15 = vector.load %arg5[%get3A_13, %get3A_14] : memref<1x128xf32, #tpu.memory_space<vmem>>, vector<1x128xf32>
    %add3A_16 = vector.broadcast %get3A_15 : vector<1x128xf32> to vector<1024x128xf32>
    %add3A_17 = arith.addf %mul3A_12, %add3A_16 : vector<1024x128xf32>
    %get3A_18 = arith.constant 0 : index
    %get3A_19 = arith.constant 0 : index
    %get3A_20 = vector.load %arg3[%get3A_18, %get3A_19] : memref<1024x128xf32, #tpu.memory_space<vmem>>, vector<1024x128xf32>
    %add3A_21 = arith.addf %add3A_17, %get3A_20 : vector<1024x128xf32>
    %max3A = arith.constant 0.000000e+00 : f32
    %max3A_22 = vector.broadcast %max3A : f32 to vector<1024x128xf32>
    %max3A_23 = arith.maximumf %add3A_21, %max3A_22 : vector<1024x128xf32>
    %get3A_24 = arith.constant 0 : index
    %get3A_25 = arith.constant 0 : index
    %get3A_26 = vector.load %arg4[%get3A_24, %get3A_25] : memref<1024x128xf32, #tpu.memory_space<vmem>>, vector<1024x128xf32>
    %add3A_27 = arith.addf %get3A_26, %max3A_23 : vector<1024x128xf32>
    %get3A_28 = arith.constant 0 : index
    %get3A_29 = arith.constant 0 : index
    %get3A_30 = vector.load %arg6[%get3A_28, %get3A_29] : memref<128x128xf32, #tpu.memory_space<vmem>>, vector<128x128xf32>
    %dot_general3A = arith.constant dense<0.000000e+00> : vector<1024x128xf32>
    %dot_general3A_31 = tpu.matmul %add3A_27, %get3A_30, %dot_general3A {dimension_numbers = #tpu.dot_dimension_numbers<[1], [0], [0], [1], [0, 0, 1, 1], [], []>, transpose_lhs_hint = false} : vector<1024x128xf32>, vector<128x128xf32>, vector<1024x128xf32> -> vector<1024x128xf32>
    %get3A_32 = arith.constant 0 : index
    %get3A_33 = arith.constant 0 : index
    %get3A_34 = vector.load %arg7[%get3A_32, %get3A_33] : memref<1x128xf32, #tpu.memory_space<vmem>>, vector<1x128xf32>
    %add3A_35 = vector.broadcast %get3A_34 : vector<1x128xf32> to vector<1024x128xf32>
    %add3A_36 = arith.addf %dot_general3A_31, %add3A_35 : vector<1024x128xf32>
    %swap3A = arith.constant 0 : index
    %swap3A_37 = arith.constant 0 : index
    %swap3A_38 = vector.load %arg8[%swap3A, %swap3A_37] : memref<1024x128xf32, #tpu.memory_space<vmem>>, vector<1024x128xf32>
    tpu.vector_store %arg8[%swap3A, %swap3A_37], %add3A_36 {strides = array<i32>} : memref<1024x128xf32, #tpu.memory_space<vmem>>, vector<1024x128xf32>,
    return
  }
  func.func @transform_0(%arg0: i32) -> (i32, i32, i32) {
    %c0_i32 = arith.constant 0 : i32
    %c0_i32_0 = arith.constant 0 : i32
    %c0_i32_1 = arith.constant 0 : i32
    return %c0_i32, %arg0, %c0_i32_0 : i32, i32, i32
  }
  func.func @transform_1(%arg0: i32) -> (i32, i32) {
    %c0_i32 = arith.constant 0 : i32
    %c0_i32_0 = arith.constant 0 : i32
    return %arg0, %c0_i32 : i32, i32
  }
  func.func @transform_2(%arg0: i32) -> (i32, i32) {
    %c0_i32 = arith.constant 0 : i32
    %c0_i32_0 = arith.constant 0 : i32
    return %arg0, %c0_i32 : i32, i32
  }
  func.func @transform_3(%arg0: i32) -> (i32, i32) {
    %c0_i32 = arith.constant 0 : i32
    %c0_i32_0 = arith.constant 0 : i32
    return %arg0, %c0_i32 : i32, i32
  }
  func.func @transform_4(%arg0: i32) -> (i32, i32) {
    %c0_i32 = arith.constant 0 : i32
    %c0_i32_0 = arith.constant 0 : i32
    %c0_i32_1 = arith.constant 0 : i32
    return %c0_i32, %c0_i32_0 : i32, i32
  }
  func.func @transform_5(%arg0: i32) -> (i32, i32) {
    %c0_i32 = arith.constant 0 : i32
    %c0_i32_0 = arith.constant 0 : i32
    %c0_i32_1 = arith.constant 0 : i32
    return %c0_i32, %c0_i32_0 : i32, i32
  }
  func.func @transform_6(%arg0: i32) -> (i32, i32) {
    %c0_i32 = arith.constant 0 : i32
    %c0_i32_0 = arith.constant 0 : i32
    %c0_i32_1 = arith.constant 0 : i32
    return %c0_i32, %c0_i32_0 : i32, i32
  }
  func.func @transform_7(%arg0: i32) -> (i32, i32) {
    %c0_i32 = arith.constant 0 : i32
    %c0_i32_0 = arith.constant 0 : i32
    return %arg0, %c0_i32 : i32, i32
  }
}

</mosaic_0001>

<sc_bundles>
// kernel: kernel.12.cloned.1.call-start
scs
__scs_entry_jumppad:
0x0: {  	(pc) =	sbr.rel $0x88, $3  }
0x1: {  	(tag) =	ssettag $0x0;
	lr =	simm.s32 $0x1  }
0x2: {  	[smem:$0x3F93] =	sst lr;
	_ =	strace $0xD0000000  }
0x3: {  	_ = 	snop  }
0x4: {  	_ = 	snop  }
0x5: {  	_ = 	snop  }
0x6: {  	_ = 	snop  }
0x7: {  	_ = 	snop  }
__scs_overlays_trampoline_lowered:
0x8: {  	[smem:$0x3FA2] =	sst s0  }
0x9: {  	[smem:$0x3FA3] =	sst s1  }
0xa: {  	[smem:$0x3FA4] =	sst s2  }
0xb: {  	[smem:$0x3FA5] =	sst s3  }
0xc: {  	[smem:$0x3FA6] =	sst s4  }
0xd: {  	[smem:$0x3FA7] =	sst s5  }
0xe: {  	[smem:$0x3FA8] =	sst s6  }
0xf: {  	[smem:$0x3FA9] =	sst s7  }
0x10: {  	[smem:$0x3FAA] =	sst s8  }
0x11: {  	[smem:$0x3FAB] =	sst s9;
	s0 =	simm.s32 @!p0 $0x0  }
0x12: {  	s1 =	sld [smem:$0x3F91];
	s0 =	simm.s32 @p0 $0x1  }
0x13: {  	[smem:$0x3FAC] =	sst s0;
	s0 =	simm.s32 @!p1 $0x0  }
0x14: {  	s2 =	sld [smem:$0x3F90];
	s0 =	simm.s32 @p1 $0x1  }
0x15: {  	[smem:$0x3FAD] =	sst s0;
	s0 =	simm.s32 @!p2 $0x0  }
0x16: {  	s3 =	sld [smem:$0x3FDB];
	s0 =	simm.s32 @p2 $0x1  }
0x17: {  	s4 =	simm.s32 $0x1BF5;
	[smem:$0x3FAF] =	sst s0  }
0x18: {  	s0 =	sld [smem:$0x3F92];
	_ =	swait.ge [sflag:s4], $0x0  }
0x19: {  	s7 =	sld [smem:$0x3F93]  }
0x1a: {  	s8 =	sadd.s32 $0xFFFFE003, lr  }
0x1b: {  	s9 =	sadd.s32 $0xFFFFFEF7, lr;
	s5 =	simm.s32 $0xFFFFFFFF;
	p2 =	slt.u32 s8, $0xFFFFF086  }
0x1c: {  	p1 =	slt.u32 s9, $0xF7A;
	s5 =	simm.s32 @!p2 $0x0  }
0x1d: {  	s5 =	simm.s32 @p1 $0x1;
	p0 =	seq.s32 s7, s2  }
0x1e: {  	s7 =	smul.u32 @!p0 $0xF7A, s2;
	p2 =	seq.s32 @!p0 s5, $0x0  }
0x1f: {  	s9 =	smul.u32 $0xF7A, s1;
	s8 =	simm.s32 @!p0 $0x1BF5;
	p2 =	por !p2, p0  }
0x20: {  	[sflag:s8] =	ssyncset.s32 @!p0 $0xFFFFF086;
	s6 =	sadd.s32 @!p0 s3, s7;
	s7 =	simm.s32 @!p0 $0x108  }
0x21: {  	s3 =	sadd.s32 s3, s9;
	s6 =	sadd.s32 @!p0 $0x88, s6;
	s7 =	simm.s32 @p2 $0x1082  }
0x22: {  	[simem:s7], [sflag:s8] =	dma.local @!p0 [hbm:s6], $0xF7A  }
0x23: {  	s9 =	sor.u32 $0xD0000000, s2;
	s6 =	simm.s32 $0x108;
	_ =	swait.ge @!p0 [sflag:s8], $0x0  }
0x24: {  	s3 =	sadd.s32 $0x88, s3;
	s6 =	simm.s32 @!p1 $0x1082;
	[sflag:s4] =	ssyncset.s32 $0xFFFFF086  }
0x25: {  	[simem:s6], [sflag:s4] =	dma.local [hbm:s3], $0xF7A  }
0x26: {  	[smem:$0x3F93] =	sst s1;
	(tag) =	ssettag s2;
	_ =	strace s9  }
0x27: {  	s1 =	sld [smem:$0x3FA3]  }
0x28: {  	s2 =	sld [smem:$0x3FA4]  }
0x29: {  	s4 =	sld [smem:$0x3FA6]  }
0x2a: {  	p0 =	seq.s32 s5, $0x0;
	s5 =	sld [smem:$0x3FA7]  }
0x2b: {  	s6 =	sld [smem:$0x3FA8]  }
0x2c: {  	s7 =	sld [smem:$0x3FA9]  }
0x2d: {  	s3 =	simm.s32 $0x108;
	s8 =	sld [smem:$0x3FAA]  }
0x2e: {  	s3 =	simm.s32 @!p0 $0x1082;
	s9 =	sld [smem:$0x3FAB]  }
0x2f: {  	lr =	sadd.s32 s0, s3;
	s0 =	sld [smem:$0x3FA2]  }
0x30: {  	s3 =	sld [smem:$0x3FA5]  }
0x31: {  	[smem:$0x3FAE] =	sst s10  }
0x32: {  	s10 =	sld [smem:$0x3FAC];
	_ =	sdelay $0x3  }
0x33: {  	p0 =	seq.s32 s10, $0x1;
	s10 =	sld [smem:$0x3FAE];
	_ =	sdelay $0x3  }
0x34: {  	[smem:$0x3FAE] =	sst s10  }
0x35: {  	s10 =	sld [smem:$0x3FAD];
	_ =	sdelay $0x3  }
0x36: {  	p1 =	seq.s32 s10, $0x1;
	s10 =	sld [smem:$0x3FAE];
	_ =	sdelay $0x3  }
0x37: {  	[smem:$0x3FAE] =	sst s10  }
0x38: {  	s10 =	sld [smem:$0x3FAF]  }
0x39: {  	_ = 	snop;
	(pc) =	sbr.ind lr, $3  }
0x3a: {  	_ = 	snop  }
0x3b: {  	_ = 	snop  }
0x3c: {  	p2 =	seq.s32 s10, $0x1;
	s10 =	sld [smem:$0x3FAE]  }
0x3d: {  	_ =	shalt  }
0x3e: {  	_ =	shalt  }
0x3f: {  	_ =	shalt  }
0x40: {  	_ =	shalt  }
0x41: {  	_ =	shalt  }
0x42: {  	_ =	shalt  }
0x43: {  	_ =	shalt  }
0x44: {  	_ =	shalt  }
0x45: {  	_ =	shalt  }
0x46: {  	_ =	shalt  }
0x47: {  	_ =	shalt  }
0x48: {  	_ =	shalt  }
0x49: {  	_ =	shalt  }
0x4a: {  	_ =	shalt  }
0x4b: {  	_ =	shalt  }
0x4c: {  	_ =	shalt  }
0x4d: {  	_ =	shalt  }
0x4e: {  	_ =	shalt  }
0x4f: {  	_ =	shalt  }
0x50: {  	_ =	shalt  }
0x51: {  	_ =	shalt  }
0x52: {  	_ =	shalt  }
0x53: {  	_ =	shalt  }
0x54: {  	_ =	shalt  }
0x55: {  	_ =	shalt  }
0x56: {  	_ =	shalt  }
0x57: {  	_ =	shalt  }
0x58: {  	_ =	shalt  }
0x59: {  	_ =	shalt  }
0x5a: {  	_ =	shalt  }
0x5b: {  	_ =	shalt  }
0x5c: {  	_ =	shalt  }
0x5d: {  	_ =	shalt  }
0x5e: {  	_ =	shalt  }
0x5f: {  	_ =	shalt  }
0x60: {  	_ =	shalt  }
0x61: {  	_ =	shalt  }
0x62: {  	_ =	shalt  }
0x63: {  	_ =	shalt  }
0x64: {  	_ =	shalt  }
0x65: {  	_ =	shalt  }
0x66: {  	_ =	shalt  }
0x67: {  	_ =	shalt  }
0x68: {  	_ =	shalt  }
0x69: {  	_ =	shalt  }
0x6a: {  	_ =	shalt  }
0x6b: {  	_ =	shalt  }
0x6c: {  	_ =	shalt  }
0x6d: {  	_ =	shalt  }
0x6e: {  	_ =	shalt  }
0x6f: {  	_ =	shalt  }
0x70: {  	_ =	shalt  }
0x71: {  	_ =	shalt  }
0x72: {  	_ =	shalt  }
0x73: {  	_ =	shalt  }
0x74: {  	_ =	shalt  }
0x75: {  	_ =	shalt  }
0x76: {  	_ =	shalt  }
0x77: {  	_ =	shalt  }
0x78: {  	_ =	shalt  }
0x79: {  	_ =	shalt  }
0x7a: {  	_ =	shalt  }
0x7b: {  	_ =	shalt  }
0x7c: {  	_ =	shalt  }
0x7d: {  	_ =	shalt  }
0x7e: {  	_ =	shalt  }
0x7f: {  	_ =	shalt  }
0x80: {  	_ =	shalt  }
0x81: {  	_ =	shalt  }
0x82: {  	_ =	shalt  }
0x83: {  	_ =	shalt  }
0x84: {  	_ =	shalt  }
0x85: {  	_ =	shalt  }
0x86: {  	_ =	shalt  }
0x87: {  	_ =	shalt  }
.Lfunc_end0:
.L_simem_size_0:
called_computation_lowered:
.L_overlay_start_0:
0x88: {  	s2 =	sld [smem:$0x3FD9]  }
0x89: {  	s3 =	sld [smem:$0x3FFE];
	_ =	sdelay $0x1  }
0x8a: {  	s1 =	srdreg.scid  }
0x8b: {  	s0 =	sand.u32 $0x1, s1  }
0x8c: {  	s17 =	sshll.u32 s0, $0xA;
	s2 =	sadd.s32 s3, s2  }
0x8d: {  	s2 =	sadd.s32 s2, s17  }
0x8e: {  	[smem:$0x3FBA] =	sst s2  }
0x8f: {  	_ = 	snop  }
0x90: {  	s2 =	sld [smem:$0x3FD0];
	(tm) =	ssettm $0x1  }
0x91: {  	s18 =	sld [smem:$0x3FFB];
	_ =	sdelay $0x3  }
0x92: {  	_ =	strace s18  }
0x93: {  	s3 =	sld [smem:$0x3FFC];
	_ =	sdelay $0x3  }
0x94: {  	_ =	strace s3  }
0x95: {  	s3 =	sld [smem:$0x3FFD];
	_ =	sdelay $0x3  }
0x96: {  	_ =	strace s3  }
0x97: {  	_ =	strace $0x8FFFFFFF  }
0x98: {  	s19 =	sld [smem:$0x3FDB];
	_ =	sdelay $0x1  }
0x99: {  	s4 =	simm.s32 $_scs_section_size  }
0x9a: {  	s5 =	simm.s32 $_size__tile_overlayer_lowered;
	s6 =	simm.s32 $_tile_overlayer_lowered  }
0x9b: {  	s22 =	simm.s32 $0x1BFF;
	s21 =	sshll.u32 s6, $0x1;
	s3 =	sadd.s32 s4, s19  }
0x9c: {  	s7 =	simm.s32 $0x0;
	s20 =	sshll.u32 s5, $0x1;
	s5 =	sadd.s32 s21, s3  }
0x9d: {  	[timem:s7], [sflag:s22] =	dma.local [hbm:s5], s20  }
0x9e: {  	_ =	swait.ge [sflag:s22], s20  }
0x9f: {  	s4 =	ssub.s32 $0x0, s20;
	[sflag:s22] =	ssyncset.done $0x0  }
0xa0: {  	[sflag:s22] =	ssyncadd.s32 s4;
	_ =	sdelay $0x1  }
0xa1: {  	s23 =	simm.s32 $0x1B8B  }
0xa2: {  	_ =	swait.ge [sflag:s23], $0x1  }
0xa3: {  	[sflag:s23] =	ssyncset.done $0x0  }
0xa4: {  	s25 =	simm.s32 $0x1B8E;
	s24 =	sld [smem:$0x3FFE];
	[sflag:s23] =	ssyncadd.s32 $0xFFFFFFFF  }
0xa5: {  	s26 =	simm.s32 $execute0_lowered;
	[smem:$0x3FD2] =	sst s25  }
0xa6: {  	s5 =	sshll.u32 s26, $0x1;
	_ =	strace $0x80000046;
	[dreg:$0x1] =	wrdreg $0xFFFFFFFF  }
0xa7: {  	s28 =	simm.s32 $_size_execute0_lowered;
	s3 =	sadd.s32 s3, s5;
	[dreg:$0x0] =	wrdreg $0x0  }
0xa8: {  	s5 =	sshll.u32 s28, $0x1;
	[dreg:$0x2] =	wrdreg s3  }
0xa9: {  	[dreg:$0x3] =	wrdreg s5  }
0xaa: {  	[dreg:$0x4] =	wrdreg $0xC0  }
0xab: {  	_ =	task [dreg:s7], $0x5FFFF  }
0xac: {  	[dreg:$0x1] =	wrdreg $0xFFFFFFFF  }
0xad: {  	[dreg:$0x0] =	wrdreg $0x60  }
0xae: {  	[dreg:$0x2] =	wrdreg s2  }
0xaf: {  	[dreg:$0x3] =	wrdreg s24  }
0xb0: {  	[dreg:$0x4] =	wrdreg $0x68000  }
0xb1: {  	[dreg:$0x5] =	wrdreg $0x9  }
0xb2: {  	_ =	task.clear_ibuf [dreg:s7], $0x6FFFF;
	_ =	strace $0x90000046  }
0xb3: {  	s29 =	simm.s32 $0x9;
	_ =	strace $0x80000048  }
0xb4: {  	_ =	swait.ge [sflag:s29], $0x1  }
0xb5: {  	[sflag:s29] =	ssyncadd.s32 $0xFFFFFFFF  }
0xb6: {  	_ =	strace $0x90000048  }
0xb7: {  	_ =	sfence  }
0xb8: {  	s30 =	sld [smem:$0x0];
	_ =	sdelay $0x2  }
0xb9: {  	s31 =	sshll.u32 s1, $0xD;
	s1 =	sshrl.u32 s1, $0x2  }
0xba: {  	s3 =	sand.u32 $0x4000, s31;
	s1 =	sadd.s32 s1, s30  }
0xbb: {  	s0 =	sor.u32 s3, s0;
	s1 =	sshll.u32 s1, $0x11  }
0xbc: {  	s0 =	sor.u32 s1, s0  }
0xbd: {  	s0 =	sadd.s32 $0x8F2B, s0  }
0xbe: {  	[sflag:s0] =	ssyncadd.remote.s32 $0x1  }
0xbf: {  	_ =	sfence.sel $0xFFFF  }
0xc0: {  	[dreg:$0x0] =	wrdreg $0xFFFFFFFF;
	(pc) =	sbr.abs _section_cstart, $3  }
0xc1: {  	[dreg:$0x1] =	wrdreg $0xFFFFFFFF  }
0xc2: {  	_ =	task.clear_ibuf [dreg:s7], $0x2FFFF;
	_ =	strace $0x9FFFFFFF  }
0xc3: {  	(tm) =	ssettm $0x7FFFFFFF  }
tec
execute0_lowered:
.L_overlay_start_1:
0x0: {  	(tag) =	ssettag $0x1  }
0x1: {  	s5 =	rddreg [dreg:$0x0]  }
0x2: {  	s6 =	rddreg [dreg:$0x1]  }
0x3: {  	s1 =	rddreg [dreg:$0x2]  }
0x4: {  	s0 =	rddreg [dreg:$0x3];
	s2 =	simm.s32 $0x0  }
0x5: {  	s3 =	srdreg.scid;
	s7 =	stileid.u32;
	s12 =	simm.s32 $0x0  }
0x6: {  	[smem:$0x7FF] =	sst s2;
	s3 =	sand.u32 $0x1, s3;
	p0 =	sne.s32 s7, $0x0  }
0x7: {  	_ =	strace $0x80000047;
	s4 =	sshll.u32 s3, $0x4;
	s8 =	smul.u32 $0x28000, s3  }
0x8: {  	s9 =	ssub.s32 $0x2, s3;
	s3 =	sadd.s32 $0xD800, s6;
	s4 =	sor.u32 s7, s4  }
0x9: {  	s10 =	sshrl.u32 s9, $0x1;
	s11 =	smul.u32 $0x500, s4;
	s4 =	sadd.s32 $0x35800, s6  }
0xa: {  	s6 =	sadd.s32 s8, s6;
	s31 =	ssub.s32 s9, s10;
	s8 =	sshrl.u32 @!p0 s1, $0x3  }
0xb: {  	s9 =	simm.s32 $0x1;
	s10 =	simm.s32 $0x2800;
	s6 =	sadd.s32 $0x36000, s6  }
0xc: {  	s7 =	smax.u32 s31, $0x1;
	s5 =	sadd.s32 s5, s11;
	s11 =	simm.s32 $0x80  }
.LBB2_1:
0xd: {  	s13 =	simm.s32 @!p0 $0x1C01  }
0xe: {  	[spmem:s8], [sflag:s13] =	dma.local @!p0 [hbm:s3], $0x28000  }
0xf: {  	s13 =	simm.s32 @!p0 $0x1  }
0x10: {  	_ =	swait.ge @!p0 [sflag:s13], $0x28000  }
0x11: {  	[sflag:s13] =	ssyncset.done @!p0 $0x0  }
0x12: {  	[sflag:s13] =	ssyncadd.s32 @!p0 $0xFFFD8000  }
0x13: {  	[tilespmem:s2], [sflag:$0x1] =	stream.linear.gather [hbm4b:s5+s2], $0x2780, $0x38;
	[tilespmem:$0x1A800] =	vst v63  }
0x14: {  	_ =	swait.ge [sflag:s9], $0x2780  }
0x15: {  	[sflag:s9] =	ssyncset.done $0x0  }
0x16: {  	[sflag:s9] =	ssyncadd.s32 $0xFFFFD880  }
0x17: {  	[tilespmem:s10], [sflag:$0x1] =	stream.linear.gather [hbm4b:s4+s2], $0x4000, $0x38;
	[tilespmem:$0x1A800] =	vst v63  }
0x18: {  	_ =	swait.ge [sflag:s9], $0x4000  }
0x19: {  	[sflag:s9] =	ssyncset.done $0x0  }
0x1a: {  	[sflag:s9] =	ssyncadd.s32 $0xFFFFC000  }
0x1b: {  	s31 =	simm.s32 $0x0;
	[bflag:$0x0] =	sbarrier.arrive $0xFFFF  }
0x1c: {  	[spmem:s1] =	stream.indirect.scatter.add.f32 [tilespmem:s10], [sflag:$0x1], $0x80, s31, s11, $0xb8;
	[tilespmem:$0x1A800] =	vst v63  }
0x1d: {  	_ =	swait.ge [sflag:s9], $0x4000  }
0x1e: {  	s13 =	simm.s32 $0x200;
	[sflag:s9] =	ssyncset.done $0x0  }
.LBB2_2:
0x1f: {  	s14 =	sshra.s32 s13, $0x2;
	[sflag:s9] =	ssyncadd.s32 $0xFFFFC000;
	p1 =	sne.s32 s13, $0x9C00  }
0x20: {  	[spmem:s1] =	stream.indirect.scatter.add.f32 [tilespmem:s10], [sflag:$0x1], $0x80, s14, s11, $0xb8;
	[tilespmem:$0x1A800] =	vst v63  }
.Ltmp0:
0x21: {  	_ = 	snop;
	(pc) =	sbr.rel @p1 .LBB2_2-.Ltmp0, $4  }
0x22: {  	_ = 	snop  }
0x23: {  	s13 =	sadd.s32 $0x200, s13  }
0x24: {  	_ =	swait.ge [sflag:s9], $0x4000  }
0x25: {  	[sflag:s9] =	ssyncset.done $0x0  }
0x26: {  	[sflag:s9] =	ssyncadd.s32 $0xFFFFC000;
	s12 =	sadd.s32 $0x1, s12  }
0x27: {  	s13 =	simm.s32 @!p0 $0x1C01;
	[bflag:$0x0] =	sbarrier.arrive $0xFFFF;
	p1 =	sne.s32 s12, s7  }
0x28: {  	[hbm:s6], [sflag:s13] =	dma.local @!p0 [spmem:s8], $0x28000  }
.Ltmp1:
0x29: {  	_ = 	snop;
	(pc) =	sbr.rel @p1 .LBB2_1-.Ltmp1, $4  }
0x2a: {  	s13 =	simm.s32 @!p0 $0x1  }
0x2b: {  	_ =	swait.ge @!p0 [sflag:s13], $0x28000  }
0x2c: {  	[sflag:s13] =	ssyncset.done @!p0 $0x0  }
0x2d: {  	[sflag:s13] =	ssyncadd.s32 @!p0 $0xFFFD8000  }
0x2e: {  	_ =	sfence.sel $0x180000  }
0x2f: {  	[bflag:$0x0] =	sbarrier.arrive $0xFFFF  }
0x30: {  	_ =	strace $0x90000047  }
0x31: {  	s0 =	sadd.s32 @!p0 $0x100000, s0;
	[bflag:$0x2] =	sbarrier.arrive $0xFFFF  }
0x32: {  	[sflag:s0] =	ssyncadd.tile.s32 @!p0 $0x1;
	_ =	shalt  }
.Lfunc_end2:
_tile_overlayer_lowered:
.L_overlay_start_2:
0x33: {  	(tag) =	ssettag $0x2  }
0x34: {  	s0 =	rddreg [dreg:$0x0];
	s2 =	stileid.u32  }
0x35: {  	s1 =	rddreg [dreg:$0x1];
	p0 =	sne.s32 s2, $0x0  }
0x36: {  	s3 =	rddreg [dreg:$0x2];
	[bflag:$0x3] =	sbarrier.arrive $0xFFFF;
	s2 =	simm.s32 @!p0 $0x1C01  }
0x37: {  	[timem:s3], [sflag:s2] =	dma.local @!p0 [hbm:s0], s1  }
0x38: {  	s0 =	simm.s32 @!p0 $0x1  }
0x39: {  	_ =	swait.ge @!p0 [sflag:s0], s1  }
0x3a: {  	s1 =	ssub.s32 @!p0 $0x0, s1;
	[sflag:s0] =	ssyncset.done @!p0 $0x0  }
0x3b: {  	[sflag:s0] =	ssyncadd.s32 @!p0 s1  }
0x3c: {  	[bflag:$0x3] =	sbarrier.arrive $0xFFFF  }
0x3d: {  	_ =	shalt  }

// kernel: kernel.15.cloned.1.call-start
scs
__scs_entry_jumppad:
0x0: {  	(pc) =	sbr.rel $0x88, $3  }
0x1: {  	(tag) =	ssettag $0x0;
	lr =	simm.s32 $0x1  }
0x2: {  	[smem:$0x3F93] =	sst lr;
	_ =	strace $0xD0000000  }
0x3: {  	_ = 	snop  }
0x4: {  	_ = 	snop  }
0x5: {  	_ = 	snop  }
0x6: {  	_ = 	snop  }
0x7: {  	_ = 	snop  }
__scs_overlays_trampoline_lowered:
0x8: {  	[smem:$0x3FA2] =	sst s0  }
0x9: {  	[smem:$0x3FA3] =	sst s1  }
0xa: {  	[smem:$0x3FA4] =	sst s2  }
0xb: {  	[smem:$0x3FA5] =	sst s3  }
0xc: {  	[smem:$0x3FA6] =	sst s4  }
0xd: {  	[smem:$0x3FA7] =	sst s5  }
0xe: {  	[smem:$0x3FA8] =	sst s6  }
0xf: {  	[smem:$0x3FA9] =	sst s7  }
0x10: {  	[smem:$0x3FAA] =	sst s8  }
0x11: {  	[smem:$0x3FAB] =	sst s9;
	s0 =	simm.s32 @!p0 $0x0  }
0x12: {  	s1 =	sld [smem:$0x3F91];
	s0 =	simm.s32 @p0 $0x1  }
0x13: {  	[smem:$0x3FAC] =	sst s0;
	s0 =	simm.s32 @!p1 $0x0  }
0x14: {  	s2 =	sld [smem:$0x3F90];
	s0 =	simm.s32 @p1 $0x1  }
0x15: {  	[smem:$0x3FAD] =	sst s0;
	s0 =	simm.s32 @!p2 $0x0  }
0x16: {  	s3 =	sld [smem:$0x3FDB];
	s0 =	simm.s32 @p2 $0x1  }
0x17: {  	s4 =	simm.s32 $0x1BF5;
	[smem:$0x3FAF] =	sst s0  }
0x18: {  	s0 =	sld [smem:$0x3F92];
	_ =	swait.ge [sflag:s4], $0x0  }
0x19: {  	s7 =	sld [smem:$0x3F93]  }
0x1a: {  	s8 =	sadd.s32 $0xFFFFE003, lr  }
0x1b: {  	s9 =	sadd.s32 $0xFFFFFEF7, lr;
	s5 =	simm.s32 $0xFFFFFFFF;
	p2 =	slt.u32 s8, $0xFFFFF086  }
0x1c: {  	p1 =	slt.u32 s9, $0xF7A;
	s5 =	simm.s32 @!p2 $0x0  }
0x1d: {  	s5 =	simm.s32 @p1 $0x1;
	p0 =	seq.s32 s7, s2  }
0x1e: {  	s7 =	smul.u32 @!p0 $0xF7A, s2;
	p2 =	seq.s32 @!p0 s5, $0x0  }
0x1f: {  	s9 =	smul.u32 $0xF7A, s1;
	s8 =	simm.s32 @!p0 $0x1BF5;
	p2 =	por !p2, p0  }
0x20: {  	[sflag:s8] =	ssyncset.s32 @!p0 $0xFFFFF086;
	s6 =	sadd.s32 @!p0 s3, s7;
	s7 =	simm.s32 @!p0 $0x108  }
0x21: {  	s3 =	sadd.s32 s3, s9;
	s6 =	sadd.s32 @!p0 $0x88, s6;
	s7 =	simm.s32 @p2 $0x1082  }
0x22: {  	[simem:s7], [sflag:s8] =	dma.local @!p0 [hbm:s6], $0xF7A  }
0x23: {  	s9 =	sor.u32 $0xD0000000, s2;
	s6 =	simm.s32 $0x108;
	_ =	swait.ge @!p0 [sflag:s8], $0x0  }
0x24: {  	s3 =	sadd.s32 $0x88, s3;
	s6 =	simm.s32 @!p1 $0x1082;
	[sflag:s4] =	ssyncset.s32 $0xFFFFF086  }
0x25: {  	[simem:s6], [sflag:s4] =	dma.local [hbm:s3], $0xF7A  }
0x26: {  	[smem:$0x3F93] =	sst s1;
	(tag) =	ssettag s2;
	_ =	strace s9  }
0x27: {  	s1 =	sld [smem:$0x3FA3]  }
0x28: {  	s2 =	sld [smem:$0x3FA4]  }
0x29: {  	s4 =	sld [smem:$0x3FA6]  }
0x2a: {  	p0 =	seq.s32 s5, $0x0;
	s5 =	sld [smem:$0x3FA7]  }
0x2b: {  	s6 =	sld [smem:$0x3FA8]  }
0x2c: {  	s7 =	sld [smem:$0x3FA9]  }
0x2d: {  	s3 =	simm.s32 $0x108;
	s8 =	sld [smem:$0x3FAA]  }
0x2e: {  	s3 =	simm.s32 @!p0 $0x1082;
	s9 =	sld [smem:$0x3FAB]  }
0x2f: {  	lr =	sadd.s32 s0, s3;
	s0 =	sld [smem:$0x3FA2]  }
0x30: {  	s3 =	sld [smem:$0x3FA5]  }
0x31: {  	[smem:$0x3FAE] =	sst s10  }
0x32: {  	s10 =	sld [smem:$0x3FAC];
	_ =	sdelay $0x3  }
0x33: {  	p0 =	seq.s32 s10, $0x1;
	s10 =	sld [smem:$0x3FAE];
	_ =	sdelay $0x3  }
0x34: {  	[smem:$0x3FAE] =	sst s10  }
0x35: {  	s10 =	sld [smem:$0x3FAD];
	_ =	sdelay $0x3  }
0x36: {  	p1 =	seq.s32 s10, $0x1;
	s10 =	sld [smem:$0x3FAE];
	_ =	sdelay $0x3  }
0x37: {  	[smem:$0x3FAE] =	sst s10  }
0x38: {  	s10 =	sld [smem:$0x3FAF]  }
0x39: {  	_ = 	snop;
	(pc) =	sbr.ind lr, $3  }
0x3a: {  	_ = 	snop  }
0x3b: {  	_ = 	snop  }
0x3c: {  	p2 =	seq.s32 s10, $0x1;
	s10 =	sld [smem:$0x3FAE]  }
0x3d: {  	_ =	shalt  }
0x3e: {  	_ =	shalt  }
0x3f: {  	_ =	shalt  }
0x40: {  	_ =	shalt  }
0x41: {  	_ =	shalt  }
0x42: {  	_ =	shalt  }
0x43: {  	_ =	shalt  }
0x44: {  	_ =	shalt  }
0x45: {  	_ =	shalt  }
0x46: {  	_ =	shalt  }
0x47: {  	_ =	shalt  }
0x48: {  	_ =	shalt  }
0x49: {  	_ =	shalt  }
0x4a: {  	_ =	shalt  }
0x4b: {  	_ =	shalt  }
0x4c: {  	_ =	shalt  }
0x4d: {  	_ =	shalt  }
0x4e: {  	_ =	shalt  }
0x4f: {  	_ =	shalt  }
0x50: {  	_ =	shalt  }
0x51: {  	_ =	shalt  }
0x52: {  	_ =	shalt  }
0x53: {  	_ =	shalt  }
0x54: {  	_ =	shalt  }
0x55: {  	_ =	shalt  }
0x56: {  	_ =	shalt  }
0x57: {  	_ =	shalt  }
0x58: {  	_ =	shalt  }
0x59: {  	_ =	shalt  }
0x5a: {  	_ =	shalt  }
0x5b: {  	_ =	shalt  }
0x5c: {  	_ =	shalt  }
0x5d: {  	_ =	shalt  }
0x5e: {  	_ =	shalt  }
0x5f: {  	_ =	shalt  }
0x60: {  	_ =	shalt  }
0x61: {  	_ =	shalt  }
0x62: {  	_ =	shalt  }
0x63: {  	_ =	shalt  }
0x64: {  	_ =	shalt  }
0x65: {  	_ =	shalt  }
0x66: {  	_ =	shalt  }
0x67: {  	_ =	shalt  }
0x68: {  	_ =	shalt  }
0x69: {  	_ =	shalt  }
0x6a: {  	_ =	shalt  }
0x6b: {  	_ =	shalt  }
0x6c: {  	_ =	shalt  }
0x6d: {  	_ =	shalt  }
0x6e: {  	_ =	shalt  }
0x6f: {  	_ =	shalt  }
0x70: {  	_ =	shalt  }
0x71: {  	_ =	shalt  }
0x72: {  	_ =	shalt  }
0x73: {  	_ =	shalt  }
0x74: {  	_ =	shalt  }
0x75: {  	_ =	shalt  }
0x76: {  	_ =	shalt  }
0x77: {  	_ =	shalt  }
0x78: {  	_ =	shalt  }
0x79: {  	_ =	shalt  }
0x7a: {  	_ =	shalt  }
0x7b: {  	_ =	shalt  }
0x7c: {  	_ =	shalt  }
0x7d: {  	_ =	shalt  }
0x7e: {  	_ =	shalt  }
0x7f: {  	_ =	shalt  }
0x80: {  	_ =	shalt  }
0x81: {  	_ =	shalt  }
0x82: {  	_ =	shalt  }
0x83: {  	_ =	shalt  }
0x84: {  	_ =	shalt  }
0x85: {  	_ =	shalt  }
0x86: {  	_ =	shalt  }
0x87: {  	_ =	shalt  }
.Lfunc_end0:
.L_simem_size_0:
called_computation.1_lowered:
.L_overlay_start_0:
0x88: {  	s2 =	sld [smem:$0x3FD9]  }
0x89: {  	s3 =	sld [smem:$0x3FFE];
	_ =	sdelay $0x1  }
0x8a: {  	s1 =	srdreg.scid  }
0x8b: {  	s0 =	sand.u32 $0x1, s1  }
0x8c: {  	s16 =	sshll.u32 s0, $0xA;
	s2 =	sadd.s32 s3, s2  }
0x8d: {  	s2 =	sadd.s32 s2, s16  }
0x8e: {  	[smem:$0x3FBA] =	sst s2  }
0x8f: {  	_ = 	snop  }
0x90: {  	(tm) =	ssettm $0x1  }
0x91: {  	s17 =	sld [smem:$0x3FFB];
	_ =	sdelay $0x3  }
0x92: {  	_ =	strace s17  }
0x93: {  	s2 =	sld [smem:$0x3FFC];
	_ =	sdelay $0x3  }
0x94: {  	_ =	strace s2  }
0x95: {  	s2 =	sld [smem:$0x3FFD];
	_ =	sdelay $0x3  }
0x96: {  	_ =	strace s2  }
0x97: {  	_ =	strace $0x8FFFFFFF  }
0x98: {  	s18 =	sld [smem:$0x3FDB];
	_ =	sdelay $0x1  }
0x99: {  	s19 =	simm.s32 $_scs_section_size  }
0x9a: {  	s4 =	simm.s32 $_size__tile_overlayer_lowered;
	s5 =	simm.s32 $_tile_overlayer_lowered  }
0x9b: {  	s22 =	simm.s32 $0x1BFF;
	s21 =	sshll.u32 s5, $0x1;
	s2 =	sadd.s32 s19, s18  }
0x9c: {  	s6 =	simm.s32 $0x0;
	s20 =	sshll.u32 s4, $0x1;
	s4 =	sadd.s32 s21, s2  }
0x9d: {  	[timem:s6], [sflag:s22] =	dma.local [hbm:s4], s20  }
0x9e: {  	_ =	swait.ge [sflag:s22], s20  }
0x9f: {  	s3 =	ssub.s32 $0x0, s20;
	[sflag:s22] =	ssyncset.done $0x0  }
0xa0: {  	[sflag:s22] =	ssyncadd.s32 s3;
	_ =	sdelay $0x1  }
0xa1: {  	s23 =	simm.s32 $0x1B8B  }
0xa2: {  	_ =	swait.ge [sflag:s23], $0x1  }
0xa3: {  	[sflag:s23] =	ssyncset.done $0x0  }
0xa4: {  	s25 =	simm.s32 $0x1B8E;
	s24 =	sld [smem:$0x3FFE];
	[sflag:s23] =	ssyncadd.s32 $0xFFFFFFFF  }
0xa5: {  	s26 =	simm.s32 $execute0_lowered;
	[smem:$0x3FD2] =	sst s25  }
0xa6: {  	s4 =	sshll.u32 s26, $0x1;
	_ =	strace $0x80000049;
	[dreg:$0x1] =	wrdreg $0xFFFFFFFF  }
0xa7: {  	s28 =	simm.s32 $_size_execute0_lowered;
	s2 =	sadd.s32 s2, s4;
	[dreg:$0x0] =	wrdreg $0x0  }
0xa8: {  	s4 =	sshll.u32 s28, $0x1;
	[dreg:$0x2] =	wrdreg s2  }
0xa9: {  	[dreg:$0x3] =	wrdreg s4  }
0xaa: {  	[dreg:$0x4] =	wrdreg $0xC0  }
0xab: {  	_ =	task [dreg:s6], $0x5FFFF  }
0xac: {  	[dreg:$0x1] =	wrdreg $0xFFFFFFFF  }
0xad: {  	[dreg:$0x0] =	wrdreg $0x60  }
0xae: {  	[dreg:$0x2] =	wrdreg s24  }
0xaf: {  	[dreg:$0x3] =	wrdreg $0x82000  }
0xb0: {  	[dreg:$0x4] =	wrdreg $0x9  }
0xb1: {  	_ =	task.clear_ibuf [dreg:s6], $0x5FFFF;
	_ =	strace $0x90000049  }
0xb2: {  	s29 =	simm.s32 $0x9;
	_ =	strace $0x8000004B  }
0xb3: {  	_ =	swait.ge [sflag:s29], $0x1  }
0xb4: {  	[sflag:s29] =	ssyncadd.s32 $0xFFFFFFFF  }
0xb5: {  	_ =	strace $0x9000004B  }
0xb6: {  	_ =	sfence  }
0xb7: {  	s30 =	sld [smem:$0x0];
	_ =	sdelay $0x2  }
0xb8: {  	s31 =	sshll.u32 s1, $0xD;
	s1 =	sshrl.u32 s1, $0x2  }
0xb9: {  	s3 =	sand.u32 $0x4000, s31;
	s1 =	sadd.s32 s1, s30  }
0xba: {  	s0 =	sor.u32 s3, s0;
	s1 =	sshll.u32 s1, $0x11  }
0xbb: {  	s0 =	sor.u32 s1, s0  }
0xbc: {  	s0 =	sadd.s32 $0x8F2B, s0  }
0xbd: {  	[sflag:s0] =	ssyncadd.remote.s32 $0x1  }
0xbe: {  	_ =	sfence.sel $0xFFFF  }
0xbf: {  	[dreg:$0x0] =	wrdreg $0xFFFFFFFF;
	(pc) =	sbr.abs _section_cstart, $3  }
0xc0: {  	[dreg:$0x1] =	wrdreg $0xFFFFFFFF  }
0xc1: {  	_ =	task.clear_ibuf [dreg:s6], $0x2FFFF;
	_ =	strace $0x9FFFFFFF  }
0xc2: {  	(tm) =	ssettm $0x7FFFFFFF  }
0xc3: {  	_ =	shalt  }
tec
execute0_lowered:
.L_overlay_start_1:
0x0: {  	(tag) =	ssettag $0x1  }
0x1: {  	s0 =	rddreg [dreg:$0x0]  }
0x2: {  	s1 =	rddreg [dreg:$0x1]  }
0x3: {  	s2 =	simm.s32 $0x0;
	s3 =	srdreg.scid;
	s14 =	stileid.u32  }
0x4: {  	s17 =	simm.s32 $0x5;
	s18 =	simm.s32 $0x100;
	s19 =	simm.s32 $0x80  }
0x5: {  	s20 =	simm.s32 $0x180;
	s28 =	simm.s32 $0x4;
	s29 =	simm.s32 $0x0  }
0x6: {  	[smem:$0x7FF] =	sst s2;
	s4 =	sadd.s32 $0x35800, s0;
	s9 =	smul.u32 $0x69, s14  }
0x7: {  	s3 =	sand.u32 $0x1, s3;
	s6 =	sadd.s32 $0x86000, s0;
	s11 =	smul.u32 $0x35, s14  }
0x8: {  	s8 =	sadd.s32 $0x3A00, s0;
	s12 =	sadd.s32 $0xD800, s0;
	s21 =	smul.u32 $0x50000, s14  }
0x9: {  	s15 =	smul.u32 $0x2800, s14;
	s26 =	sshll.u32 s14, $0x6;
	_ =	strace $0x8000004A  }
0xa: {  	s5 =	smul.u32 $0x28000, s3;
	s7 =	ssub.s32 $0x2, s3;
	p0 =	seq.s32 s3, $0x0  }
0xb: {  	s10 =	sshrl.u32 s7, $0x1;
	s3 =	sadd.s32 $0x690, s11;
	s12 =	smov.u32 @p0 s4  }
0xc: {  	s0 =	sadd.s32 s5, s0;
	s13 =	ssub.s32 s7, s10;
	s5 =	simm.s32 $0x69  }
0xd: {  	s3 =	smov.u32 @p0 s9;
	s7 =	sshrl.u32 s21, $0x2;
	s31 =	sadd.s32 s12, s15  }
0xe: {  	s21 =	simm.s32 $0x1;
	s5 =	simm.s32 @!p0 $0x35;
	s22 =	sadd.s32 s7, s1  }
0xf: {  	s3 =	sshll.u32 s3, $0x4;
	s25 =	sadd.s32 $0x8FE00, s0;
	s30 =	smax.u32 s13, $0x1  }
0x10: {  	[dreg:$0x6] =	wrdreg s31;
	s13 =	sor.u32 $0x1C05, s26;
	s26 =	simm.s32 $0x4200  }
0x11: {  	s23 =	sadd.s32 s6, s3;
	s24 =	sadd.s32 s8, s3;
	s3 =	sadd.s32 $0x10, s3  }
0x12: {  	s10 =	sadd.s32 $0xFFFFFFFF, s5;
	[dreg:$0x5] =	wrdreg s30;
	s16 =	sshrl.u32 s22, $0x3  }
0x13: {  	s22 =	simm.s32 $0x200;
	s6 =	sadd.s32 s6, s3;
	s3 =	sadd.s32 s8, s3  }
0x14: {  	s12 =	smov.u32 s24;
	s14 =	sadd.s32 $0x20, s24;
	s11 =	smov.u32 s23  }
0x15: {  	s0 =	sadd.s32 $0x20, s23;
	s23 =	simm.s32 $0x3;
	[dreg:$0x3] =	wrdreg s6  }
0x16: {  	s24 =	sadd.s32 s15, s25;
	s25 =	simm.s32 $0x2;
	[dreg:$0x4] =	wrdreg s3  }
.LBB2_1:
0x17: {  	s3 =	rddreg [dreg:$0x6]  }
0x18: {  	[spmem:s16], [sflag:s13] =	dma.local [hbm:s3], $0x2800  }
0x19: {  	_ =	swait.ge [sflag:s17], $0x2800  }
0x1a: {  	[sflag:s17] =	ssyncset.done $0x0  }
0x1b: {  	[sflag:s17] =	ssyncadd.s32 $0xFFFFD800  }
0x1c: {  	[tilespmem:s2], [sflag:$0x1] =	stream.linear.gather [hbm4b:s11+s2], $0x80, $0x38;
	[tilespmem:$0x1C200] =	vst v63  }
0x1d: {  	_ = 	snop  }
0x1e: {  	[tilespmem:s18], [sflag:$0x1] =	stream.linear.gather [hbm4b:s12+s2], $0x80, $0x38;
	[tilespmem:$0x1C200] =	vst v63  }
0x1f: {  	s9 =	rddreg [dreg:$0x3]  }
0x20: {  	[tilespmem:s19], [sflag:$0x2] =	stream.linear.gather [hbm4b:s9+s2], $0x80, $0x38;
	[tilespmem:$0x1C200] =	vst v63  }
0x21: {  	s15 =	rddreg [dreg:$0x4]  }
0x22: {  	[tilespmem:s20], [sflag:$0x2] =	stream.linear.gather [hbm4b:s15+s2], $0x80, $0x38;
	[tilespmem:$0x1C200] =	vst v63  }
0x23: {  	_ =	swait.ge [sflag:s21], $0x80  }
0x24: {  	[sflag:s21] =	ssyncset.done $0x0  }
0x25: {  	[sflag:s21] =	ssyncadd.s32 $0xFFFFFF80  }
0x26: {  	_ =	swait.ge [sflag:s21], $0x80  }
0x27: {  	[sflag:s21] =	ssyncset.done $0x0  }
0x28: {  	[sflag:s21] =	ssyncadd.s32 $0xFFFFFF80  }
0x29: {  	[tilespmem:s22], [sflag:$0x3] =	stream.indirect.gather [hbm4b:s4+s19], $0x80, s2, s19, $0xb8;
	[tilespmem:$0x1C200] =	vst v63  }
0x2a: {  	[bflag:$0x0] =	sbarrier.arrive $0xFFFF  }
0x2b: {  	_ =	swait.ge [sflag:s23], $0x4000  }
0x2c: {  	[sflag:s23] =	ssyncset.done $0x0  }
0x2d: {  	[sflag:s23] =	ssyncadd.s32 $0xFFFFC000  }
0x2e: {  	_ =	swait.ge [sflag:s25], $0x80  }
0x2f: {  	[sflag:s25] =	ssyncset.done $0x0  }
0x30: {  	[sflag:s25] =	ssyncadd.s32 $0xFFFFFF80  }
0x31: {  	_ =	swait.ge [sflag:s25], $0x80  }
0x32: {  	[sflag:s25] =	ssyncset.done $0x0  }
0x33: {  	[sflag:s25] =	ssyncadd.s32 $0xFFFFFF80  }
0x34: {  	[tilespmem:s26], [sflag:$0x4] =	stream.indirect.gather [hbm4b:s4+s19], $0x80, s19, s19, $0xb8;
	[tilespmem:$0x1C200] =	vst v63  }
0x35: {  	_ = 	snop  }
0x36: {  	[spmem:s1] =	stream.indirect.scatter.add.f32 [tilespmem:s22], [sflag:$0x5], $0x80, s18, s19, $0xb8;
	[tilespmem:$0x1C200] =	vst v63  }
0x37: {  	_ =	swait.ge [sflag:s17], $0x4000  }
0x38: {  	[sflag:s17] =	ssyncset.done $0x0  }
0x39: {  	[sflag:s17] =	ssyncadd.s32 $0xFFFFC000  }
0x3a: {  	[tilespmem:s2], [sflag:$0x1] =	stream.linear.gather [hbm4b:s0+s2], $0x80, $0x38;
	[tilespmem:$0x1C200] =	vst v63  }
0x3b: {  	_ = 	snop  }
0x3c: {  	[tilespmem:s18], [sflag:$0x1] =	stream.linear.gather [hbm4b:s14+s2], $0x80, $0x38;
	[tilespmem:$0x1C200] =	vst v63  }
0x3d: {  	_ =	swait.ge [sflag:s28], $0x4000  }
0x3e: {  	[sflag:s28] =	ssyncset.done $0x0  }
0x3f: {  	[sflag:s28] =	ssyncadd.s32 $0xFFFFC000  }
0x40: {  	_ =	swait.ge [sflag:s21], $0x80  }
0x41: {  	[sflag:s21] =	ssyncset.done $0x0  }
0x42: {  	[sflag:s21] =	ssyncadd.s32 $0xFFFFFF80  }
0x43: {  	_ =	swait.ge [sflag:s21], $0x80  }
0x44: {  	[sflag:s21] =	ssyncset.done $0x0  }
0x45: {  	[sflag:s21] =	ssyncadd.s32 $0xFFFFFF80  }
0x46: {  	[tilespmem:s22], [sflag:$0x3] =	stream.indirect.gather [hbm4b:s4+s19], $0x80, s2, s19, $0xb8;
	[tilespmem:$0x1C200] =	vst v63  }
0x47: {  	p1 =	sle.u32 s5, $0x3;
	p0 =	sne.s32 s10, $0x2  }
0x48: {  	[spmem:s1] =	stream.indirect.scatter.add.f32 [tilespmem:s26], [sflag:$0x5], $0x80, s20, s19, $0xb8;
	[tilespmem:$0x1C200] =	vst v63  }
.Ltmp0:
0x49: {  	s30 =	simm.s32 $0x2;
	_ =	swait.ge [sflag:s17], $0x4000;
	(pc) =	sbr.rel @!p0 .LBB2_3-.Ltmp0, $4  }
0x4a: {  	s31 =	smov.u32 s14;
	s3 =	sadd.s32 @!p1 $0x10, s0;
	[sflag:s17] =	ssyncset.done $0x0  }
0x4b: {  	s8 =	simm.s32 @!p1 $0x0;
	s6 =	simm.s32 @!p1 $0x80;
	[sflag:s17] =	ssyncadd.s32 $0xFFFFC000  }
0x4c: {  	[tilespmem:s6], [sflag:$0x2] =	stream.linear.gather @!p1 [hbm4b:s3+s8], $0x80, $0x38;
	[tilespmem:$0x1C200] =	vst v63  }
0x4d: {  	s9 =	sadd.s32 @!p1 $0x10, s14;
	s15 =	smov.u32 s0;
	s6 =	simm.s32 @!p1 $0x180  }
.LBB2_2:
0x4e: {  	s31 =	sadd.s32 $0x20, s31  }
0x4f: {  	s15 =	sadd.s32 $0x20, s15;
	s3 =	smov.u32 s30;
	s30 =	sadd.s32 $0x2, s30  }
0x50: {  	[tilespmem:s6], [sflag:$0x2] =	stream.linear.gather @!p1 [hbm4b:s9+s8], $0x80, $0x38;
	[tilespmem:$0x1C200] =	vst v63  }
0x51: {  	p0 =	sne.s32 s10, s30;
	_ =	swait.ge [sflag:s23], $0x4000  }
0x52: {  	[sflag:s23] =	ssyncset.done $0x0  }
0x53: {  	[sflag:s23] =	ssyncadd.s32 $0xFFFFC000  }
0x54: {  	_ =	swait.ge [sflag:s25], $0x80  }
0x55: {  	[sflag:s25] =	ssyncset.done $0x0  }
0x56: {  	[sflag:s25] =	ssyncadd.s32 $0xFFFFFF80  }
0x57: {  	_ =	swait.ge [sflag:s25], $0x80  }
0x58: {  	[sflag:s25] =	ssyncset.done $0x0  }
0x59: {  	[sflag:s25] =	ssyncadd.s32 $0xFFFFFF80  }
0x5a: {  	[tilespmem:s26], [sflag:$0x4] =	stream.indirect.gather [hbm4b:s4+s19], $0x80, s19, s19, $0xb8;
	[tilespmem:$0x1C200] =	vst v63  }
0x5b: {  	_ = 	snop  }
0x5c: {  	[spmem:s1] =	stream.indirect.scatter.add.f32 [tilespmem:s22], [sflag:$0x5], $0x80, s18, s19, $0xb8;
	[tilespmem:$0x1C200] =	vst v63  }
0x5d: {  	_ =	swait.ge [sflag:s17], $0x4000  }
0x5e: {  	[sflag:s17] =	ssyncset.done $0x0  }
0x5f: {  	[sflag:s17] =	ssyncadd.s32 $0xFFFFC000  }
0x60: {  	[tilespmem:s2], [sflag:$0x1] =	stream.linear.gather [hbm4b:s15+s2], $0x80, $0x38;
	[tilespmem:$0x1C200] =	vst v63  }
0x61: {  	_ = 	snop  }
0x62: {  	[tilespmem:s18], [sflag:$0x1] =	stream.linear.gather [hbm4b:s31+s2], $0x80, $0x38;
	[tilespmem:$0x1C200] =	vst v63  }
0x63: {  	_ =	swait.ge [sflag:s28], $0x4000  }
0x64: {  	[sflag:s28] =	ssyncset.done $0x0  }
0x65: {  	[sflag:s28] =	ssyncadd.s32 $0xFFFFC000  }
0x66: {  	_ =	swait.ge [sflag:s21], $0x80  }
0x67: {  	[sflag:s21] =	ssyncset.done $0x0  }
0x68: {  	[sflag:s21] =	ssyncadd.s32 $0xFFFFFF80  }
0x69: {  	_ =	swait.ge [sflag:s21], $0x80  }
0x6a: {  	[sflag:s21] =	ssyncset.done $0x0  }
0x6b: {  	[sflag:s21] =	ssyncadd.s32 $0xFFFFFF80  }
0x6c: {  	[tilespmem:s22], [sflag:$0x3] =	stream.indirect.gather [hbm4b:s4+s19], $0x80, s2, s19, $0xb8;
	[tilespmem:$0x1C200] =	vst v63  }
0x6d: {  	_ = 	snop  }
0x6e: {  	[spmem:s1] =	stream.indirect.scatter.add.f32 [tilespmem:s26], [sflag:$0x5], $0x80, s20, s19, $0xb8;
	[tilespmem:$0x1C200] =	vst v63  }
.Ltmp1:
0x6f: {  	s3 =	sadd.s32 $0x3, s3;
	_ =	swait.ge [sflag:s17], $0x4000;
	(pc) =	sbr.rel @p0 .LBB2_2-.Ltmp1, $4  }
0x70: {  	p1 =	sge.u32 s3, s5;
	[sflag:s17] =	ssyncset.done $0x0  }
0x71: {  	s3 =	sadd.s32 @!p1 $0x10, s15;
	s8 =	simm.s32 @!p1 $0x0;
	[sflag:s17] =	ssyncadd.s32 $0xFFFFC000  }
0x72: {  	s7 =	simm.s32 @!p1 $0x80;
	s9 =	sadd.s32 @!p1 $0x10, s31;
	s6 =	simm.s32 @!p1 $0x180  }
0x73: {  	[tilespmem:s7], [sflag:$0x2] =	stream.linear.gather @!p1 [hbm4b:s3+s8], $0x80, $0x38;
	[tilespmem:$0x1C200] =	vst v63  }
.LBB2_3:
0x74: {  	[tilespmem:s6], [sflag:$0x2] =	stream.linear.gather @!p1 [hbm4b:s9+s8], $0x80, $0x38;
	[tilespmem:$0x1C200] =	vst v63  }
0x75: {  	_ =	swait.ge [sflag:s23], $0x4000  }
0x76: {  	[sflag:s23] =	ssyncset.done $0x0  }
0x77: {  	[sflag:s23] =	ssyncadd.s32 $0xFFFFC000  }
0x78: {  	[spmem:s1] =	stream.indirect.scatter.add.f32 [tilespmem:s22], [sflag:$0x5], $0x80, s18, s19, $0xb8;
	[tilespmem:$0x1C200] =	vst v63  }
0x79: {  	_ =	swait.ge [sflag:s17], $0x4000  }
0x7a: {  	[sflag:s17] =	ssyncset.done $0x0  }
0x7b: {  	[sflag:s17] =	ssyncadd.s32 $0xFFFFC000  }
0x7c: {  	[bflag:$0x0] =	sbarrier.arrive $0xFFFF  }
0x7d: {  	[hbm:s24], [sflag:s13] =	dma.local [spmem:s16], $0x2800  }
0x7e: {  	_ =	swait.ge [sflag:s17], $0x2800  }
0x7f: {  	s29 =	sadd.s32 $0x1, s29;
	s3 =	rddreg [dreg:$0x5]  }
0x80: {  	p0 =	sne.s32 s29, s3  }
.Ltmp2:
0x81: {  	_ = 	snop;
	(pc) =	sbr.rel @p0 .LBB2_1-.Ltmp2, $3  }
0x82: {  	_ =	sdelay $0x1  }
0x83: {  	[sflag:s17] =	ssyncset.done $0x0  }
0x84: {  	[sflag:s17] =	ssyncadd.s32 $0xFFFFD800  }
0x85: {  	_ =	sfence.sel $0x180000  }
0x86: {  	[bflag:$0x0] =	sbarrier.arrive $0xFFFF  }
0x87: {  	_ =	strace $0x9000004A  }
0x88: {  	s0 =	stileid.u32;
	[bflag:$0x2] =	sbarrier.arrive $0xFFFF  }
0x89: {  	p0 =	sne.s32 s0, $0x0;
	s0 =	rddreg [dreg:$0x2]  }
0x8a: {  	s0 =	sadd.s32 @!p0 $0x100000, s0  }
0x8b: {  	[sflag:s0] =	ssyncadd.tile.s32 @!p0 $0x1;
	_ =	shalt  }
.Lfunc_end2:
_tile_overlayer_lowered:
.L_overlay_start_2:
0x8c: {  	(tag) =	ssettag $0x2  }
0x8d: {  	s0 =	rddreg [dreg:$0x0];
	s2 =	stileid.u32  }
0x8e: {  	s1 =	rddreg [dreg:$0x1];
	p0 =	sne.s32 s2, $0x0  }
0x8f: {  	s3 =	rddreg [dreg:$0x2];
	[bflag:$0x3] =	sbarrier.arrive $0xFFFF;
	s2 =	simm.s32 @!p0 $0x1C05  }
0x90: {  	[timem:s3], [sflag:s2] =	dma.local @!p0 [hbm:s0], s1  }
0x91: {  	s0 =	simm.s32 @!p0 $0x5  }
0x92: {  	_ =	swait.ge @!p0 [sflag:s0], s1  }
0x93: {  	s1 =	ssub.s32 @!p0 $0x0, s1;
	[sflag:s0] =	ssyncset.done @!p0 $0x0  }
0x94: {  	[sflag:s0] =	ssyncadd.s32 @!p0 s1  }
0x95: {  	[bflag:$0x3] =	sbarrier.arrive $0xFFFF  }
0x96: {  	_ =	shalt  }

// kernel: kernel.18.cloned.1.call-start
scs
__scs_entry_jumppad:
0x0: {  	(pc) =	sbr.rel $0x88, $3  }
0x1: {  	(tag) =	ssettag $0x0;
	lr =	simm.s32 $0x1  }
0x2: {  	[smem:$0x3F93] =	sst lr;
	_ =	strace $0xD0000000  }
0x3: {  	_ = 	snop  }
0x4: {  	_ = 	snop  }
0x5: {  	_ = 	snop  }
0x6: {  	_ = 	snop  }
0x7: {  	_ = 	snop  }
__scs_overlays_trampoline_lowered:
0x8: {  	[smem:$0x3FA2] =	sst s0  }
0x9: {  	[smem:$0x3FA3] =	sst s1  }
0xa: {  	[smem:$0x3FA4] =	sst s2  }
0xb: {  	[smem:$0x3FA5] =	sst s3  }
0xc: {  	[smem:$0x3FA6] =	sst s4  }
0xd: {  	[smem:$0x3FA7] =	sst s5  }
0xe: {  	[smem:$0x3FA8] =	sst s6  }
0xf: {  	[smem:$0x3FA9] =	sst s7  }
0x10: {  	[smem:$0x3FAA] =	sst s8  }
0x11: {  	[smem:$0x3FAB] =	sst s9;
	s0 =	simm.s32 @!p0 $0x0  }
0x12: {  	s1 =	sld [smem:$0x3F91];
	s0 =	simm.s32 @p0 $0x1  }
0x13: {  	[smem:$0x3FAC] =	sst s0;
	s0 =	simm.s32 @!p1 $0x0  }
0x14: {  	s2 =	sld [smem:$0x3F90];
	s0 =	simm.s32 @p1 $0x1  }
0x15: {  	[smem:$0x3FAD] =	sst s0;
	s0 =	simm.s32 @!p2 $0x0  }
0x16: {  	s3 =	sld [smem:$0x3FDB];
	s0 =	simm.s32 @p2 $0x1  }
0x17: {  	s4 =	simm.s32 $0x1BF5;
	[smem:$0x3FAF] =	sst s0  }
0x18: {  	s0 =	sld [smem:$0x3F92];
	_ =	swait.ge [sflag:s4], $0x0  }
0x19: {  	s7 =	sld [smem:$0x3F93]  }
0x1a: {  	s8 =	sadd.s32 $0xFFFFE003, lr  }
0x1b: {  	s9 =	sadd.s32 $0xFFFFFEF7, lr;
	s5 =	simm.s32 $0xFFFFFFFF;
	p2 =	slt.u32 s8, $0xFFFFF086  }
0x1c: {  	p1 =	slt.u32 s9, $0xF7A;
	s5 =	simm.s32 @!p2 $0x0  }
0x1d: {  	s5 =	simm.s32 @p1 $0x1;
	p0 =	seq.s32 s7, s2  }
0x1e: {  	s7 =	smul.u32 @!p0 $0xF7A, s2;
	p2 =	seq.s32 @!p0 s5, $0x0  }
0x1f: {  	s9 =	smul.u32 $0xF7A, s1;
	s8 =	simm.s32 @!p0 $0x1BF5;
	p2 =	por !p2, p0  }
0x20: {  	[sflag:s8] =	ssyncset.s32 @!p0 $0xFFFFF086;
	s6 =	sadd.s32 @!p0 s3, s7;
	s7 =	simm.s32 @!p0 $0x108  }
0x21: {  	s3 =	sadd.s32 s3, s9;
	s6 =	sadd.s32 @!p0 $0x88, s6;
	s7 =	simm.s32 @p2 $0x1082  }
0x22: {  	[simem:s7], [sflag:s8] =	dma.local @!p0 [hbm:s6], $0xF7A  }
0x23: {  	s9 =	sor.u32 $0xD0000000, s2;
	s6 =	simm.s32 $0x108;
	_ =	swait.ge @!p0 [sflag:s8], $0x0  }
0x24: {  	s3 =	sadd.s32 $0x88, s3;
	s6 =	simm.s32 @!p1 $0x1082;
	[sflag:s4] =	ssyncset.s32 $0xFFFFF086  }
0x25: {  	[simem:s6], [sflag:s4] =	dma.local [hbm:s3], $0xF7A  }
0x26: {  	[smem:$0x3F93] =	sst s1;
	(tag) =	ssettag s2;
	_ =	strace s9  }
0x27: {  	s1 =	sld [smem:$0x3FA3]  }
0x28: {  	s2 =	sld [smem:$0x3FA4]  }
0x29: {  	s4 =	sld [smem:$0x3FA6]  }
0x2a: {  	p0 =	seq.s32 s5, $0x0;
	s5 =	sld [smem:$0x3FA7]  }
0x2b: {  	s6 =	sld [smem:$0x3FA8]  }
0x2c: {  	s7 =	sld [smem:$0x3FA9]  }
0x2d: {  	s3 =	simm.s32 $0x108;
	s8 =	sld [smem:$0x3FAA]  }
0x2e: {  	s3 =	simm.s32 @!p0 $0x1082;
	s9 =	sld [smem:$0x3FAB]  }
0x2f: {  	lr =	sadd.s32 s0, s3;
	s0 =	sld [smem:$0x3FA2]  }
0x30: {  	s3 =	sld [smem:$0x3FA5]  }
0x31: {  	[smem:$0x3FAE] =	sst s10  }
0x32: {  	s10 =	sld [smem:$0x3FAC];
	_ =	sdelay $0x3  }
0x33: {  	p0 =	seq.s32 s10, $0x1;
	s10 =	sld [smem:$0x3FAE];
	_ =	sdelay $0x3  }
0x34: {  	[smem:$0x3FAE] =	sst s10  }
0x35: {  	s10 =	sld [smem:$0x3FAD];
	_ =	sdelay $0x3  }
0x36: {  	p1 =	seq.s32 s10, $0x1;
	s10 =	sld [smem:$0x3FAE];
	_ =	sdelay $0x3  }
0x37: {  	[smem:$0x3FAE] =	sst s10  }
0x38: {  	s10 =	sld [smem:$0x3FAF]  }
0x39: {  	_ = 	snop;
	(pc) =	sbr.ind lr, $3  }
0x3a: {  	_ = 	snop  }
0x3b: {  	_ = 	snop  }
0x3c: {  	p2 =	seq.s32 s10, $0x1;
	s10 =	sld [smem:$0x3FAE]  }
0x3d: {  	_ =	shalt  }
0x3e: {  	_ =	shalt  }
0x3f: {  	_ =	shalt  }
0x40: {  	_ =	shalt  }
0x41: {  	_ =	shalt  }
0x42: {  	_ =	shalt  }
0x43: {  	_ =	shalt  }
0x44: {  	_ =	shalt  }
0x45: {  	_ =	shalt  }
0x46: {  	_ =	shalt  }
0x47: {  	_ =	shalt  }
0x48: {  	_ =	shalt  }
0x49: {  	_ =	shalt  }
0x4a: {  	_ =	shalt  }
0x4b: {  	_ =	shalt  }
0x4c: {  	_ =	shalt  }
0x4d: {  	_ =	shalt  }
0x4e: {  	_ =	shalt  }
0x4f: {  	_ =	shalt  }
0x50: {  	_ =	shalt  }
0x51: {  	_ =	shalt  }
0x52: {  	_ =	shalt  }
0x53: {  	_ =	shalt  }
0x54: {  	_ =	shalt  }
0x55: {  	_ =	shalt  }
0x56: {  	_ =	shalt  }
0x57: {  	_ =	shalt  }
0x58: {  	_ =	shalt  }
0x59: {  	_ =	shalt  }
0x5a: {  	_ =	shalt  }
0x5b: {  	_ =	shalt  }
0x5c: {  	_ =	shalt  }
0x5d: {  	_ =	shalt  }
0x5e: {  	_ =	shalt  }
0x5f: {  	_ =	shalt  }
0x60: {  	_ =	shalt  }
0x61: {  	_ =	shalt  }
0x62: {  	_ =	shalt  }
0x63: {  	_ =	shalt  }
0x64: {  	_ =	shalt  }
0x65: {  	_ =	shalt  }
0x66: {  	_ =	shalt  }
0x67: {  	_ =	shalt  }
0x68: {  	_ =	shalt  }
0x69: {  	_ =	shalt  }
0x6a: {  	_ =	shalt  }
0x6b: {  	_ =	shalt  }
0x6c: {  	_ =	shalt  }
0x6d: {  	_ =	shalt  }
0x6e: {  	_ =	shalt  }
0x6f: {  	_ =	shalt  }
0x70: {  	_ =	shalt  }
0x71: {  	_ =	shalt  }
0x72: {  	_ =	shalt  }
0x73: {  	_ =	shalt  }
0x74: {  	_ =	shalt  }
0x75: {  	_ =	shalt  }
0x76: {  	_ =	shalt  }
0x77: {  	_ =	shalt  }
0x78: {  	_ =	shalt  }
0x79: {  	_ =	shalt  }
0x7a: {  	_ =	shalt  }
0x7b: {  	_ =	shalt  }
0x7c: {  	_ =	shalt  }
0x7d: {  	_ =	shalt  }
0x7e: {  	_ =	shalt  }
0x7f: {  	_ =	shalt  }
0x80: {  	_ =	shalt  }
0x81: {  	_ =	shalt  }
0x82: {  	_ =	shalt  }
0x83: {  	_ =	shalt  }
0x84: {  	_ =	shalt  }
0x85: {  	_ =	shalt  }
0x86: {  	_ =	shalt  }
0x87: {  	_ =	shalt  }
.Lfunc_end0:
.L_simem_size_0:
called_computation.2_lowered:
.L_overlay_start_0:
0x88: {  	s2 =	sld [smem:$0x3FD9]  }
0x89: {  	s3 =	sld [smem:$0x3FFE];
	_ =	sdelay $0x1  }
0x8a: {  	s1 =	srdreg.scid  }
0x8b: {  	s0 =	sand.u32 $0x1, s1  }
0x8c: {  	s16 =	sshll.u32 s0, $0xA;
	s2 =	sadd.s32 s3, s2  }
0x8d: {  	s2 =	sadd.s32 s2, s16  }
0x8e: {  	[smem:$0x3FBA] =	sst s2  }
0x8f: {  	_ = 	snop  }
0x90: {  	(tm) =	ssettm $0x1  }
0x91: {  	s17 =	sld [smem:$0x3FFB];
	_ =	sdelay $0x3  }
0x92: {  	_ =	strace s17  }
0x93: {  	s2 =	sld [smem:$0x3FFC];
	_ =	sdelay $0x3  }
0x94: {  	_ =	strace s2  }
0x95: {  	s2 =	sld [smem:$0x3FFD];
	_ =	sdelay $0x3  }
0x96: {  	_ =	strace s2  }
0x97: {  	_ =	strace $0x8FFFFFFF  }
0x98: {  	s18 =	sld [smem:$0x3FDB];
	_ =	sdelay $0x1  }
0x99: {  	s19 =	simm.s32 $_scs_section_size  }
0x9a: {  	s4 =	simm.s32 $_size__tile_overlayer_lowered;
	s5 =	simm.s32 $_tile_overlayer_lowered  }
0x9b: {  	s22 =	simm.s32 $0x1BFF;
	s21 =	sshll.u32 s5, $0x1;
	s2 =	sadd.s32 s19, s18  }
0x9c: {  	s6 =	simm.s32 $0x0;
	s20 =	sshll.u32 s4, $0x1;
	s4 =	sadd.s32 s21, s2  }
0x9d: {  	[timem:s6], [sflag:s22] =	dma.local [hbm:s4], s20  }
0x9e: {  	_ =	swait.ge [sflag:s22], s20  }
0x9f: {  	s3 =	ssub.s32 $0x0, s20;
	[sflag:s22] =	ssyncset.done $0x0  }
0xa0: {  	[sflag:s22] =	ssyncadd.s32 s3;
	_ =	sdelay $0x1  }
0xa1: {  	s23 =	simm.s32 $0x1B8B  }
0xa2: {  	_ =	swait.ge [sflag:s23], $0x1  }
0xa3: {  	[sflag:s23] =	ssyncset.done $0x0  }
0xa4: {  	s25 =	simm.s32 $0x1B8E;
	s24 =	sld [smem:$0x3FFE];
	[sflag:s23] =	ssyncadd.s32 $0xFFFFFFFF  }
0xa5: {  	s26 =	simm.s32 $execute0_lowered;
	[smem:$0x3FD2] =	sst s25  }
0xa6: {  	s4 =	sshll.u32 s26, $0x1;
	_ =	strace $0x8000004C;
	[dreg:$0x1] =	wrdreg $0xFFFFFFFF  }
0xa7: {  	s28 =	simm.s32 $_size_execute0_lowered;
	s2 =	sadd.s32 s2, s4;
	[dreg:$0x0] =	wrdreg $0x0  }
0xa8: {  	s4 =	sshll.u32 s28, $0x1;
	[dreg:$0x2] =	wrdreg s2  }
0xa9: {  	[dreg:$0x3] =	wrdreg s4  }
0xaa: {  	[dreg:$0x4] =	wrdreg $0xC0  }
0xab: {  	_ =	task [dreg:s6], $0x5FFFF  }
0xac: {  	[dreg:$0x1] =	wrdreg $0xFFFFFFFF  }
0xad: {  	[dreg:$0x0] =	wrdreg $0x60  }
0xae: {  	[dreg:$0x2] =	wrdreg s24  }
0xaf: {  	[dreg:$0x3] =	wrdreg $0x82000  }
0xb0: {  	[dreg:$0x4] =	wrdreg $0x9  }
0xb1: {  	_ =	task.clear_ibuf [dreg:s6], $0x5FFFF;
	_ =	strace $0x9000004C  }
0xb2: {  	s29 =	simm.s32 $0x9;
	_ =	strace $0x8000004E  }
0xb3: {  	_ =	swait.ge [sflag:s29], $0x1  }
0xb4: {  	[sflag:s29] =	ssyncadd.s32 $0xFFFFFFFF  }
0xb5: {  	_ =	strace $0x9000004E  }
0xb6: {  	_ =	sfence  }
0xb7: {  	s30 =	sld [smem:$0x0];
	_ =	sdelay $0x2  }
0xb8: {  	s31 =	sshll.u32 s1, $0xD;
	s1 =	sshrl.u32 s1, $0x2  }
0xb9: {  	s3 =	sand.u32 $0x4000, s31;
	s1 =	sadd.s32 s1, s30  }
0xba: {  	s0 =	sor.u32 s3, s0;
	s1 =	sshll.u32 s1, $0x11  }
0xbb: {  	s0 =	sor.u32 s1, s0  }
0xbc: {  	s0 =	sadd.s32 $0x8F2B, s0  }
0xbd: {  	[sflag:s0] =	ssyncadd.remote.s32 $0x1  }
0xbe: {  	_ =	sfence.sel $0xFFFF  }
0xbf: {  	[dreg:$0x0] =	wrdreg $0xFFFFFFFF;
	(pc) =	sbr.abs _section_cstart, $3  }
0xc0: {  	[dreg:$0x1] =	wrdreg $0xFFFFFFFF  }
0xc1: {  	_ =	task.clear_ibuf [dreg:s6], $0x2FFFF;
	_ =	strace $0x9FFFFFFF  }
0xc2: {  	(tm) =	ssettm $0x7FFFFFFF  }
0xc3: {  	_ =	shalt  }
tec
execute0_lowered:
.L_overlay_start_1:
0x0: {  	(tag) =	ssettag $0x1  }
0x1: {  	s0 =	rddreg [dreg:$0x0]  }
0x2: {  	s1 =	rddreg [dreg:$0x1]  }
0x3: {  	s2 =	simm.s32 $0x0;
	s3 =	srdreg.scid;
	s14 =	stileid.u32  }
0x4: {  	s17 =	simm.s32 $0x5;
	s18 =	simm.s32 $0x100;
	s19 =	simm.s32 $0x80  }
0x5: {  	s20 =	simm.s32 $0x180;
	s28 =	simm.s32 $0x4;
	s29 =	simm.s32 $0x0  }
0x6: {  	[smem:$0x7FF] =	sst s2;
	s4 =	sadd.s32 $0x35800, s0;
	s9 =	smul.u32 $0x69, s14  }
0x7: {  	s3 =	sand.u32 $0x1, s3;
	s6 =	sadd.s32 $0x86000, s0;
	s11 =	smul.u32 $0x35, s14  }
0x8: {  	s8 =	sadd.s32 $0x3A00, s0;
	s12 =	sadd.s32 $0xD800, s0;
	s21 =	smul.u32 $0x50000, s14  }
0x9: {  	s15 =	smul.u32 $0x2800, s14;
	s26 =	sshll.u32 s14, $0x6;
	_ =	strace $0x8000004D  }
0xa: {  	s5 =	smul.u32 $0x28000, s3;
	s7 =	ssub.s32 $0x2, s3;
	p0 =	seq.s32 s3, $0x0  }
0xb: {  	s10 =	sshrl.u32 s7, $0x1;
	s3 =	sadd.s32 $0x690, s11;
	s12 =	smov.u32 @p0 s4  }
0xc: {  	s0 =	sadd.s32 s5, s0;
	s13 =	ssub.s32 s7, s10;
	s5 =	simm.s32 $0x69  }
0xd: {  	s3 =	smov.u32 @p0 s9;
	s7 =	sshrl.u32 s21, $0x2;
	s31 =	sadd.s32 s12, s15  }
0xe: {  	s21 =	simm.s32 $0x1;
	s5 =	simm.s32 @!p0 $0x35;
	s22 =	sadd.s32 s7, s1  }
0xf: {  	s3 =	sshll.u32 s3, $0x4;
	s25 =	sadd.s32 $0x8FE00, s0;
	s30 =	smax.u32 s13, $0x1  }
0x10: {  	[dreg:$0x6] =	wrdreg s31;
	s13 =	sor.u32 $0x1C05, s26;
	s26 =	simm.s32 $0x4200  }
0x11: {  	s23 =	sadd.s32 s6, s3;
	s24 =	sadd.s32 s8, s3;
	s3 =	sadd.s32 $0x10, s3  }
0x12: {  	s10 =	sadd.s32 $0xFFFFFFFF, s5;
	[dreg:$0x5] =	wrdreg s30;
	s16 =	sshrl.u32 s22, $0x3  }
0x13: {  	s22 =	simm.s32 $0x200;
	s6 =	sadd.s32 s6, s3;
	s3 =	sadd.s32 s8, s3  }
0x14: {  	s12 =	smov.u32 s24;
	s14 =	sadd.s32 $0x20, s24;
	s11 =	smov.u32 s23  }
0x15: {  	s0 =	sadd.s32 $0x20, s23;
	s23 =	simm.s32 $0x3;
	[dreg:$0x3] =	wrdreg s6  }
0x16: {  	s24 =	sadd.s32 s15, s25;
	s25 =	simm.s32 $0x2;
	[dreg:$0x4] =	wrdreg s3  }
.LBB2_1:
0x17: {  	s3 =	rddreg [dreg:$0x6]  }
0x18: {  	[spmem:s16], [sflag:s13] =	dma.local [hbm:s3], $0x2800  }
0x19: {  	_ =	swait.ge [sflag:s17], $0x2800  }
0x1a: {  	[sflag:s17] =	ssyncset.done $0x0  }
0x1b: {  	[sflag:s17] =	ssyncadd.s32 $0xFFFFD800  }
0x1c: {  	[tilespmem:s2], [sflag:$0x1] =	stream.linear.gather [hbm4b:s11+s2], $0x80, $0x38;
	[tilespmem:$0x1C200] =	vst v63  }
0x1d: {  	_ = 	snop  }
0x1e: {  	[tilespmem:s18], [sflag:$0x1] =	stream.linear.gather [hbm4b:s12+s2], $0x80, $0x38;
	[tilespmem:$0x1C200] =	vst v63  }
0x1f: {  	s9 =	rddreg [dreg:$0x3]  }
0x20: {  	[tilespmem:s19], [sflag:$0x2] =	stream.linear.gather [hbm4b:s9+s2], $0x80, $0x38;
	[tilespmem:$0x1C200] =	vst v63  }
0x21: {  	s15 =	rddreg [dreg:$0x4]  }
0x22: {  	[tilespmem:s20], [sflag:$0x2] =	stream.linear.gather [hbm4b:s15+s2], $0x80, $0x38;
	[tilespmem:$0x1C200] =	vst v63  }
0x23: {  	_ =	swait.ge [sflag:s21], $0x80  }
0x24: {  	[sflag:s21] =	ssyncset.done $0x0  }
0x25: {  	[sflag:s21] =	ssyncadd.s32 $0xFFFFFF80  }
0x26: {  	_ =	swait.ge [sflag:s21], $0x80  }
0x27: {  	[sflag:s21] =	ssyncset.done $0x0  }
0x28: {  	[sflag:s21] =	ssyncadd.s32 $0xFFFFFF80  }
0x29: {  	[tilespmem:s22], [sflag:$0x3] =	stream.indirect.gather [hbm4b:s4+s19], $0x80, s2, s19, $0xb8;
	[tilespmem:$0x1C200] =	vst v63  }
0x2a: {  	[bflag:$0x0] =	sbarrier.arrive $0xFFFF  }
0x2b: {  	_ =	swait.ge [sflag:s23], $0x4000  }
0x2c: {  	[sflag:s23] =	ssyncset.done $0x0  }
0x2d: {  	[sflag:s23] =	ssyncadd.s32 $0xFFFFC000  }
0x2e: {  	_ =	swait.ge [sflag:s25], $0x80  }
0x2f: {  	[sflag:s25] =	ssyncset.done $0x0  }
0x30: {  	[sflag:s25] =	ssyncadd.s32 $0xFFFFFF80  }
0x31: {  	_ =	swait.ge [sflag:s25], $0x80  }
0x32: {  	[sflag:s25] =	ssyncset.done $0x0  }
0x33: {  	[sflag:s25] =	ssyncadd.s32 $0xFFFFFF80  }
0x34: {  	[tilespmem:s26], [sflag:$0x4] =	stream.indirect.gather [hbm4b:s4+s19], $0x80, s19, s19, $0xb8;
	[tilespmem:$0x1C200] =	vst v63  }
0x35: {  	_ = 	snop  }
0x36: {  	[spmem:s1] =	stream.indirect.scatter.add.f32 [tilespmem:s22], [sflag:$0x5], $0x80, s18, s19, $0xb8;
	[tilespmem:$0x1C200] =	vst v63  }
0x37: {  	_ =	swait.ge [sflag:s17], $0x4000  }
0x38: {  	[sflag:s17] =	ssyncset.done $0x0  }
0x39: {  	[sflag:s17] =	ssyncadd.s32 $0xFFFFC000  }
0x3a: {  	[tilespmem:s2], [sflag:$0x1] =	stream.linear.gather [hbm4b:s0+s2], $0x80, $0x38;
	[tilespmem:$0x1C200] =	vst v63  }
0x3b: {  	_ = 	snop  }
0x3c: {  	[tilespmem:s18], [sflag:$0x1] =	stream.linear.gather [hbm4b:s14+s2], $0x80, $0x38;
	[tilespmem:$0x1C200] =	vst v63  }
0x3d: {  	_ =	swait.ge [sflag:s28], $0x4000  }
0x3e: {  	[sflag:s28] =	ssyncset.done $0x0  }
0x3f: {  	[sflag:s28] =	ssyncadd.s32 $0xFFFFC000  }
0x40: {  	_ =	swait.ge [sflag:s21], $0x80  }
0x41: {  	[sflag:s21] =	ssyncset.done $0x0  }
0x42: {  	[sflag:s21] =	ssyncadd.s32 $0xFFFFFF80  }
0x43: {  	_ =	swait.ge [sflag:s21], $0x80  }
0x44: {  	[sflag:s21] =	ssyncset.done $0x0  }
0x45: {  	[sflag:s21] =	ssyncadd.s32 $0xFFFFFF80  }
0x46: {  	[tilespmem:s22], [sflag:$0x3] =	stream.indirect.gather [hbm4b:s4+s19], $0x80, s2, s19, $0xb8;
	[tilespmem:$0x1C200] =	vst v63  }
0x47: {  	p1 =	sle.u32 s5, $0x3;
	p0 =	sne.s32 s10, $0x2  }
0x48: {  	[spmem:s1] =	stream.indirect.scatter.add.f32 [tilespmem:s26], [sflag:$0x5], $0x80, s20, s19, $0xb8;
	[tilespmem:$0x1C200] =	vst v63  }
.Ltmp0:
0x49: {  	s30 =	simm.s32 $0x2;
	_ =	swait.ge [sflag:s17], $0x4000;
	(pc) =	sbr.rel @!p0 .LBB2_3-.Ltmp0, $4  }
0x4a: {  	s31 =	smov.u32 s14;
	s3 =	sadd.s32 @!p1 $0x10, s0;
	[sflag:s17] =	ssyncset.done $0x0  }
0x4b: {  	s8 =	simm.s32 @!p1 $0x0;
	s6 =	simm.s32 @!p1 $0x80;
	[sflag:s17] =	ssyncadd.s32 $0xFFFFC000  }
0x4c: {  	[tilespmem:s6], [sflag:$0x2] =	stream.linear.gather @!p1 [hbm4b:s3+s8], $0x80, $0x38;
	[tilespmem:$0x1C200] =	vst v63  }
0x4d: {  	s9 =	sadd.s32 @!p1 $0x10, s14;
	s15 =	smov.u32 s0;
	s6 =	simm.s32 @!p1 $0x180  }
.LBB2_2:
0x4e: {  	s31 =	sadd.s32 $0x20, s31  }
0x4f: {  	s15 =	sadd.s32 $0x20, s15;
	s3 =	smov.u32 s30;
	s30 =	sadd.s32 $0x2, s30  }
0x50: {  	[tilespmem:s6], [sflag:$0x2] =	stream.linear.gather @!p1 [hbm4b:s9+s8], $0x80, $0x38;
	[tilespmem:$0x1C200] =	vst v63  }
0x51: {  	p0 =	sne.s32 s10, s30;
	_ =	swait.ge [sflag:s23], $0x4000  }
0x52: {  	[sflag:s23] =	ssyncset.done $0x0  }
0x53: {  	[sflag:s23] =	ssyncadd.s32 $0xFFFFC000  }
0x54: {  	_ =	swait.ge [sflag:s25], $0x80  }
0x55: {  	[sflag:s25] =	ssyncset.done $0x0  }
0x56: {  	[sflag:s25] =	ssyncadd.s32 $0xFFFFFF80  }
0x57: {  	_ =	swait.ge [sflag:s25], $0x80  }
0x58: {  	[sflag:s25] =	ssyncset.done $0x0  }
0x59: {  	[sflag:s25] =	ssyncadd.s32 $0xFFFFFF80  }
0x5a: {  	[tilespmem:s26], [sflag:$0x4] =	stream.indirect.gather [hbm4b:s4+s19], $0x80, s19, s19, $0xb8;
	[tilespmem:$0x1C200] =	vst v63  }
0x5b: {  	_ = 	snop  }
0x5c: {  	[spmem:s1] =	stream.indirect.scatter.add.f32 [tilespmem:s22], [sflag:$0x5], $0x80, s18, s19, $0xb8;
	[tilespmem:$0x1C200] =	vst v63  }
0x5d: {  	_ =	swait.ge [sflag:s17], $0x4000  }
0x5e: {  	[sflag:s17] =	ssyncset.done $0x0  }
0x5f: {  	[sflag:s17] =	ssyncadd.s32 $0xFFFFC000  }
0x60: {  	[tilespmem:s2], [sflag:$0x1] =	stream.linear.gather [hbm4b:s15+s2], $0x80, $0x38;
	[tilespmem:$0x1C200] =	vst v63  }
0x61: {  	_ = 	snop  }
0x62: {  	[tilespmem:s18], [sflag:$0x1] =	stream.linear.gather [hbm4b:s31+s2], $0x80, $0x38;
	[tilespmem:$0x1C200] =	vst v63  }
0x63: {  	_ =	swait.ge [sflag:s28], $0x4000  }
0x64: {  	[sflag:s28] =	ssyncset.done $0x0  }
0x65: {  	[sflag:s28] =	ssyncadd.s32 $0xFFFFC000  }
0x66: {  	_ =	swait.ge [sflag:s21], $0x80  }
0x67: {  	[sflag:s21] =	ssyncset.done $0x0  }
0x68: {  	[sflag:s21] =	ssyncadd.s32 $0xFFFFFF80  }
0x69: {  	_ =	swait.ge [sflag:s21], $0x80  }
0x6a: {  	[sflag:s21] =	ssyncset.done $0x0  }
0x6b: {  	[sflag:s21] =	ssyncadd.s32 $0xFFFFFF80  }
0x6c: {  	[tilespmem:s22], [sflag:$0x3] =	stream.indirect.gather [hbm4b:s4+s19], $0x80, s2, s19, $0xb8;
	[tilespmem:$0x1C200] =	vst v63  }
0x6d: {  	_ = 	snop  }
0x6e: {  	[spmem:s1] =	stream.indirect.scatter.add.f32 [tilespmem:s26], [sflag:$0x5], $0x80, s20, s19, $0xb8;
	[tilespmem:$0x1C200] =	vst v63  }
.Ltmp1:
0x6f: {  	s3 =	sadd.s32 $0x3, s3;
	_ =	swait.ge [sflag:s17], $0x4000;
	(pc) =	sbr.rel @p0 .LBB2_2-.Ltmp1, $4  }
0x70: {  	p1 =	sge.u32 s3, s5;
	[sflag:s17] =	ssyncset.done $0x0  }
0x71: {  	s3 =	sadd.s32 @!p1 $0x10, s15;
	s8 =	simm.s32 @!p1 $0x0;
	[sflag:s17] =	ssyncadd.s32 $0xFFFFC000  }
0x72: {  	s7 =	simm.s32 @!p1 $0x80;
	s9 =	sadd.s32 @!p1 $0x10, s31;
	s6 =	simm.s32 @!p1 $0x180  }
0x73: {  	[tilespmem:s7], [sflag:$0x2] =	stream.linear.gather @!p1 [hbm4b:s3+s8], $0x80, $0x38;
	[tilespmem:$0x1C200] =	vst v63  }
.LBB2_3:
0x74: {  	[tilespmem:s6], [sflag:$0x2] =	stream.linear.gather @!p1 [hbm4b:s9+s8], $0x80, $0x38;
	[tilespmem:$0x1C200] =	vst v63  }
0x75: {  	_ =	swait.ge [sflag:s23], $0x4000  }
0x76: {  	[sflag:s23] =	ssyncset.done $0x0  }
0x77: {  	[sflag:s23] =	ssyncadd.s32 $0xFFFFC000  }
0x78: {  	[spmem:s1] =	stream.indirect.scatter.add.f32 [tilespmem:s22], [sflag:$0x5], $0x80, s18, s19, $0xb8;
	[tilespmem:$0x1C200] =	vst v63  }
0x79: {  	_ =	swait.ge [sflag:s17], $0x4000  }
0x7a: {  	[sflag:s17] =	ssyncset.done $0x0  }
0x7b: {  	[sflag:s17] =	ssyncadd.s32 $0xFFFFC000  }
0x7c: {  	[bflag:$0x0] =	sbarrier.arrive $0xFFFF  }
0x7d: {  	[hbm:s24], [sflag:s13] =	dma.local [spmem:s16], $0x2800  }
0x7e: {  	_ =	swait.ge [sflag:s17], $0x2800  }
0x7f: {  	s29 =	sadd.s32 $0x1, s29;
	s3 =	rddreg [dreg:$0x5]  }
0x80: {  	p0 =	sne.s32 s29, s3  }
.Ltmp2:
0x81: {  	_ = 	snop;
	(pc) =	sbr.rel @p0 .LBB2_1-.Ltmp2, $3  }
0x82: {  	_ =	sdelay $0x1  }
0x83: {  	[sflag:s17] =	ssyncset.done $0x0  }
0x84: {  	[sflag:s17] =	ssyncadd.s32 $0xFFFFD800  }
0x85: {  	_ =	sfence.sel $0x180000  }
0x86: {  	[bflag:$0x0] =	sbarrier.arrive $0xFFFF  }
0x87: {  	_ =	strace $0x9000004D  }
0x88: {  	s0 =	stileid.u32;
	[bflag:$0x2] =	sbarrier.arrive $0xFFFF  }
0x89: {  	p0 =	sne.s32 s0, $0x0;
	s0 =	rddreg [dreg:$0x2]  }
0x8a: {  	s0 =	sadd.s32 @!p0 $0x100000, s0  }
0x8b: {  	[sflag:s0] =	ssyncadd.tile.s32 @!p0 $0x1;
	_ =	shalt  }
.Lfunc_end2:
_tile_overlayer_lowered:
.L_overlay_start_2:
0x8c: {  	(tag) =	ssettag $0x2  }
0x8d: {  	s0 =	rddreg [dreg:$0x0];
	s2 =	stileid.u32  }
0x8e: {  	s1 =	rddreg [dreg:$0x1];
	p0 =	sne.s32 s2, $0x0  }
0x8f: {  	s3 =	rddreg [dreg:$0x2];
	[bflag:$0x3] =	sbarrier.arrive $0xFFFF;
	s2 =	simm.s32 @!p0 $0x1C05  }
0x90: {  	[timem:s3], [sflag:s2] =	dma.local @!p0 [hbm:s0], s1  }
0x91: {  	s0 =	simm.s32 @!p0 $0x5  }
0x92: {  	_ =	swait.ge @!p0 [sflag:s0], s1  }
0x93: {  	s1 =	ssub.s32 @!p0 $0x0, s1;
	[sflag:s0] =	ssyncset.done @!p0 $0x0  }
0x94: {  	[sflag:s0] =	ssyncadd.s32 @!p0 s1  }
0x95: {  	[bflag:$0x3] =	sbarrier.arrive $0xFFFF  }
0x96: {  	_ =	shalt  }

// kernel: kernel.21.cloned.1.call-start
scs
__scs_entry_jumppad:
0x0: {  	(pc) =	sbr.rel $0x88, $3  }
0x1: {  	(tag) =	ssettag $0x0;
	lr =	simm.s32 $0x1  }
0x2: {  	[smem:$0x3F93] =	sst lr;
	_ =	strace $0xD0000000  }
0x3: {  	_ = 	snop  }
0x4: {  	_ = 	snop  }
0x5: {  	_ = 	snop  }
0x6: {  	_ = 	snop  }
0x7: {  	_ = 	snop  }
__scs_overlays_trampoline_lowered:
0x8: {  	[smem:$0x3FA2] =	sst s0  }
0x9: {  	[smem:$0x3FA3] =	sst s1  }
0xa: {  	[smem:$0x3FA4] =	sst s2  }
0xb: {  	[smem:$0x3FA5] =	sst s3  }
0xc: {  	[smem:$0x3FA6] =	sst s4  }
0xd: {  	[smem:$0x3FA7] =	sst s5  }
0xe: {  	[smem:$0x3FA8] =	sst s6  }
0xf: {  	[smem:$0x3FA9] =	sst s7  }
0x10: {  	[smem:$0x3FAA] =	sst s8  }
0x11: {  	[smem:$0x3FAB] =	sst s9;
	s0 =	simm.s32 @!p0 $0x0  }
0x12: {  	s1 =	sld [smem:$0x3F91];
	s0 =	simm.s32 @p0 $0x1  }
0x13: {  	[smem:$0x3FAC] =	sst s0;
	s0 =	simm.s32 @!p1 $0x0  }
0x14: {  	s2 =	sld [smem:$0x3F90];
	s0 =	simm.s32 @p1 $0x1  }
0x15: {  	[smem:$0x3FAD] =	sst s0;
	s0 =	simm.s32 @!p2 $0x0  }
0x16: {  	s3 =	sld [smem:$0x3FDB];
	s0 =	simm.s32 @p2 $0x1  }
0x17: {  	s4 =	simm.s32 $0x1BF5;
	[smem:$0x3FAF] =	sst s0  }
0x18: {  	s0 =	sld [smem:$0x3F92];
	_ =	swait.ge [sflag:s4], $0x0  }
0x19: {  	s7 =	sld [smem:$0x3F93]  }
0x1a: {  	s8 =	sadd.s32 $0xFFFFE003, lr  }
0x1b: {  	s9 =	sadd.s32 $0xFFFFFEF7, lr;
	s5 =	simm.s32 $0xFFFFFFFF;
	p2 =	slt.u32 s8, $0xFFFFF086  }
0x1c: {  	p1 =	slt.u32 s9, $0xF7A;
	s5 =	simm.s32 @!p2 $0x0  }
0x1d: {  	s5 =	simm.s32 @p1 $0x1;
	p0 =	seq.s32 s7, s2  }
0x1e: {  	s7 =	smul.u32 @!p0 $0xF7A, s2;
	p2 =	seq.s32 @!p0 s5, $0x0  }
0x1f: {  	s9 =	smul.u32 $0xF7A, s1;
	s8 =	simm.s32 @!p0 $0x1BF5;
	p2 =	por !p2, p0  }
0x20: {  	[sflag:s8] =	ssyncset.s32 @!p0 $0xFFFFF086;
	s6 =	sadd.s32 @!p0 s3, s7;
	s7 =	simm.s32 @!p0 $0x108  }
0x21: {  	s3 =	sadd.s32 s3, s9;
	s6 =	sadd.s32 @!p0 $0x88, s6;
	s7 =	simm.s32 @p2 $0x1082  }
0x22: {  	[simem:s7], [sflag:s8] =	dma.local @!p0 [hbm:s6], $0xF7A  }
0x23: {  	s9 =	sor.u32 $0xD0000000, s2;
	s6 =	simm.s32 $0x108;
	_ =	swait.ge @!p0 [sflag:s8], $0x0  }
0x24: {  	s3 =	sadd.s32 $0x88, s3;
	s6 =	simm.s32 @!p1 $0x1082;
	[sflag:s4] =	ssyncset.s32 $0xFFFFF086  }
0x25: {  	[simem:s6], [sflag:s4] =	dma.local [hbm:s3], $0xF7A  }
0x26: {  	[smem:$0x3F93] =	sst s1;
	(tag) =	ssettag s2;
	_ =	strace s9  }
0x27: {  	s1 =	sld [smem:$0x3FA3]  }
0x28: {  	s2 =	sld [smem:$0x3FA4]  }
0x29: {  	s4 =	sld [smem:$0x3FA6]  }
0x2a: {  	p0 =	seq.s32 s5, $0x0;
	s5 =	sld [smem:$0x3FA7]  }
0x2b: {  	s6 =	sld [smem:$0x3FA8]  }
0x2c: {  	s7 =	sld [smem:$0x3FA9]  }
0x2d: {  	s3 =	simm.s32 $0x108;
	s8 =	sld [smem:$0x3FAA]  }
0x2e: {  	s3 =	simm.s32 @!p0 $0x1082;
	s9 =	sld [smem:$0x3FAB]  }
0x2f: {  	lr =	sadd.s32 s0, s3;
	s0 =	sld [smem:$0x3FA2]  }
0x30: {  	s3 =	sld [smem:$0x3FA5]  }
0x31: {  	[smem:$0x3FAE] =	sst s10  }
0x32: {  	s10 =	sld [smem:$0x3FAC];
	_ =	sdelay $0x3  }
0x33: {  	p0 =	seq.s32 s10, $0x1;
	s10 =	sld [smem:$0x3FAE];
	_ =	sdelay $0x3  }
0x34: {  	[smem:$0x3FAE] =	sst s10  }
0x35: {  	s10 =	sld [smem:$0x3FAD];
	_ =	sdelay $0x3  }
0x36: {  	p1 =	seq.s32 s10, $0x1;
	s10 =	sld [smem:$0x3FAE];
	_ =	sdelay $0x3  }
0x37: {  	[smem:$0x3FAE] =	sst s10  }
0x38: {  	s10 =	sld [smem:$0x3FAF]  }
0x39: {  	_ = 	snop;
	(pc) =	sbr.ind lr, $3  }
0x3a: {  	_ = 	snop  }
0x3b: {  	_ = 	snop  }
0x3c: {  	p2 =	seq.s32 s10, $0x1;
	s10 =	sld [smem:$0x3FAE]  }
0x3d: {  	_ =	shalt  }
0x3e: {  	_ =	shalt  }
0x3f: {  	_ =	shalt  }
0x40: {  	_ =	shalt  }
0x41: {  	_ =	shalt  }
0x42: {  	_ =	shalt  }
0x43: {  	_ =	shalt  }
0x44: {  	_ =	shalt  }
0x45: {  	_ =	shalt  }
0x46: {  	_ =	shalt  }
0x47: {  	_ =	shalt  }
0x48: {  	_ =	shalt  }
0x49: {  	_ =	shalt  }
0x4a: {  	_ =	shalt  }
0x4b: {  	_ =	shalt  }
0x4c: {  	_ =	shalt  }
0x4d: {  	_ =	shalt  }
0x4e: {  	_ =	shalt  }
0x4f: {  	_ =	shalt  }
0x50: {  	_ =	shalt  }
0x51: {  	_ =	shalt  }
0x52: {  	_ =	shalt  }
0x53: {  	_ =	shalt  }
0x54: {  	_ =	shalt  }
0x55: {  	_ =	shalt  }
0x56: {  	_ =	shalt  }
0x57: {  	_ =	shalt  }
0x58: {  	_ =	shalt  }
0x59: {  	_ =	shalt  }
0x5a: {  	_ =	shalt  }
0x5b: {  	_ =	shalt  }
0x5c: {  	_ =	shalt  }
0x5d: {  	_ =	shalt  }
0x5e: {  	_ =	shalt  }
0x5f: {  	_ =	shalt  }
0x60: {  	_ =	shalt  }
0x61: {  	_ =	shalt  }
0x62: {  	_ =	shalt  }
0x63: {  	_ =	shalt  }
0x64: {  	_ =	shalt  }
0x65: {  	_ =	shalt  }
0x66: {  	_ =	shalt  }
0x67: {  	_ =	shalt  }
0x68: {  	_ =	shalt  }
0x69: {  	_ =	shalt  }
0x6a: {  	_ =	shalt  }
0x6b: {  	_ =	shalt  }
0x6c: {  	_ =	shalt  }
0x6d: {  	_ =	shalt  }
0x6e: {  	_ =	shalt  }
0x6f: {  	_ =	shalt  }
0x70: {  	_ =	shalt  }
0x71: {  	_ =	shalt  }
0x72: {  	_ =	shalt  }
0x73: {  	_ =	shalt  }
0x74: {  	_ =	shalt  }
0x75: {  	_ =	shalt  }
0x76: {  	_ =	shalt  }
0x77: {  	_ =	shalt  }
0x78: {  	_ =	shalt  }
0x79: {  	_ =	shalt  }
0x7a: {  	_ =	shalt  }
0x7b: {  	_ =	shalt  }
0x7c: {  	_ =	shalt  }
0x7d: {  	_ =	shalt  }
0x7e: {  	_ =	shalt  }
0x7f: {  	_ =	shalt  }
0x80: {  	_ =	shalt  }
0x81: {  	_ =	shalt  }
0x82: {  	_ =	shalt  }
0x83: {  	_ =	shalt  }
0x84: {  	_ =	shalt  }
0x85: {  	_ =	shalt  }
0x86: {  	_ =	shalt  }
0x87: {  	_ =	shalt  }
.Lfunc_end0:
.L_simem_size_0:
called_computation.3_lowered:
.L_overlay_start_0:
0x88: {  	s2 =	sld [smem:$0x3FD9]  }
0x89: {  	s3 =	sld [smem:$0x3FFE];
	_ =	sdelay $0x1  }
0x8a: {  	s1 =	srdreg.scid  }
0x8b: {  	s0 =	sand.u32 $0x1, s1  }
0x8c: {  	s16 =	sshll.u32 s0, $0xA;
	s2 =	sadd.s32 s3, s2  }
0x8d: {  	s2 =	sadd.s32 s2, s16  }
0x8e: {  	[smem:$0x3FBA] =	sst s2  }
0x8f: {  	_ = 	snop  }
0x90: {  	(tm) =	ssettm $0x1  }
0x91: {  	s17 =	sld [smem:$0x3FFB];
	_ =	sdelay $0x3  }
0x92: {  	_ =	strace s17  }
0x93: {  	s2 =	sld [smem:$0x3FFC];
	_ =	sdelay $0x3  }
0x94: {  	_ =	strace s2  }
0x95: {  	s2 =	sld [smem:$0x3FFD];
	_ =	sdelay $0x3  }
0x96: {  	_ =	strace s2  }
0x97: {  	_ =	strace $0x8FFFFFFF  }
0x98: {  	s18 =	sld [smem:$0x3FDB];
	_ =	sdelay $0x1  }
0x99: {  	s19 =	simm.s32 $_scs_section_size  }
0x9a: {  	s4 =	simm.s32 $_size__tile_overlayer_lowered;
	s5 =	simm.s32 $_tile_overlayer_lowered  }
0x9b: {  	s22 =	simm.s32 $0x1BFF;
	s21 =	sshll.u32 s5, $0x1;
	s2 =	sadd.s32 s19, s18  }
0x9c: {  	s6 =	simm.s32 $0x0;
	s20 =	sshll.u32 s4, $0x1;
	s4 =	sadd.s32 s21, s2  }
0x9d: {  	[timem:s6], [sflag:s22] =	dma.local [hbm:s4], s20  }
0x9e: {  	_ =	swait.ge [sflag:s22], s20  }
0x9f: {  	s3 =	ssub.s32 $0x0, s20;
	[sflag:s22] =	ssyncset.done $0x0  }
0xa0: {  	[sflag:s22] =	ssyncadd.s32 s3;
	_ =	sdelay $0x1  }
0xa1: {  	s23 =	simm.s32 $0x1B8B  }
0xa2: {  	_ =	swait.ge [sflag:s23], $0x1  }
0xa3: {  	[sflag:s23] =	ssyncset.done $0x0  }
0xa4: {  	s25 =	simm.s32 $0x1B8E;
	s24 =	sld [smem:$0x3FFE];
	[sflag:s23] =	ssyncadd.s32 $0xFFFFFFFF  }
0xa5: {  	s26 =	simm.s32 $execute0_lowered;
	[smem:$0x3FD2] =	sst s25  }
0xa6: {  	s4 =	sshll.u32 s26, $0x1;
	_ =	strace $0x8000004F;
	[dreg:$0x1] =	wrdreg $0xFFFFFFFF  }
0xa7: {  	s28 =	simm.s32 $_size_execute0_lowered;
	s2 =	sadd.s32 s2, s4;
	[dreg:$0x0] =	wrdreg $0x0  }
0xa8: {  	s4 =	sshll.u32 s28, $0x1;
	[dreg:$0x2] =	wrdreg s2  }
0xa9: {  	[dreg:$0x3] =	wrdreg s4  }
0xaa: {  	[dreg:$0x4] =	wrdreg $0xC0  }
0xab: {  	_ =	task [dreg:s6], $0x5FFFF  }
0xac: {  	[dreg:$0x1] =	wrdreg $0xFFFFFFFF  }
0xad: {  	[dreg:$0x0] =	wrdreg $0x60  }
0xae: {  	[dreg:$0x2] =	wrdreg s24  }
0xaf: {  	[dreg:$0x3] =	wrdreg $0x82000  }
0xb0: {  	[dreg:$0x4] =	wrdreg $0x9  }
0xb1: {  	_ =	task.clear_ibuf [dreg:s6], $0x5FFFF;
	_ =	strace $0x9000004F  }
0xb2: {  	s29 =	simm.s32 $0x9;
	_ =	strace $0x80000051  }
0xb3: {  	_ =	swait.ge [sflag:s29], $0x1  }
0xb4: {  	[sflag:s29] =	ssyncadd.s32 $0xFFFFFFFF  }
0xb5: {  	_ =	strace $0x90000051  }
0xb6: {  	_ =	sfence  }
0xb7: {  	s30 =	sld [smem:$0x0];
	_ =	sdelay $0x2  }
0xb8: {  	s31 =	sshll.u32 s1, $0xD;
	s1 =	sshrl.u32 s1, $0x2  }
0xb9: {  	s3 =	sand.u32 $0x4000, s31;
	s1 =	sadd.s32 s1, s30  }
0xba: {  	s0 =	sor.u32 s3, s0;
	s1 =	sshll.u32 s1, $0x11  }
0xbb: {  	s0 =	sor.u32 s1, s0  }
0xbc: {  	s0 =	sadd.s32 $0x8F2B, s0  }
0xbd: {  	[sflag:s0] =	ssyncadd.remote.s32 $0x1  }
0xbe: {  	_ =	sfence.sel $0xFFFF  }
0xbf: {  	[dreg:$0x0] =	wrdreg $0xFFFFFFFF;
	(pc) =	sbr.abs _section_cstart, $3  }
0xc0: {  	[dreg:$0x1] =	wrdreg $0xFFFFFFFF  }
0xc1: {  	_ =	task.clear_ibuf [dreg:s6], $0x2FFFF;
	_ =	strace $0x9FFFFFFF  }
0xc2: {  	(tm) =	ssettm $0x7FFFFFFF  }
0xc3: {  	_ =	shalt  }
tec
execute0_lowered:
.L_overlay_start_1:
0x0: {  	(tag) =	ssettag $0x1  }
0x1: {  	s0 =	rddreg [dreg:$0x0]  }
0x2: {  	s1 =	rddreg [dreg:$0x1]  }
0x3: {  	s2 =	simm.s32 $0x0;
	s3 =	srdreg.scid;
	s14 =	stileid.u32  }
0x4: {  	s17 =	simm.s32 $0x5;
	s18 =	simm.s32 $0x100;
	s19 =	simm.s32 $0x80  }
0x5: {  	s20 =	simm.s32 $0x180;
	s28 =	simm.s32 $0x4;
	s29 =	simm.s32 $0x0  }
0x6: {  	[smem:$0x7FF] =	sst s2;
	s4 =	sadd.s32 $0x35800, s0;
	s9 =	smul.u32 $0x69, s14  }
0x7: {  	s3 =	sand.u32 $0x1, s3;
	s6 =	sadd.s32 $0x86000, s0;
	s11 =	smul.u32 $0x35, s14  }
0x8: {  	s8 =	sadd.s32 $0x3A00, s0;
	s12 =	sadd.s32 $0xD800, s0;
	s21 =	smul.u32 $0x50000, s14  }
0x9: {  	s15 =	smul.u32 $0x2800, s14;
	s26 =	sshll.u32 s14, $0x6;
	_ =	strace $0x80000050  }
0xa: {  	s5 =	smul.u32 $0x28000, s3;
	s7 =	ssub.s32 $0x2, s3;
	p0 =	seq.s32 s3, $0x0  }
0xb: {  	s10 =	sshrl.u32 s7, $0x1;
	s3 =	sadd.s32 $0x690, s11;
	s12 =	smov.u32 @p0 s4  }
0xc: {  	s0 =	sadd.s32 s5, s0;
	s13 =	ssub.s32 s7, s10;
	s5 =	simm.s32 $0x69  }
0xd: {  	s3 =	smov.u32 @p0 s9;
	s7 =	sshrl.u32 s21, $0x2;
	s31 =	sadd.s32 s12, s15  }
0xe: {  	s21 =	simm.s32 $0x1;
	s5 =	simm.s32 @!p0 $0x35;
	s22 =	sadd.s32 s7, s1  }
0xf: {  	s3 =	sshll.u32 s3, $0x4;
	s25 =	sadd.s32 $0x8FE00, s0;
	s30 =	smax.u32 s13, $0x1  }
0x10: {  	[dreg:$0x6] =	wrdreg s31;
	s13 =	sor.u32 $0x1C05, s26;
	s26 =	simm.s32 $0x4200  }
0x11: {  	s23 =	sadd.s32 s6, s3;
	s24 =	sadd.s32 s8, s3;
	s3 =	sadd.s32 $0x10, s3  }
0x12: {  	s10 =	sadd.s32 $0xFFFFFFFF, s5;
	[dreg:$0x5] =	wrdreg s30;
	s16 =	sshrl.u32 s22, $0x3  }
0x13: {  	s22 =	simm.s32 $0x200;
	s6 =	sadd.s32 s6, s3;
	s3 =	sadd.s32 s8, s3  }
0x14: {  	s12 =	smov.u32 s24;
	s14 =	sadd.s32 $0x20, s24;
	s11 =	smov.u32 s23  }
0x15: {  	s0 =	sadd.s32 $0x20, s23;
	s23 =	simm.s32 $0x3;
	[dreg:$0x3] =	wrdreg s6  }
0x16: {  	s24 =	sadd.s32 s15, s25;
	s25 =	simm.s32 $0x2;
	[dreg:$0x4] =	wrdreg s3  }
.LBB2_1:
0x17: {  	s3 =	rddreg [dreg:$0x6]  }
0x18: {  	[spmem:s16], [sflag:s13] =	dma.local [hbm:s3], $0x2800  }
0x19: {  	_ =	swait.ge [sflag:s17], $0x2800  }
0x1a: {  	[sflag:s17] =	ssyncset.done $0x0  }
0x1b: {  	[sflag:s17] =	ssyncadd.s32 $0xFFFFD800  }
0x1c: {  	[tilespmem:s2], [sflag:$0x1] =	stream.linear.gather [hbm4b:s11+s2], $0x80, $0x38;
	[tilespmem:$0x1C200] =	vst v63  }
0x1d: {  	_ = 	snop  }
0x1e: {  	[tilespmem:s18], [sflag:$0x1] =	stream.linear.gather [hbm4b:s12+s2], $0x80, $0x38;
	[tilespmem:$0x1C200] =	vst v63  }
0x1f: {  	s9 =	rddreg [dreg:$0x3]  }
0x20: {  	[tilespmem:s19], [sflag:$0x2] =	stream.linear.gather [hbm4b:s9+s2], $0x80, $0x38;
	[tilespmem:$0x1C200] =	vst v63  }
0x21: {  	s15 =	rddreg [dreg:$0x4]  }
0x22: {  	[tilespmem:s20], [sflag:$0x2] =	stream.linear.gather [hbm4b:s15+s2], $0x80, $0x38;
	[tilespmem:$0x1C200] =	vst v63  }
0x23: {  	_ =	swait.ge [sflag:s21], $0x80  }
0x24: {  	[sflag:s21] =	ssyncset.done $0x0  }
0x25: {  	[sflag:s21] =	ssyncadd.s32 $0xFFFFFF80  }
0x26: {  	_ =	swait.ge [sflag:s21], $0x80  }
0x27: {  	[sflag:s21] =	ssyncset.done $0x0  }
0x28: {  	[sflag:s21] =	ssyncadd.s32 $0xFFFFFF80  }
0x29: {  	[tilespmem:s22], [sflag:$0x3] =	stream.indirect.gather [hbm4b:s4+s19], $0x80, s2, s19, $0xb8;
	[tilespmem:$0x1C200] =	vst v63  }
0x2a: {  	[bflag:$0x0] =	sbarrier.arrive $0xFFFF  }
0x2b: {  	_ =	swait.ge [sflag:s23], $0x4000  }
0x2c: {  	[sflag:s23] =	ssyncset.done $0x0  }
0x2d: {  	[sflag:s23] =	ssyncadd.s32 $0xFFFFC000  }
0x2e: {  	_ =	swait.ge [sflag:s25], $0x80  }
0x2f: {  	[sflag:s25] =	ssyncset.done $0x0  }
0x30: {  	[sflag:s25] =	ssyncadd.s32 $0xFFFFFF80  }
0x31: {  	_ =	swait.ge [sflag:s25], $0x80  }
0x32: {  	[sflag:s25] =	ssyncset.done $0x0  }
0x33: {  	[sflag:s25] =	ssyncadd.s32 $0xFFFFFF80  }
0x34: {  	[tilespmem:s26], [sflag:$0x4] =	stream.indirect.gather [hbm4b:s4+s19], $0x80, s19, s19, $0xb8;
	[tilespmem:$0x1C200] =	vst v63  }
0x35: {  	_ = 	snop  }
0x36: {  	[spmem:s1] =	stream.indirect.scatter.add.f32 [tilespmem:s22], [sflag:$0x5], $0x80, s18, s19, $0xb8;
	[tilespmem:$0x1C200] =	vst v63  }
0x37: {  	_ =	swait.ge [sflag:s17], $0x4000  }
0x38: {  	[sflag:s17] =	ssyncset.done $0x0  }
0x39: {  	[sflag:s17] =	ssyncadd.s32 $0xFFFFC000  }
0x3a: {  	[tilespmem:s2], [sflag:$0x1] =	stream.linear.gather [hbm4b:s0+s2], $0x80, $0x38;
	[tilespmem:$0x1C200] =	vst v63  }
0x3b: {  	_ = 	snop  }
0x3c: {  	[tilespmem:s18], [sflag:$0x1] =	stream.linear.gather [hbm4b:s14+s2], $0x80, $0x38;
	[tilespmem:$0x1C200] =	vst v63  }
0x3d: {  	_ =	swait.ge [sflag:s28], $0x4000  }
0x3e: {  	[sflag:s28] =	ssyncset.done $0x0  }
0x3f: {  	[sflag:s28] =	ssyncadd.s32 $0xFFFFC000  }
0x40: {  	_ =	swait.ge [sflag:s21], $0x80  }
0x41: {  	[sflag:s21] =	ssyncset.done $0x0  }
0x42: {  	[sflag:s21] =	ssyncadd.s32 $0xFFFFFF80  }
0x43: {  	_ =	swait.ge [sflag:s21], $0x80  }
0x44: {  	[sflag:s21] =	ssyncset.done $0x0  }
0x45: {  	[sflag:s21] =	ssyncadd.s32 $0xFFFFFF80  }
0x46: {  	[tilespmem:s22], [sflag:$0x3] =	stream.indirect.gather [hbm4b:s4+s19], $0x80, s2, s19, $0xb8;
	[tilespmem:$0x1C200] =	vst v63  }
0x47: {  	p1 =	sle.u32 s5, $0x3;
	p0 =	sne.s32 s10, $0x2  }
0x48: {  	[spmem:s1] =	stream.indirect.scatter.add.f32 [tilespmem:s26], [sflag:$0x5], $0x80, s20, s19, $0xb8;
	[tilespmem:$0x1C200] =	vst v63  }
.Ltmp0:
0x49: {  	s30 =	simm.s32 $0x2;
	_ =	swait.ge [sflag:s17], $0x4000;
	(pc) =	sbr.rel @!p0 .LBB2_3-.Ltmp0, $4  }
0x4a: {  	s31 =	smov.u32 s14;
	s3 =	sadd.s32 @!p1 $0x10, s0;
	[sflag:s17] =	ssyncset.done $0x0  }
0x4b: {  	s8 =	simm.s32 @!p1 $0x0;
	s6 =	simm.s32 @!p1 $0x80;
	[sflag:s17] =	ssyncadd.s32 $0xFFFFC000  }
0x4c: {  	[tilespmem:s6], [sflag:$0x2] =	stream.linear.gather @!p1 [hbm4b:s3+s8], $0x80, $0x38;
	[tilespmem:$0x1C200] =	vst v63  }
0x4d: {  	s9 =	sadd.s32 @!p1 $0x10, s14;
	s15 =	smov.u32 s0;
	s6 =	simm.s32 @!p1 $0x180  }
.LBB2_2:
0x4e: {  	s31 =	sadd.s32 $0x20, s31  }
0x4f: {  	s15 =	sadd.s32 $0x20, s15;
	s3 =	smov.u32 s30;
	s30 =	sadd.s32 $0x2, s30  }
0x50: {  	[tilespmem:s6], [sflag:$0x2] =	stream.linear.gather @!p1 [hbm4b:s9+s8], $0x80, $0x38;
	[tilespmem:$0x1C200] =	vst v63  }
0x51: {  	p0 =	sne.s32 s10, s30;
	_ =	swait.ge [sflag:s23], $0x4000  }
0x52: {  	[sflag:s23] =	ssyncset.done $0x0  }
0x53: {  	[sflag:s23] =	ssyncadd.s32 $0xFFFFC000  }
0x54: {  	_ =	swait.ge [sflag:s25], $0x80  }
0x55: {  	[sflag:s25] =	ssyncset.done $0x0  }
0x56: {  	[sflag:s25] =	ssyncadd.s32 $0xFFFFFF80  }
0x57: {  	_ =	swait.ge [sflag:s25], $0x80  }
0x58: {  	[sflag:s25] =	ssyncset.done $0x0  }
0x59: {  	[sflag:s25] =	ssyncadd.s32 $0xFFFFFF80  }
0x5a: {  	[tilespmem:s26], [sflag:$0x4] =	stream.indirect.gather [hbm4b:s4+s19], $0x80, s19, s19, $0xb8;
	[tilespmem:$0x1C200] =	vst v63  }
0x5b: {  	_ = 	snop  }
0x5c: {  	[spmem:s1] =	stream.indirect.scatter.add.f32 [tilespmem:s22], [sflag:$0x5], $0x80, s18, s19, $0xb8;
	[tilespmem:$0x1C200] =	vst v63  }
0x5d: {  	_ =	swait.ge [sflag:s17], $0x4000  }
0x5e: {  	[sflag:s17] =	ssyncset.done $0x0  }
0x5f: {  	[sflag:s17] =	ssyncadd.s32 $0xFFFFC000  }
0x60: {  	[tilespmem:s2], [sflag:$0x1] =	stream.linear.gather [hbm4b:s15+s2], $0x80, $0x38;
	[tilespmem:$0x1C200] =	vst v63  }
0x61: {  	_ = 	snop  }
0x62: {  	[tilespmem:s18], [sflag:$0x1] =	stream.linear.gather [hbm4b:s31+s2], $0x80, $0x38;
	[tilespmem:$0x1C200] =	vst v63  }
0x63: {  	_ =	swait.ge [sflag:s28], $0x4000  }
0x64: {  	[sflag:s28] =	ssyncset.done $0x0  }
0x65: {  	[sflag:s28] =	ssyncadd.s32 $0xFFFFC000  }
0x66: {  	_ =	swait.ge [sflag:s21], $0x80  }
0x67: {  	[sflag:s21] =	ssyncset.done $0x0  }
0x68: {  	[sflag:s21] =	ssyncadd.s32 $0xFFFFFF80  }
0x69: {  	_ =	swait.ge [sflag:s21], $0x80  }
0x6a: {  	[sflag:s21] =	ssyncset.done $0x0  }
0x6b: {  	[sflag:s21] =	ssyncadd.s32 $0xFFFFFF80  }
0x6c: {  	[tilespmem:s22], [sflag:$0x3] =	stream.indirect.gather [hbm4b:s4+s19], $0x80, s2, s19, $0xb8;
	[tilespmem:$0x1C200] =	vst v63  }
0x6d: {  	_ = 	snop  }
0x6e: {  	[spmem:s1] =	stream.indirect.scatter.add.f32 [tilespmem:s26], [sflag:$0x5], $0x80, s20, s19, $0xb8;
	[tilespmem:$0x1C200] =	vst v63  }
.Ltmp1:
0x6f: {  	s3 =	sadd.s32 $0x3, s3;
	_ =	swait.ge [sflag:s17], $0x4000;
	(pc) =	sbr.rel @p0 .LBB2_2-.Ltmp1, $4  }
0x70: {  	p1 =	sge.u32 s3, s5;
	[sflag:s17] =	ssyncset.done $0x0  }
0x71: {  	s3 =	sadd.s32 @!p1 $0x10, s15;
	s8 =	simm.s32 @!p1 $0x0;
	[sflag:s17] =	ssyncadd.s32 $0xFFFFC000  }
0x72: {  	s7 =	simm.s32 @!p1 $0x80;
	s9 =	sadd.s32 @!p1 $0x10, s31;
	s6 =	simm.s32 @!p1 $0x180  }
0x73: {  	[tilespmem:s7], [sflag:$0x2] =	stream.linear.gather @!p1 [hbm4b:s3+s8], $0x80, $0x38;
	[tilespmem:$0x1C200] =	vst v63  }
.LBB2_3:
0x74: {  	[tilespmem:s6], [sflag:$0x2] =	stream.linear.gather @!p1 [hbm4b:s9+s8], $0x80, $0x38;
	[tilespmem:$0x1C200] =	vst v63  }
0x75: {  	_ =	swait.ge [sflag:s23], $0x4000  }
0x76: {  	[sflag:s23] =	ssyncset.done $0x0  }
0x77: {  	[sflag:s23] =	ssyncadd.s32 $0xFFFFC000  }
0x78: {  	[spmem:s1] =	stream.indirect.scatter.add.f32 [tilespmem:s22], [sflag:$0x5], $0x80, s18, s19, $0xb8;
	[tilespmem:$0x1C200] =	vst v63  }
0x79: {  	_ =	swait.ge [sflag:s17], $0x4000  }
0x7a: {  	[sflag:s17] =	ssyncset.done $0x0  }
0x7b: {  	[sflag:s17] =	ssyncadd.s32 $0xFFFFC000  }
0x7c: {  	[bflag:$0x0] =	sbarrier.arrive $0xFFFF  }
0x7d: {  	[hbm:s24], [sflag:s13] =	dma.local [spmem:s16], $0x2800  }
0x7e: {  	_ =	swait.ge [sflag:s17], $0x2800  }
0x7f: {  	s29 =	sadd.s32 $0x1, s29;
	s3 =	rddreg [dreg:$0x5]  }
0x80: {  	p0 =	sne.s32 s29, s3  }
.Ltmp2:
0x81: {  	_ = 	snop;
	(pc) =	sbr.rel @p0 .LBB2_1-.Ltmp2, $3  }
0x82: {  	_ =	sdelay $0x1  }
0x83: {  	[sflag:s17] =	ssyncset.done $0x0  }
0x84: {  	[sflag:s17] =	ssyncadd.s32 $0xFFFFD800  }
0x85: {  	_ =	sfence.sel $0x180000  }
0x86: {  	[bflag:$0x0] =	sbarrier.arrive $0xFFFF  }
0x87: {  	_ =	strace $0x90000050  }
0x88: {  	s0 =	stileid.u32;
	[bflag:$0x2] =	sbarrier.arrive $0xFFFF  }
0x89: {  	p0 =	sne.s32 s0, $0x0;
	s0 =	rddreg [dreg:$0x2]  }
0x8a: {  	s0 =	sadd.s32 @!p0 $0x100000, s0  }
0x8b: {  	[sflag:s0] =	ssyncadd.tile.s32 @!p0 $0x1;
	_ =	shalt  }
.Lfunc_end2:
_tile_overlayer_lowered:
.L_overlay_start_2:
0x8c: {  	(tag) =	ssettag $0x2  }
0x8d: {  	s0 =	rddreg [dreg:$0x0];
	s2 =	stileid.u32  }
0x8e: {  	s1 =	rddreg [dreg:$0x1];
	p0 =	sne.s32 s2, $0x0  }
0x8f: {  	s3 =	rddreg [dreg:$0x2];
	[bflag:$0x3] =	sbarrier.arrive $0xFFFF;
	s2 =	simm.s32 @!p0 $0x1C05  }
0x90: {  	[timem:s3], [sflag:s2] =	dma.local @!p0 [hbm:s0], s1  }
0x91: {  	s0 =	simm.s32 @!p0 $0x5  }
0x92: {  	_ =	swait.ge @!p0 [sflag:s0], s1  }
0x93: {  	s1 =	ssub.s32 @!p0 $0x0, s1;
	[sflag:s0] =	ssyncset.done @!p0 $0x0  }
0x94: {  	[sflag:s0] =	ssyncadd.s32 @!p0 s1  }
0x95: {  	[bflag:$0x3] =	sbarrier.arrive $0xFFFF  }
0x96: {  	_ =	shalt  }

// kernel: kernel.24.cloned.1.call-start
scs
__scs_entry_jumppad:
0x0: {  	(pc) =	sbr.rel $0x88, $3  }
0x1: {  	(tag) =	ssettag $0x0;
	lr =	simm.s32 $0x1  }
0x2: {  	[smem:$0x3F93] =	sst lr;
	_ =	strace $0xD0000000  }
0x3: {  	_ = 	snop  }
0x4: {  	_ = 	snop  }
0x5: {  	_ = 	snop  }
0x6: {  	_ = 	snop  }
0x7: {  	_ = 	snop  }
__scs_overlays_trampoline_lowered:
0x8: {  	[smem:$0x3FA2] =	sst s0  }
0x9: {  	[smem:$0x3FA3] =	sst s1  }
0xa: {  	[smem:$0x3FA4] =	sst s2  }
0xb: {  	[smem:$0x3FA5] =	sst s3  }
0xc: {  	[smem:$0x3FA6] =	sst s4  }
0xd: {  	[smem:$0x3FA7] =	sst s5  }
0xe: {  	[smem:$0x3FA8] =	sst s6  }
0xf: {  	[smem:$0x3FA9] =	sst s7  }
0x10: {  	[smem:$0x3FAA] =	sst s8  }
0x11: {  	[smem:$0x3FAB] =	sst s9;
	s0 =	simm.s32 @!p0 $0x0  }
0x12: {  	s1 =	sld [smem:$0x3F91];
	s0 =	simm.s32 @p0 $0x1  }
0x13: {  	[smem:$0x3FAC] =	sst s0;
	s0 =	simm.s32 @!p1 $0x0  }
0x14: {  	s2 =	sld [smem:$0x3F90];
	s0 =	simm.s32 @p1 $0x1  }
0x15: {  	[smem:$0x3FAD] =	sst s0;
	s0 =	simm.s32 @!p2 $0x0  }
0x16: {  	s3 =	sld [smem:$0x3FDB];
	s0 =	simm.s32 @p2 $0x1  }
0x17: {  	s4 =	simm.s32 $0x1BF5;
	[smem:$0x3FAF] =	sst s0  }
0x18: {  	s0 =	sld [smem:$0x3F92];
	_ =	swait.ge [sflag:s4], $0x0  }
0x19: {  	s7 =	sld [smem:$0x3F93]  }
0x1a: {  	s8 =	sadd.s32 $0xFFFFE003, lr  }
0x1b: {  	s9 =	sadd.s32 $0xFFFFFEF7, lr;
	s5 =	simm.s32 $0xFFFFFFFF;
	p2 =	slt.u32 s8, $0xFFFFF086  }
0x1c: {  	p1 =	slt.u32 s9, $0xF7A;
	s5 =	simm.s32 @!p2 $0x0  }
0x1d: {  	s5 =	simm.s32 @p1 $0x1;
	p0 =	seq.s32 s7, s2  }
0x1e: {  	s7 =	smul.u32 @!p0 $0xF7A, s2;
	p2 =	seq.s32 @!p0 s5, $0x0  }
0x1f: {  	s9 =	smul.u32 $0xF7A, s1;
	s8 =	simm.s32 @!p0 $0x1BF5;
	p2 =	por !p2, p0  }
0x20: {  	[sflag:s8] =	ssyncset.s32 @!p0 $0xFFFFF086;
	s6 =	sadd.s32 @!p0 s3, s7;
	s7 =	simm.s32 @!p0 $0x108  }
0x21: {  	s3 =	sadd.s32 s3, s9;
	s6 =	sadd.s32 @!p0 $0x88, s6;
	s7 =	simm.s32 @p2 $0x1082  }
0x22: {  	[simem:s7], [sflag:s8] =	dma.local @!p0 [hbm:s6], $0xF7A  }
0x23: {  	s9 =	sor.u32 $0xD0000000, s2;
	s6 =	simm.s32 $0x108;
	_ =	swait.ge @!p0 [sflag:s8], $0x0  }
0x24: {  	s3 =	sadd.s32 $0x88, s3;
	s6 =	simm.s32 @!p1 $0x1082;
	[sflag:s4] =	ssyncset.s32 $0xFFFFF086  }
0x25: {  	[simem:s6], [sflag:s4] =	dma.local [hbm:s3], $0xF7A  }
0x26: {  	[smem:$0x3F93] =	sst s1;
	(tag) =	ssettag s2;
	_ =	strace s9  }
0x27: {  	s1 =	sld [smem:$0x3FA3]  }
0x28: {  	s2 =	sld [smem:$0x3FA4]  }
0x29: {  	s4 =	sld [smem:$0x3FA6]  }
0x2a: {  	p0 =	seq.s32 s5, $0x0;
	s5 =	sld [smem:$0x3FA7]  }
0x2b: {  	s6 =	sld [smem:$0x3FA8]  }
0x2c: {  	s7 =	sld [smem:$0x3FA9]  }
0x2d: {  	s3 =	simm.s32 $0x108;
	s8 =	sld [smem:$0x3FAA]  }
0x2e: {  	s3 =	simm.s32 @!p0 $0x1082;
	s9 =	sld [smem:$0x3FAB]  }
0x2f: {  	lr =	sadd.s32 s0, s3;
	s0 =	sld [smem:$0x3FA2]  }
0x30: {  	s3 =	sld [smem:$0x3FA5]  }
0x31: {  	[smem:$0x3FAE] =	sst s10  }
0x32: {  	s10 =	sld [smem:$0x3FAC];
	_ =	sdelay $0x3  }
0x33: {  	p0 =	seq.s32 s10, $0x1;
	s10 =	sld [smem:$0x3FAE];
	_ =	sdelay $0x3  }
0x34: {  	[smem:$0x3FAE] =	sst s10  }
0x35: {  	s10 =	sld [smem:$0x3FAD];
	_ =	sdelay $0x3  }
0x36: {  	p1 =	seq.s32 s10, $0x1;
	s10 =	sld [smem:$0x3FAE];
	_ =	sdelay $0x3  }
0x37: {  	[smem:$0x3FAE] =	sst s10  }
0x38: {  	s10 =	sld [smem:$0x3FAF]  }
0x39: {  	_ = 	snop;
	(pc) =	sbr.ind lr, $3  }
0x3a: {  	_ = 	snop  }
0x3b: {  	_ = 	snop  }
0x3c: {  	p2 =	seq.s32 s10, $0x1;
	s10 =	sld [smem:$0x3FAE]  }
0x3d: {  	_ =	shalt  }
0x3e: {  	_ =	shalt  }
0x3f: {  	_ =	shalt  }
0x40: {  	_ =	shalt  }
0x41: {  	_ =	shalt  }
0x42: {  	_ =	shalt  }
0x43: {  	_ =	shalt  }
0x44: {  	_ =	shalt  }
0x45: {  	_ =	shalt  }
0x46: {  	_ =	shalt  }
0x47: {  	_ =	shalt  }
0x48: {  	_ =	shalt  }
0x49: {  	_ =	shalt  }
0x4a: {  	_ =	shalt  }
0x4b: {  	_ =	shalt  }
0x4c: {  	_ =	shalt  }
0x4d: {  	_ =	shalt  }
0x4e: {  	_ =	shalt  }
0x4f: {  	_ =	shalt  }
0x50: {  	_ =	shalt  }
0x51: {  	_ =	shalt  }
0x52: {  	_ =	shalt  }
0x53: {  	_ =	shalt  }
0x54: {  	_ =	shalt  }
0x55: {  	_ =	shalt  }
0x56: {  	_ =	shalt  }
0x57: {  	_ =	shalt  }
0x58: {  	_ =	shalt  }
0x59: {  	_ =	shalt  }
0x5a: {  	_ =	shalt  }
0x5b: {  	_ =	shalt  }
0x5c: {  	_ =	shalt  }
0x5d: {  	_ =	shalt  }
0x5e: {  	_ =	shalt  }
0x5f: {  	_ =	shalt  }
0x60: {  	_ =	shalt  }
0x61: {  	_ =	shalt  }
0x62: {  	_ =	shalt  }
0x63: {  	_ =	shalt  }
0x64: {  	_ =	shalt  }
0x65: {  	_ =	shalt  }
0x66: {  	_ =	shalt  }
0x67: {  	_ =	shalt  }
0x68: {  	_ =	shalt  }
0x69: {  	_ =	shalt  }
0x6a: {  	_ =	shalt  }
0x6b: {  	_ =	shalt  }
0x6c: {  	_ =	shalt  }
0x6d: {  	_ =	shalt  }
0x6e: {  	_ =	shalt  }
0x6f: {  	_ =	shalt  }
0x70: {  	_ =	shalt  }
0x71: {  	_ =	shalt  }
0x72: {  	_ =	shalt  }
0x73: {  	_ =	shalt  }
0x74: {  	_ =	shalt  }
0x75: {  	_ =	shalt  }
0x76: {  	_ =	shalt  }
0x77: {  	_ =	shalt  }
0x78: {  	_ =	shalt  }
0x79: {  	_ =	shalt  }
0x7a: {  	_ =	shalt  }
0x7b: {  	_ =	shalt  }
0x7c: {  	_ =	shalt  }
0x7d: {  	_ =	shalt  }
0x7e: {  	_ =	shalt  }
0x7f: {  	_ =	shalt  }
0x80: {  	_ =	shalt  }
0x81: {  	_ =	shalt  }
0x82: {  	_ =	shalt  }
0x83: {  	_ =	shalt  }
0x84: {  	_ =	shalt  }
0x85: {  	_ =	shalt  }
0x86: {  	_ =	shalt  }
0x87: {  	_ =	shalt  }
.Lfunc_end0:
.L_simem_size_0:
called_computation.4_lowered:
.L_overlay_start_0:
0x88: {  	s2 =	sld [smem:$0x3FD9]  }
0x89: {  	s3 =	sld [smem:$0x3FFE];
	_ =	sdelay $0x1  }
0x8a: {  	s1 =	srdreg.scid  }
0x8b: {  	s0 =	sand.u32 $0x1, s1  }
0x8c: {  	s16 =	sshll.u32 s0, $0xA;
	s2 =	sadd.s32 s3, s2  }
0x8d: {  	s2 =	sadd.s32 s2, s16  }
0x8e: {  	[smem:$0x3FBA] =	sst s2  }
0x8f: {  	_ = 	snop  }
0x90: {  	(tm) =	ssettm $0x1  }
0x91: {  	s17 =	sld [smem:$0x3FFB];
	_ =	sdelay $0x3  }
0x92: {  	_ =	strace s17  }
0x93: {  	s2 =	sld [smem:$0x3FFC];
	_ =	sdelay $0x3  }
0x94: {  	_ =	strace s2  }
0x95: {  	s2 =	sld [smem:$0x3FFD];
	_ =	sdelay $0x3  }
0x96: {  	_ =	strace s2  }
0x97: {  	_ =	strace $0x8FFFFFFF  }
0x98: {  	s18 =	sld [smem:$0x3FDB];
	_ =	sdelay $0x1  }
0x99: {  	s19 =	simm.s32 $_scs_section_size  }
0x9a: {  	s4 =	simm.s32 $_size__tile_overlayer_lowered;
	s5 =	simm.s32 $_tile_overlayer_lowered  }
0x9b: {  	s22 =	simm.s32 $0x1BFF;
	s21 =	sshll.u32 s5, $0x1;
	s2 =	sadd.s32 s19, s18  }
0x9c: {  	s6 =	simm.s32 $0x0;
	s20 =	sshll.u32 s4, $0x1;
	s4 =	sadd.s32 s21, s2  }
0x9d: {  	[timem:s6], [sflag:s22] =	dma.local [hbm:s4], s20  }
0x9e: {  	_ =	swait.ge [sflag:s22], s20  }
0x9f: {  	s3 =	ssub.s32 $0x0, s20;
	[sflag:s22] =	ssyncset.done $0x0  }
0xa0: {  	[sflag:s22] =	ssyncadd.s32 s3;
	_ =	sdelay $0x1  }
0xa1: {  	s23 =	simm.s32 $0x1B8B  }
0xa2: {  	_ =	swait.ge [sflag:s23], $0x1  }
0xa3: {  	[sflag:s23] =	ssyncset.done $0x0  }
0xa4: {  	s25 =	simm.s32 $0x1B8E;
	s24 =	sld [smem:$0x3FFE];
	[sflag:s23] =	ssyncadd.s32 $0xFFFFFFFF  }
0xa5: {  	s26 =	simm.s32 $execute0_lowered;
	[smem:$0x3FD2] =	sst s25  }
0xa6: {  	s4 =	sshll.u32 s26, $0x1;
	_ =	strace $0x80000052;
	[dreg:$0x1] =	wrdreg $0xFFFFFFFF  }
0xa7: {  	s28 =	simm.s32 $_size_execute0_lowered;
	s2 =	sadd.s32 s2, s4;
	[dreg:$0x0] =	wrdreg $0x0  }
0xa8: {  	s4 =	sshll.u32 s28, $0x1;
	[dreg:$0x2] =	wrdreg s2  }
0xa9: {  	[dreg:$0x3] =	wrdreg s4  }
0xaa: {  	[dreg:$0x4] =	wrdreg $0xC0  }
0xab: {  	_ =	task [dreg:s6], $0x5FFFF  }
0xac: {  	[dreg:$0x1] =	wrdreg $0xFFFFFFFF  }
0xad: {  	[dreg:$0x0] =	wrdreg $0x60  }
0xae: {  	[dreg:$0x2] =	wrdreg s24  }
0xaf: {  	[dreg:$0x3] =	wrdreg $0x82000  }
0xb0: {  	[dreg:$0x4] =	wrdreg $0x9  }
0xb1: {  	_ =	task.clear_ibuf [dreg:s6], $0x5FFFF;
	_ =	strace $0x90000052  }
0xb2: {  	s29 =	simm.s32 $0x9;
	_ =	strace $0x80000054  }
0xb3: {  	_ =	swait.ge [sflag:s29], $0x1  }
0xb4: {  	[sflag:s29] =	ssyncadd.s32 $0xFFFFFFFF  }
0xb5: {  	_ =	strace $0x90000054  }
0xb6: {  	_ =	sfence  }
0xb7: {  	s30 =	sld [smem:$0x0];
	_ =	sdelay $0x2  }
0xb8: {  	s31 =	sshll.u32 s1, $0xD;
	s1 =	sshrl.u32 s1, $0x2  }
0xb9: {  	s3 =	sand.u32 $0x4000, s31;
	s1 =	sadd.s32 s1, s30  }
0xba: {  	s0 =	sor.u32 s3, s0;
	s1 =	sshll.u32 s1, $0x11  }
0xbb: {  	s0 =	sor.u32 s1, s0  }
0xbc: {  	s0 =	sadd.s32 $0x8F2B, s0  }
0xbd: {  	[sflag:s0] =	ssyncadd.remote.s32 $0x1  }
0xbe: {  	_ =	sfence.sel $0xFFFF  }
0xbf: {  	[dreg:$0x0] =	wrdreg $0xFFFFFFFF;
	(pc) =	sbr.abs _section_cstart, $3  }
0xc0: {  	[dreg:$0x1] =	wrdreg $0xFFFFFFFF  }
0xc1: {  	_ =	task.clear_ibuf [dreg:s6], $0x2FFFF;
	_ =	strace $0x9FFFFFFF  }
0xc2: {  	(tm) =	ssettm $0x7FFFFFFF  }
0xc3: {  	_ =	shalt  }
tec
execute0_lowered:
.L_overlay_start_1:
0x0: {  	(tag) =	ssettag $0x1  }
0x1: {  	s0 =	rddreg [dreg:$0x0]  }
0x2: {  	s1 =	rddreg [dreg:$0x1]  }
0x3: {  	s2 =	simm.s32 $0x0;
	s3 =	srdreg.scid;
	s14 =	stileid.u32  }
0x4: {  	s17 =	simm.s32 $0x5;
	s18 =	simm.s32 $0x100;
	s19 =	simm.s32 $0x80  }
0x5: {  	s20 =	simm.s32 $0x180;
	s28 =	simm.s32 $0x4;
	s29 =	simm.s32 $0x0  }
0x6: {  	[smem:$0x7FF] =	sst s2;
	s4 =	sadd.s32 $0x35800, s0;
	s9 =	smul.u32 $0x69, s14  }
0x7: {  	s3 =	sand.u32 $0x1, s3;
	s6 =	sadd.s32 $0x86000, s0;
	s11 =	smul.u32 $0x35, s14  }
0x8: {  	s8 =	sadd.s32 $0x3A00, s0;
	s12 =	sadd.s32 $0xD800, s0;
	s21 =	smul.u32 $0x50000, s14  }
0x9: {  	s15 =	smul.u32 $0x2800, s14;
	s26 =	sshll.u32 s14, $0x6;
	_ =	strace $0x80000053  }
0xa: {  	s5 =	smul.u32 $0x28000, s3;
	s7 =	ssub.s32 $0x2, s3;
	p0 =	seq.s32 s3, $0x0  }
0xb: {  	s10 =	sshrl.u32 s7, $0x1;
	s3 =	sadd.s32 $0x690, s11;
	s12 =	smov.u32 @p0 s4  }
0xc: {  	s0 =	sadd.s32 s5, s0;
	s13 =	ssub.s32 s7, s10;
	s5 =	simm.s32 $0x69  }
0xd: {  	s3 =	smov.u32 @p0 s9;
	s7 =	sshrl.u32 s21, $0x2;
	s31 =	sadd.s32 s12, s15  }
0xe: {  	s21 =	simm.s32 $0x1;
	s5 =	simm.s32 @!p0 $0x35;
	s22 =	sadd.s32 s7, s1  }
0xf: {  	s3 =	sshll.u32 s3, $0x4;
	s25 =	sadd.s32 $0x8FE00, s0;
	s30 =	smax.u32 s13, $0x1  }
0x10: {  	[dreg:$0x6] =	wrdreg s31;
	s13 =	sor.u32 $0x1C05, s26;
	s26 =	simm.s32 $0x4200  }
0x11: {  	s23 =	sadd.s32 s6, s3;
	s24 =	sadd.s32 s8, s3;
	s3 =	sadd.s32 $0x10, s3  }
0x12: {  	s10 =	sadd.s32 $0xFFFFFFFF, s5;
	[dreg:$0x5] =	wrdreg s30;
	s16 =	sshrl.u32 s22, $0x3  }
0x13: {  	s22 =	simm.s32 $0x200;
	s6 =	sadd.s32 s6, s3;
	s3 =	sadd.s32 s8, s3  }
0x14: {  	s12 =	smov.u32 s24;
	s14 =	sadd.s32 $0x20, s24;
	s11 =	smov.u32 s23  }
0x15: {  	s0 =	sadd.s32 $0x20, s23;
	s23 =	simm.s32 $0x3;
	[dreg:$0x3] =	wrdreg s6  }
0x16: {  	s24 =	sadd.s32 s15, s25;
	s25 =	simm.s32 $0x2;
	[dreg:$0x4] =	wrdreg s3  }
.LBB2_1:
0x17: {  	s3 =	rddreg [dreg:$0x6]  }
0x18: {  	[spmem:s16], [sflag:s13] =	dma.local [hbm:s3], $0x2800  }
0x19: {  	_ =	swait.ge [sflag:s17], $0x2800  }
0x1a: {  	[sflag:s17] =	ssyncset.done $0x0  }
0x1b: {  	[sflag:s17] =	ssyncadd.s32 $0xFFFFD800  }
0x1c: {  	[tilespmem:s2], [sflag:$0x1] =	stream.linear.gather [hbm4b:s11+s2], $0x80, $0x38;
	[tilespmem:$0x1C200] =	vst v63  }
0x1d: {  	_ = 	snop  }
0x1e: {  	[tilespmem:s18], [sflag:$0x1] =	stream.linear.gather [hbm4b:s12+s2], $0x80, $0x38;
	[tilespmem:$0x1C200] =	vst v63  }
0x1f: {  	s9 =	rddreg [dreg:$0x3]  }
0x20: {  	[tilespmem:s19], [sflag:$0x2] =	stream.linear.gather [hbm4b:s9+s2], $0x80, $0x38;
	[tilespmem:$0x1C200] =	vst v63  }
0x21: {  	s15 =	rddreg [dreg:$0x4]  }
0x22: {  	[tilespmem:s20], [sflag:$0x2] =	stream.linear.gather [hbm4b:s15+s2], $0x80, $0x38;
	[tilespmem:$0x1C200] =	vst v63  }
0x23: {  	_ =	swait.ge [sflag:s21], $0x80  }
0x24: {  	[sflag:s21] =	ssyncset.done $0x0  }
0x25: {  	[sflag:s21] =	ssyncadd.s32 $0xFFFFFF80  }
0x26: {  	_ =	swait.ge [sflag:s21], $0x80  }
0x27: {  	[sflag:s21] =	ssyncset.done $0x0  }
0x28: {  	[sflag:s21] =	ssyncadd.s32 $0xFFFFFF80  }
0x29: {  	[tilespmem:s22], [sflag:$0x3] =	stream.indirect.gather [hbm4b:s4+s19], $0x80, s2, s19, $0xb8;
	[tilespmem:$0x1C200] =	vst v63  }
0x2a: {  	[bflag:$0x0] =	sbarrier.arrive $0xFFFF  }
0x2b: {  	_ =	swait.ge [sflag:s23], $0x4000  }
0x2c: {  	[sflag:s23] =	ssyncset.done $0x0  }
0x2d: {  	[sflag:s23] =	ssyncadd.s32 $0xFFFFC000  }
0x2e: {  	_ =	swait.ge [sflag:s25], $0x80  }
0x2f: {  	[sflag:s25] =	ssyncset.done $0x0  }
0x30: {  	[sflag:s25] =	ssyncadd.s32 $0xFFFFFF80  }
0x31: {  	_ =	swait.ge [sflag:s25], $0x80  }
0x32: {  	[sflag:s25] =	ssyncset.done $0x0  }
0x33: {  	[sflag:s25] =	ssyncadd.s32 $0xFFFFFF80  }
0x34: {  	[tilespmem:s26], [sflag:$0x4] =	stream.indirect.gather [hbm4b:s4+s19], $0x80, s19, s19, $0xb8;
	[tilespmem:$0x1C200] =	vst v63  }
0x35: {  	_ = 	snop  }
0x36: {  	[spmem:s1] =	stream.indirect.scatter.add.f32 [tilespmem:s22], [sflag:$0x5], $0x80, s18, s19, $0xb8;
	[tilespmem:$0x1C200] =	vst v63  }
0x37: {  	_ =	swait.ge [sflag:s17], $0x4000  }
0x38: {  	[sflag:s17] =	ssyncset.done $0x0  }
0x39: {  	[sflag:s17] =	ssyncadd.s32 $0xFFFFC000  }
0x3a: {  	[tilespmem:s2], [sflag:$0x1] =	stream.linear.gather [hbm4b:s0+s2], $0x80, $0x38;
	[tilespmem:$0x1C200] =	vst v63  }
0x3b: {  	_ = 	snop  }
0x3c: {  	[tilespmem:s18], [sflag:$0x1] =	stream.linear.gather [hbm4b:s14+s2], $0x80, $0x38;
	[tilespmem:$0x1C200] =	vst v63  }
0x3d: {  	_ =	swait.ge [sflag:s28], $0x4000  }
0x3e: {  	[sflag:s28] =	ssyncset.done $0x0  }
0x3f: {  	[sflag:s28] =	ssyncadd.s32 $0xFFFFC000  }
0x40: {  	_ =	swait.ge [sflag:s21], $0x80  }
0x41: {  	[sflag:s21] =	ssyncset.done $0x0  }
0x42: {  	[sflag:s21] =	ssyncadd.s32 $0xFFFFFF80  }
0x43: {  	_ =	swait.ge [sflag:s21], $0x80  }
0x44: {  	[sflag:s21] =	ssyncset.done $0x0  }
0x45: {  	[sflag:s21] =	ssyncadd.s32 $0xFFFFFF80  }
0x46: {  	[tilespmem:s22], [sflag:$0x3] =	stream.indirect.gather [hbm4b:s4+s19], $0x80, s2, s19, $0xb8;
	[tilespmem:$0x1C200] =	vst v63  }
0x47: {  	p1 =	sle.u32 s5, $0x3;
	p0 =	sne.s32 s10, $0x2  }
0x48: {  	[spmem:s1] =	stream.indirect.scatter.add.f32 [tilespmem:s26], [sflag:$0x5], $0x80, s20, s19, $0xb8;
	[tilespmem:$0x1C200] =	vst v63  }
.Ltmp0:
0x49: {  	s30 =	simm.s32 $0x2;
	_ =	swait.ge [sflag:s17], $0x4000;
	(pc) =	sbr.rel @!p0 .LBB2_3-.Ltmp0, $4  }
0x4a: {  	s31 =	smov.u32 s14;
	s3 =	sadd.s32 @!p1 $0x10, s0;
	[sflag:s17] =	ssyncset.done $0x0  }
0x4b: {  	s8 =	simm.s32 @!p1 $0x0;
	s6 =	simm.s32 @!p1 $0x80;
	[sflag:s17] =	ssyncadd.s32 $0xFFFFC000  }
0x4c: {  	[tilespmem:s6], [sflag:$0x2] =	stream.linear.gather @!p1 [hbm4b:s3+s8], $0x80, $0x38;
	[tilespmem:$0x1C200] =	vst v63  }
0x4d: {  	s9 =	sadd.s32 @!p1 $0x10, s14;
	s15 =	smov.u32 s0;
	s6 =	simm.s32 @!p1 $0x180  }
.LBB2_2:
0x4e: {  	s31 =	sadd.s32 $0x20, s31  }
0x4f: {  	s15 =	sadd.s32 $0x20, s15;
	s3 =	smov.u32 s30;
	s30 =	sadd.s32 $0x2, s30  }
0x50: {  	[tilespmem:s6], [sflag:$0x2] =	stream.linear.gather @!p1 [hbm4b:s9+s8], $0x80, $0x38;
	[tilespmem:$0x1C200] =	vst v63  }
0x51: {  	p0 =	sne.s32 s10, s30;
	_ =	swait.ge [sflag:s23], $0x4000  }
0x52: {  	[sflag:s23] =	ssyncset.done $0x0  }
0x53: {  	[sflag:s23] =	ssyncadd.s32 $0xFFFFC000  }
0x54: {  	_ =	swait.ge [sflag:s25], $0x80  }
0x55: {  	[sflag:s25] =	ssyncset.done $0x0  }
0x56: {  	[sflag:s25] =	ssyncadd.s32 $0xFFFFFF80  }
0x57: {  	_ =	swait.ge [sflag:s25], $0x80  }
0x58: {  	[sflag:s25] =	ssyncset.done $0x0  }
0x59: {  	[sflag:s25] =	ssyncadd.s32 $0xFFFFFF80  }
0x5a: {  	[tilespmem:s26], [sflag:$0x4] =	stream.indirect.gather [hbm4b:s4+s19], $0x80, s19, s19, $0xb8;
	[tilespmem:$0x1C200] =	vst v63  }
0x5b: {  	_ = 	snop  }
0x5c: {  	[spmem:s1] =	stream.indirect.scatter.add.f32 [tilespmem:s22], [sflag:$0x5], $0x80, s18, s19, $0xb8;
	[tilespmem:$0x1C200] =	vst v63  }
0x5d: {  	_ =	swait.ge [sflag:s17], $0x4000  }
0x5e: {  	[sflag:s17] =	ssyncset.done $0x0  }
0x5f: {  	[sflag:s17] =	ssyncadd.s32 $0xFFFFC000  }
0x60: {  	[tilespmem:s2], [sflag:$0x1] =	stream.linear.gather [hbm4b:s15+s2], $0x80, $0x38;
	[tilespmem:$0x1C200] =	vst v63  }
0x61: {  	_ = 	snop  }
0x62: {  	[tilespmem:s18], [sflag:$0x1] =	stream.linear.gather [hbm4b:s31+s2], $0x80, $0x38;
	[tilespmem:$0x1C200] =	vst v63  }
0x63: {  	_ =	swait.ge [sflag:s28], $0x4000  }
0x64: {  	[sflag:s28] =	ssyncset.done $0x0  }
0x65: {  	[sflag:s28] =	ssyncadd.s32 $0xFFFFC000  }
0x66: {  	_ =	swait.ge [sflag:s21], $0x80  }
0x67: {  	[sflag:s21] =	ssyncset.done $0x0  }
0x68: {  	[sflag:s21] =	ssyncadd.s32 $0xFFFFFF80  }
0x69: {  	_ =	swait.ge [sflag:s21], $0x80  }
0x6a: {  	[sflag:s21] =	ssyncset.done $0x0  }
0x6b: {  	[sflag:s21] =	ssyncadd.s32 $0xFFFFFF80  }
0x6c: {  	[tilespmem:s22], [sflag:$0x3] =	stream.indirect.gather [hbm4b:s4+s19], $0x80, s2, s19, $0xb8;
	[tilespmem:$0x1C200] =	vst v63  }
0x6d: {  	_ = 	snop  }
0x6e: {  	[spmem:s1] =	stream.indirect.scatter.add.f32 [tilespmem:s26], [sflag:$0x5], $0x80, s20, s19, $0xb8;
	[tilespmem:$0x1C200] =	vst v63  }
.Ltmp1:
0x6f: {  	s3 =	sadd.s32 $0x3, s3;
	_ =	swait.ge [sflag:s17], $0x4000;
	(pc) =	sbr.rel @p0 .LBB2_2-.Ltmp1, $4  }
0x70: {  	p1 =	sge.u32 s3, s5;
	[sflag:s17] =	ssyncset.done $0x0  }
0x71: {  	s3 =	sadd.s32 @!p1 $0x10, s15;
	s8 =	simm.s32 @!p1 $0x0;
	[sflag:s17] =	ssyncadd.s32 $0xFFFFC000  }
0x72: {  	s7 =	simm.s32 @!p1 $0x80;
	s9 =	sadd.s32 @!p1 $0x10, s31;
	s6 =	simm.s32 @!p1 $0x180  }
0x73: {  	[tilespmem:s7], [sflag:$0x2] =	stream.linear.gather @!p1 [hbm4b:s3+s8], $0x80, $0x38;
	[tilespmem:$0x1C200] =	vst v63  }
.LBB2_3:
0x74: {  	[tilespmem:s6], [sflag:$0x2] =	stream.linear.gather @!p1 [hbm4b:s9+s8], $0x80, $0x38;
	[tilespmem:$0x1C200] =	vst v63  }
0x75: {  	_ =	swait.ge [sflag:s23], $0x4000  }
0x76: {  	[sflag:s23] =	ssyncset.done $0x0  }
0x77: {  	[sflag:s23] =	ssyncadd.s32 $0xFFFFC000  }
0x78: {  	[spmem:s1] =	stream.indirect.scatter.add.f32 [tilespmem:s22], [sflag:$0x5], $0x80, s18, s19, $0xb8;
	[tilespmem:$0x1C200] =	vst v63  }
0x79: {  	_ =	swait.ge [sflag:s17], $0x4000  }
0x7a: {  	[sflag:s17] =	ssyncset.done $0x0  }
0x7b: {  	[sflag:s17] =	ssyncadd.s32 $0xFFFFC000  }
0x7c: {  	[bflag:$0x0] =	sbarrier.arrive $0xFFFF  }
0x7d: {  	[hbm:s24], [sflag:s13] =	dma.local [spmem:s16], $0x2800  }
0x7e: {  	_ =	swait.ge [sflag:s17], $0x2800  }
0x7f: {  	s29 =	sadd.s32 $0x1, s29;
	s3 =	rddreg [dreg:$0x5]  }
0x80: {  	p0 =	sne.s32 s29, s3  }
.Ltmp2:
0x81: {  	_ = 	snop;
	(pc) =	sbr.rel @p0 .LBB2_1-.Ltmp2, $3  }
0x82: {  	_ =	sdelay $0x1  }
0x83: {  	[sflag:s17] =	ssyncset.done $0x0  }
0x84: {  	[sflag:s17] =	ssyncadd.s32 $0xFFFFD800  }
0x85: {  	_ =	sfence.sel $0x180000  }
0x86: {  	[bflag:$0x0] =	sbarrier.arrive $0xFFFF  }
0x87: {  	_ =	strace $0x90000053  }
0x88: {  	s0 =	stileid.u32;
	[bflag:$0x2] =	sbarrier.arrive $0xFFFF  }
0x89: {  	p0 =	sne.s32 s0, $0x0;
	s0 =	rddreg [dreg:$0x2]  }
0x8a: {  	s0 =	sadd.s32 @!p0 $0x100000, s0  }
0x8b: {  	[sflag:s0] =	ssyncadd.tile.s32 @!p0 $0x1;
	_ =	shalt  }
.Lfunc_end2:
_tile_overlayer_lowered:
.L_overlay_start_2:
0x8c: {  	(tag) =	ssettag $0x2  }
0x8d: {  	s0 =	rddreg [dreg:$0x0];
	s2 =	stileid.u32  }
0x8e: {  	s1 =	rddreg [dreg:$0x1];
	p0 =	sne.s32 s2, $0x0  }
0x8f: {  	s3 =	rddreg [dreg:$0x2];
	[bflag:$0x3] =	sbarrier.arrive $0xFFFF;
	s2 =	simm.s32 @!p0 $0x1C05  }
0x90: {  	[timem:s3], [sflag:s2] =	dma.local @!p0 [hbm:s0], s1  }
0x91: {  	s0 =	simm.s32 @!p0 $0x5  }
0x92: {  	_ =	swait.ge @!p0 [sflag:s0], s1  }
0x93: {  	s1 =	ssub.s32 @!p0 $0x0, s1;
	[sflag:s0] =	ssyncset.done @!p0 $0x0  }
0x94: {  	[sflag:s0] =	ssyncadd.s32 @!p0 s1  }
0x95: {  	[bflag:$0x3] =	sbarrier.arrive $0xFFFF  }
0x96: {  	_ =	shalt  }

</sc_bundles>
